<compile_context>
chip_gen: v7x
topology: tpu7x:2x2x1
jax: 0.10.2.dev20260603
libtpu: 0.0.44.dev20260713+nightly
codegen_flags: <defaults>
</compile_context>

<pallas_src>
import functools

import jax
import jax.numpy as jnp
from jax import lax
from jax.experimental import pallas as pl
from jax.experimental.pallas import tpu as pltpu
from jax.experimental.pallas import tpu_sc as plsc

N_FEATS = 4
C = 96
H = 384
W = 384
HW = H * W
NUM_PATCHES = 4096

NC = 2
NS = 16
NW = NC * NS
B_PER_W = NUM_PATCHES // NW
CT = C // 8
LG = B_PER_W // 16


def _sc_gather(feats_flat, pid):
    mesh = plsc.VectorSubcoreMesh(
        core_axis_name="c", subcore_axis_name="s", num_cores=NC,
        num_subcores=NS)

    @functools.partial(
        pl.kernel,
        out_type=jax.ShapeDtypeStruct((N_FEATS, CT, NW, 8, 128),
                                      jnp.float32),
        mesh=mesh,
        scratch_types=[
            pltpu.VMEM((N_FEATS, B_PER_W), jnp.int32),
            pltpu.VMEM((B_PER_W,), jnp.int32),
            pltpu.VMEM((2, C, B_PER_W), jnp.int32),
            pltpu.VMEM((2, CT, 8, B_PER_W), jnp.float32),
            pltpu.SemaphoreType.DMA,
            pltpu.SemaphoreType.DMA,
            pltpu.SemaphoreType.DMA,
        ],
    )
    def k(feats_hbm, pid_hbm, out_hbm, pid_v, toff_v, idx_v, buf_v,
          gsem_a, gsem_b, wsem):
        wid = lax.axis_index("s") * NC + lax.axis_index("c")
        base = wid * B_PER_W
        gsems = (gsem_a, gsem_b)
        pltpu.sync_copy(pid_hbm.at[:, 0, pl.ds(base, B_PER_W)], pid_v)

        for f in range(N_FEATS):
            b = f % 2
            buf = buf_v.at[b]
            idx = idx_v.at[b]
            if f >= 2:
                pltpu.make_async_copy(
                    buf, out_hbm.at[f - 2, :, wid], wsem).wait()

            for i in range(LG):
                p = pid_v[f, pl.ds(i * 16, 16)]
                t = lax.shift_right_logical(p, 7)
                h = lax.shift_right_logical(t * 21846, 16)
                tw = t - 3 * h
                ti = lax.shift_right_logical(h, 3) * 3 + tw
                off = (lax.shift_left(ti, 10)
                       + lax.shift_left(h & 7, 7)
                       + (p & 127))
                toff_v[pl.ds(i * 16, 16)] = off

            def build_fire(c, carry):
                pb = (f * C + c) * HW
                ct = lax.shift_right_logical(c, 3)
                cs = c & 7
                for i in range(LG):
                    v = toff_v[pl.ds(i * 16, 16)]
                    idx[c, pl.ds(i * 16, 16)] = v + pb
                pltpu.async_copy(
                    feats_hbm.at[idx.at[c]], buf.at[ct, cs], gsems[b])
                return carry

            lax.fori_loop(0, C, build_fire, 0, unroll=2)
            if f >= 1:
                pltpu.make_async_copy(
                    out_hbm.at[f - 1, :, wid], buf_v.at[1 - b],
                    gsems[1 - b]).wait()
                pltpu.async_copy(
                    buf_v.at[1 - b], out_hbm.at[f - 1, :, wid], wsem)

        last = N_FEATS - 1
        pltpu.make_async_copy(
            out_hbm.at[last, :, wid], buf_v.at[last % 2],
            gsems[last % 2]).wait()
        pltpu.async_copy(
            buf_v.at[last % 2], out_hbm.at[last, :, wid], wsem)
        for g in range(N_FEATS - 2, N_FEATS):
            pltpu.make_async_copy(
                buf_v.at[g % 2], out_hbm.at[g, :, wid], wsem).wait()

    return k(feats_flat, pid)


def _tc_normalize(xt):

    def body(x_ref, o_ref):
        x = x_ref[...]
        ss = jnp.sum(x * x, axis=0, keepdims=True)
        o_ref[...] = x / (jnp.sqrt(ss) + 1e-7)

    return pl.pallas_call(
        body,
        grid=(N_FEATS,),
        in_specs=[pl.BlockSpec((None, C, NUM_PATCHES), lambda i: (i, 0, 0))],
        out_specs=pl.BlockSpec((None, C, NUM_PATCHES), lambda i: (i, 0, 0)),
        out_shape=jax.ShapeDtypeStruct((N_FEATS, C, NUM_PATCHES),
                                       jnp.float32),
    )(xt)


def kernel(feats, patch_ids, num_patches):
    del num_patches
    feats_flat = (feats.reshape(N_FEATS, C, H // 8, 8, W // 128, 128)
                  .transpose(0, 1, 2, 4, 3, 5)
                  .reshape(-1))
    pid = patch_ids.astype(jnp.int32)
    raw = _sc_gather(feats_flat, pid)
    xt = raw.transpose(0, 1, 3, 2, 4).reshape(N_FEATS, C, NUM_PATCHES)
    return jnp.swapaxes(_tc_normalize(xt), 1, 2)

# --- scband reference (transcript-rebuilt; emitter-appended) ---
"""Pipeline reference for scband-patch-sample-f-72773925863804 (READ-ONLY COPY).

The authoritative reference and input builder live on the scoring server;
editing this copy changes nothing except your own understanding.
"""

import jax, jax.numpy as jnp
import numpy as np

N_FEATS = 4
C = 96
H = 384
W = 384
NUM_PATCHES = 4096


def setup_inputs(seed: int = 0) -> dict:
    key = jax.random.key(seed)
    k1, k2 = jax.random.split(key)
    feats = jax.random.normal(k1, (N_FEATS, C, H, W), dtype=jnp.float32)
    patch_ids = jax.random.randint(k2, (N_FEATS, 1, NUM_PATCHES), 0, H * W, dtype=jnp.int64)
    return {"feats": feats, "patch_ids": patch_ids, "num_patches": NUM_PATCHES}


def reference(feats, patch_ids, num_patches):
    # feats: [n_feats, C, H, W] -- iterating gives 3D feats, each unsqueezed to B=1
    # patch_ids: [n_feats, 1, num_patches] -- per-feat list of one (B=1) index vector
    n_feats = feats.shape[0]
    return_feats = []
    for feat_id in range(n_feats):
        feat = feats[feat_id]  # [C, H, W] -> B=1
        c = feat.shape[0]
        # permute(0,2,3,1).reshape(B,-1,C) with B=1
        feat_reshape = jnp.transpose(feat, (1, 2, 0)).reshape(-1, c)  # [H*W, C]
        pid = patch_ids[feat_id, 0]  # [num_patches]
        x_sample = jnp.take(feat_reshape, pid, axis=0)  # [num_patches, C]
        # Normalize(2): l2 normalization along feature dim
        norm = jnp.power(jnp.sum(jnp.power(x_sample, 2), axis=1, keepdims=True), 0.5)
        x_sample = x_sample / (norm + 1e-7)
        return_feats.append(x_sample)
    return jnp.stack(return_feats, axis=0)  # [n_feats, num_patches, C]

if __name__ == "__main__":
    import jax
    _d = setup_inputs()
    print(jax.jit(kernel)(*tuple(_d.values())))

</pallas_src>

<mosaic_0001>
#map = affine_map<(d0, d1) -> (0)>
#map1 = affine_map<(d0, d1) -> (0, 0, 0)>
#map2 = affine_map<(d0, d1) -> (0, 0, 0, 0, 0)>
module attributes {stable_mosaic.version = 14 : i64} {
  func.func @k(%arg0: i32, %arg1: i32, %arg2: memref<56623104xf32, #tpu.memory_space<hbm>>, %arg3: memref<4x1x4096xi32, #tpu.memory_space<hbm>>, %arg4: memref<4x12x32x8x128xf32, #tpu.memory_space<hbm>>, %arg5: memref<4x128xi32, #tpu.memory_space<vmem>>, %arg6: memref<128xi32, #tpu.memory_space<vmem>>, %arg7: memref<2x96x128xi32, #tpu.memory_space<vmem>>, %arg8: memref<2x12x8x128xf32, #tpu.memory_space<vmem>>, %arg9: memref<!tpu.dma_semaphore, #tpu.memory_space<semaphore_mem>>, %arg10: memref<!tpu.dma_semaphore, #tpu.memory_space<semaphore_mem>>, %arg11: memref<!tpu.dma_semaphore, #tpu.memory_space<semaphore_mem>>) attributes {dimension_semantics = [#tpu.dimension_semantics<core_parallel>, #tpu.dimension_semantics<subcore_parallel>], iteration_bounds = array<i64: 2, 16>, scalar_prefetch = 0 : i64, scratch_operands = 7 : i64, tpu.core_type = #tpu.core_type<sc_vector_subcore>, window_params = [{transform_indices = #map}, {transform_indices = #map1}, {transform_indices = #map2}]} {
    %mul3A = arith.constant 2 : i32
    %mul3A_0 = arith.muli %arg1, %mul3A : i32
    %add3A = arith.addi %mul3A_0, %arg0 : i32
    %mul3A_1 = arith.constant 128 : i32
    %mul3A_2 = arith.muli %add3A, %mul3A_1 : i32
    %run_scoped3A = arith.constant 0 : i32
    "tpu.region"() ({
      %run_scoped3A_1666 = tpu.sem_alloc : memref<!tpu.dma_semaphore, #tpu.memory_space<semaphore_mem>>
      %dma_start3A_1667 = arith.constant 0 : i32
      %dma_start3A_1668 = tpu.memref_slice %arg3[%dma_start3A_1667, %run_scoped3A, %mul3A_2] : memref<4x1x4096xi32, #tpu.memory_space<hbm>> -> memref<4x1x128xi32, #tpu.memory_space<hbm>>
      %dma_start3A_1669 = tpu.memref_squeeze %dma_start3A_1668 : memref<4x1x128xi32, #tpu.memory_space<hbm>> -> memref<4x128xi32, #tpu.memory_space<hbm>>
      %dma_start3A_1670 = arith.constant 0 : i32
      %dma_start3A_1671 = tpu.memref_slice %arg3[%dma_start3A_1670, %run_scoped3A, %mul3A_2] : memref<4x1x4096xi32, #tpu.memory_space<hbm>> -> memref<4x1x128xi32, #tpu.memory_space<hbm>>
      %dma_start3A_1672 = tpu.memref_squeeze %dma_start3A_1671 : memref<4x1x128xi32, #tpu.memory_space<hbm>> -> memref<4x128xi32, #tpu.memory_space<hbm>>
      tpu.enqueue_dma source(%dma_start3A_1672 : memref<4x128xi32, #tpu.memory_space<hbm>>) target(%arg5 : memref<4x128xi32, #tpu.memory_space<vmem>>) target_semaphore(%run_scoped3A_1666 : memref<!tpu.dma_semaphore, #tpu.memory_space<semaphore_mem>>)
      %dma_wait3A_1673 = arith.constant 0 : i32
      %dma_wait3A_1674 = tpu.memref_slice %arg3[%dma_wait3A_1673, %run_scoped3A, %mul3A_2] : memref<4x1x4096xi32, #tpu.memory_space<hbm>> -> memref<4x1x128xi32, #tpu.memory_space<hbm>>
      %dma_wait3A_1675 = tpu.memref_squeeze %dma_wait3A_1674 : memref<4x1x128xi32, #tpu.memory_space<hbm>> -> memref<4x128xi32, #tpu.memory_space<hbm>>
      %dma_wait3A_1676 = arith.constant 0 : i32
      %dma_wait3A_1677 = tpu.memref_slice %arg3[%dma_wait3A_1676, %run_scoped3A, %mul3A_2] : memref<4x1x4096xi32, #tpu.memory_space<hbm>> -> memref<4x1x128xi32, #tpu.memory_space<hbm>>
      %dma_wait3A_1678 = tpu.memref_squeeze %dma_wait3A_1677 : memref<4x1x128xi32, #tpu.memory_space<hbm>> -> memref<4x128xi32, #tpu.memory_space<hbm>>
      tpu.wait_dma2 semaphore(%run_scoped3A_1666 : memref<!tpu.dma_semaphore, #tpu.memory_space<semaphore_mem>>) src(%dma_wait3A_1678 : memref<4x128xi32, #tpu.memory_space<hbm>>) dst(%arg5 : memref<4x128xi32, #tpu.memory_space<vmem>>)
      tpu.yield
    }) : () -> ()
    %get3A = arith.constant 0 : i32
    %get3A_3 = arith.index_cast %get3A : i32 to index
    %get3A_4 = arith.constant 0 : index
    %get3A_5 = tpu.vector_load %arg5[%get3A_3, %get3A_4] {strides = array<i32>} : memref<4x128xi32, #tpu.memory_space<vmem>>, vector<1x16xi32>,
    %get3A_6 = vector.shape_cast %get3A_5 : vector<1x16xi32> to vector<16xi32>
    %shift_right_logical3A = arith.constant 7 : i32
    %shift_right_logical3A_7 = vector.broadcast %shift_right_logical3A : i32 to vector<16xi32>
    %shift_right_logical3A_8 = arith.shrui %get3A_6, %shift_right_logical3A_7 : vector<16xi32>
    %mul3A_9 = arith.constant 21846 : i32
    %mul3A_10 = vector.broadcast %mul3A_9 : i32 to vector<16xi32>
    %mul3A_11 = arith.muli %shift_right_logical3A_8, %mul3A_10 : vector<16xi32>
    %shift_right_logical3A_12 = arith.constant 16 : i32
    %shift_right_logical3A_13 = vector.broadcast %shift_right_logical3A_12 : i32 to vector<16xi32>
    %shift_right_logical3A_14 = arith.shrui %mul3A_11, %shift_right_logical3A_13 : vector<16xi32>
    %mul3A_15 = arith.constant 3 : i32
    %mul3A_16 = vector.broadcast %mul3A_15 : i32 to vector<16xi32>
    %mul3A_17 = arith.muli %mul3A_16, %shift_right_logical3A_14 : vector<16xi32>
    %sub3A = arith.subi %shift_right_logical3A_8, %mul3A_17 : vector<16xi32>
    %shift_right_logical3A_18 = arith.constant 3 : i32
    %shift_right_logical3A_19 = vector.broadcast %shift_right_logical3A_18 : i32 to vector<16xi32>
    %shift_right_logical3A_20 = arith.shrui %shift_right_logical3A_14, %shift_right_logical3A_19 : vector<16xi32>
    %mul3A_21 = arith.constant 3 : i32
    %mul3A_22 = vector.broadcast %mul3A_21 : i32 to vector<16xi32>
    %mul3A_23 = arith.muli %shift_right_logical3A_20, %mul3A_22 : vector<16xi32>
    %add3A_24 = arith.addi %mul3A_23, %sub3A : vector<16xi32>
    %shift_left3A = arith.constant 10 : i32
    %shift_left3A_25 = vector.broadcast %shift_left3A : i32 to vector<16xi32>
    %shift_left3A_26 = arith.shli %add3A_24, %shift_left3A_25 : vector<16xi32>
    %and3A = arith.constant 7 : i32
    %and3A_27 = vector.broadcast %and3A : i32 to vector<16xi32>
    %and3A_28 = arith.andi %shift_right_logical3A_14, %and3A_27 : vector<16xi32>
    %shift_left3A_29 = arith.constant 7 : i32
    %shift_left3A_30 = vector.broadcast %shift_left3A_29 : i32 to vector<16xi32>
    %shift_left3A_31 = arith.shli %and3A_28, %shift_left3A_30 : vector<16xi32>
    %add3A_32 = arith.addi %shift_left3A_26, %shift_left3A_31 : vector<16xi32>
    %and3A_33 = arith.constant 127 : i32
    %and3A_34 = vector.broadcast %and3A_33 : i32 to vector<16xi32>
    %and3A_35 = arith.andi %get3A_6, %and3A_34 : vector<16xi32>
    %add3A_36 = arith.addi %add3A_32, %and3A_35 : vector<16xi32>
    %swap3A = arith.constant 0 : index
    %swap3A_37 = tpu.vector_load %arg6[%swap3A] {strides = array<i32>} : memref<128xi32, #tpu.memory_space<vmem>>, vector<16xi32>,
    %swap3A_38 = vector.shape_cast %swap3A_37 : vector<16xi32> to vector<16xi32>
    %swap3A_39 = vector.shape_cast %add3A_36 : vector<16xi32> to vector<16xi32>
    tpu.vector_store %arg6[%swap3A], %swap3A_39 {strides = array<i32>} : memref<128xi32, #tpu.memory_space<vmem>>, vector<16xi32>,
    %get3A_40 = arith.constant 0 : i32
    %get3A_41 = arith.index_cast %get3A_40 : i32 to index
    %get3A_42 = arith.constant 16 : index
    %get3A_43 = tpu.vector_load %arg5[%get3A_41, %get3A_42] {strides = array<i32>} : memref<4x128xi32, #tpu.memory_space<vmem>>, vector<1x16xi32>,
    %get3A_44 = vector.shape_cast %get3A_43 : vector<1x16xi32> to vector<16xi32>
    %shift_right_logical3A_45 = arith.constant 7 : i32
    %shift_right_logical3A_46 = vector.broadcast %shift_right_logical3A_45 : i32 to vector<16xi32>
    %shift_right_logical3A_47 = arith.shrui %get3A_44, %shift_right_logical3A_46 : vector<16xi32>
    %mul3A_48 = arith.constant 21846 : i32
    %mul3A_49 = vector.broadcast %mul3A_48 : i32 to vector<16xi32>
    %mul3A_50 = arith.muli %shift_right_logical3A_47, %mul3A_49 : vector<16xi32>
    %shift_right_logical3A_51 = arith.constant 16 : i32
    %shift_right_logical3A_52 = vector.broadcast %shift_right_logical3A_51 : i32 to vector<16xi32>
    %shift_right_logical3A_53 = arith.shrui %mul3A_50, %shift_right_logical3A_52 : vector<16xi32>
    %mul3A_54 = arith.constant 3 : i32
    %mul3A_55 = vector.broadcast %mul3A_54 : i32 to vector<16xi32>
    %mul3A_56 = arith.muli %mul3A_55, %shift_right_logical3A_53 : vector<16xi32>
    %sub3A_57 = arith.subi %shift_right_logical3A_47, %mul3A_56 : vector<16xi32>
    %shift_right_logical3A_58 = arith.constant 3 : i32
    %shift_right_logical3A_59 = vector.broadcast %shift_right_logical3A_58 : i32 to vector<16xi32>
    %shift_right_logical3A_60 = arith.shrui %shift_right_logical3A_53, %shift_right_logical3A_59 : vector<16xi32>
    %mul3A_61 = arith.constant 3 : i32
    %mul3A_62 = vector.broadcast %mul3A_61 : i32 to vector<16xi32>
    %mul3A_63 = arith.muli %shift_right_logical3A_60, %mul3A_62 : vector<16xi32>
    %add3A_64 = arith.addi %mul3A_63, %sub3A_57 : vector<16xi32>
    %shift_left3A_65 = arith.constant 10 : i32
    %shift_left3A_66 = vector.broadcast %shift_left3A_65 : i32 to vector<16xi32>
    %shift_left3A_67 = arith.shli %add3A_64, %shift_left3A_66 : vector<16xi32>
    %and3A_68 = arith.constant 7 : i32
    %and3A_69 = vector.broadcast %and3A_68 : i32 to vector<16xi32>
    %and3A_70 = arith.andi %shift_right_logical3A_53, %and3A_69 : vector<16xi32>
    %shift_left3A_71 = arith.constant 7 : i32
    %shift_left3A_72 = vector.broadcast %shift_left3A_71 : i32 to vector<16xi32>
    %shift_left3A_73 = arith.shli %and3A_70, %shift_left3A_72 : vector<16xi32>
    %add3A_74 = arith.addi %shift_left3A_67, %shift_left3A_73 : vector<16xi32>
    %and3A_75 = arith.constant 127 : i32
    %and3A_76 = vector.broadcast %and3A_75 : i32 to vector<16xi32>
    %and3A_77 = arith.andi %get3A_44, %and3A_76 : vector<16xi32>
    %add3A_78 = arith.addi %add3A_74, %and3A_77 : vector<16xi32>
    %swap3A_79 = arith.constant 16 : index
    %swap3A_80 = tpu.vector_load %arg6[%swap3A_79] {strides = array<i32>} : memref<128xi32, #tpu.memory_space<vmem>>, vector<16xi32>,
    %swap3A_81 = vector.shape_cast %swap3A_80 : vector<16xi32> to vector<16xi32>
    %swap3A_82 = vector.shape_cast %add3A_78 : vector<16xi32> to vector<16xi32>
    tpu.vector_store %arg6[%swap3A_79], %swap3A_82 {strides = array<i32>} : memref<128xi32, #tpu.memory_space<vmem>>, vector<16xi32>,
    %get3A_83 = arith.constant 0 : i32
    %get3A_84 = arith.index_cast %get3A_83 : i32 to index
    %get3A_85 = arith.constant 32 : index
    %get3A_86 = tpu.vector_load %arg5[%get3A_84, %get3A_85] {strides = array<i32>} : memref<4x128xi32, #tpu.memory_space<vmem>>, vector<1x16xi32>,
    %get3A_87 = vector.shape_cast %get3A_86 : vector<1x16xi32> to vector<16xi32>
    %shift_right_logical3A_88 = arith.constant 7 : i32
    %shift_right_logical3A_89 = vector.broadcast %shift_right_logical3A_88 : i32 to vector<16xi32>
    %shift_right_logical3A_90 = arith.shrui %get3A_87, %shift_right_logical3A_89 : vector<16xi32>
    %mul3A_91 = arith.constant 21846 : i32
    %mul3A_92 = vector.broadcast %mul3A_91 : i32 to vector<16xi32>
    %mul3A_93 = arith.muli %shift_right_logical3A_90, %mul3A_92 : vector<16xi32>
    %shift_right_logical3A_94 = arith.constant 16 : i32
    %shift_right_logical3A_95 = vector.broadcast %shift_right_logical3A_94 : i32 to vector<16xi32>
    %shift_right_logical3A_96 = arith.shrui %mul3A_93, %shift_right_logical3A_95 : vector<16xi32>
    %mul3A_97 = arith.constant 3 : i32
    %mul3A_98 = vector.broadcast %mul3A_97 : i32 to vector<16xi32>
    %mul3A_99 = arith.muli %mul3A_98, %shift_right_logical3A_96 : vector<16xi32>
    %sub3A_100 = arith.subi %shift_right_logical3A_90, %mul3A_99 : vector<16xi32>
    %shift_right_logical3A_101 = arith.constant 3 : i32
    %shift_right_logical3A_102 = vector.broadcast %shift_right_logical3A_101 : i32 to vector<16xi32>
    %shift_right_logical3A_103 = arith.shrui %shift_right_logical3A_96, %shift_right_logical3A_102 : vector<16xi32>
    %mul3A_104 = arith.constant 3 : i32
    %mul3A_105 = vector.broadcast %mul3A_104 : i32 to vector<16xi32>
    %mul3A_106 = arith.muli %shift_right_logical3A_103, %mul3A_105 : vector<16xi32>
    %add3A_107 = arith.addi %mul3A_106, %sub3A_100 : vector<16xi32>
    %shift_left3A_108 = arith.constant 10 : i32
    %shift_left3A_109 = vector.broadcast %shift_left3A_108 : i32 to vector<16xi32>
    %shift_left3A_110 = arith.shli %add3A_107, %shift_left3A_109 : vector<16xi32>
    %and3A_111 = arith.constant 7 : i32
    %and3A_112 = vector.broadcast %and3A_111 : i32 to vector<16xi32>
    %and3A_113 = arith.andi %shift_right_logical3A_96, %and3A_112 : vector<16xi32>
    %shift_left3A_114 = arith.constant 7 : i32
    %shift_left3A_115 = vector.broadcast %shift_left3A_114 : i32 to vector<16xi32>
    %shift_left3A_116 = arith.shli %and3A_113, %shift_left3A_115 : vector<16xi32>
    %add3A_117 = arith.addi %shift_left3A_110, %shift_left3A_116 : vector<16xi32>
    %and3A_118 = arith.constant 127 : i32
    %and3A_119 = vector.broadcast %and3A_118 : i32 to vector<16xi32>
    %and3A_120 = arith.andi %get3A_87, %and3A_119 : vector<16xi32>
    %add3A_121 = arith.addi %add3A_117, %and3A_120 : vector<16xi32>
    %swap3A_122 = arith.constant 32 : index
    %swap3A_123 = tpu.vector_load %arg6[%swap3A_122] {strides = array<i32>} : memref<128xi32, #tpu.memory_space<vmem>>, vector<16xi32>,
    %swap3A_124 = vector.shape_cast %swap3A_123 : vector<16xi32> to vector<16xi32>
    %swap3A_125 = vector.shape_cast %add3A_121 : vector<16xi32> to vector<16xi32>
    tpu.vector_store %arg6[%swap3A_122], %swap3A_125 {strides = array<i32>} : memref<128xi32, #tpu.memory_space<vmem>>, vector<16xi32>,
    %get3A_126 = arith.constant 0 : i32
    %get3A_127 = arith.index_cast %get3A_126 : i32 to index
    %get3A_128 = arith.constant 48 : index
    %get3A_129 = tpu.vector_load %arg5[%get3A_127, %get3A_128] {strides = array<i32>} : memref<4x128xi32, #tpu.memory_space<vmem>>, vector<1x16xi32>,
    %get3A_130 = vector.shape_cast %get3A_129 : vector<1x16xi32> to vector<16xi32>
    %shift_right_logical3A_131 = arith.constant 7 : i32
    %shift_right_logical3A_132 = vector.broadcast %shift_right_logical3A_131 : i32 to vector<16xi32>
    %shift_right_logical3A_133 = arith.shrui %get3A_130, %shift_right_logical3A_132 : vector<16xi32>
    %mul3A_134 = arith.constant 21846 : i32
    %mul3A_135 = vector.broadcast %mul3A_134 : i32 to vector<16xi32>
    %mul3A_136 = arith.muli %shift_right_logical3A_133, %mul3A_135 : vector<16xi32>
    %shift_right_logical3A_137 = arith.constant 16 : i32
    %shift_right_logical3A_138 = vector.broadcast %shift_right_logical3A_137 : i32 to vector<16xi32>
    %shift_right_logical3A_139 = arith.shrui %mul3A_136, %shift_right_logical3A_138 : vector<16xi32>
    %mul3A_140 = arith.constant 3 : i32
    %mul3A_141 = vector.broadcast %mul3A_140 : i32 to vector<16xi32>
    %mul3A_142 = arith.muli %mul3A_141, %shift_right_logical3A_139 : vector<16xi32>
    %sub3A_143 = arith.subi %shift_right_logical3A_133, %mul3A_142 : vector<16xi32>
    %shift_right_logical3A_144 = arith.constant 3 : i32
    %shift_right_logical3A_145 = vector.broadcast %shift_right_logical3A_144 : i32 to vector<16xi32>
    %shift_right_logical3A_146 = arith.shrui %shift_right_logical3A_139, %shift_right_logical3A_145 : vector<16xi32>
    %mul3A_147 = arith.constant 3 : i32
    %mul3A_148 = vector.broadcast %mul3A_147 : i32 to vector<16xi32>
    %mul3A_149 = arith.muli %shift_right_logical3A_146, %mul3A_148 : vector<16xi32>
    %add3A_150 = arith.addi %mul3A_149, %sub3A_143 : vector<16xi32>
    %shift_left3A_151 = arith.constant 10 : i32
    %shift_left3A_152 = vector.broadcast %shift_left3A_151 : i32 to vector<16xi32>
    %shift_left3A_153 = arith.shli %add3A_150, %shift_left3A_152 : vector<16xi32>
    %and3A_154 = arith.constant 7 : i32
    %and3A_155 = vector.broadcast %and3A_154 : i32 to vector<16xi32>
    %and3A_156 = arith.andi %shift_right_logical3A_139, %and3A_155 : vector<16xi32>
    %shift_left3A_157 = arith.constant 7 : i32
    %shift_left3A_158 = vector.broadcast %shift_left3A_157 : i32 to vector<16xi32>
    %shift_left3A_159 = arith.shli %and3A_156, %shift_left3A_158 : vector<16xi32>
    %add3A_160 = arith.addi %shift_left3A_153, %shift_left3A_159 : vector<16xi32>
    %and3A_161 = arith.constant 127 : i32
    %and3A_162 = vector.broadcast %and3A_161 : i32 to vector<16xi32>
    %and3A_163 = arith.andi %get3A_130, %and3A_162 : vector<16xi32>
    %add3A_164 = arith.addi %add3A_160, %and3A_163 : vector<16xi32>
    %swap3A_165 = arith.constant 48 : index
    %swap3A_166 = tpu.vector_load %arg6[%swap3A_165] {strides = array<i32>} : memref<128xi32, #tpu.memory_space<vmem>>, vector<16xi32>,
    %swap3A_167 = vector.shape_cast %swap3A_166 : vector<16xi32> to vector<16xi32>
    %swap3A_168 = vector.shape_cast %add3A_164 : vector<16xi32> to vector<16xi32>
    tpu.vector_store %arg6[%swap3A_165], %swap3A_168 {strides = array<i32>} : memref<128xi32, #tpu.memory_space<vmem>>, vector<16xi32>,
    %get3A_169 = arith.constant 0 : i32
    %get3A_170 = arith.index_cast %get3A_169 : i32 to index
    %get3A_171 = arith.constant 64 : index
    %get3A_172 = tpu.vector_load %arg5[%get3A_170, %get3A_171] {strides = array<i32>} : memref<4x128xi32, #tpu.memory_space<vmem>>, vector<1x16xi32>,
    %get3A_173 = vector.shape_cast %get3A_172 : vector<1x16xi32> to vector<16xi32>
    %shift_right_logical3A_174 = arith.constant 7 : i32
    %shift_right_logical3A_175 = vector.broadcast %shift_right_logical3A_174 : i32 to vector<16xi32>
    %shift_right_logical3A_176 = arith.shrui %get3A_173, %shift_right_logical3A_175 : vector<16xi32>
    %mul3A_177 = arith.constant 21846 : i32
    %mul3A_178 = vector.broadcast %mul3A_177 : i32 to vector<16xi32>
    %mul3A_179 = arith.muli %shift_right_logical3A_176, %mul3A_178 : vector<16xi32>
    %shift_right_logical3A_180 = arith.constant 16 : i32
    %shift_right_logical3A_181 = vector.broadcast %shift_right_logical3A_180 : i32 to vector<16xi32>
    %shift_right_logical3A_182 = arith.shrui %mul3A_179, %shift_right_logical3A_181 : vector<16xi32>
    %mul3A_183 = arith.constant 3 : i32
    %mul3A_184 = vector.broadcast %mul3A_183 : i32 to vector<16xi32>
    %mul3A_185 = arith.muli %mul3A_184, %shift_right_logical3A_182 : vector<16xi32>
    %sub3A_186 = arith.subi %shift_right_logical3A_176, %mul3A_185 : vector<16xi32>
    %shift_right_logical3A_187 = arith.constant 3 : i32
    %shift_right_logical3A_188 = vector.broadcast %shift_right_logical3A_187 : i32 to vector<16xi32>
    %shift_right_logical3A_189 = arith.shrui %shift_right_logical3A_182, %shift_right_logical3A_188 : vector<16xi32>
    %mul3A_190 = arith.constant 3 : i32
    %mul3A_191 = vector.broadcast %mul3A_190 : i32 to vector<16xi32>
    %mul3A_192 = arith.muli %shift_right_logical3A_189, %mul3A_191 : vector<16xi32>
    %add3A_193 = arith.addi %mul3A_192, %sub3A_186 : vector<16xi32>
    %shift_left3A_194 = arith.constant 10 : i32
    %shift_left3A_195 = vector.broadcast %shift_left3A_194 : i32 to vector<16xi32>
    %shift_left3A_196 = arith.shli %add3A_193, %shift_left3A_195 : vector<16xi32>
    %and3A_197 = arith.constant 7 : i32
    %and3A_198 = vector.broadcast %and3A_197 : i32 to vector<16xi32>
    %and3A_199 = arith.andi %shift_right_logical3A_182, %and3A_198 : vector<16xi32>
    %shift_left3A_200 = arith.constant 7 : i32
    %shift_left3A_201 = vector.broadcast %shift_left3A_200 : i32 to vector<16xi32>
    %shift_left3A_202 = arith.shli %and3A_199, %shift_left3A_201 : vector<16xi32>
    %add3A_203 = arith.addi %shift_left3A_196, %shift_left3A_202 : vector<16xi32>
    %and3A_204 = arith.constant 127 : i32
    %and3A_205 = vector.broadcast %and3A_204 : i32 to vector<16xi32>
    %and3A_206 = arith.andi %get3A_173, %and3A_205 : vector<16xi32>
    %add3A_207 = arith.addi %add3A_203, %and3A_206 : vector<16xi32>
    %swap3A_208 = arith.constant 64 : index
    %swap3A_209 = tpu.vector_load %arg6[%swap3A_208] {strides = array<i32>} : memref<128xi32, #tpu.memory_space<vmem>>, vector<16xi32>,
    %swap3A_210 = vector.shape_cast %swap3A_209 : vector<16xi32> to vector<16xi32>
    %swap3A_211 = vector.shape_cast %add3A_207 : vector<16xi32> to vector<16xi32>
    tpu.vector_store %arg6[%swap3A_208], %swap3A_211 {strides = array<i32>} : memref<128xi32, #tpu.memory_space<vmem>>, vector<16xi32>,
    %get3A_212 = arith.constant 0 : i32
    %get3A_213 = arith.index_cast %get3A_212 : i32 to index
    %get3A_214 = arith.constant 80 : index
    %get3A_215 = tpu.vector_load %arg5[%get3A_213, %get3A_214] {strides = array<i32>} : memref<4x128xi32, #tpu.memory_space<vmem>>, vector<1x16xi32>,
    %get3A_216 = vector.shape_cast %get3A_215 : vector<1x16xi32> to vector<16xi32>
    %shift_right_logical3A_217 = arith.constant 7 : i32
    %shift_right_logical3A_218 = vector.broadcast %shift_right_logical3A_217 : i32 to vector<16xi32>
    %shift_right_logical3A_219 = arith.shrui %get3A_216, %shift_right_logical3A_218 : vector<16xi32>
    %mul3A_220 = arith.constant 21846 : i32
    %mul3A_221 = vector.broadcast %mul3A_220 : i32 to vector<16xi32>
    %mul3A_222 = arith.muli %shift_right_logical3A_219, %mul3A_221 : vector<16xi32>
    %shift_right_logical3A_223 = arith.constant 16 : i32
    %shift_right_logical3A_224 = vector.broadcast %shift_right_logical3A_223 : i32 to vector<16xi32>
    %shift_right_logical3A_225 = arith.shrui %mul3A_222, %shift_right_logical3A_224 : vector<16xi32>
    %mul3A_226 = arith.constant 3 : i32
    %mul3A_227 = vector.broadcast %mul3A_226 : i32 to vector<16xi32>
    %mul3A_228 = arith.muli %mul3A_227, %shift_right_logical3A_225 : vector<16xi32>
    %sub3A_229 = arith.subi %shift_right_logical3A_219, %mul3A_228 : vector<16xi32>
    %shift_right_logical3A_230 = arith.constant 3 : i32
    %shift_right_logical3A_231 = vector.broadcast %shift_right_logical3A_230 : i32 to vector<16xi32>
    %shift_right_logical3A_232 = arith.shrui %shift_right_logical3A_225, %shift_right_logical3A_231 : vector<16xi32>
    %mul3A_233 = arith.constant 3 : i32
    %mul3A_234 = vector.broadcast %mul3A_233 : i32 to vector<16xi32>
    %mul3A_235 = arith.muli %shift_right_logical3A_232, %mul3A_234 : vector<16xi32>
    %add3A_236 = arith.addi %mul3A_235, %sub3A_229 : vector<16xi32>
    %shift_left3A_237 = arith.constant 10 : i32
    %shift_left3A_238 = vector.broadcast %shift_left3A_237 : i32 to vector<16xi32>
    %shift_left3A_239 = arith.shli %add3A_236, %shift_left3A_238 : vector<16xi32>
    %and3A_240 = arith.constant 7 : i32
    %and3A_241 = vector.broadcast %and3A_240 : i32 to vector<16xi32>
    %and3A_242 = arith.andi %shift_right_logical3A_225, %and3A_241 : vector<16xi32>
    %shift_left3A_243 = arith.constant 7 : i32
    %shift_left3A_244 = vector.broadcast %shift_left3A_243 : i32 to vector<16xi32>
    %shift_left3A_245 = arith.shli %and3A_242, %shift_left3A_244 : vector<16xi32>
    %add3A_246 = arith.addi %shift_left3A_239, %shift_left3A_245 : vector<16xi32>
    %and3A_247 = arith.constant 127 : i32
    %and3A_248 = vector.broadcast %and3A_247 : i32 to vector<16xi32>
    %and3A_249 = arith.andi %get3A_216, %and3A_248 : vector<16xi32>
    %add3A_250 = arith.addi %add3A_246, %and3A_249 : vector<16xi32>
    %swap3A_251 = arith.constant 80 : index
    %swap3A_252 = tpu.vector_load %arg6[%swap3A_251] {strides = array<i32>} : memref<128xi32, #tpu.memory_space<vmem>>, vector<16xi32>,
    %swap3A_253 = vector.shape_cast %swap3A_252 : vector<16xi32> to vector<16xi32>
    %swap3A_254 = vector.shape_cast %add3A_250 : vector<16xi32> to vector<16xi32>
    tpu.vector_store %arg6[%swap3A_251], %swap3A_254 {strides = array<i32>} : memref<128xi32, #tpu.memory_space<vmem>>, vector<16xi32>,
    %get3A_255 = arith.constant 0 : i32
    %get3A_256 = arith.index_cast %get3A_255 : i32 to index
    %get3A_257 = arith.constant 96 : index
    %get3A_258 = tpu.vector_load %arg5[%get3A_256, %get3A_257] {strides = array<i32>} : memref<4x128xi32, #tpu.memory_space<vmem>>, vector<1x16xi32>,
    %get3A_259 = vector.shape_cast %get3A_258 : vector<1x16xi32> to vector<16xi32>
    %shift_right_logical3A_260 = arith.constant 7 : i32
    %shift_right_logical3A_261 = vector.broadcast %shift_right_logical3A_260 : i32 to vector<16xi32>
    %shift_right_logical3A_262 = arith.shrui %get3A_259, %shift_right_logical3A_261 : vector<16xi32>
    %mul3A_263 = arith.constant 21846 : i32
    %mul3A_264 = vector.broadcast %mul3A_263 : i32 to vector<16xi32>
    %mul3A_265 = arith.muli %shift_right_logical3A_262, %mul3A_264 : vector<16xi32>
    %shift_right_logical3A_266 = arith.constant 16 : i32
    %shift_right_logical3A_267 = vector.broadcast %shift_right_logical3A_266 : i32 to vector<16xi32>
    %shift_right_logical3A_268 = arith.shrui %mul3A_265, %shift_right_logical3A_267 : vector<16xi32>
    %mul3A_269 = arith.constant 3 : i32
    %mul3A_270 = vector.broadcast %mul3A_269 : i32 to vector<16xi32>
    %mul3A_271 = arith.muli %mul3A_270, %shift_right_logical3A_268 : vector<16xi32>
    %sub3A_272 = arith.subi %shift_right_logical3A_262, %mul3A_271 : vector<16xi32>
    %shift_right_logical3A_273 = arith.constant 3 : i32
    %shift_right_logical3A_274 = vector.broadcast %shift_right_logical3A_273 : i32 to vector<16xi32>
    %shift_right_logical3A_275 = arith.shrui %shift_right_logical3A_268, %shift_right_logical3A_274 : vector<16xi32>
    %mul3A_276 = arith.constant 3 : i32
    %mul3A_277 = vector.broadcast %mul3A_276 : i32 to vector<16xi32>
    %mul3A_278 = arith.muli %shift_right_logical3A_275, %mul3A_277 : vector<16xi32>
    %add3A_279 = arith.addi %mul3A_278, %sub3A_272 : vector<16xi32>
    %shift_left3A_280 = arith.constant 10 : i32
    %shift_left3A_281 = vector.broadcast %shift_left3A_280 : i32 to vector<16xi32>
    %shift_left3A_282 = arith.shli %add3A_279, %shift_left3A_281 : vector<16xi32>
    %and3A_283 = arith.constant 7 : i32
    %and3A_284 = vector.broadcast %and3A_283 : i32 to vector<16xi32>
    %and3A_285 = arith.andi %shift_right_logical3A_268, %and3A_284 : vector<16xi32>
    %shift_left3A_286 = arith.constant 7 : i32
    %shift_left3A_287 = vector.broadcast %shift_left3A_286 : i32 to vector<16xi32>
    %shift_left3A_288 = arith.shli %and3A_285, %shift_left3A_287 : vector<16xi32>
    %add3A_289 = arith.addi %shift_left3A_282, %shift_left3A_288 : vector<16xi32>
    %and3A_290 = arith.constant 127 : i32
    %and3A_291 = vector.broadcast %and3A_290 : i32 to vector<16xi32>
    %and3A_292 = arith.andi %get3A_259, %and3A_291 : vector<16xi32>
    %add3A_293 = arith.addi %add3A_289, %and3A_292 : vector<16xi32>
    %swap3A_294 = arith.constant 96 : index
    %swap3A_295 = tpu.vector_load %arg6[%swap3A_294] {strides = array<i32>} : memref<128xi32, #tpu.memory_space<vmem>>, vector<16xi32>,
    %swap3A_296 = vector.shape_cast %swap3A_295 : vector<16xi32> to vector<16xi32>
    %swap3A_297 = vector.shape_cast %add3A_293 : vector<16xi32> to vector<16xi32>
    tpu.vector_store %arg6[%swap3A_294], %swap3A_297 {strides = array<i32>} : memref<128xi32, #tpu.memory_space<vmem>>, vector<16xi32>,
    %get3A_298 = arith.constant 0 : i32
    %get3A_299 = arith.index_cast %get3A_298 : i32 to index
    %get3A_300 = arith.constant 112 : index
    %get3A_301 = tpu.vector_load %arg5[%get3A_299, %get3A_300] {strides = array<i32>} : memref<4x128xi32, #tpu.memory_space<vmem>>, vector<1x16xi32>,
    %get3A_302 = vector.shape_cast %get3A_301 : vector<1x16xi32> to vector<16xi32>
    %shift_right_logical3A_303 = arith.constant 7 : i32
    %shift_right_logical3A_304 = vector.broadcast %shift_right_logical3A_303 : i32 to vector<16xi32>
    %shift_right_logical3A_305 = arith.shrui %get3A_302, %shift_right_logical3A_304 : vector<16xi32>
    %mul3A_306 = arith.constant 21846 : i32
    %mul3A_307 = vector.broadcast %mul3A_306 : i32 to vector<16xi32>
    %mul3A_308 = arith.muli %shift_right_logical3A_305, %mul3A_307 : vector<16xi32>
    %shift_right_logical3A_309 = arith.constant 16 : i32
    %shift_right_logical3A_310 = vector.broadcast %shift_right_logical3A_309 : i32 to vector<16xi32>
    %shift_right_logical3A_311 = arith.shrui %mul3A_308, %shift_right_logical3A_310 : vector<16xi32>
    %mul3A_312 = arith.constant 3 : i32
    %mul3A_313 = vector.broadcast %mul3A_312 : i32 to vector<16xi32>
    %mul3A_314 = arith.muli %mul3A_313, %shift_right_logical3A_311 : vector<16xi32>
    %sub3A_315 = arith.subi %shift_right_logical3A_305, %mul3A_314 : vector<16xi32>
    %shift_right_logical3A_316 = arith.constant 3 : i32
    %shift_right_logical3A_317 = vector.broadcast %shift_right_logical3A_316 : i32 to vector<16xi32>
    %shift_right_logical3A_318 = arith.shrui %shift_right_logical3A_311, %shift_right_logical3A_317 : vector<16xi32>
    %mul3A_319 = arith.constant 3 : i32
    %mul3A_320 = vector.broadcast %mul3A_319 : i32 to vector<16xi32>
    %mul3A_321 = arith.muli %shift_right_logical3A_318, %mul3A_320 : vector<16xi32>
    %add3A_322 = arith.addi %mul3A_321, %sub3A_315 : vector<16xi32>
    %shift_left3A_323 = arith.constant 10 : i32
    %shift_left3A_324 = vector.broadcast %shift_left3A_323 : i32 to vector<16xi32>
    %shift_left3A_325 = arith.shli %add3A_322, %shift_left3A_324 : vector<16xi32>
    %and3A_326 = arith.constant 7 : i32
    %and3A_327 = vector.broadcast %and3A_326 : i32 to vector<16xi32>
    %and3A_328 = arith.andi %shift_right_logical3A_311, %and3A_327 : vector<16xi32>
    %shift_left3A_329 = arith.constant 7 : i32
    %shift_left3A_330 = vector.broadcast %shift_left3A_329 : i32 to vector<16xi32>
    %shift_left3A_331 = arith.shli %and3A_328, %shift_left3A_330 : vector<16xi32>
    %add3A_332 = arith.addi %shift_left3A_325, %shift_left3A_331 : vector<16xi32>
    %and3A_333 = arith.constant 127 : i32
    %and3A_334 = vector.broadcast %and3A_333 : i32 to vector<16xi32>
    %and3A_335 = arith.andi %get3A_302, %and3A_334 : vector<16xi32>
    %add3A_336 = arith.addi %add3A_332, %and3A_335 : vector<16xi32>
    %swap3A_337 = arith.constant 112 : index
    %swap3A_338 = tpu.vector_load %arg6[%swap3A_337] {strides = array<i32>} : memref<128xi32, #tpu.memory_space<vmem>>, vector<16xi32>,
    %swap3A_339 = vector.shape_cast %swap3A_338 : vector<16xi32> to vector<16xi32>
    %swap3A_340 = vector.shape_cast %add3A_336 : vector<16xi32> to vector<16xi32>
    tpu.vector_store %arg6[%swap3A_337], %swap3A_340 {strides = array<i32>} : memref<128xi32, #tpu.memory_space<vmem>>, vector<16xi32>,
    %scan3A = arith.constant 0 : i32
    %scan3A_341 = arith.constant 0 : i32
    %scan3A_342 = arith.constant 0 : i32
    %scan3A_343 = arith.constant 0 : i32
    %scan3A_344 = arith.constant 96 : i32
    %scan3A_345 = arith.addi %scan3A_343, %scan3A_344 : i32
    %scan3A_346 = arith.constant 2 : i32
    scf.for %scan3A_1666 = %scan3A_343 to %scan3A_345 step %scan3A_346  : i32 {
      %add3A_1667 = arith.constant 0 : i32
      %add3A_1668 = arith.addi %add3A_1667, %scan3A_1666 : i32
      %mul3A_1669 = arith.constant 147456 : i32
      %mul3A_1670 = arith.muli %add3A_1668, %mul3A_1669 : i32
      %shift_right_logical3A_1671 = arith.constant 3 : i32
      %shift_right_logical3A_1672 = arith.shrui %scan3A_1666, %shift_right_logical3A_1671 : i32
      %and3A_1673 = arith.constant 7 : i32
      %and3A_1674 = arith.andi %scan3A_1666, %and3A_1673 : i32
      %get3A_1675 = arith.constant 0 : index
      %get3A_1676 = tpu.vector_load %arg6[%get3A_1675] {strides = array<i32>} : memref<128xi32, #tpu.memory_space<vmem>>, vector<16xi32>,
      %get3A_1677 = vector.shape_cast %get3A_1676 : vector<16xi32> to vector<16xi32>
      %add3A_1678 = vector.broadcast %mul3A_1670 : i32 to vector<16xi32>
      %add3A_1679 = arith.addi %get3A_1677, %add3A_1678 : vector<16xi32>
      %swap3A_1680 = arith.constant 0 : i32
      %swap3A_1681 = arith.constant 0 : i32
      %swap3A_1682 = tpu.memref_slice %arg7[%scan3A_341, %swap3A_1680, %swap3A_1681] : memref<2x96x128xi32, #tpu.memory_space<vmem>> -> memref<1x96x128xi32, #tpu.memory_space<vmem>>
      %swap3A_1683 = tpu.memref_squeeze %swap3A_1682 : memref<1x96x128xi32, #tpu.memory_space<vmem>> -> memref<96x128xi32, #tpu.memory_space<vmem>>
      %swap3A_1684 = arith.index_cast %scan3A_1666 : i32 to index
      %swap3A_1685 = arith.constant 0 : index
      %swap3A_1686 = tpu.vector_load %swap3A_1683[%swap3A_1684, %swap3A_1685] {strides = array<i32>} : memref<96x128xi32, #tpu.memory_space<vmem>>, vector<1x16xi32>,
      %swap3A_1687 = vector.shape_cast %swap3A_1686 : vector<1x16xi32> to vector<16xi32>
      %swap3A_1688 = vector.shape_cast %add3A_1679 : vector<16xi32> to vector<1x16xi32>
      tpu.vector_store %swap3A_1683[%swap3A_1684, %swap3A_1685], %swap3A_1688 {strides = array<i32>} : memref<96x128xi32, #tpu.memory_space<vmem>>, vector<1x16xi32>,
      %get3A_1689 = arith.constant 16 : index
      %get3A_1690 = tpu.vector_load %arg6[%get3A_1689] {strides = array<i32>} : memref<128xi32, #tpu.memory_space<vmem>>, vector<16xi32>,
      %get3A_1691 = vector.shape_cast %get3A_1690 : vector<16xi32> to vector<16xi32>
      %add3A_1692 = vector.broadcast %mul3A_1670 : i32 to vector<16xi32>
      %add3A_1693 = arith.addi %get3A_1691, %add3A_1692 : vector<16xi32>
      %swap3A_1694 = arith.constant 0 : i32
      %swap3A_1695 = arith.constant 0 : i32
      %swap3A_1696 = tpu.memref_slice %arg7[%scan3A_341, %swap3A_1694, %swap3A_1695] : memref<2x96x128xi32, #tpu.memory_space<vmem>> -> memref<1x96x128xi32, #tpu.memory_space<vmem>>
      %swap3A_1697 = tpu.memref_squeeze %swap3A_1696 : memref<1x96x128xi32, #tpu.memory_space<vmem>> -> memref<96x128xi32, #tpu.memory_space<vmem>>
      %swap3A_1698 = arith.index_cast %scan3A_1666 : i32 to index
      %swap3A_1699 = arith.constant 16 : index
      %swap3A_1700 = tpu.vector_load %swap3A_1697[%swap3A_1698, %swap3A_1699] {strides = array<i32>} : memref<96x128xi32, #tpu.memory_space<vmem>>, vector<1x16xi32>,
      %swap3A_1701 = vector.shape_cast %swap3A_1700 : vector<1x16xi32> to vector<16xi32>
      %swap3A_1702 = vector.shape_cast %add3A_1693 : vector<16xi32> to vector<1x16xi32>
      tpu.vector_store %swap3A_1697[%swap3A_1698, %swap3A_1699], %swap3A_1702 {strides = array<i32>} : memref<96x128xi32, #tpu.memory_space<vmem>>, vector<1x16xi32>,
      %get3A_1703 = arith.constant 32 : index
      %get3A_1704 = tpu.vector_load %arg6[%get3A_1703] {strides = array<i32>} : memref<128xi32, #tpu.memory_space<vmem>>, vector<16xi32>,
      %get3A_1705 = vector.shape_cast %get3A_1704 : vector<16xi32> to vector<16xi32>
      %add3A_1706 = vector.broadcast %mul3A_1670 : i32 to vector<16xi32>
      %add3A_1707 = arith.addi %get3A_1705, %add3A_1706 : vector<16xi32>
      %swap3A_1708 = arith.constant 0 : i32
      %swap3A_1709 = arith.constant 0 : i32
      %swap3A_1710 = tpu.memref_slice %arg7[%scan3A_341, %swap3A_1708, %swap3A_1709] : memref<2x96x128xi32, #tpu.memory_space<vmem>> -> memref<1x96x128xi32, #tpu.memory_space<vmem>>
      %swap3A_1711 = tpu.memref_squeeze %swap3A_1710 : memref<1x96x128xi32, #tpu.memory_space<vmem>> -> memref<96x128xi32, #tpu.memory_space<vmem>>
      %swap3A_1712 = arith.index_cast %scan3A_1666 : i32 to index
      %swap3A_1713 = arith.constant 32 : index
      %swap3A_1714 = tpu.vector_load %swap3A_1711[%swap3A_1712, %swap3A_1713] {strides = array<i32>} : memref<96x128xi32, #tpu.memory_space<vmem>>, vector<1x16xi32>,
      %swap3A_1715 = vector.shape_cast %swap3A_1714 : vector<1x16xi32> to vector<16xi32>
      %swap3A_1716 = vector.shape_cast %add3A_1707 : vector<16xi32> to vector<1x16xi32>
      tpu.vector_store %swap3A_1711[%swap3A_1712, %swap3A_1713], %swap3A_1716 {strides = array<i32>} : memref<96x128xi32, #tpu.memory_space<vmem>>, vector<1x16xi32>,
      %get3A_1717 = arith.constant 48 : index
      %get3A_1718 = tpu.vector_load %arg6[%get3A_1717] {strides = array<i32>} : memref<128xi32, #tpu.memory_space<vmem>>, vector<16xi32>,
      %get3A_1719 = vector.shape_cast %get3A_1718 : vector<16xi32> to vector<16xi32>
      %add3A_1720 = vector.broadcast %mul3A_1670 : i32 to vector<16xi32>
      %add3A_1721 = arith.addi %get3A_1719, %add3A_1720 : vector<16xi32>
      %swap3A_1722 = arith.constant 0 : i32
      %swap3A_1723 = arith.constant 0 : i32
      %swap3A_1724 = tpu.memref_slice %arg7[%scan3A_341, %swap3A_1722, %swap3A_1723] : memref<2x96x128xi32, #tpu.memory_space<vmem>> -> memref<1x96x128xi32, #tpu.memory_space<vmem>>
      %swap3A_1725 = tpu.memref_squeeze %swap3A_1724 : memref<1x96x128xi32, #tpu.memory_space<vmem>> -> memref<96x128xi32, #tpu.memory_space<vmem>>
      %swap3A_1726 = arith.index_cast %scan3A_1666 : i32 to index
      %swap3A_1727 = arith.constant 48 : index
      %swap3A_1728 = tpu.vector_load %swap3A_1725[%swap3A_1726, %swap3A_1727] {strides = array<i32>} : memref<96x128xi32, #tpu.memory_space<vmem>>, vector<1x16xi32>,
      %swap3A_1729 = vector.shape_cast %swap3A_1728 : vector<1x16xi32> to vector<16xi32>
      %swap3A_1730 = vector.shape_cast %add3A_1721 : vector<16xi32> to vector<1x16xi32>
      tpu.vector_store %swap3A_1725[%swap3A_1726, %swap3A_1727], %swap3A_1730 {strides = array<i32>} : memref<96x128xi32, #tpu.memory_space<vmem>>, vector<1x16xi32>,
      %get3A_1731 = arith.constant 64 : index
      %get3A_1732 = tpu.vector_load %arg6[%get3A_1731] {strides = array<i32>} : memref<128xi32, #tpu.memory_space<vmem>>, vector<16xi32>,
      %get3A_1733 = vector.shape_cast %get3A_1732 : vector<16xi32> to vector<16xi32>
      %add3A_1734 = vector.broadcast %mul3A_1670 : i32 to vector<16xi32>
      %add3A_1735 = arith.addi %get3A_1733, %add3A_1734 : vector<16xi32>
      %swap3A_1736 = arith.constant 0 : i32
      %swap3A_1737 = arith.constant 0 : i32
      %swap3A_1738 = tpu.memref_slice %arg7[%scan3A_341, %swap3A_1736, %swap3A_1737] : memref<2x96x128xi32, #tpu.memory_space<vmem>> -> memref<1x96x128xi32, #tpu.memory_space<vmem>>
      %swap3A_1739 = tpu.memref_squeeze %swap3A_1738 : memref<1x96x128xi32, #tpu.memory_space<vmem>> -> memref<96x128xi32, #tpu.memory_space<vmem>>
      %swap3A_1740 = arith.index_cast %scan3A_1666 : i32 to index
      %swap3A_1741 = arith.constant 64 : index
      %swap3A_1742 = tpu.vector_load %swap3A_1739[%swap3A_1740, %swap3A_1741] {strides = array<i32>} : memref<96x128xi32, #tpu.memory_space<vmem>>, vector<1x16xi32>,
      %swap3A_1743 = vector.shape_cast %swap3A_1742 : vector<1x16xi32> to vector<16xi32>
      %swap3A_1744 = vector.shape_cast %add3A_1735 : vector<16xi32> to vector<1x16xi32>
      tpu.vector_store %swap3A_1739[%swap3A_1740, %swap3A_1741], %swap3A_1744 {strides = array<i32>} : memref<96x128xi32, #tpu.memory_space<vmem>>, vector<1x16xi32>,
      %get3A_1745 = arith.constant 80 : index
      %get3A_1746 = tpu.vector_load %arg6[%get3A_1745] {strides = array<i32>} : memref<128xi32, #tpu.memory_space<vmem>>, vector<16xi32>,
      %get3A_1747 = vector.shape_cast %get3A_1746 : vector<16xi32> to vector<16xi32>
      %add3A_1748 = vector.broadcast %mul3A_1670 : i32 to vector<16xi32>
      %add3A_1749 = arith.addi %get3A_1747, %add3A_1748 : vector<16xi32>
      %swap3A_1750 = arith.constant 0 : i32
      %swap3A_1751 = arith.constant 0 : i32
      %swap3A_1752 = tpu.memref_slice %arg7[%scan3A_341, %swap3A_1750, %swap3A_1751] : memref<2x96x128xi32, #tpu.memory_space<vmem>> -> memref<1x96x128xi32, #tpu.memory_space<vmem>>
      %swap3A_1753 = tpu.memref_squeeze %swap3A_1752 : memref<1x96x128xi32, #tpu.memory_space<vmem>> -> memref<96x128xi32, #tpu.memory_space<vmem>>
      %swap3A_1754 = arith.index_cast %scan3A_1666 : i32 to index
      %swap3A_1755 = arith.constant 80 : index
      %swap3A_1756 = tpu.vector_load %swap3A_1753[%swap3A_1754, %swap3A_1755] {strides = array<i32>} : memref<96x128xi32, #tpu.memory_space<vmem>>, vector<1x16xi32>,
      %swap3A_1757 = vector.shape_cast %swap3A_1756 : vector<1x16xi32> to vector<16xi32>
      %swap3A_1758 = vector.shape_cast %add3A_1749 : vector<16xi32> to vector<1x16xi32>
      tpu.vector_store %swap3A_1753[%swap3A_1754, %swap3A_1755], %swap3A_1758 {strides = array<i32>} : memref<96x128xi32, #tpu.memory_space<vmem>>, vector<1x16xi32>,
      %get3A_1759 = arith.constant 96 : index
      %get3A_1760 = tpu.vector_load %arg6[%get3A_1759] {strides = array<i32>} : memref<128xi32, #tpu.memory_space<vmem>>, vector<16xi32>,
      %get3A_1761 = vector.shape_cast %get3A_1760 : vector<16xi32> to vector<16xi32>
      %add3A_1762 = vector.broadcast %mul3A_1670 : i32 to vector<16xi32>
      %add3A_1763 = arith.addi %get3A_1761, %add3A_1762 : vector<16xi32>
      %swap3A_1764 = arith.constant 0 : i32
      %swap3A_1765 = arith.constant 0 : i32
      %swap3A_1766 = tpu.memref_slice %arg7[%scan3A_341, %swap3A_1764, %swap3A_1765] : memref<2x96x128xi32, #tpu.memory_space<vmem>> -> memref<1x96x128xi32, #tpu.memory_space<vmem>>
      %swap3A_1767 = tpu.memref_squeeze %swap3A_1766 : memref<1x96x128xi32, #tpu.memory_space<vmem>> -> memref<96x128xi32, #tpu.memory_space<vmem>>
      %swap3A_1768 = arith.index_cast %scan3A_1666 : i32 to index
      %swap3A_1769 = arith.constant 96 : index
      %swap3A_1770 = tpu.vector_load %swap3A_1767[%swap3A_1768, %swap3A_1769] {strides = array<i32>} : memref<96x128xi32, #tpu.memory_space<vmem>>, vector<1x16xi32>,
      %swap3A_1771 = vector.shape_cast %swap3A_1770 : vector<1x16xi32> to vector<16xi32>
      %swap3A_1772 = vector.shape_cast %add3A_1763 : vector<16xi32> to vector<1x16xi32>
      tpu.vector_store %swap3A_1767[%swap3A_1768, %swap3A_1769], %swap3A_1772 {strides = array<i32>} : memref<96x128xi32, #tpu.memory_space<vmem>>, vector<1x16xi32>,
      %get3A_1773 = arith.constant 112 : index
      %get3A_1774 = tpu.vector_load %arg6[%get3A_1773] {strides = array<i32>} : memref<128xi32, #tpu.memory_space<vmem>>, vector<16xi32>,
      %get3A_1775 = vector.shape_cast %get3A_1774 : vector<16xi32> to vector<16xi32>
      %add3A_1776 = vector.broadcast %mul3A_1670 : i32 to vector<16xi32>
      %add3A_1777 = arith.addi %get3A_1775, %add3A_1776 : vector<16xi32>
      %swap3A_1778 = arith.constant 0 : i32
      %swap3A_1779 = arith.constant 0 : i32
      %swap3A_1780 = tpu.memref_slice %arg7[%scan3A_341, %swap3A_1778, %swap3A_1779] : memref<2x96x128xi32, #tpu.memory_space<vmem>> -> memref<1x96x128xi32, #tpu.memory_space<vmem>>
      %swap3A_1781 = tpu.memref_squeeze %swap3A_1780 : memref<1x96x128xi32, #tpu.memory_space<vmem>> -> memref<96x128xi32, #tpu.memory_space<vmem>>
      %swap3A_1782 = arith.index_cast %scan3A_1666 : i32 to index
      %swap3A_1783 = arith.constant 112 : index
      %swap3A_1784 = tpu.vector_load %swap3A_1781[%swap3A_1782, %swap3A_1783] {strides = array<i32>} : memref<96x128xi32, #tpu.memory_space<vmem>>, vector<1x16xi32>,
      %swap3A_1785 = vector.shape_cast %swap3A_1784 : vector<1x16xi32> to vector<16xi32>
      %swap3A_1786 = vector.shape_cast %add3A_1777 : vector<16xi32> to vector<1x16xi32>
      tpu.vector_store %swap3A_1781[%swap3A_1782, %swap3A_1783], %swap3A_1786 {strides = array<i32>} : memref<96x128xi32, #tpu.memory_space<vmem>>, vector<1x16xi32>,
      %dma_start3A_1787 = arith.constant 0 : i32
      %dma_start3A_1788 = arith.constant 0 : i32
      %dma_start3A_1789 = arith.constant 0 : i32
      %dma_start3A_1790 = tpu.memref_slice %arg8[%scan3A_342, %dma_start3A_1787, %dma_start3A_1788, %dma_start3A_1789] : memref<2x12x8x128xf32, #tpu.memory_space<vmem>> -> memref<1x12x8x128xf32, #tpu.memory_space<vmem>>
      %dma_start3A_1791 = tpu.memref_squeeze %dma_start3A_1790 : memref<1x12x8x128xf32, #tpu.memory_space<vmem>> -> memref<12x8x128xf32, #tpu.memory_space<vmem>>
      %dma_start3A_1792 = arith.constant 0 : i32
      %dma_start3A_1793 = tpu.memref_slice %dma_start3A_1791[%shift_right_logical3A_1672, %and3A_1674, %dma_start3A_1792] : memref<12x8x128xf32, #tpu.memory_space<vmem>> -> memref<1x1x128xf32, #tpu.memory_space<vmem>>
      %dma_start3A_1794 = tpu.memref_squeeze %dma_start3A_1793 : memref<1x1x128xf32, #tpu.memory_space<vmem>> -> memref<128xf32, #tpu.memory_space<vmem>>
      %dma_start3A_1795 = arith.constant 0 : i32
      %dma_start3A_1796 = arith.constant 0 : i32
      %dma_start3A_1797 = tpu.memref_slice %arg7[%scan3A_341, %dma_start3A_1795, %dma_start3A_1796] : memref<2x96x128xi32, #tpu.memory_space<vmem>> -> memref<1x96x128xi32, #tpu.memory_space<vmem>>
      %dma_start3A_1798 = tpu.memref_squeeze %dma_start3A_1797 : memref<1x96x128xi32, #tpu.memory_space<vmem>> -> memref<96x128xi32, #tpu.memory_space<vmem>>
      %dma_start3A_1799 = arith.constant 0 : i32
      %dma_start3A_1800 = tpu.memref_slice %dma_start3A_1798[%scan3A_1666, %dma_start3A_1799] : memref<96x128xi32, #tpu.memory_space<vmem>> -> memref<1x128xi32, #tpu.memory_space<vmem>>
      %dma_start3A_1801 = tpu.memref_squeeze %dma_start3A_1800 : memref<1x128xi32, #tpu.memory_space<vmem>> -> memref<128xi32, #tpu.memory_space<vmem>>
      %dma_start3A_1802 = arith.constant 0 : i32
      %dma_start3A_1803 = tpu.memref_slice %arg2[%dma_start3A_1802] : memref<56623104xf32, #tpu.memory_space<hbm>> -> memref<56623104xf32, #tpu.memory_space<hbm>>
      tpu.enqueue_indirect_dma source(%dma_start3A_1803 : memref<56623104xf32, #tpu.memory_space<hbm>>) target(%dma_start3A_1794 : memref<128xf32, #tpu.memory_space<vmem>>) offsets(%dma_start3A_1801 : memref<128xi32, #tpu.memory_space<vmem>>) semaphore(%arg9 : memref<!tpu.dma_semaphore, #tpu.memory_space<semaphore_mem>>)
      %scan3A_1804 = arith.constant 1 : i32
      %scan3A_1805 = arith.addi %scan3A_1666, %scan3A_1804 : i32
      %add3A_1806 = arith.constant 0 : i32
      %add3A_1807 = arith.addi %add3A_1806, %scan3A_1805 : i32
      %mul3A_1808 = arith.constant 147456 : i32
      %mul3A_1809 = arith.muli %add3A_1807, %mul3A_1808 : i32
      %shift_right_logical3A_1810 = arith.constant 3 : i32
      %shift_right_logical3A_1811 = arith.shrui %scan3A_1805, %shift_right_logical3A_1810 : i32
      %and3A_1812 = arith.constant 7 : i32
      %and3A_1813 = arith.andi %scan3A_1805, %and3A_1812 : i32
      %get3A_1814 = arith.constant 0 : index
      %get3A_1815 = tpu.vector_load %arg6[%get3A_1814] {strides = array<i32>} : memref<128xi32, #tpu.memory_space<vmem>>, vector<16xi32>,
      %get3A_1816 = vector.shape_cast %get3A_1815 : vector<16xi32> to vector<16xi32>
      %add3A_1817 = vector.broadcast %mul3A_1809 : i32 to vector<16xi32>
      %add3A_1818 = arith.addi %get3A_1816, %add3A_1817 : vector<16xi32>
      %swap3A_1819 = arith.constant 0 : i32
      %swap3A_1820 = arith.constant 0 : i32
      %swap3A_1821 = tpu.memref_slice %arg7[%scan3A_341, %swap3A_1819, %swap3A_1820] : memref<2x96x128xi32, #tpu.memory_space<vmem>> -> memref<1x96x128xi32, #tpu.memory_space<vmem>>
      %swap3A_1822 = tpu.memref_squeeze %swap3A_1821 : memref<1x96x128xi32, #tpu.memory_space<vmem>> -> memref<96x128xi32, #tpu.memory_space<vmem>>
      %swap3A_1823 = arith.index_cast %scan3A_1805 : i32 to index
      %swap3A_1824 = arith.constant 0 : index
      %swap3A_1825 = tpu.vector_load %swap3A_1822[%swap3A_1823, %swap3A_1824] {strides = array<i32>} : memref<96x128xi32, #tpu.memory_space<vmem>>, vector<1x16xi32>,
      %swap3A_1826 = vector.shape_cast %swap3A_1825 : vector<1x16xi32> to vector<16xi32>
      %swap3A_1827 = vector.shape_cast %add3A_1818 : vector<16xi32> to vector<1x16xi32>
      tpu.vector_store %swap3A_1822[%swap3A_1823, %swap3A_1824], %swap3A_1827 {strides = array<i32>} : memref<96x128xi32, #tpu.memory_space<vmem>>, vector<1x16xi32>,
      %get3A_1828 = arith.constant 16 : index
      %get3A_1829 = tpu.vector_load %arg6[%get3A_1828] {strides = array<i32>} : memref<128xi32, #tpu.memory_space<vmem>>, vector<16xi32>,
      %get3A_1830 = vector.shape_cast %get3A_1829 : vector<16xi32> to vector<16xi32>
      %add3A_1831 = vector.broadcast %mul3A_1809 : i32 to vector<16xi32>
      %add3A_1832 = arith.addi %get3A_1830, %add3A_1831 : vector<16xi32>
      %swap3A_1833 = arith.constant 0 : i32
      %swap3A_1834 = arith.constant 0 : i32
      %swap3A_1835 = tpu.memref_slice %arg7[%scan3A_341, %swap3A_1833, %swap3A_1834] : memref<2x96x128xi32, #tpu.memory_space<vmem>> -> memref<1x96x128xi32, #tpu.memory_space<vmem>>
      %swap3A_1836 = tpu.memref_squeeze %swap3A_1835 : memref<1x96x128xi32, #tpu.memory_space<vmem>> -> memref<96x128xi32, #tpu.memory_space<vmem>>
      %swap3A_1837 = arith.index_cast %scan3A_1805 : i32 to index
      %swap3A_1838 = arith.constant 16 : index
      %swap3A_1839 = tpu.vector_load %swap3A_1836[%swap3A_1837, %swap3A_1838] {strides = array<i32>} : memref<96x128xi32, #tpu.memory_space<vmem>>, vector<1x16xi32>,
      %swap3A_1840 = vector.shape_cast %swap3A_1839 : vector<1x16xi32> to vector<16xi32>
      %swap3A_1841 = vector.shape_cast %add3A_1832 : vector<16xi32> to vector<1x16xi32>
      tpu.vector_store %swap3A_1836[%swap3A_1837, %swap3A_1838], %swap3A_1841 {strides = array<i32>} : memref<96x128xi32, #tpu.memory_space<vmem>>, vector<1x16xi32>,
      %get3A_1842 = arith.constant 32 : index
      %get3A_1843 = tpu.vector_load %arg6[%get3A_1842] {strides = array<i32>} : memref<128xi32, #tpu.memory_space<vmem>>, vector<16xi32>,
      %get3A_1844 = vector.shape_cast %get3A_1843 : vector<16xi32> to vector<16xi32>
      %add3A_1845 = vector.broadcast %mul3A_1809 : i32 to vector<16xi32>
      %add3A_1846 = arith.addi %get3A_1844, %add3A_1845 : vector<16xi32>
      %swap3A_1847 = arith.constant 0 : i32
      %swap3A_1848 = arith.constant 0 : i32
      %swap3A_1849 = tpu.memref_slice %arg7[%scan3A_341, %swap3A_1847, %swap3A_1848] : memref<2x96x128xi32, #tpu.memory_space<vmem>> -> memref<1x96x128xi32, #tpu.memory_space<vmem>>
      %swap3A_1850 = tpu.memref_squeeze %swap3A_1849 : memref<1x96x128xi32, #tpu.memory_space<vmem>> -> memref<96x128xi32, #tpu.memory_space<vmem>>
      %swap3A_1851 = arith.index_cast %scan3A_1805 : i32 to index
      %swap3A_1852 = arith.constant 32 : index
      %swap3A_1853 = tpu.vector_load %swap3A_1850[%swap3A_1851, %swap3A_1852] {strides = array<i32>} : memref<96x128xi32, #tpu.memory_space<vmem>>, vector<1x16xi32>,
      %swap3A_1854 = vector.shape_cast %swap3A_1853 : vector<1x16xi32> to vector<16xi32>
      %swap3A_1855 = vector.shape_cast %add3A_1846 : vector<16xi32> to vector<1x16xi32>
      tpu.vector_store %swap3A_1850[%swap3A_1851, %swap3A_1852], %swap3A_1855 {strides = array<i32>} : memref<96x128xi32, #tpu.memory_space<vmem>>, vector<1x16xi32>,
      %get3A_1856 = arith.constant 48 : index
      %get3A_1857 = tpu.vector_load %arg6[%get3A_1856] {strides = array<i32>} : memref<128xi32, #tpu.memory_space<vmem>>, vector<16xi32>,
      %get3A_1858 = vector.shape_cast %get3A_1857 : vector<16xi32> to vector<16xi32>
      %add3A_1859 = vector.broadcast %mul3A_1809 : i32 to vector<16xi32>
      %add3A_1860 = arith.addi %get3A_1858, %add3A_1859 : vector<16xi32>
      %swap3A_1861 = arith.constant 0 : i32
      %swap3A_1862 = arith.constant 0 : i32
      %swap3A_1863 = tpu.memref_slice %arg7[%scan3A_341, %swap3A_1861, %swap3A_1862] : memref<2x96x128xi32, #tpu.memory_space<vmem>> -> memref<1x96x128xi32, #tpu.memory_space<vmem>>
      %swap3A_1864 = tpu.memref_squeeze %swap3A_1863 : memref<1x96x128xi32, #tpu.memory_space<vmem>> -> memref<96x128xi32, #tpu.memory_space<vmem>>
      %swap3A_1865 = arith.index_cast %scan3A_1805 : i32 to index
      %swap3A_1866 = arith.constant 48 : index
      %swap3A_1867 = tpu.vector_load %swap3A_1864[%swap3A_1865, %swap3A_1866] {strides = array<i32>} : memref<96x128xi32, #tpu.memory_space<vmem>>, vector<1x16xi32>,
      %swap3A_1868 = vector.shape_cast %swap3A_1867 : vector<1x16xi32> to vector<16xi32>
      %swap3A_1869 = vector.shape_cast %add3A_1860 : vector<16xi32> to vector<1x16xi32>
      tpu.vector_store %swap3A_1864[%swap3A_1865, %swap3A_1866], %swap3A_1869 {strides = array<i32>} : memref<96x128xi32, #tpu.memory_space<vmem>>, vector<1x16xi32>,
      %get3A_1870 = arith.constant 64 : index
      %get3A_1871 = tpu.vector_load %arg6[%get3A_1870] {strides = array<i32>} : memref<128xi32, #tpu.memory_space<vmem>>, vector<16xi32>,
      %get3A_1872 = vector.shape_cast %get3A_1871 : vector<16xi32> to vector<16xi32>
      %add3A_1873 = vector.broadcast %mul3A_1809 : i32 to vector<16xi32>
      %add3A_1874 = arith.addi %get3A_1872, %add3A_1873 : vector<16xi32>
      %swap3A_1875 = arith.constant 0 : i32
      %swap3A_1876 = arith.constant 0 : i32
      %swap3A_1877 = tpu.memref_slice %arg7[%scan3A_341, %swap3A_1875, %swap3A_1876] : memref<2x96x128xi32, #tpu.memory_space<vmem>> -> memref<1x96x128xi32, #tpu.memory_space<vmem>>
      %swap3A_1878 = tpu.memref_squeeze %swap3A_1877 : memref<1x96x128xi32, #tpu.memory_space<vmem>> -> memref<96x128xi32, #tpu.memory_space<vmem>>
      %swap3A_1879 = arith.index_cast %scan3A_1805 : i32 to index
      %swap3A_1880 = arith.constant 64 : index
      %swap3A_1881 = tpu.vector_load %swap3A_1878[%swap3A_1879, %swap3A_1880] {strides = array<i32>} : memref<96x128xi32, #tpu.memory_space<vmem>>, vector<1x16xi32>,
      %swap3A_1882 = vector.shape_cast %swap3A_1881 : vector<1x16xi32> to vector<16xi32>
      %swap3A_1883 = vector.shape_cast %add3A_1874 : vector<16xi32> to vector<1x16xi32>
      tpu.vector_store %swap3A_1878[%swap3A_1879, %swap3A_1880], %swap3A_1883 {strides = array<i32>} : memref<96x128xi32, #tpu.memory_space<vmem>>, vector<1x16xi32>,
      %get3A_1884 = arith.constant 80 : index
      %get3A_1885 = tpu.vector_load %arg6[%get3A_1884] {strides = array<i32>} : memref<128xi32, #tpu.memory_space<vmem>>, vector<16xi32>,
      %get3A_1886 = vector.shape_cast %get3A_1885 : vector<16xi32> to vector<16xi32>
      %add3A_1887 = vector.broadcast %mul3A_1809 : i32 to vector<16xi32>
      %add3A_1888 = arith.addi %get3A_1886, %add3A_1887 : vector<16xi32>
      %swap3A_1889 = arith.constant 0 : i32
      %swap3A_1890 = arith.constant 0 : i32
      %swap3A_1891 = tpu.memref_slice %arg7[%scan3A_341, %swap3A_1889, %swap3A_1890] : memref<2x96x128xi32, #tpu.memory_space<vmem>> -> memref<1x96x128xi32, #tpu.memory_space<vmem>>
      %swap3A_1892 = tpu.memref_squeeze %swap3A_1891 : memref<1x96x128xi32, #tpu.memory_space<vmem>> -> memref<96x128xi32, #tpu.memory_space<vmem>>
      %swap3A_1893 = arith.index_cast %scan3A_1805 : i32 to index
      %swap3A_1894 = arith.constant 80 : index
      %swap3A_1895 = tpu.vector_load %swap3A_1892[%swap3A_1893, %swap3A_1894] {strides = array<i32>} : memref<96x128xi32, #tpu.memory_space<vmem>>, vector<1x16xi32>,
      %swap3A_1896 = vector.shape_cast %swap3A_1895 : vector<1x16xi32> to vector<16xi32>
      %swap3A_1897 = vector.shape_cast %add3A_1888 : vector<16xi32> to vector<1x16xi32>
      tpu.vector_store %swap3A_1892[%swap3A_1893, %swap3A_1894], %swap3A_1897 {strides = array<i32>} : memref<96x128xi32, #tpu.memory_space<vmem>>, vector<1x16xi32>,
      %get3A_1898 = arith.constant 96 : index
      %get3A_1899 = tpu.vector_load %arg6[%get3A_1898] {strides = array<i32>} : memref<128xi32, #tpu.memory_space<vmem>>, vector<16xi32>,
      %get3A_1900 = vector.shape_cast %get3A_1899 : vector<16xi32> to vector<16xi32>
      %add3A_1901 = vector.broadcast %mul3A_1809 : i32 to vector<16xi32>
      %add3A_1902 = arith.addi %get3A_1900, %add3A_1901 : vector<16xi32>
      %swap3A_1903 = arith.constant 0 : i32
      %swap3A_1904 = arith.constant 0 : i32
      %swap3A_1905 = tpu.memref_slice %arg7[%scan3A_341, %swap3A_1903, %swap3A_1904] : memref<2x96x128xi32, #tpu.memory_space<vmem>> -> memref<1x96x128xi32, #tpu.memory_space<vmem>>
      %swap3A_1906 = tpu.memref_squeeze %swap3A_1905 : memref<1x96x128xi32, #tpu.memory_space<vmem>> -> memref<96x128xi32, #tpu.memory_space<vmem>>
      %swap3A_1907 = arith.index_cast %scan3A_1805 : i32 to index
      %swap3A_1908 = arith.constant 96 : index
      %swap3A_1909 = tpu.vector_load %swap3A_1906[%swap3A_1907, %swap3A_1908] {strides = array<i32>} : memref<96x128xi32, #tpu.memory_space<vmem>>, vector<1x16xi32>,
      %swap3A_1910 = vector.shape_cast %swap3A_1909 : vector<1x16xi32> to vector<16xi32>
      %swap3A_1911 = vector.shape_cast %add3A_1902 : vector<16xi32> to vector<1x16xi32>
      tpu.vector_store %swap3A_1906[%swap3A_1907, %swap3A_1908], %swap3A_1911 {strides = array<i32>} : memref<96x128xi32, #tpu.memory_space<vmem>>, vector<1x16xi32>,
      %get3A_1912 = arith.constant 112 : index
      %get3A_1913 = tpu.vector_load %arg6[%get3A_1912] {strides = array<i32>} : memref<128xi32, #tpu.memory_space<vmem>>, vector<16xi32>,
      %get3A_1914 = vector.shape_cast %get3A_1913 : vector<16xi32> to vector<16xi32>
      %add3A_1915 = vector.broadcast %mul3A_1809 : i32 to vector<16xi32>
      %add3A_1916 = arith.addi %get3A_1914, %add3A_1915 : vector<16xi32>
      %swap3A_1917 = arith.constant 0 : i32
      %swap3A_1918 = arith.constant 0 : i32
      %swap3A_1919 = tpu.memref_slice %arg7[%scan3A_341, %swap3A_1917, %swap3A_1918] : memref<2x96x128xi32, #tpu.memory_space<vmem>> -> memref<1x96x128xi32, #tpu.memory_space<vmem>>
      %swap3A_1920 = tpu.memref_squeeze %swap3A_1919 : memref<1x96x128xi32, #tpu.memory_space<vmem>> -> memref<96x128xi32, #tpu.memory_space<vmem>>
      %swap3A_1921 = arith.index_cast %scan3A_1805 : i32 to index
      %swap3A_1922 = arith.constant 112 : index
      %swap3A_1923 = tpu.vector_load %swap3A_1920[%swap3A_1921, %swap3A_1922] {strides = array<i32>} : memref<96x128xi32, #tpu.memory_space<vmem>>, vector<1x16xi32>,
      %swap3A_1924 = vector.shape_cast %swap3A_1923 : vector<1x16xi32> to vector<16xi32>
      %swap3A_1925 = vector.shape_cast %add3A_1916 : vector<16xi32> to vector<1x16xi32>
      tpu.vector_store %swap3A_1920[%swap3A_1921, %swap3A_1922], %swap3A_1925 {strides = array<i32>} : memref<96x128xi32, #tpu.memory_space<vmem>>, vector<1x16xi32>,
      %dma_start3A_1926 = arith.constant 0 : i32
      %dma_start3A_1927 = arith.constant 0 : i32
      %dma_start3A_1928 = arith.constant 0 : i32
      %dma_start3A_1929 = tpu.memref_slice %arg8[%scan3A_342, %dma_start3A_1926, %dma_start3A_1927, %dma_start3A_1928] : memref<2x12x8x128xf32, #tpu.memory_space<vmem>> -> memref<1x12x8x128xf32, #tpu.memory_space<vmem>>
      %dma_start3A_1930 = tpu.memref_squeeze %dma_start3A_1929 : memref<1x12x8x128xf32, #tpu.memory_space<vmem>> -> memref<12x8x128xf32, #tpu.memory_space<vmem>>
      %dma_start3A_1931 = arith.constant 0 : i32
      %dma_start3A_1932 = tpu.memref_slice %dma_start3A_1930[%shift_right_logical3A_1811, %and3A_1813, %dma_start3A_1931] : memref<12x8x128xf32, #tpu.memory_space<vmem>> -> memref<1x1x128xf32, #tpu.memory_space<vmem>>
      %dma_start3A_1933 = tpu.memref_squeeze %dma_start3A_1932 : memref<1x1x128xf32, #tpu.memory_space<vmem>> -> memref<128xf32, #tpu.memory_space<vmem>>
      %dma_start3A_1934 = arith.constant 0 : i32
      %dma_start3A_1935 = arith.constant 0 : i32
      %dma_start3A_1936 = tpu.memref_slice %arg7[%scan3A_341, %dma_start3A_1934, %dma_start3A_1935] : memref<2x96x128xi32, #tpu.memory_space<vmem>> -> memref<1x96x128xi32, #tpu.memory_space<vmem>>
      %dma_start3A_1937 = tpu.memref_squeeze %dma_start3A_1936 : memref<1x96x128xi32, #tpu.memory_space<vmem>> -> memref<96x128xi32, #tpu.memory_space<vmem>>
      %dma_start3A_1938 = arith.constant 0 : i32
      %dma_start3A_1939 = tpu.memref_slice %dma_start3A_1937[%scan3A_1805, %dma_start3A_1938] : memref<96x128xi32, #tpu.memory_space<vmem>> -> memref<1x128xi32, #tpu.memory_space<vmem>>
      %dma_start3A_1940 = tpu.memref_squeeze %dma_start3A_1939 : memref<1x128xi32, #tpu.memory_space<vmem>> -> memref<128xi32, #tpu.memory_space<vmem>>
      %dma_start3A_1941 = arith.constant 0 : i32
      %dma_start3A_1942 = tpu.memref_slice %arg2[%dma_start3A_1941] : memref<56623104xf32, #tpu.memory_space<hbm>> -> memref<56623104xf32, #tpu.memory_space<hbm>>
      tpu.enqueue_indirect_dma source(%dma_start3A_1942 : memref<56623104xf32, #tpu.memory_space<hbm>>) target(%dma_start3A_1933 : memref<128xf32, #tpu.memory_space<vmem>>) offsets(%dma_start3A_1940 : memref<128xi32, #tpu.memory_space<vmem>>) semaphore(%arg9 : memref<!tpu.dma_semaphore, #tpu.memory_space<semaphore_mem>>)
    }
    %scan3A_347 = arith.constant 96 : i32
    %get3A_348 = arith.constant 1 : i32
    %get3A_349 = arith.index_cast %get3A_348 : i32 to index
    %get3A_350 = arith.constant 0 : index
    %get3A_351 = tpu.vector_load %arg5[%get3A_349, %get3A_350] {strides = array<i32>} : memref<4x128xi32, #tpu.memory_space<vmem>>, vector<1x16xi32>,
    %get3A_352 = vector.shape_cast %get3A_351 : vector<1x16xi32> to vector<16xi32>
    %shift_right_logical3A_353 = arith.constant 7 : i32
    %shift_right_logical3A_354 = vector.broadcast %shift_right_logical3A_353 : i32 to vector<16xi32>
    %shift_right_logical3A_355 = arith.shrui %get3A_352, %shift_right_logical3A_354 : vector<16xi32>
    %mul3A_356 = arith.constant 21846 : i32
    %mul3A_357 = vector.broadcast %mul3A_356 : i32 to vector<16xi32>
    %mul3A_358 = arith.muli %shift_right_logical3A_355, %mul3A_357 : vector<16xi32>
    %shift_right_logical3A_359 = arith.constant 16 : i32
    %shift_right_logical3A_360 = vector.broadcast %shift_right_logical3A_359 : i32 to vector<16xi32>
    %shift_right_logical3A_361 = arith.shrui %mul3A_358, %shift_right_logical3A_360 : vector<16xi32>
    %mul3A_362 = arith.constant 3 : i32
    %mul3A_363 = vector.broadcast %mul3A_362 : i32 to vector<16xi32>
    %mul3A_364 = arith.muli %mul3A_363, %shift_right_logical3A_361 : vector<16xi32>
    %sub3A_365 = arith.subi %shift_right_logical3A_355, %mul3A_364 : vector<16xi32>
    %shift_right_logical3A_366 = arith.constant 3 : i32
    %shift_right_logical3A_367 = vector.broadcast %shift_right_logical3A_366 : i32 to vector<16xi32>
    %shift_right_logical3A_368 = arith.shrui %shift_right_logical3A_361, %shift_right_logical3A_367 : vector<16xi32>
    %mul3A_369 = arith.constant 3 : i32
    %mul3A_370 = vector.broadcast %mul3A_369 : i32 to vector<16xi32>
    %mul3A_371 = arith.muli %shift_right_logical3A_368, %mul3A_370 : vector<16xi32>
    %add3A_372 = arith.addi %mul3A_371, %sub3A_365 : vector<16xi32>
    %shift_left3A_373 = arith.constant 10 : i32
    %shift_left3A_374 = vector.broadcast %shift_left3A_373 : i32 to vector<16xi32>
    %shift_left3A_375 = arith.shli %add3A_372, %shift_left3A_374 : vector<16xi32>
    %and3A_376 = arith.constant 7 : i32
    %and3A_377 = vector.broadcast %and3A_376 : i32 to vector<16xi32>
    %and3A_378 = arith.andi %shift_right_logical3A_361, %and3A_377 : vector<16xi32>
    %shift_left3A_379 = arith.constant 7 : i32
    %shift_left3A_380 = vector.broadcast %shift_left3A_379 : i32 to vector<16xi32>
    %shift_left3A_381 = arith.shli %and3A_378, %shift_left3A_380 : vector<16xi32>
    %add3A_382 = arith.addi %shift_left3A_375, %shift_left3A_381 : vector<16xi32>
    %and3A_383 = arith.constant 127 : i32
    %and3A_384 = vector.broadcast %and3A_383 : i32 to vector<16xi32>
    %and3A_385 = arith.andi %get3A_352, %and3A_384 : vector<16xi32>
    %add3A_386 = arith.addi %add3A_382, %and3A_385 : vector<16xi32>
    %swap3A_387 = arith.constant 0 : index
    %swap3A_388 = tpu.vector_load %arg6[%swap3A_387] {strides = array<i32>} : memref<128xi32, #tpu.memory_space<vmem>>, vector<16xi32>,
    %swap3A_389 = vector.shape_cast %swap3A_388 : vector<16xi32> to vector<16xi32>
    %swap3A_390 = vector.shape_cast %add3A_386 : vector<16xi32> to vector<16xi32>
    tpu.vector_store %arg6[%swap3A_387], %swap3A_390 {strides = array<i32>} : memref<128xi32, #tpu.memory_space<vmem>>, vector<16xi32>,
    %get3A_391 = arith.constant 1 : i32
    %get3A_392 = arith.index_cast %get3A_391 : i32 to index
    %get3A_393 = arith.constant 16 : index
    %get3A_394 = tpu.vector_load %arg5[%get3A_392, %get3A_393] {strides = array<i32>} : memref<4x128xi32, #tpu.memory_space<vmem>>, vector<1x16xi32>,
    %get3A_395 = vector.shape_cast %get3A_394 : vector<1x16xi32> to vector<16xi32>
    %shift_right_logical3A_396 = arith.constant 7 : i32
    %shift_right_logical3A_397 = vector.broadcast %shift_right_logical3A_396 : i32 to vector<16xi32>
    %shift_right_logical3A_398 = arith.shrui %get3A_395, %shift_right_logical3A_397 : vector<16xi32>
    %mul3A_399 = arith.constant 21846 : i32
    %mul3A_400 = vector.broadcast %mul3A_399 : i32 to vector<16xi32>
    %mul3A_401 = arith.muli %shift_right_logical3A_398, %mul3A_400 : vector<16xi32>
    %shift_right_logical3A_402 = arith.constant 16 : i32
    %shift_right_logical3A_403 = vector.broadcast %shift_right_logical3A_402 : i32 to vector<16xi32>
    %shift_right_logical3A_404 = arith.shrui %mul3A_401, %shift_right_logical3A_403 : vector<16xi32>
    %mul3A_405 = arith.constant 3 : i32
    %mul3A_406 = vector.broadcast %mul3A_405 : i32 to vector<16xi32>
    %mul3A_407 = arith.muli %mul3A_406, %shift_right_logical3A_404 : vector<16xi32>
    %sub3A_408 = arith.subi %shift_right_logical3A_398, %mul3A_407 : vector<16xi32>
    %shift_right_logical3A_409 = arith.constant 3 : i32
    %shift_right_logical3A_410 = vector.broadcast %shift_right_logical3A_409 : i32 to vector<16xi32>
    %shift_right_logical3A_411 = arith.shrui %shift_right_logical3A_404, %shift_right_logical3A_410 : vector<16xi32>
    %mul3A_412 = arith.constant 3 : i32
    %mul3A_413 = vector.broadcast %mul3A_412 : i32 to vector<16xi32>
    %mul3A_414 = arith.muli %shift_right_logical3A_411, %mul3A_413 : vector<16xi32>
    %add3A_415 = arith.addi %mul3A_414, %sub3A_408 : vector<16xi32>
    %shift_left3A_416 = arith.constant 10 : i32
    %shift_left3A_417 = vector.broadcast %shift_left3A_416 : i32 to vector<16xi32>
    %shift_left3A_418 = arith.shli %add3A_415, %shift_left3A_417 : vector<16xi32>
    %and3A_419 = arith.constant 7 : i32
    %and3A_420 = vector.broadcast %and3A_419 : i32 to vector<16xi32>
    %and3A_421 = arith.andi %shift_right_logical3A_404, %and3A_420 : vector<16xi32>
    %shift_left3A_422 = arith.constant 7 : i32
    %shift_left3A_423 = vector.broadcast %shift_left3A_422 : i32 to vector<16xi32>
    %shift_left3A_424 = arith.shli %and3A_421, %shift_left3A_423 : vector<16xi32>
    %add3A_425 = arith.addi %shift_left3A_418, %shift_left3A_424 : vector<16xi32>
    %and3A_426 = arith.constant 127 : i32
    %and3A_427 = vector.broadcast %and3A_426 : i32 to vector<16xi32>
    %and3A_428 = arith.andi %get3A_395, %and3A_427 : vector<16xi32>
    %add3A_429 = arith.addi %add3A_425, %and3A_428 : vector<16xi32>
    %swap3A_430 = arith.constant 16 : index
    %swap3A_431 = tpu.vector_load %arg6[%swap3A_430] {strides = array<i32>} : memref<128xi32, #tpu.memory_space<vmem>>, vector<16xi32>,
    %swap3A_432 = vector.shape_cast %swap3A_431 : vector<16xi32> to vector<16xi32>
    %swap3A_433 = vector.shape_cast %add3A_429 : vector<16xi32> to vector<16xi32>
    tpu.vector_store %arg6[%swap3A_430], %swap3A_433 {strides = array<i32>} : memref<128xi32, #tpu.memory_space<vmem>>, vector<16xi32>,
    %get3A_434 = arith.constant 1 : i32
    %get3A_435 = arith.index_cast %get3A_434 : i32 to index
    %get3A_436 = arith.constant 32 : index
    %get3A_437 = tpu.vector_load %arg5[%get3A_435, %get3A_436] {strides = array<i32>} : memref<4x128xi32, #tpu.memory_space<vmem>>, vector<1x16xi32>,
    %get3A_438 = vector.shape_cast %get3A_437 : vector<1x16xi32> to vector<16xi32>
    %shift_right_logical3A_439 = arith.constant 7 : i32
    %shift_right_logical3A_440 = vector.broadcast %shift_right_logical3A_439 : i32 to vector<16xi32>
    %shift_right_logical3A_441 = arith.shrui %get3A_438, %shift_right_logical3A_440 : vector<16xi32>
    %mul3A_442 = arith.constant 21846 : i32
    %mul3A_443 = vector.broadcast %mul3A_442 : i32 to vector<16xi32>
    %mul3A_444 = arith.muli %shift_right_logical3A_441, %mul3A_443 : vector<16xi32>
    %shift_right_logical3A_445 = arith.constant 16 : i32
    %shift_right_logical3A_446 = vector.broadcast %shift_right_logical3A_445 : i32 to vector<16xi32>
    %shift_right_logical3A_447 = arith.shrui %mul3A_444, %shift_right_logical3A_446 : vector<16xi32>
    %mul3A_448 = arith.constant 3 : i32
    %mul3A_449 = vector.broadcast %mul3A_448 : i32 to vector<16xi32>
    %mul3A_450 = arith.muli %mul3A_449, %shift_right_logical3A_447 : vector<16xi32>
    %sub3A_451 = arith.subi %shift_right_logical3A_441, %mul3A_450 : vector<16xi32>
    %shift_right_logical3A_452 = arith.constant 3 : i32
    %shift_right_logical3A_453 = vector.broadcast %shift_right_logical3A_452 : i32 to vector<16xi32>
    %shift_right_logical3A_454 = arith.shrui %shift_right_logical3A_447, %shift_right_logical3A_453 : vector<16xi32>
    %mul3A_455 = arith.constant 3 : i32
    %mul3A_456 = vector.broadcast %mul3A_455 : i32 to vector<16xi32>
    %mul3A_457 = arith.muli %shift_right_logical3A_454, %mul3A_456 : vector<16xi32>
    %add3A_458 = arith.addi %mul3A_457, %sub3A_451 : vector<16xi32>
    %shift_left3A_459 = arith.constant 10 : i32
    %shift_left3A_460 = vector.broadcast %shift_left3A_459 : i32 to vector<16xi32>
    %shift_left3A_461 = arith.shli %add3A_458, %shift_left3A_460 : vector<16xi32>
    %and3A_462 = arith.constant 7 : i32
    %and3A_463 = vector.broadcast %and3A_462 : i32 to vector<16xi32>
    %and3A_464 = arith.andi %shift_right_logical3A_447, %and3A_463 : vector<16xi32>
    %shift_left3A_465 = arith.constant 7 : i32
    %shift_left3A_466 = vector.broadcast %shift_left3A_465 : i32 to vector<16xi32>
    %shift_left3A_467 = arith.shli %and3A_464, %shift_left3A_466 : vector<16xi32>
    %add3A_468 = arith.addi %shift_left3A_461, %shift_left3A_467 : vector<16xi32>
    %and3A_469 = arith.constant 127 : i32
    %and3A_470 = vector.broadcast %and3A_469 : i32 to vector<16xi32>
    %and3A_471 = arith.andi %get3A_438, %and3A_470 : vector<16xi32>
    %add3A_472 = arith.addi %add3A_468, %and3A_471 : vector<16xi32>
    %swap3A_473 = arith.constant 32 : index
    %swap3A_474 = tpu.vector_load %arg6[%swap3A_473] {strides = array<i32>} : memref<128xi32, #tpu.memory_space<vmem>>, vector<16xi32>,
    %swap3A_475 = vector.shape_cast %swap3A_474 : vector<16xi32> to vector<16xi32>
    %swap3A_476 = vector.shape_cast %add3A_472 : vector<16xi32> to vector<16xi32>
    tpu.vector_store %arg6[%swap3A_473], %swap3A_476 {strides = array<i32>} : memref<128xi32, #tpu.memory_space<vmem>>, vector<16xi32>,
    %get3A_477 = arith.constant 1 : i32
    %get3A_478 = arith.index_cast %get3A_477 : i32 to index
    %get3A_479 = arith.constant 48 : index
    %get3A_480 = tpu.vector_load %arg5[%get3A_478, %get3A_479] {strides = array<i32>} : memref<4x128xi32, #tpu.memory_space<vmem>>, vector<1x16xi32>,
    %get3A_481 = vector.shape_cast %get3A_480 : vector<1x16xi32> to vector<16xi32>
    %shift_right_logical3A_482 = arith.constant 7 : i32
    %shift_right_logical3A_483 = vector.broadcast %shift_right_logical3A_482 : i32 to vector<16xi32>
    %shift_right_logical3A_484 = arith.shrui %get3A_481, %shift_right_logical3A_483 : vector<16xi32>
    %mul3A_485 = arith.constant 21846 : i32
    %mul3A_486 = vector.broadcast %mul3A_485 : i32 to vector<16xi32>
    %mul3A_487 = arith.muli %shift_right_logical3A_484, %mul3A_486 : vector<16xi32>
    %shift_right_logical3A_488 = arith.constant 16 : i32
    %shift_right_logical3A_489 = vector.broadcast %shift_right_logical3A_488 : i32 to vector<16xi32>
    %shift_right_logical3A_490 = arith.shrui %mul3A_487, %shift_right_logical3A_489 : vector<16xi32>
    %mul3A_491 = arith.constant 3 : i32
    %mul3A_492 = vector.broadcast %mul3A_491 : i32 to vector<16xi32>
    %mul3A_493 = arith.muli %mul3A_492, %shift_right_logical3A_490 : vector<16xi32>
    %sub3A_494 = arith.subi %shift_right_logical3A_484, %mul3A_493 : vector<16xi32>
    %shift_right_logical3A_495 = arith.constant 3 : i32
    %shift_right_logical3A_496 = vector.broadcast %shift_right_logical3A_495 : i32 to vector<16xi32>
    %shift_right_logical3A_497 = arith.shrui %shift_right_logical3A_490, %shift_right_logical3A_496 : vector<16xi32>
    %mul3A_498 = arith.constant 3 : i32
    %mul3A_499 = vector.broadcast %mul3A_498 : i32 to vector<16xi32>
    %mul3A_500 = arith.muli %shift_right_logical3A_497, %mul3A_499 : vector<16xi32>
    %add3A_501 = arith.addi %mul3A_500, %sub3A_494 : vector<16xi32>
    %shift_left3A_502 = arith.constant 10 : i32
    %shift_left3A_503 = vector.broadcast %shift_left3A_502 : i32 to vector<16xi32>
    %shift_left3A_504 = arith.shli %add3A_501, %shift_left3A_503 : vector<16xi32>
    %and3A_505 = arith.constant 7 : i32
    %and3A_506 = vector.broadcast %and3A_505 : i32 to vector<16xi32>
    %and3A_507 = arith.andi %shift_right_logical3A_490, %and3A_506 : vector<16xi32>
    %shift_left3A_508 = arith.constant 7 : i32
    %shift_left3A_509 = vector.broadcast %shift_left3A_508 : i32 to vector<16xi32>
    %shift_left3A_510 = arith.shli %and3A_507, %shift_left3A_509 : vector<16xi32>
    %add3A_511 = arith.addi %shift_left3A_504, %shift_left3A_510 : vector<16xi32>
    %and3A_512 = arith.constant 127 : i32
    %and3A_513 = vector.broadcast %and3A_512 : i32 to vector<16xi32>
    %and3A_514 = arith.andi %get3A_481, %and3A_513 : vector<16xi32>
    %add3A_515 = arith.addi %add3A_511, %and3A_514 : vector<16xi32>
    %swap3A_516 = arith.constant 48 : index
    %swap3A_517 = tpu.vector_load %arg6[%swap3A_516] {strides = array<i32>} : memref<128xi32, #tpu.memory_space<vmem>>, vector<16xi32>,
    %swap3A_518 = vector.shape_cast %swap3A_517 : vector<16xi32> to vector<16xi32>
    %swap3A_519 = vector.shape_cast %add3A_515 : vector<16xi32> to vector<16xi32>
    tpu.vector_store %arg6[%swap3A_516], %swap3A_519 {strides = array<i32>} : memref<128xi32, #tpu.memory_space<vmem>>, vector<16xi32>,
    %get3A_520 = arith.constant 1 : i32
    %get3A_521 = arith.index_cast %get3A_520 : i32 to index
    %get3A_522 = arith.constant 64 : index
    %get3A_523 = tpu.vector_load %arg5[%get3A_521, %get3A_522] {strides = array<i32>} : memref<4x128xi32, #tpu.memory_space<vmem>>, vector<1x16xi32>,
    %get3A_524 = vector.shape_cast %get3A_523 : vector<1x16xi32> to vector<16xi32>
    %shift_right_logical3A_525 = arith.constant 7 : i32
    %shift_right_logical3A_526 = vector.broadcast %shift_right_logical3A_525 : i32 to vector<16xi32>
    %shift_right_logical3A_527 = arith.shrui %get3A_524, %shift_right_logical3A_526 : vector<16xi32>
    %mul3A_528 = arith.constant 21846 : i32
    %mul3A_529 = vector.broadcast %mul3A_528 : i32 to vector<16xi32>
    %mul3A_530 = arith.muli %shift_right_logical3A_527, %mul3A_529 : vector<16xi32>
    %shift_right_logical3A_531 = arith.constant 16 : i32
    %shift_right_logical3A_532 = vector.broadcast %shift_right_logical3A_531 : i32 to vector<16xi32>
    %shift_right_logical3A_533 = arith.shrui %mul3A_530, %shift_right_logical3A_532 : vector<16xi32>
    %mul3A_534 = arith.constant 3 : i32
    %mul3A_535 = vector.broadcast %mul3A_534 : i32 to vector<16xi32>
    %mul3A_536 = arith.muli %mul3A_535, %shift_right_logical3A_533 : vector<16xi32>
    %sub3A_537 = arith.subi %shift_right_logical3A_527, %mul3A_536 : vector<16xi32>
    %shift_right_logical3A_538 = arith.constant 3 : i32
    %shift_right_logical3A_539 = vector.broadcast %shift_right_logical3A_538 : i32 to vector<16xi32>
    %shift_right_logical3A_540 = arith.shrui %shift_right_logical3A_533, %shift_right_logical3A_539 : vector<16xi32>
    %mul3A_541 = arith.constant 3 : i32
    %mul3A_542 = vector.broadcast %mul3A_541 : i32 to vector<16xi32>
    %mul3A_543 = arith.muli %shift_right_logical3A_540, %mul3A_542 : vector<16xi32>
    %add3A_544 = arith.addi %mul3A_543, %sub3A_537 : vector<16xi32>
    %shift_left3A_545 = arith.constant 10 : i32
    %shift_left3A_546 = vector.broadcast %shift_left3A_545 : i32 to vector<16xi32>
    %shift_left3A_547 = arith.shli %add3A_544, %shift_left3A_546 : vector<16xi32>
    %and3A_548 = arith.constant 7 : i32
    %and3A_549 = vector.broadcast %and3A_548 : i32 to vector<16xi32>
    %and3A_550 = arith.andi %shift_right_logical3A_533, %and3A_549 : vector<16xi32>
    %shift_left3A_551 = arith.constant 7 : i32
    %shift_left3A_552 = vector.broadcast %shift_left3A_551 : i32 to vector<16xi32>
    %shift_left3A_553 = arith.shli %and3A_550, %shift_left3A_552 : vector<16xi32>
    %add3A_554 = arith.addi %shift_left3A_547, %shift_left3A_553 : vector<16xi32>
    %and3A_555 = arith.constant 127 : i32
    %and3A_556 = vector.broadcast %and3A_555 : i32 to vector<16xi32>
    %and3A_557 = arith.andi %get3A_524, %and3A_556 : vector<16xi32>
    %add3A_558 = arith.addi %add3A_554, %and3A_557 : vector<16xi32>
    %swap3A_559 = arith.constant 64 : index
    %swap3A_560 = tpu.vector_load %arg6[%swap3A_559] {strides = array<i32>} : memref<128xi32, #tpu.memory_space<vmem>>, vector<16xi32>,
    %swap3A_561 = vector.shape_cast %swap3A_560 : vector<16xi32> to vector<16xi32>
    %swap3A_562 = vector.shape_cast %add3A_558 : vector<16xi32> to vector<16xi32>
    tpu.vector_store %arg6[%swap3A_559], %swap3A_562 {strides = array<i32>} : memref<128xi32, #tpu.memory_space<vmem>>, vector<16xi32>,
    %get3A_563 = arith.constant 1 : i32
    %get3A_564 = arith.index_cast %get3A_563 : i32 to index
    %get3A_565 = arith.constant 80 : index
    %get3A_566 = tpu.vector_load %arg5[%get3A_564, %get3A_565] {strides = array<i32>} : memref<4x128xi32, #tpu.memory_space<vmem>>, vector<1x16xi32>,
    %get3A_567 = vector.shape_cast %get3A_566 : vector<1x16xi32> to vector<16xi32>
    %shift_right_logical3A_568 = arith.constant 7 : i32
    %shift_right_logical3A_569 = vector.broadcast %shift_right_logical3A_568 : i32 to vector<16xi32>
    %shift_right_logical3A_570 = arith.shrui %get3A_567, %shift_right_logical3A_569 : vector<16xi32>
    %mul3A_571 = arith.constant 21846 : i32
    %mul3A_572 = vector.broadcast %mul3A_571 : i32 to vector<16xi32>
    %mul3A_573 = arith.muli %shift_right_logical3A_570, %mul3A_572 : vector<16xi32>
    %shift_right_logical3A_574 = arith.constant 16 : i32
    %shift_right_logical3A_575 = vector.broadcast %shift_right_logical3A_574 : i32 to vector<16xi32>
    %shift_right_logical3A_576 = arith.shrui %mul3A_573, %shift_right_logical3A_575 : vector<16xi32>
    %mul3A_577 = arith.constant 3 : i32
    %mul3A_578 = vector.broadcast %mul3A_577 : i32 to vector<16xi32>
    %mul3A_579 = arith.muli %mul3A_578, %shift_right_logical3A_576 : vector<16xi32>
    %sub3A_580 = arith.subi %shift_right_logical3A_570, %mul3A_579 : vector<16xi32>
    %shift_right_logical3A_581 = arith.constant 3 : i32
    %shift_right_logical3A_582 = vector.broadcast %shift_right_logical3A_581 : i32 to vector<16xi32>
    %shift_right_logical3A_583 = arith.shrui %shift_right_logical3A_576, %shift_right_logical3A_582 : vector<16xi32>
    %mul3A_584 = arith.constant 3 : i32
    %mul3A_585 = vector.broadcast %mul3A_584 : i32 to vector<16xi32>
    %mul3A_586 = arith.muli %shift_right_logical3A_583, %mul3A_585 : vector<16xi32>
    %add3A_587 = arith.addi %mul3A_586, %sub3A_580 : vector<16xi32>
    %shift_left3A_588 = arith.constant 10 : i32
    %shift_left3A_589 = vector.broadcast %shift_left3A_588 : i32 to vector<16xi32>
    %shift_left3A_590 = arith.shli %add3A_587, %shift_left3A_589 : vector<16xi32>
    %and3A_591 = arith.constant 7 : i32
    %and3A_592 = vector.broadcast %and3A_591 : i32 to vector<16xi32>
    %and3A_593 = arith.andi %shift_right_logical3A_576, %and3A_592 : vector<16xi32>
    %shift_left3A_594 = arith.constant 7 : i32
    %shift_left3A_595 = vector.broadcast %shift_left3A_594 : i32 to vector<16xi32>
    %shift_left3A_596 = arith.shli %and3A_593, %shift_left3A_595 : vector<16xi32>
    %add3A_597 = arith.addi %shift_left3A_590, %shift_left3A_596 : vector<16xi32>
    %and3A_598 = arith.constant 127 : i32
    %and3A_599 = vector.broadcast %and3A_598 : i32 to vector<16xi32>
    %and3A_600 = arith.andi %get3A_567, %and3A_599 : vector<16xi32>
    %add3A_601 = arith.addi %add3A_597, %and3A_600 : vector<16xi32>
    %swap3A_602 = arith.constant 80 : index
    %swap3A_603 = tpu.vector_load %arg6[%swap3A_602] {strides = array<i32>} : memref<128xi32, #tpu.memory_space<vmem>>, vector<16xi32>,
    %swap3A_604 = vector.shape_cast %swap3A_603 : vector<16xi32> to vector<16xi32>
    %swap3A_605 = vector.shape_cast %add3A_601 : vector<16xi32> to vector<16xi32>
    tpu.vector_store %arg6[%swap3A_602], %swap3A_605 {strides = array<i32>} : memref<128xi32, #tpu.memory_space<vmem>>, vector<16xi32>,
    %get3A_606 = arith.constant 1 : i32
    %get3A_607 = arith.index_cast %get3A_606 : i32 to index
    %get3A_608 = arith.constant 96 : index
    %get3A_609 = tpu.vector_load %arg5[%get3A_607, %get3A_608] {strides = array<i32>} : memref<4x128xi32, #tpu.memory_space<vmem>>, vector<1x16xi32>,
    %get3A_610 = vector.shape_cast %get3A_609 : vector<1x16xi32> to vector<16xi32>
    %shift_right_logical3A_611 = arith.constant 7 : i32
    %shift_right_logical3A_612 = vector.broadcast %shift_right_logical3A_611 : i32 to vector<16xi32>
    %shift_right_logical3A_613 = arith.shrui %get3A_610, %shift_right_logical3A_612 : vector<16xi32>
    %mul3A_614 = arith.constant 21846 : i32
    %mul3A_615 = vector.broadcast %mul3A_614 : i32 to vector<16xi32>
    %mul3A_616 = arith.muli %shift_right_logical3A_613, %mul3A_615 : vector<16xi32>
    %shift_right_logical3A_617 = arith.constant 16 : i32
    %shift_right_logical3A_618 = vector.broadcast %shift_right_logical3A_617 : i32 to vector<16xi32>
    %shift_right_logical3A_619 = arith.shrui %mul3A_616, %shift_right_logical3A_618 : vector<16xi32>
    %mul3A_620 = arith.constant 3 : i32
    %mul3A_621 = vector.broadcast %mul3A_620 : i32 to vector<16xi32>
    %mul3A_622 = arith.muli %mul3A_621, %shift_right_logical3A_619 : vector<16xi32>
    %sub3A_623 = arith.subi %shift_right_logical3A_613, %mul3A_622 : vector<16xi32>
    %shift_right_logical3A_624 = arith.constant 3 : i32
    %shift_right_logical3A_625 = vector.broadcast %shift_right_logical3A_624 : i32 to vector<16xi32>
    %shift_right_logical3A_626 = arith.shrui %shift_right_logical3A_619, %shift_right_logical3A_625 : vector<16xi32>
    %mul3A_627 = arith.constant 3 : i32
    %mul3A_628 = vector.broadcast %mul3A_627 : i32 to vector<16xi32>
    %mul3A_629 = arith.muli %shift_right_logical3A_626, %mul3A_628 : vector<16xi32>
    %add3A_630 = arith.addi %mul3A_629, %sub3A_623 : vector<16xi32>
    %shift_left3A_631 = arith.constant 10 : i32
    %shift_left3A_632 = vector.broadcast %shift_left3A_631 : i32 to vector<16xi32>
    %shift_left3A_633 = arith.shli %add3A_630, %shift_left3A_632 : vector<16xi32>
    %and3A_634 = arith.constant 7 : i32
    %and3A_635 = vector.broadcast %and3A_634 : i32 to vector<16xi32>
    %and3A_636 = arith.andi %shift_right_logical3A_619, %and3A_635 : vector<16xi32>
    %shift_left3A_637 = arith.constant 7 : i32
    %shift_left3A_638 = vector.broadcast %shift_left3A_637 : i32 to vector<16xi32>
    %shift_left3A_639 = arith.shli %and3A_636, %shift_left3A_638 : vector<16xi32>
    %add3A_640 = arith.addi %shift_left3A_633, %shift_left3A_639 : vector<16xi32>
    %and3A_641 = arith.constant 127 : i32
    %and3A_642 = vector.broadcast %and3A_641 : i32 to vector<16xi32>
    %and3A_643 = arith.andi %get3A_610, %and3A_642 : vector<16xi32>
    %add3A_644 = arith.addi %add3A_640, %and3A_643 : vector<16xi32>
    %swap3A_645 = arith.constant 96 : index
    %swap3A_646 = tpu.vector_load %arg6[%swap3A_645] {strides = array<i32>} : memref<128xi32, #tpu.memory_space<vmem>>, vector<16xi32>,
    %swap3A_647 = vector.shape_cast %swap3A_646 : vector<16xi32> to vector<16xi32>
    %swap3A_648 = vector.shape_cast %add3A_644 : vector<16xi32> to vector<16xi32>
    tpu.vector_store %arg6[%swap3A_645], %swap3A_648 {strides = array<i32>} : memref<128xi32, #tpu.memory_space<vmem>>, vector<16xi32>,
    %get3A_649 = arith.constant 1 : i32
    %get3A_650 = arith.index_cast %get3A_649 : i32 to index
    %get3A_651 = arith.constant 112 : index
    %get3A_652 = tpu.vector_load %arg5[%get3A_650, %get3A_651] {strides = array<i32>} : memref<4x128xi32, #tpu.memory_space<vmem>>, vector<1x16xi32>,
    %get3A_653 = vector.shape_cast %get3A_652 : vector<1x16xi32> to vector<16xi32>
    %shift_right_logical3A_654 = arith.constant 7 : i32
    %shift_right_logical3A_655 = vector.broadcast %shift_right_logical3A_654 : i32 to vector<16xi32>
    %shift_right_logical3A_656 = arith.shrui %get3A_653, %shift_right_logical3A_655 : vector<16xi32>
    %mul3A_657 = arith.constant 21846 : i32
    %mul3A_658 = vector.broadcast %mul3A_657 : i32 to vector<16xi32>
    %mul3A_659 = arith.muli %shift_right_logical3A_656, %mul3A_658 : vector<16xi32>
    %shift_right_logical3A_660 = arith.constant 16 : i32
    %shift_right_logical3A_661 = vector.broadcast %shift_right_logical3A_660 : i32 to vector<16xi32>
    %shift_right_logical3A_662 = arith.shrui %mul3A_659, %shift_right_logical3A_661 : vector<16xi32>
    %mul3A_663 = arith.constant 3 : i32
    %mul3A_664 = vector.broadcast %mul3A_663 : i32 to vector<16xi32>
    %mul3A_665 = arith.muli %mul3A_664, %shift_right_logical3A_662 : vector<16xi32>
    %sub3A_666 = arith.subi %shift_right_logical3A_656, %mul3A_665 : vector<16xi32>
    %shift_right_logical3A_667 = arith.constant 3 : i32
    %shift_right_logical3A_668 = vector.broadcast %shift_right_logical3A_667 : i32 to vector<16xi32>
    %shift_right_logical3A_669 = arith.shrui %shift_right_logical3A_662, %shift_right_logical3A_668 : vector<16xi32>
    %mul3A_670 = arith.constant 3 : i32
    %mul3A_671 = vector.broadcast %mul3A_670 : i32 to vector<16xi32>
    %mul3A_672 = arith.muli %shift_right_logical3A_669, %mul3A_671 : vector<16xi32>
    %add3A_673 = arith.addi %mul3A_672, %sub3A_666 : vector<16xi32>
    %shift_left3A_674 = arith.constant 10 : i32
    %shift_left3A_675 = vector.broadcast %shift_left3A_674 : i32 to vector<16xi32>
    %shift_left3A_676 = arith.shli %add3A_673, %shift_left3A_675 : vector<16xi32>
    %and3A_677 = arith.constant 7 : i32
    %and3A_678 = vector.broadcast %and3A_677 : i32 to vector<16xi32>
    %and3A_679 = arith.andi %shift_right_logical3A_662, %and3A_678 : vector<16xi32>
    %shift_left3A_680 = arith.constant 7 : i32
    %shift_left3A_681 = vector.broadcast %shift_left3A_680 : i32 to vector<16xi32>
    %shift_left3A_682 = arith.shli %and3A_679, %shift_left3A_681 : vector<16xi32>
    %add3A_683 = arith.addi %shift_left3A_676, %shift_left3A_682 : vector<16xi32>
    %and3A_684 = arith.constant 127 : i32
    %and3A_685 = vector.broadcast %and3A_684 : i32 to vector<16xi32>
    %and3A_686 = arith.andi %get3A_653, %and3A_685 : vector<16xi32>
    %add3A_687 = arith.addi %add3A_683, %and3A_686 : vector<16xi32>
    %swap3A_688 = arith.constant 112 : index
    %swap3A_689 = tpu.vector_load %arg6[%swap3A_688] {strides = array<i32>} : memref<128xi32, #tpu.memory_space<vmem>>, vector<16xi32>,
    %swap3A_690 = vector.shape_cast %swap3A_689 : vector<16xi32> to vector<16xi32>
    %swap3A_691 = vector.shape_cast %add3A_687 : vector<16xi32> to vector<16xi32>
    tpu.vector_store %arg6[%swap3A_688], %swap3A_691 {strides = array<i32>} : memref<128xi32, #tpu.memory_space<vmem>>, vector<16xi32>,
    %scan3A_692 = arith.constant 0 : i32
    %scan3A_693 = arith.constant 1 : i32
    %scan3A_694 = arith.constant 1 : i32
    %scan3A_695 = arith.constant 0 : i32
    %scan3A_696 = arith.constant 96 : i32
    %scan3A_697 = arith.addi %scan3A_695, %scan3A_696 : i32
    %scan3A_698 = arith.constant 2 : i32
    scf.for %scan3A_1666 = %scan3A_695 to %scan3A_697 step %scan3A_698  : i32 {
      %add3A_1667 = arith.constant 96 : i32
      %add3A_1668 = arith.addi %add3A_1667, %scan3A_1666 : i32
      %mul3A_1669 = arith.constant 147456 : i32
      %mul3A_1670 = arith.muli %add3A_1668, %mul3A_1669 : i32
      %shift_right_logical3A_1671 = arith.constant 3 : i32
      %shift_right_logical3A_1672 = arith.shrui %scan3A_1666, %shift_right_logical3A_1671 : i32
      %and3A_1673 = arith.constant 7 : i32
      %and3A_1674 = arith.andi %scan3A_1666, %and3A_1673 : i32
      %get3A_1675 = arith.constant 0 : index
      %get3A_1676 = tpu.vector_load %arg6[%get3A_1675] {strides = array<i32>} : memref<128xi32, #tpu.memory_space<vmem>>, vector<16xi32>,
      %get3A_1677 = vector.shape_cast %get3A_1676 : vector<16xi32> to vector<16xi32>
      %add3A_1678 = vector.broadcast %mul3A_1670 : i32 to vector<16xi32>
      %add3A_1679 = arith.addi %get3A_1677, %add3A_1678 : vector<16xi32>
      %swap3A_1680 = arith.constant 0 : i32
      %swap3A_1681 = arith.constant 0 : i32
      %swap3A_1682 = tpu.memref_slice %arg7[%scan3A_693, %swap3A_1680, %swap3A_1681] : memref<2x96x128xi32, #tpu.memory_space<vmem>> -> memref<1x96x128xi32, #tpu.memory_space<vmem>>
      %swap3A_1683 = tpu.memref_squeeze %swap3A_1682 : memref<1x96x128xi32, #tpu.memory_space<vmem>> -> memref<96x128xi32, #tpu.memory_space<vmem>>
      %swap3A_1684 = arith.index_cast %scan3A_1666 : i32 to index
      %swap3A_1685 = arith.constant 0 : index
      %swap3A_1686 = tpu.vector_load %swap3A_1683[%swap3A_1684, %swap3A_1685] {strides = array<i32>} : memref<96x128xi32, #tpu.memory_space<vmem>>, vector<1x16xi32>,
      %swap3A_1687 = vector.shape_cast %swap3A_1686 : vector<1x16xi32> to vector<16xi32>
      %swap3A_1688 = vector.shape_cast %add3A_1679 : vector<16xi32> to vector<1x16xi32>
      tpu.vector_store %swap3A_1683[%swap3A_1684, %swap3A_1685], %swap3A_1688 {strides = array<i32>} : memref<96x128xi32, #tpu.memory_space<vmem>>, vector<1x16xi32>,
      %get3A_1689 = arith.constant 16 : index
      %get3A_1690 = tpu.vector_load %arg6[%get3A_1689] {strides = array<i32>} : memref<128xi32, #tpu.memory_space<vmem>>, vector<16xi32>,
      %get3A_1691 = vector.shape_cast %get3A_1690 : vector<16xi32> to vector<16xi32>
      %add3A_1692 = vector.broadcast %mul3A_1670 : i32 to vector<16xi32>
      %add3A_1693 = arith.addi %get3A_1691, %add3A_1692 : vector<16xi32>
      %swap3A_1694 = arith.constant 0 : i32
      %swap3A_1695 = arith.constant 0 : i32
      %swap3A_1696 = tpu.memref_slice %arg7[%scan3A_693, %swap3A_1694, %swap3A_1695] : memref<2x96x128xi32, #tpu.memory_space<vmem>> -> memref<1x96x128xi32, #tpu.memory_space<vmem>>
      %swap3A_1697 = tpu.memref_squeeze %swap3A_1696 : memref<1x96x128xi32, #tpu.memory_space<vmem>> -> memref<96x128xi32, #tpu.memory_space<vmem>>
      %swap3A_1698 = arith.index_cast %scan3A_1666 : i32 to index
      %swap3A_1699 = arith.constant 16 : index
      %swap3A_1700 = tpu.vector_load %swap3A_1697[%swap3A_1698, %swap3A_1699] {strides = array<i32>} : memref<96x128xi32, #tpu.memory_space<vmem>>, vector<1x16xi32>,
      %swap3A_1701 = vector.shape_cast %swap3A_1700 : vector<1x16xi32> to vector<16xi32>
      %swap3A_1702 = vector.shape_cast %add3A_1693 : vector<16xi32> to vector<1x16xi32>
      tpu.vector_store %swap3A_1697[%swap3A_1698, %swap3A_1699], %swap3A_1702 {strides = array<i32>} : memref<96x128xi32, #tpu.memory_space<vmem>>, vector<1x16xi32>,
      %get3A_1703 = arith.constant 32 : index
      %get3A_1704 = tpu.vector_load %arg6[%get3A_1703] {strides = array<i32>} : memref<128xi32, #tpu.memory_space<vmem>>, vector<16xi32>,
      %get3A_1705 = vector.shape_cast %get3A_1704 : vector<16xi32> to vector<16xi32>
      %add3A_1706 = vector.broadcast %mul3A_1670 : i32 to vector<16xi32>
      %add3A_1707 = arith.addi %get3A_1705, %add3A_1706 : vector<16xi32>
      %swap3A_1708 = arith.constant 0 : i32
      %swap3A_1709 = arith.constant 0 : i32
      %swap3A_1710 = tpu.memref_slice %arg7[%scan3A_693, %swap3A_1708, %swap3A_1709] : memref<2x96x128xi32, #tpu.memory_space<vmem>> -> memref<1x96x128xi32, #tpu.memory_space<vmem>>
      %swap3A_1711 = tpu.memref_squeeze %swap3A_1710 : memref<1x96x128xi32, #tpu.memory_space<vmem>> -> memref<96x128xi32, #tpu.memory_space<vmem>>
      %swap3A_1712 = arith.index_cast %scan3A_1666 : i32 to index
      %swap3A_1713 = arith.constant 32 : index
      %swap3A_1714 = tpu.vector_load %swap3A_1711[%swap3A_1712, %swap3A_1713] {strides = array<i32>} : memref<96x128xi32, #tpu.memory_space<vmem>>, vector<1x16xi32>,
      %swap3A_1715 = vector.shape_cast %swap3A_1714 : vector<1x16xi32> to vector<16xi32>
      %swap3A_1716 = vector.shape_cast %add3A_1707 : vector<16xi32> to vector<1x16xi32>
      tpu.vector_store %swap3A_1711[%swap3A_1712, %swap3A_1713], %swap3A_1716 {strides = array<i32>} : memref<96x128xi32, #tpu.memory_space<vmem>>, vector<1x16xi32>,
      %get3A_1717 = arith.constant 48 : index
      %get3A_1718 = tpu.vector_load %arg6[%get3A_1717] {strides = array<i32>} : memref<128xi32, #tpu.memory_space<vmem>>, vector<16xi32>,
      %get3A_1719 = vector.shape_cast %get3A_1718 : vector<16xi32> to vector<16xi32>
      %add3A_1720 = vector.broadcast %mul3A_1670 : i32 to vector<16xi32>
      %add3A_1721 = arith.addi %get3A_1719, %add3A_1720 : vector<16xi32>
      %swap3A_1722 = arith.constant 0 : i32
      %swap3A_1723 = arith.constant 0 : i32
      %swap3A_1724 = tpu.memref_slice %arg7[%scan3A_693, %swap3A_1722, %swap3A_1723] : memref<2x96x128xi32, #tpu.memory_space<vmem>> -> memref<1x96x128xi32, #tpu.memory_space<vmem>>
      %swap3A_1725 = tpu.memref_squeeze %swap3A_1724 : memref<1x96x128xi32, #tpu.memory_space<vmem>> -> memref<96x128xi32, #tpu.memory_space<vmem>>
      %swap3A_1726 = arith.index_cast %scan3A_1666 : i32 to index
      %swap3A_1727 = arith.constant 48 : index
      %swap3A_1728 = tpu.vector_load %swap3A_1725[%swap3A_1726, %swap3A_1727] {strides = array<i32>} : memref<96x128xi32, #tpu.memory_space<vmem>>, vector<1x16xi32>,
      %swap3A_1729 = vector.shape_cast %swap3A_1728 : vector<1x16xi32> to vector<16xi32>
      %swap3A_1730 = vector.shape_cast %add3A_1721 : vector<16xi32> to vector<1x16xi32>
      tpu.vector_store %swap3A_1725[%swap3A_1726, %swap3A_1727], %swap3A_1730 {strides = array<i32>} : memref<96x128xi32, #tpu.memory_space<vmem>>, vector<1x16xi32>,
      %get3A_1731 = arith.constant 64 : index
      %get3A_1732 = tpu.vector_load %arg6[%get3A_1731] {strides = array<i32>} : memref<128xi32, #tpu.memory_space<vmem>>, vector<16xi32>,
      %get3A_1733 = vector.shape_cast %get3A_1732 : vector<16xi32> to vector<16xi32>
      %add3A_1734 = vector.broadcast %mul3A_1670 : i32 to vector<16xi32>
      %add3A_1735 = arith.addi %get3A_1733, %add3A_1734 : vector<16xi32>
      %swap3A_1736 = arith.constant 0 : i32
      %swap3A_1737 = arith.constant 0 : i32
      %swap3A_1738 = tpu.memref_slice %arg7[%scan3A_693, %swap3A_1736, %swap3A_1737] : memref<2x96x128xi32, #tpu.memory_space<vmem>> -> memref<1x96x128xi32, #tpu.memory_space<vmem>>
      %swap3A_1739 = tpu.memref_squeeze %swap3A_1738 : memref<1x96x128xi32, #tpu.memory_space<vmem>> -> memref<96x128xi32, #tpu.memory_space<vmem>>
      %swap3A_1740 = arith.index_cast %scan3A_1666 : i32 to index
      %swap3A_1741 = arith.constant 64 : index
      %swap3A_1742 = tpu.vector_load %swap3A_1739[%swap3A_1740, %swap3A_1741] {strides = array<i32>} : memref<96x128xi32, #tpu.memory_space<vmem>>, vector<1x16xi32>,
      %swap3A_1743 = vector.shape_cast %swap3A_1742 : vector<1x16xi32> to vector<16xi32>
      %swap3A_1744 = vector.shape_cast %add3A_1735 : vector<16xi32> to vector<1x16xi32>
      tpu.vector_store %swap3A_1739[%swap3A_1740, %swap3A_1741], %swap3A_1744 {strides = array<i32>} : memref<96x128xi32, #tpu.memory_space<vmem>>, vector<1x16xi32>,
      %get3A_1745 = arith.constant 80 : index
      %get3A_1746 = tpu.vector_load %arg6[%get3A_1745] {strides = array<i32>} : memref<128xi32, #tpu.memory_space<vmem>>, vector<16xi32>,
      %get3A_1747 = vector.shape_cast %get3A_1746 : vector<16xi32> to vector<16xi32>
      %add3A_1748 = vector.broadcast %mul3A_1670 : i32 to vector<16xi32>
      %add3A_1749 = arith.addi %get3A_1747, %add3A_1748 : vector<16xi32>
      %swap3A_1750 = arith.constant 0 : i32
      %swap3A_1751 = arith.constant 0 : i32
      %swap3A_1752 = tpu.memref_slice %arg7[%scan3A_693, %swap3A_1750, %swap3A_1751] : memref<2x96x128xi32, #tpu.memory_space<vmem>> -> memref<1x96x128xi32, #tpu.memory_space<vmem>>
      %swap3A_1753 = tpu.memref_squeeze %swap3A_1752 : memref<1x96x128xi32, #tpu.memory_space<vmem>> -> memref<96x128xi32, #tpu.memory_space<vmem>>
      %swap3A_1754 = arith.index_cast %scan3A_1666 : i32 to index
      %swap3A_1755 = arith.constant 80 : index
      %swap3A_1756 = tpu.vector_load %swap3A_1753[%swap3A_1754, %swap3A_1755] {strides = array<i32>} : memref<96x128xi32, #tpu.memory_space<vmem>>, vector<1x16xi32>,
      %swap3A_1757 = vector.shape_cast %swap3A_1756 : vector<1x16xi32> to vector<16xi32>
      %swap3A_1758 = vector.shape_cast %add3A_1749 : vector<16xi32> to vector<1x16xi32>
      tpu.vector_store %swap3A_1753[%swap3A_1754, %swap3A_1755], %swap3A_1758 {strides = array<i32>} : memref<96x128xi32, #tpu.memory_space<vmem>>, vector<1x16xi32>,
      %get3A_1759 = arith.constant 96 : index
      %get3A_1760 = tpu.vector_load %arg6[%get3A_1759] {strides = array<i32>} : memref<128xi32, #tpu.memory_space<vmem>>, vector<16xi32>,
      %get3A_1761 = vector.shape_cast %get3A_1760 : vector<16xi32> to vector<16xi32>
      %add3A_1762 = vector.broadcast %mul3A_1670 : i32 to vector<16xi32>
      %add3A_1763 = arith.addi %get3A_1761, %add3A_1762 : vector<16xi32>
      %swap3A_1764 = arith.constant 0 : i32
      %swap3A_1765 = arith.constant 0 : i32
      %swap3A_1766 = tpu.memref_slice %arg7[%scan3A_693, %swap3A_1764, %swap3A_1765] : memref<2x96x128xi32, #tpu.memory_space<vmem>> -> memref<1x96x128xi32, #tpu.memory_space<vmem>>
      %swap3A_1767 = tpu.memref_squeeze %swap3A_1766 : memref<1x96x128xi32, #tpu.memory_space<vmem>> -> memref<96x128xi32, #tpu.memory_space<vmem>>
      %swap3A_1768 = arith.index_cast %scan3A_1666 : i32 to index
      %swap3A_1769 = arith.constant 96 : index
      %swap3A_1770 = tpu.vector_load %swap3A_1767[%swap3A_1768, %swap3A_1769] {strides = array<i32>} : memref<96x128xi32, #tpu.memory_space<vmem>>, vector<1x16xi32>,
      %swap3A_1771 = vector.shape_cast %swap3A_1770 : vector<1x16xi32> to vector<16xi32>
      %swap3A_1772 = vector.shape_cast %add3A_1763 : vector<16xi32> to vector<1x16xi32>
      tpu.vector_store %swap3A_1767[%swap3A_1768, %swap3A_1769], %swap3A_1772 {strides = array<i32>} : memref<96x128xi32, #tpu.memory_space<vmem>>, vector<1x16xi32>,
      %get3A_1773 = arith.constant 112 : index
      %get3A_1774 = tpu.vector_load %arg6[%get3A_1773] {strides = array<i32>} : memref<128xi32, #tpu.memory_space<vmem>>, vector<16xi32>,
      %get3A_1775 = vector.shape_cast %get3A_1774 : vector<16xi32> to vector<16xi32>
      %add3A_1776 = vector.broadcast %mul3A_1670 : i32 to vector<16xi32>
      %add3A_1777 = arith.addi %get3A_1775, %add3A_1776 : vector<16xi32>
      %swap3A_1778 = arith.constant 0 : i32
      %swap3A_1779 = arith.constant 0 : i32
      %swap3A_1780 = tpu.memref_slice %arg7[%scan3A_693, %swap3A_1778, %swap3A_1779] : memref<2x96x128xi32, #tpu.memory_space<vmem>> -> memref<1x96x128xi32, #tpu.memory_space<vmem>>
      %swap3A_1781 = tpu.memref_squeeze %swap3A_1780 : memref<1x96x128xi32, #tpu.memory_space<vmem>> -> memref<96x128xi32, #tpu.memory_space<vmem>>
      %swap3A_1782 = arith.index_cast %scan3A_1666 : i32 to index
      %swap3A_1783 = arith.constant 112 : index
      %swap3A_1784 = tpu.vector_load %swap3A_1781[%swap3A_1782, %swap3A_1783] {strides = array<i32>} : memref<96x128xi32, #tpu.memory_space<vmem>>, vector<1x16xi32>,
      %swap3A_1785 = vector.shape_cast %swap3A_1784 : vector<1x16xi32> to vector<16xi32>
      %swap3A_1786 = vector.shape_cast %add3A_1777 : vector<16xi32> to vector<1x16xi32>
      tpu.vector_store %swap3A_1781[%swap3A_1782, %swap3A_1783], %swap3A_1786 {strides = array<i32>} : memref<96x128xi32, #tpu.memory_space<vmem>>, vector<1x16xi32>,
      %dma_start3A_1787 = arith.constant 0 : i32
      %dma_start3A_1788 = arith.constant 0 : i32
      %dma_start3A_1789 = arith.constant 0 : i32
      %dma_start3A_1790 = tpu.memref_slice %arg8[%scan3A_694, %dma_start3A_1787, %dma_start3A_1788, %dma_start3A_1789] : memref<2x12x8x128xf32, #tpu.memory_space<vmem>> -> memref<1x12x8x128xf32, #tpu.memory_space<vmem>>
      %dma_start3A_1791 = tpu.memref_squeeze %dma_start3A_1790 : memref<1x12x8x128xf32, #tpu.memory_space<vmem>> -> memref<12x8x128xf32, #tpu.memory_space<vmem>>
      %dma_start3A_1792 = arith.constant 0 : i32
      %dma_start3A_1793 = tpu.memref_slice %dma_start3A_1791[%shift_right_logical3A_1672, %and3A_1674, %dma_start3A_1792] : memref<12x8x128xf32, #tpu.memory_space<vmem>> -> memref<1x1x128xf32, #tpu.memory_space<vmem>>
      %dma_start3A_1794 = tpu.memref_squeeze %dma_start3A_1793 : memref<1x1x128xf32, #tpu.memory_space<vmem>> -> memref<128xf32, #tpu.memory_space<vmem>>
      %dma_start3A_1795 = arith.constant 0 : i32
      %dma_start3A_1796 = arith.constant 0 : i32
      %dma_start3A_1797 = tpu.memref_slice %arg7[%scan3A_693, %dma_start3A_1795, %dma_start3A_1796] : memref<2x96x128xi32, #tpu.memory_space<vmem>> -> memref<1x96x128xi32, #tpu.memory_space<vmem>>
      %dma_start3A_1798 = tpu.memref_squeeze %dma_start3A_1797 : memref<1x96x128xi32, #tpu.memory_space<vmem>> -> memref<96x128xi32, #tpu.memory_space<vmem>>
      %dma_start3A_1799 = arith.constant 0 : i32
      %dma_start3A_1800 = tpu.memref_slice %dma_start3A_1798[%scan3A_1666, %dma_start3A_1799] : memref<96x128xi32, #tpu.memory_space<vmem>> -> memref<1x128xi32, #tpu.memory_space<vmem>>
      %dma_start3A_1801 = tpu.memref_squeeze %dma_start3A_1800 : memref<1x128xi32, #tpu.memory_space<vmem>> -> memref<128xi32, #tpu.memory_space<vmem>>
      %dma_start3A_1802 = arith.constant 0 : i32
      %dma_start3A_1803 = tpu.memref_slice %arg2[%dma_start3A_1802] : memref<56623104xf32, #tpu.memory_space<hbm>> -> memref<56623104xf32, #tpu.memory_space<hbm>>
      tpu.enqueue_indirect_dma source(%dma_start3A_1803 : memref<56623104xf32, #tpu.memory_space<hbm>>) target(%dma_start3A_1794 : memref<128xf32, #tpu.memory_space<vmem>>) offsets(%dma_start3A_1801 : memref<128xi32, #tpu.memory_space<vmem>>) semaphore(%arg10 : memref<!tpu.dma_semaphore, #tpu.memory_space<semaphore_mem>>)
      %scan3A_1804 = arith.constant 1 : i32
      %scan3A_1805 = arith.addi %scan3A_1666, %scan3A_1804 : i32
      %add3A_1806 = arith.constant 96 : i32
      %add3A_1807 = arith.addi %add3A_1806, %scan3A_1805 : i32
      %mul3A_1808 = arith.constant 147456 : i32
      %mul3A_1809 = arith.muli %add3A_1807, %mul3A_1808 : i32
      %shift_right_logical3A_1810 = arith.constant 3 : i32
      %shift_right_logical3A_1811 = arith.shrui %scan3A_1805, %shift_right_logical3A_1810 : i32
      %and3A_1812 = arith.constant 7 : i32
      %and3A_1813 = arith.andi %scan3A_1805, %and3A_1812 : i32
      %get3A_1814 = arith.constant 0 : index
      %get3A_1815 = tpu.vector_load %arg6[%get3A_1814] {strides = array<i32>} : memref<128xi32, #tpu.memory_space<vmem>>, vector<16xi32>,
      %get3A_1816 = vector.shape_cast %get3A_1815 : vector<16xi32> to vector<16xi32>
      %add3A_1817 = vector.broadcast %mul3A_1809 : i32 to vector<16xi32>
      %add3A_1818 = arith.addi %get3A_1816, %add3A_1817 : vector<16xi32>
      %swap3A_1819 = arith.constant 0 : i32
      %swap3A_1820 = arith.constant 0 : i32
      %swap3A_1821 = tpu.memref_slice %arg7[%scan3A_693, %swap3A_1819, %swap3A_1820] : memref<2x96x128xi32, #tpu.memory_space<vmem>> -> memref<1x96x128xi32, #tpu.memory_space<vmem>>
      %swap3A_1822 = tpu.memref_squeeze %swap3A_1821 : memref<1x96x128xi32, #tpu.memory_space<vmem>> -> memref<96x128xi32, #tpu.memory_space<vmem>>
      %swap3A_1823 = arith.index_cast %scan3A_1805 : i32 to index
      %swap3A_1824 = arith.constant 0 : index
      %swap3A_1825 = tpu.vector_load %swap3A_1822[%swap3A_1823, %swap3A_1824] {strides = array<i32>} : memref<96x128xi32, #tpu.memory_space<vmem>>, vector<1x16xi32>,
      %swap3A_1826 = vector.shape_cast %swap3A_1825 : vector<1x16xi32> to vector<16xi32>
      %swap3A_1827 = vector.shape_cast %add3A_1818 : vector<16xi32> to vector<1x16xi32>
      tpu.vector_store %swap3A_1822[%swap3A_1823, %swap3A_1824], %swap3A_1827 {strides = array<i32>} : memref<96x128xi32, #tpu.memory_space<vmem>>, vector<1x16xi32>,
      %get3A_1828 = arith.constant 16 : index
      %get3A_1829 = tpu.vector_load %arg6[%get3A_1828] {strides = array<i32>} : memref<128xi32, #tpu.memory_space<vmem>>, vector<16xi32>,
      %get3A_1830 = vector.shape_cast %get3A_1829 : vector<16xi32> to vector<16xi32>
      %add3A_1831 = vector.broadcast %mul3A_1809 : i32 to vector<16xi32>
      %add3A_1832 = arith.addi %get3A_1830, %add3A_1831 : vector<16xi32>
      %swap3A_1833 = arith.constant 0 : i32
      %swap3A_1834 = arith.constant 0 : i32
      %swap3A_1835 = tpu.memref_slice %arg7[%scan3A_693, %swap3A_1833, %swap3A_1834] : memref<2x96x128xi32, #tpu.memory_space<vmem>> -> memref<1x96x128xi32, #tpu.memory_space<vmem>>
      %swap3A_1836 = tpu.memref_squeeze %swap3A_1835 : memref<1x96x128xi32, #tpu.memory_space<vmem>> -> memref<96x128xi32, #tpu.memory_space<vmem>>
      %swap3A_1837 = arith.index_cast %scan3A_1805 : i32 to index
      %swap3A_1838 = arith.constant 16 : index
      %swap3A_1839 = tpu.vector_load %swap3A_1836[%swap3A_1837, %swap3A_1838] {strides = array<i32>} : memref<96x128xi32, #tpu.memory_space<vmem>>, vector<1x16xi32>,
      %swap3A_1840 = vector.shape_cast %swap3A_1839 : vector<1x16xi32> to vector<16xi32>
      %swap3A_1841 = vector.shape_cast %add3A_1832 : vector<16xi32> to vector<1x16xi32>
      tpu.vector_store %swap3A_1836[%swap3A_1837, %swap3A_1838], %swap3A_1841 {strides = array<i32>} : memref<96x128xi32, #tpu.memory_space<vmem>>, vector<1x16xi32>,
      %get3A_1842 = arith.constant 32 : index
      %get3A_1843 = tpu.vector_load %arg6[%get3A_1842] {strides = array<i32>} : memref<128xi32, #tpu.memory_space<vmem>>, vector<16xi32>,
      %get3A_1844 = vector.shape_cast %get3A_1843 : vector<16xi32> to vector<16xi32>
      %add3A_1845 = vector.broadcast %mul3A_1809 : i32 to vector<16xi32>
      %add3A_1846 = arith.addi %get3A_1844, %add3A_1845 : vector<16xi32>
      %swap3A_1847 = arith.constant 0 : i32
      %swap3A_1848 = arith.constant 0 : i32
      %swap3A_1849 = tpu.memref_slice %arg7[%scan3A_693, %swap3A_1847, %swap3A_1848] : memref<2x96x128xi32, #tpu.memory_space<vmem>> -> memref<1x96x128xi32, #tpu.memory_space<vmem>>
      %swap3A_1850 = tpu.memref_squeeze %swap3A_1849 : memref<1x96x128xi32, #tpu.memory_space<vmem>> -> memref<96x128xi32, #tpu.memory_space<vmem>>
      %swap3A_1851 = arith.index_cast %scan3A_1805 : i32 to index
      %swap3A_1852 = arith.constant 32 : index
      %swap3A_1853 = tpu.vector_load %swap3A_1850[%swap3A_1851, %swap3A_1852] {strides = array<i32>} : memref<96x128xi32, #tpu.memory_space<vmem>>, vector<1x16xi32>,
      %swap3A_1854 = vector.shape_cast %swap3A_1853 : vector<1x16xi32> to vector<16xi32>
      %swap3A_1855 = vector.shape_cast %add3A_1846 : vector<16xi32> to vector<1x16xi32>
      tpu.vector_store %swap3A_1850[%swap3A_1851, %swap3A_1852], %swap3A_1855 {strides = array<i32>} : memref<96x128xi32, #tpu.memory_space<vmem>>, vector<1x16xi32>,
      %get3A_1856 = arith.constant 48 : index
      %get3A_1857 = tpu.vector_load %arg6[%get3A_1856] {strides = array<i32>} : memref<128xi32, #tpu.memory_space<vmem>>, vector<16xi32>,
      %get3A_1858 = vector.shape_cast %get3A_1857 : vector<16xi32> to vector<16xi32>
      %add3A_1859 = vector.broadcast %mul3A_1809 : i32 to vector<16xi32>
      %add3A_1860 = arith.addi %get3A_1858, %add3A_1859 : vector<16xi32>
      %swap3A_1861 = arith.constant 0 : i32
      %swap3A_1862 = arith.constant 0 : i32
      %swap3A_1863 = tpu.memref_slice %arg7[%scan3A_693, %swap3A_1861, %swap3A_1862] : memref<2x96x128xi32, #tpu.memory_space<vmem>> -> memref<1x96x128xi32, #tpu.memory_space<vmem>>
      %swap3A_1864 = tpu.memref_squeeze %swap3A_1863 : memref<1x96x128xi32, #tpu.memory_space<vmem>> -> memref<96x128xi32, #tpu.memory_space<vmem>>
      %swap3A_1865 = arith.index_cast %scan3A_1805 : i32 to index
      %swap3A_1866 = arith.constant 48 : index
      %swap3A_1867 = tpu.vector_load %swap3A_1864[%swap3A_1865, %swap3A_1866] {strides = array<i32>} : memref<96x128xi32, #tpu.memory_space<vmem>>, vector<1x16xi32>,
      %swap3A_1868 = vector.shape_cast %swap3A_1867 : vector<1x16xi32> to vector<16xi32>
      %swap3A_1869 = vector.shape_cast %add3A_1860 : vector<16xi32> to vector<1x16xi32>
      tpu.vector_store %swap3A_1864[%swap3A_1865, %swap3A_1866], %swap3A_1869 {strides = array<i32>} : memref<96x128xi32, #tpu.memory_space<vmem>>, vector<1x16xi32>,
      %get3A_1870 = arith.constant 64 : index
      %get3A_1871 = tpu.vector_load %arg6[%get3A_1870] {strides = array<i32>} : memref<128xi32, #tpu.memory_space<vmem>>, vector<16xi32>,
      %get3A_1872 = vector.shape_cast %get3A_1871 : vector<16xi32> to vector<16xi32>
      %add3A_1873 = vector.broadcast %mul3A_1809 : i32 to vector<16xi32>
      %add3A_1874 = arith.addi %get3A_1872, %add3A_1873 : vector<16xi32>
      %swap3A_1875 = arith.constant 0 : i32
      %swap3A_1876 = arith.constant 0 : i32
      %swap3A_1877 = tpu.memref_slice %arg7[%scan3A_693, %swap3A_1875, %swap3A_1876] : memref<2x96x128xi32, #tpu.memory_space<vmem>> -> memref<1x96x128xi32, #tpu.memory_space<vmem>>
      %swap3A_1878 = tpu.memref_squeeze %swap3A_1877 : memref<1x96x128xi32, #tpu.memory_space<vmem>> -> memref<96x128xi32, #tpu.memory_space<vmem>>
      %swap3A_1879 = arith.index_cast %scan3A_1805 : i32 to index
      %swap3A_1880 = arith.constant 64 : index
      %swap3A_1881 = tpu.vector_load %swap3A_1878[%swap3A_1879, %swap3A_1880] {strides = array<i32>} : memref<96x128xi32, #tpu.memory_space<vmem>>, vector<1x16xi32>,
      %swap3A_1882 = vector.shape_cast %swap3A_1881 : vector<1x16xi32> to vector<16xi32>
      %swap3A_1883 = vector.shape_cast %add3A_1874 : vector<16xi32> to vector<1x16xi32>
      tpu.vector_store %swap3A_1878[%swap3A_1879, %swap3A_1880], %swap3A_1883 {strides = array<i32>} : memref<96x128xi32, #tpu.memory_space<vmem>>, vector<1x16xi32>,
      %get3A_1884 = arith.constant 80 : index
      %get3A_1885 = tpu.vector_load %arg6[%get3A_1884] {strides = array<i32>} : memref<128xi32, #tpu.memory_space<vmem>>, vector<16xi32>,
      %get3A_1886 = vector.shape_cast %get3A_1885 : vector<16xi32> to vector<16xi32>
      %add3A_1887 = vector.broadcast %mul3A_1809 : i32 to vector<16xi32>
      %add3A_1888 = arith.addi %get3A_1886, %add3A_1887 : vector<16xi32>
      %swap3A_1889 = arith.constant 0 : i32
      %swap3A_1890 = arith.constant 0 : i32
      %swap3A_1891 = tpu.memref_slice %arg7[%scan3A_693, %swap3A_1889, %swap3A_1890] : memref<2x96x128xi32, #tpu.memory_space<vmem>> -> memref<1x96x128xi32, #tpu.memory_space<vmem>>
      %swap3A_1892 = tpu.memref_squeeze %swap3A_1891 : memref<1x96x128xi32, #tpu.memory_space<vmem>> -> memref<96x128xi32, #tpu.memory_space<vmem>>
      %swap3A_1893 = arith.index_cast %scan3A_1805 : i32 to index
      %swap3A_1894 = arith.constant 80 : index
      %swap3A_1895 = tpu.vector_load %swap3A_1892[%swap3A_1893, %swap3A_1894] {strides = array<i32>} : memref<96x128xi32, #tpu.memory_space<vmem>>, vector<1x16xi32>,
      %swap3A_1896 = vector.shape_cast %swap3A_1895 : vector<1x16xi32> to vector<16xi32>
      %swap3A_1897 = vector.shape_cast %add3A_1888 : vector<16xi32> to vector<1x16xi32>
      tpu.vector_store %swap3A_1892[%swap3A_1893, %swap3A_1894], %swap3A_1897 {strides = array<i32>} : memref<96x128xi32, #tpu.memory_space<vmem>>, vector<1x16xi32>,
      %get3A_1898 = arith.constant 96 : index
      %get3A_1899 = tpu.vector_load %arg6[%get3A_1898] {strides = array<i32>} : memref<128xi32, #tpu.memory_space<vmem>>, vector<16xi32>,
      %get3A_1900 = vector.shape_cast %get3A_1899 : vector<16xi32> to vector<16xi32>
      %add3A_1901 = vector.broadcast %mul3A_1809 : i32 to vector<16xi32>
      %add3A_1902 = arith.addi %get3A_1900, %add3A_1901 : vector<16xi32>
      %swap3A_1903 = arith.constant 0 : i32
      %swap3A_1904 = arith.constant 0 : i32
      %swap3A_1905 = tpu.memref_slice %arg7[%scan3A_693, %swap3A_1903, %swap3A_1904] : memref<2x96x128xi32, #tpu.memory_space<vmem>> -> memref<1x96x128xi32, #tpu.memory_space<vmem>>
      %swap3A_1906 = tpu.memref_squeeze %swap3A_1905 : memref<1x96x128xi32, #tpu.memory_space<vmem>> -> memref<96x128xi32, #tpu.memory_space<vmem>>
      %swap3A_1907 = arith.index_cast %scan3A_1805 : i32 to index
      %swap3A_1908 = arith.constant 96 : index
      %swap3A_1909 = tpu.vector_load %swap3A_1906[%swap3A_1907, %swap3A_1908] {strides = array<i32>} : memref<96x128xi32, #tpu.memory_space<vmem>>, vector<1x16xi32>,
      %swap3A_1910 = vector.shape_cast %swap3A_1909 : vector<1x16xi32> to vector<16xi32>
      %swap3A_1911 = vector.shape_cast %add3A_1902 : vector<16xi32> to vector<1x16xi32>
      tpu.vector_store %swap3A_1906[%swap3A_1907, %swap3A_1908], %swap3A_1911 {strides = array<i32>} : memref<96x128xi32, #tpu.memory_space<vmem>>, vector<1x16xi32>,
      %get3A_1912 = arith.constant 112 : index
      %get3A_1913 = tpu.vector_load %arg6[%get3A_1912] {strides = array<i32>} : memref<128xi32, #tpu.memory_space<vmem>>, vector<16xi32>,
      %get3A_1914 = vector.shape_cast %get3A_1913 : vector<16xi32> to vector<16xi32>
      %add3A_1915 = vector.broadcast %mul3A_1809 : i32 to vector<16xi32>
      %add3A_1916 = arith.addi %get3A_1914, %add3A_1915 : vector<16xi32>
      %swap3A_1917 = arith.constant 0 : i32
      %swap3A_1918 = arith.constant 0 : i32
      %swap3A_1919 = tpu.memref_slice %arg7[%scan3A_693, %swap3A_1917, %swap3A_1918] : memref<2x96x128xi32, #tpu.memory_space<vmem>> -> memref<1x96x128xi32, #tpu.memory_space<vmem>>
      %swap3A_1920 = tpu.memref_squeeze %swap3A_1919 : memref<1x96x128xi32, #tpu.memory_space<vmem>> -> memref<96x128xi32, #tpu.memory_space<vmem>>
      %swap3A_1921 = arith.index_cast %scan3A_1805 : i32 to index
      %swap3A_1922 = arith.constant 112 : index
      %swap3A_1923 = tpu.vector_load %swap3A_1920[%swap3A_1921, %swap3A_1922] {strides = array<i32>} : memref<96x128xi32, #tpu.memory_space<vmem>>, vector<1x16xi32>,
      %swap3A_1924 = vector.shape_cast %swap3A_1923 : vector<1x16xi32> to vector<16xi32>
      %swap3A_1925 = vector.shape_cast %add3A_1916 : vector<16xi32> to vector<1x16xi32>
      tpu.vector_store %swap3A_1920[%swap3A_1921, %swap3A_1922], %swap3A_1925 {strides = array<i32>} : memref<96x128xi32, #tpu.memory_space<vmem>>, vector<1x16xi32>,
      %dma_start3A_1926 = arith.constant 0 : i32
      %dma_start3A_1927 = arith.constant 0 : i32
      %dma_start3A_1928 = arith.constant 0 : i32
      %dma_start3A_1929 = tpu.memref_slice %arg8[%scan3A_694, %dma_start3A_1926, %dma_start3A_1927, %dma_start3A_1928] : memref<2x12x8x128xf32, #tpu.memory_space<vmem>> -> memref<1x12x8x128xf32, #tpu.memory_space<vmem>>
      %dma_start3A_1930 = tpu.memref_squeeze %dma_start3A_1929 : memref<1x12x8x128xf32, #tpu.memory_space<vmem>> -> memref<12x8x128xf32, #tpu.memory_space<vmem>>
      %dma_start3A_1931 = arith.constant 0 : i32
      %dma_start3A_1932 = tpu.memref_slice %dma_start3A_1930[%shift_right_logical3A_1811, %and3A_1813, %dma_start3A_1931] : memref<12x8x128xf32, #tpu.memory_space<vmem>> -> memref<1x1x128xf32, #tpu.memory_space<vmem>>
      %dma_start3A_1933 = tpu.memref_squeeze %dma_start3A_1932 : memref<1x1x128xf32, #tpu.memory_space<vmem>> -> memref<128xf32, #tpu.memory_space<vmem>>
      %dma_start3A_1934 = arith.constant 0 : i32
      %dma_start3A_1935 = arith.constant 0 : i32
      %dma_start3A_1936 = tpu.memref_slice %arg7[%scan3A_693, %dma_start3A_1934, %dma_start3A_1935] : memref<2x96x128xi32, #tpu.memory_space<vmem>> -> memref<1x96x128xi32, #tpu.memory_space<vmem>>
      %dma_start3A_1937 = tpu.memref_squeeze %dma_start3A_1936 : memref<1x96x128xi32, #tpu.memory_space<vmem>> -> memref<96x128xi32, #tpu.memory_space<vmem>>
      %dma_start3A_1938 = arith.constant 0 : i32
      %dma_start3A_1939 = tpu.memref_slice %dma_start3A_1937[%scan3A_1805, %dma_start3A_1938] : memref<96x128xi32, #tpu.memory_space<vmem>> -> memref<1x128xi32, #tpu.memory_space<vmem>>
      %dma_start3A_1940 = tpu.memref_squeeze %dma_start3A_1939 : memref<1x128xi32, #tpu.memory_space<vmem>> -> memref<128xi32, #tpu.memory_space<vmem>>
      %dma_start3A_1941 = arith.constant 0 : i32
      %dma_start3A_1942 = tpu.memref_slice %arg2[%dma_start3A_1941] : memref<56623104xf32, #tpu.memory_space<hbm>> -> memref<56623104xf32, #tpu.memory_space<hbm>>
      tpu.enqueue_indirect_dma source(%dma_start3A_1942 : memref<56623104xf32, #tpu.memory_space<hbm>>) target(%dma_start3A_1933 : memref<128xf32, #tpu.memory_space<vmem>>) offsets(%dma_start3A_1940 : memref<128xi32, #tpu.memory_space<vmem>>) semaphore(%arg10 : memref<!tpu.dma_semaphore, #tpu.memory_space<semaphore_mem>>)
    }
    %scan3A_699 = arith.constant 96 : i32
    %dma_wait3A = arith.constant 0 : i32
    %dma_wait3A_700 = arith.constant 0 : i32
    %dma_wait3A_701 = arith.constant 0 : i32
    %dma_wait3A_702 = arith.constant 0 : i32
    %dma_wait3A_703 = arith.constant 0 : i32
    %dma_wait3A_704 = tpu.memref_slice %arg8[%dma_wait3A_700, %dma_wait3A_701, %dma_wait3A_702, %dma_wait3A_703] : memref<2x12x8x128xf32, #tpu.memory_space<vmem>> -> memref<1x12x8x128xf32, #tpu.memory_space<vmem>>
    %dma_wait3A_705 = tpu.memref_squeeze %dma_wait3A_704 : memref<1x12x8x128xf32, #tpu.memory_space<vmem>> -> memref<12x8x128xf32, #tpu.memory_space<vmem>>
    %dma_wait3A_706 = arith.constant 0 : i32
    %dma_wait3A_707 = arith.constant 0 : i32
    %dma_wait3A_708 = arith.constant 0 : i32
    %dma_wait3A_709 = tpu.memref_slice %arg4[%dma_wait3A, %dma_wait3A_706, %add3A, %dma_wait3A_707, %dma_wait3A_708] : memref<4x12x32x8x128xf32, #tpu.memory_space<hbm>> -> memref<1x12x1x8x128xf32, #tpu.memory_space<hbm>>
    %dma_wait3A_710 = tpu.memref_squeeze %dma_wait3A_709 : memref<1x12x1x8x128xf32, #tpu.memory_space<hbm>> -> memref<12x8x128xf32, #tpu.memory_space<hbm>>
    %dma_wait3A_711 = arith.constant 0 : i32
    %dma_wait3A_712 = arith.constant 0 : i32
    %dma_wait3A_713 = arith.constant 0 : i32
    %dma_wait3A_714 = tpu.memref_slice %arg8[%dma_wait3A_700, %dma_wait3A_711, %dma_wait3A_712, %dma_wait3A_713] : memref<2x12x8x128xf32, #tpu.memory_space<vmem>> -> memref<1x12x8x128xf32, #tpu.memory_space<vmem>>
    %dma_wait3A_715 = tpu.memref_squeeze %dma_wait3A_714 : memref<1x12x8x128xf32, #tpu.memory_space<vmem>> -> memref<12x8x128xf32, #tpu.memory_space<vmem>>
    %dma_wait3A_716 = arith.constant 0 : i32
    %dma_wait3A_717 = arith.constant 0 : i32
    %dma_wait3A_718 = arith.constant 0 : i32
    %dma_wait3A_719 = tpu.memref_slice %arg4[%dma_wait3A, %dma_wait3A_716, %add3A, %dma_wait3A_717, %dma_wait3A_718] : memref<4x12x32x8x128xf32, #tpu.memory_space<hbm>> -> memref<1x12x1x8x128xf32, #tpu.memory_space<hbm>>
    %dma_wait3A_720 = tpu.memref_squeeze %dma_wait3A_719 : memref<1x12x1x8x128xf32, #tpu.memory_space<hbm>> -> memref<12x8x128xf32, #tpu.memory_space<hbm>>
    tpu.wait_dma2 semaphore(%arg9 : memref<!tpu.dma_semaphore, #tpu.memory_space<semaphore_mem>>) src(%dma_wait3A_720 : memref<12x8x128xf32, #tpu.memory_space<hbm>>) dst(%dma_wait3A_715 : memref<12x8x128xf32, #tpu.memory_space<vmem>>)
    %dma_start3A = arith.constant 0 : i32
    %dma_start3A_721 = arith.constant 0 : i32
    %dma_start3A_722 = arith.constant 0 : i32
    %dma_start3A_723 = arith.constant 0 : i32
    %dma_start3A_724 = arith.constant 0 : i32
    %dma_start3A_725 = tpu.memref_slice %arg8[%dma_start3A, %dma_start3A_722, %dma_start3A_723, %dma_start3A_724] : memref<2x12x8x128xf32, #tpu.memory_space<vmem>> -> memref<1x12x8x128xf32, #tpu.memory_space<vmem>>
    %dma_start3A_726 = tpu.memref_squeeze %dma_start3A_725 : memref<1x12x8x128xf32, #tpu.memory_space<vmem>> -> memref<12x8x128xf32, #tpu.memory_space<vmem>>
    %dma_start3A_727 = arith.constant 0 : i32
    %dma_start3A_728 = arith.constant 0 : i32
    %dma_start3A_729 = arith.constant 0 : i32
    %dma_start3A_730 = tpu.memref_slice %arg4[%dma_start3A_721, %dma_start3A_727, %add3A, %dma_start3A_728, %dma_start3A_729] : memref<4x12x32x8x128xf32, #tpu.memory_space<hbm>> -> memref<1x12x1x8x128xf32, #tpu.memory_space<hbm>>
    %dma_start3A_731 = tpu.memref_squeeze %dma_start3A_730 : memref<1x12x1x8x128xf32, #tpu.memory_space<hbm>> -> memref<12x8x128xf32, #tpu.memory_space<hbm>>
    %dma_start3A_732 = arith.constant 0 : i32
    %dma_start3A_733 = arith.constant 0 : i32
    %dma_start3A_734 = arith.constant 0 : i32
    %dma_start3A_735 = tpu.memref_slice %arg4[%dma_start3A_721, %dma_start3A_732, %add3A, %dma_start3A_733, %dma_start3A_734] : memref<4x12x32x8x128xf32, #tpu.memory_space<hbm>> -> memref<1x12x1x8x128xf32, #tpu.memory_space<hbm>>
    %dma_start3A_736 = tpu.memref_squeeze %dma_start3A_735 : memref<1x12x1x8x128xf32, #tpu.memory_space<hbm>> -> memref<12x8x128xf32, #tpu.memory_space<hbm>>
    %dma_start3A_737 = arith.constant 0 : i32
    %dma_start3A_738 = arith.constant 0 : i32
    %dma_start3A_739 = arith.constant 0 : i32
    %dma_start3A_740 = tpu.memref_slice %arg8[%dma_start3A, %dma_start3A_737, %dma_start3A_738, %dma_start3A_739] : memref<2x12x8x128xf32, #tpu.memory_space<vmem>> -> memref<1x12x8x128xf32, #tpu.memory_space<vmem>>
    %dma_start3A_741 = tpu.memref_squeeze %dma_start3A_740 : memref<1x12x8x128xf32, #tpu.memory_space<vmem>> -> memref<12x8x128xf32, #tpu.memory_space<vmem>>
    tpu.enqueue_dma source(%dma_start3A_741 : memref<12x8x128xf32, #tpu.memory_space<vmem>>) target(%dma_start3A_736 : memref<12x8x128xf32, #tpu.memory_space<hbm>>) target_semaphore(%arg11 : memref<!tpu.dma_semaphore, #tpu.memory_space<semaphore_mem>>)
    %dma_wait3A_742 = arith.constant 0 : i32
    %dma_wait3A_743 = arith.constant 0 : i32
    %dma_wait3A_744 = arith.constant 0 : i32
    %dma_wait3A_745 = arith.constant 0 : i32
    %dma_wait3A_746 = arith.constant 0 : i32
    %dma_wait3A_747 = tpu.memref_slice %arg8[%dma_wait3A_742, %dma_wait3A_744, %dma_wait3A_745, %dma_wait3A_746] : memref<2x12x8x128xf32, #tpu.memory_space<vmem>> -> memref<1x12x8x128xf32, #tpu.memory_space<vmem>>
    %dma_wait3A_748 = tpu.memref_squeeze %dma_wait3A_747 : memref<1x12x8x128xf32, #tpu.memory_space<vmem>> -> memref<12x8x128xf32, #tpu.memory_space<vmem>>
    %dma_wait3A_749 = arith.constant 0 : i32
    %dma_wait3A_750 = arith.constant 0 : i32
    %dma_wait3A_751 = arith.constant 0 : i32
    %dma_wait3A_752 = tpu.memref_slice %arg4[%dma_wait3A_743, %dma_wait3A_749, %add3A, %dma_wait3A_750, %dma_wait3A_751] : memref<4x12x32x8x128xf32, #tpu.memory_space<hbm>> -> memref<1x12x1x8x128xf32, #tpu.memory_space<hbm>>
    %dma_wait3A_753 = tpu.memref_squeeze %dma_wait3A_752 : memref<1x12x1x8x128xf32, #tpu.memory_space<hbm>> -> memref<12x8x128xf32, #tpu.memory_space<hbm>>
    %dma_wait3A_754 = arith.constant 0 : i32
    %dma_wait3A_755 = arith.constant 0 : i32
    %dma_wait3A_756 = arith.constant 0 : i32
    %dma_wait3A_757 = tpu.memref_slice %arg4[%dma_wait3A_743, %dma_wait3A_754, %add3A, %dma_wait3A_755, %dma_wait3A_756] : memref<4x12x32x8x128xf32, #tpu.memory_space<hbm>> -> memref<1x12x1x8x128xf32, #tpu.memory_space<hbm>>
    %dma_wait3A_758 = tpu.memref_squeeze %dma_wait3A_757 : memref<1x12x1x8x128xf32, #tpu.memory_space<hbm>> -> memref<12x8x128xf32, #tpu.memory_space<hbm>>
    %dma_wait3A_759 = arith.constant 0 : i32
    %dma_wait3A_760 = arith.constant 0 : i32
    %dma_wait3A_761 = arith.constant 0 : i32
    %dma_wait3A_762 = tpu.memref_slice %arg8[%dma_wait3A_742, %dma_wait3A_759, %dma_wait3A_760, %dma_wait3A_761] : memref<2x12x8x128xf32, #tpu.memory_space<vmem>> -> memref<1x12x8x128xf32, #tpu.memory_space<vmem>>
    %dma_wait3A_763 = tpu.memref_squeeze %dma_wait3A_762 : memref<1x12x8x128xf32, #tpu.memory_space<vmem>> -> memref<12x8x128xf32, #tpu.memory_space<vmem>>
    tpu.wait_dma2 semaphore(%arg11 : memref<!tpu.dma_semaphore, #tpu.memory_space<semaphore_mem>>) src(%dma_wait3A_763 : memref<12x8x128xf32, #tpu.memory_space<vmem>>) dst(%dma_wait3A_758 : memref<12x8x128xf32, #tpu.memory_space<hbm>>)
    %get3A_764 = arith.constant 2 : i32
    %get3A_765 = arith.index_cast %get3A_764 : i32 to index
    %get3A_766 = arith.constant 0 : index
    %get3A_767 = tpu.vector_load %arg5[%get3A_765, %get3A_766] {strides = array<i32>} : memref<4x128xi32, #tpu.memory_space<vmem>>, vector<1x16xi32>,
    %get3A_768 = vector.shape_cast %get3A_767 : vector<1x16xi32> to vector<16xi32>
    %shift_right_logical3A_769 = arith.constant 7 : i32
    %shift_right_logical3A_770 = vector.broadcast %shift_right_logical3A_769 : i32 to vector<16xi32>
    %shift_right_logical3A_771 = arith.shrui %get3A_768, %shift_right_logical3A_770 : vector<16xi32>
    %mul3A_772 = arith.constant 21846 : i32
    %mul3A_773 = vector.broadcast %mul3A_772 : i32 to vector<16xi32>
    %mul3A_774 = arith.muli %shift_right_logical3A_771, %mul3A_773 : vector<16xi32>
    %shift_right_logical3A_775 = arith.constant 16 : i32
    %shift_right_logical3A_776 = vector.broadcast %shift_right_logical3A_775 : i32 to vector<16xi32>
    %shift_right_logical3A_777 = arith.shrui %mul3A_774, %shift_right_logical3A_776 : vector<16xi32>
    %mul3A_778 = arith.constant 3 : i32
    %mul3A_779 = vector.broadcast %mul3A_778 : i32 to vector<16xi32>
    %mul3A_780 = arith.muli %mul3A_779, %shift_right_logical3A_777 : vector<16xi32>
    %sub3A_781 = arith.subi %shift_right_logical3A_771, %mul3A_780 : vector<16xi32>
    %shift_right_logical3A_782 = arith.constant 3 : i32
    %shift_right_logical3A_783 = vector.broadcast %shift_right_logical3A_782 : i32 to vector<16xi32>
    %shift_right_logical3A_784 = arith.shrui %shift_right_logical3A_777, %shift_right_logical3A_783 : vector<16xi32>
    %mul3A_785 = arith.constant 3 : i32
    %mul3A_786 = vector.broadcast %mul3A_785 : i32 to vector<16xi32>
    %mul3A_787 = arith.muli %shift_right_logical3A_784, %mul3A_786 : vector<16xi32>
    %add3A_788 = arith.addi %mul3A_787, %sub3A_781 : vector<16xi32>
    %shift_left3A_789 = arith.constant 10 : i32
    %shift_left3A_790 = vector.broadcast %shift_left3A_789 : i32 to vector<16xi32>
    %shift_left3A_791 = arith.shli %add3A_788, %shift_left3A_790 : vector<16xi32>
    %and3A_792 = arith.constant 7 : i32
    %and3A_793 = vector.broadcast %and3A_792 : i32 to vector<16xi32>
    %and3A_794 = arith.andi %shift_right_logical3A_777, %and3A_793 : vector<16xi32>
    %shift_left3A_795 = arith.constant 7 : i32
    %shift_left3A_796 = vector.broadcast %shift_left3A_795 : i32 to vector<16xi32>
    %shift_left3A_797 = arith.shli %and3A_794, %shift_left3A_796 : vector<16xi32>
    %add3A_798 = arith.addi %shift_left3A_791, %shift_left3A_797 : vector<16xi32>
    %and3A_799 = arith.constant 127 : i32
    %and3A_800 = vector.broadcast %and3A_799 : i32 to vector<16xi32>
    %and3A_801 = arith.andi %get3A_768, %and3A_800 : vector<16xi32>
    %add3A_802 = arith.addi %add3A_798, %and3A_801 : vector<16xi32>
    %swap3A_803 = arith.constant 0 : index
    %swap3A_804 = tpu.vector_load %arg6[%swap3A_803] {strides = array<i32>} : memref<128xi32, #tpu.memory_space<vmem>>, vector<16xi32>,
    %swap3A_805 = vector.shape_cast %swap3A_804 : vector<16xi32> to vector<16xi32>
    %swap3A_806 = vector.shape_cast %add3A_802 : vector<16xi32> to vector<16xi32>
    tpu.vector_store %arg6[%swap3A_803], %swap3A_806 {strides = array<i32>} : memref<128xi32, #tpu.memory_space<vmem>>, vector<16xi32>,
    %get3A_807 = arith.constant 2 : i32
    %get3A_808 = arith.index_cast %get3A_807 : i32 to index
    %get3A_809 = arith.constant 16 : index
    %get3A_810 = tpu.vector_load %arg5[%get3A_808, %get3A_809] {strides = array<i32>} : memref<4x128xi32, #tpu.memory_space<vmem>>, vector<1x16xi32>,
    %get3A_811 = vector.shape_cast %get3A_810 : vector<1x16xi32> to vector<16xi32>
    %shift_right_logical3A_812 = arith.constant 7 : i32
    %shift_right_logical3A_813 = vector.broadcast %shift_right_logical3A_812 : i32 to vector<16xi32>
    %shift_right_logical3A_814 = arith.shrui %get3A_811, %shift_right_logical3A_813 : vector<16xi32>
    %mul3A_815 = arith.constant 21846 : i32
    %mul3A_816 = vector.broadcast %mul3A_815 : i32 to vector<16xi32>
    %mul3A_817 = arith.muli %shift_right_logical3A_814, %mul3A_816 : vector<16xi32>
    %shift_right_logical3A_818 = arith.constant 16 : i32
    %shift_right_logical3A_819 = vector.broadcast %shift_right_logical3A_818 : i32 to vector<16xi32>
    %shift_right_logical3A_820 = arith.shrui %mul3A_817, %shift_right_logical3A_819 : vector<16xi32>
    %mul3A_821 = arith.constant 3 : i32
    %mul3A_822 = vector.broadcast %mul3A_821 : i32 to vector<16xi32>
    %mul3A_823 = arith.muli %mul3A_822, %shift_right_logical3A_820 : vector<16xi32>
    %sub3A_824 = arith.subi %shift_right_logical3A_814, %mul3A_823 : vector<16xi32>
    %shift_right_logical3A_825 = arith.constant 3 : i32
    %shift_right_logical3A_826 = vector.broadcast %shift_right_logical3A_825 : i32 to vector<16xi32>
    %shift_right_logical3A_827 = arith.shrui %shift_right_logical3A_820, %shift_right_logical3A_826 : vector<16xi32>
    %mul3A_828 = arith.constant 3 : i32
    %mul3A_829 = vector.broadcast %mul3A_828 : i32 to vector<16xi32>
    %mul3A_830 = arith.muli %shift_right_logical3A_827, %mul3A_829 : vector<16xi32>
    %add3A_831 = arith.addi %mul3A_830, %sub3A_824 : vector<16xi32>
    %shift_left3A_832 = arith.constant 10 : i32
    %shift_left3A_833 = vector.broadcast %shift_left3A_832 : i32 to vector<16xi32>
    %shift_left3A_834 = arith.shli %add3A_831, %shift_left3A_833 : vector<16xi32>
    %and3A_835 = arith.constant 7 : i32
    %and3A_836 = vector.broadcast %and3A_835 : i32 to vector<16xi32>
    %and3A_837 = arith.andi %shift_right_logical3A_820, %and3A_836 : vector<16xi32>
    %shift_left3A_838 = arith.constant 7 : i32
    %shift_left3A_839 = vector.broadcast %shift_left3A_838 : i32 to vector<16xi32>
    %shift_left3A_840 = arith.shli %and3A_837, %shift_left3A_839 : vector<16xi32>
    %add3A_841 = arith.addi %shift_left3A_834, %shift_left3A_840 : vector<16xi32>
    %and3A_842 = arith.constant 127 : i32
    %and3A_843 = vector.broadcast %and3A_842 : i32 to vector<16xi32>
    %and3A_844 = arith.andi %get3A_811, %and3A_843 : vector<16xi32>
    %add3A_845 = arith.addi %add3A_841, %and3A_844 : vector<16xi32>
    %swap3A_846 = arith.constant 16 : index
    %swap3A_847 = tpu.vector_load %arg6[%swap3A_846] {strides = array<i32>} : memref<128xi32, #tpu.memory_space<vmem>>, vector<16xi32>,
    %swap3A_848 = vector.shape_cast %swap3A_847 : vector<16xi32> to vector<16xi32>
    %swap3A_849 = vector.shape_cast %add3A_845 : vector<16xi32> to vector<16xi32>
    tpu.vector_store %arg6[%swap3A_846], %swap3A_849 {strides = array<i32>} : memref<128xi32, #tpu.memory_space<vmem>>, vector<16xi32>,
    %get3A_850 = arith.constant 2 : i32
    %get3A_851 = arith.index_cast %get3A_850 : i32 to index
    %get3A_852 = arith.constant 32 : index
    %get3A_853 = tpu.vector_load %arg5[%get3A_851, %get3A_852] {strides = array<i32>} : memref<4x128xi32, #tpu.memory_space<vmem>>, vector<1x16xi32>,
    %get3A_854 = vector.shape_cast %get3A_853 : vector<1x16xi32> to vector<16xi32>
    %shift_right_logical3A_855 = arith.constant 7 : i32
    %shift_right_logical3A_856 = vector.broadcast %shift_right_logical3A_855 : i32 to vector<16xi32>
    %shift_right_logical3A_857 = arith.shrui %get3A_854, %shift_right_logical3A_856 : vector<16xi32>
    %mul3A_858 = arith.constant 21846 : i32
    %mul3A_859 = vector.broadcast %mul3A_858 : i32 to vector<16xi32>
    %mul3A_860 = arith.muli %shift_right_logical3A_857, %mul3A_859 : vector<16xi32>
    %shift_right_logical3A_861 = arith.constant 16 : i32
    %shift_right_logical3A_862 = vector.broadcast %shift_right_logical3A_861 : i32 to vector<16xi32>
    %shift_right_logical3A_863 = arith.shrui %mul3A_860, %shift_right_logical3A_862 : vector<16xi32>
    %mul3A_864 = arith.constant 3 : i32
    %mul3A_865 = vector.broadcast %mul3A_864 : i32 to vector<16xi32>
    %mul3A_866 = arith.muli %mul3A_865, %shift_right_logical3A_863 : vector<16xi32>
    %sub3A_867 = arith.subi %shift_right_logical3A_857, %mul3A_866 : vector<16xi32>
    %shift_right_logical3A_868 = arith.constant 3 : i32
    %shift_right_logical3A_869 = vector.broadcast %shift_right_logical3A_868 : i32 to vector<16xi32>
    %shift_right_logical3A_870 = arith.shrui %shift_right_logical3A_863, %shift_right_logical3A_869 : vector<16xi32>
    %mul3A_871 = arith.constant 3 : i32
    %mul3A_872 = vector.broadcast %mul3A_871 : i32 to vector<16xi32>
    %mul3A_873 = arith.muli %shift_right_logical3A_870, %mul3A_872 : vector<16xi32>
    %add3A_874 = arith.addi %mul3A_873, %sub3A_867 : vector<16xi32>
    %shift_left3A_875 = arith.constant 10 : i32
    %shift_left3A_876 = vector.broadcast %shift_left3A_875 : i32 to vector<16xi32>
    %shift_left3A_877 = arith.shli %add3A_874, %shift_left3A_876 : vector<16xi32>
    %and3A_878 = arith.constant 7 : i32
    %and3A_879 = vector.broadcast %and3A_878 : i32 to vector<16xi32>
    %and3A_880 = arith.andi %shift_right_logical3A_863, %and3A_879 : vector<16xi32>
    %shift_left3A_881 = arith.constant 7 : i32
    %shift_left3A_882 = vector.broadcast %shift_left3A_881 : i32 to vector<16xi32>
    %shift_left3A_883 = arith.shli %and3A_880, %shift_left3A_882 : vector<16xi32>
    %add3A_884 = arith.addi %shift_left3A_877, %shift_left3A_883 : vector<16xi32>
    %and3A_885 = arith.constant 127 : i32
    %and3A_886 = vector.broadcast %and3A_885 : i32 to vector<16xi32>
    %and3A_887 = arith.andi %get3A_854, %and3A_886 : vector<16xi32>
    %add3A_888 = arith.addi %add3A_884, %and3A_887 : vector<16xi32>
    %swap3A_889 = arith.constant 32 : index
    %swap3A_890 = tpu.vector_load %arg6[%swap3A_889] {strides = array<i32>} : memref<128xi32, #tpu.memory_space<vmem>>, vector<16xi32>,
    %swap3A_891 = vector.shape_cast %swap3A_890 : vector<16xi32> to vector<16xi32>
    %swap3A_892 = vector.shape_cast %add3A_888 : vector<16xi32> to vector<16xi32>
    tpu.vector_store %arg6[%swap3A_889], %swap3A_892 {strides = array<i32>} : memref<128xi32, #tpu.memory_space<vmem>>, vector<16xi32>,
    %get3A_893 = arith.constant 2 : i32
    %get3A_894 = arith.index_cast %get3A_893 : i32 to index
    %get3A_895 = arith.constant 48 : index
    %get3A_896 = tpu.vector_load %arg5[%get3A_894, %get3A_895] {strides = array<i32>} : memref<4x128xi32, #tpu.memory_space<vmem>>, vector<1x16xi32>,
    %get3A_897 = vector.shape_cast %get3A_896 : vector<1x16xi32> to vector<16xi32>
    %shift_right_logical3A_898 = arith.constant 7 : i32
    %shift_right_logical3A_899 = vector.broadcast %shift_right_logical3A_898 : i32 to vector<16xi32>
    %shift_right_logical3A_900 = arith.shrui %get3A_897, %shift_right_logical3A_899 : vector<16xi32>
    %mul3A_901 = arith.constant 21846 : i32
    %mul3A_902 = vector.broadcast %mul3A_901 : i32 to vector<16xi32>
    %mul3A_903 = arith.muli %shift_right_logical3A_900, %mul3A_902 : vector<16xi32>
    %shift_right_logical3A_904 = arith.constant 16 : i32
    %shift_right_logical3A_905 = vector.broadcast %shift_right_logical3A_904 : i32 to vector<16xi32>
    %shift_right_logical3A_906 = arith.shrui %mul3A_903, %shift_right_logical3A_905 : vector<16xi32>
    %mul3A_907 = arith.constant 3 : i32
    %mul3A_908 = vector.broadcast %mul3A_907 : i32 to vector<16xi32>
    %mul3A_909 = arith.muli %mul3A_908, %shift_right_logical3A_906 : vector<16xi32>
    %sub3A_910 = arith.subi %shift_right_logical3A_900, %mul3A_909 : vector<16xi32>
    %shift_right_logical3A_911 = arith.constant 3 : i32
    %shift_right_logical3A_912 = vector.broadcast %shift_right_logical3A_911 : i32 to vector<16xi32>
    %shift_right_logical3A_913 = arith.shrui %shift_right_logical3A_906, %shift_right_logical3A_912 : vector<16xi32>
    %mul3A_914 = arith.constant 3 : i32
    %mul3A_915 = vector.broadcast %mul3A_914 : i32 to vector<16xi32>
    %mul3A_916 = arith.muli %shift_right_logical3A_913, %mul3A_915 : vector<16xi32>
    %add3A_917 = arith.addi %mul3A_916, %sub3A_910 : vector<16xi32>
    %shift_left3A_918 = arith.constant 10 : i32
    %shift_left3A_919 = vector.broadcast %shift_left3A_918 : i32 to vector<16xi32>
    %shift_left3A_920 = arith.shli %add3A_917, %shift_left3A_919 : vector<16xi32>
    %and3A_921 = arith.constant 7 : i32
    %and3A_922 = vector.broadcast %and3A_921 : i32 to vector<16xi32>
    %and3A_923 = arith.andi %shift_right_logical3A_906, %and3A_922 : vector<16xi32>
    %shift_left3A_924 = arith.constant 7 : i32
    %shift_left3A_925 = vector.broadcast %shift_left3A_924 : i32 to vector<16xi32>
    %shift_left3A_926 = arith.shli %and3A_923, %shift_left3A_925 : vector<16xi32>
    %add3A_927 = arith.addi %shift_left3A_920, %shift_left3A_926 : vector<16xi32>
    %and3A_928 = arith.constant 127 : i32
    %and3A_929 = vector.broadcast %and3A_928 : i32 to vector<16xi32>
    %and3A_930 = arith.andi %get3A_897, %and3A_929 : vector<16xi32>
    %add3A_931 = arith.addi %add3A_927, %and3A_930 : vector<16xi32>
    %swap3A_932 = arith.constant 48 : index
    %swap3A_933 = tpu.vector_load %arg6[%swap3A_932] {strides = array<i32>} : memref<128xi32, #tpu.memory_space<vmem>>, vector<16xi32>,
    %swap3A_934 = vector.shape_cast %swap3A_933 : vector<16xi32> to vector<16xi32>
    %swap3A_935 = vector.shape_cast %add3A_931 : vector<16xi32> to vector<16xi32>
    tpu.vector_store %arg6[%swap3A_932], %swap3A_935 {strides = array<i32>} : memref<128xi32, #tpu.memory_space<vmem>>, vector<16xi32>,
    %get3A_936 = arith.constant 2 : i32
    %get3A_937 = arith.index_cast %get3A_936 : i32 to index
    %get3A_938 = arith.constant 64 : index
    %get3A_939 = tpu.vector_load %arg5[%get3A_937, %get3A_938] {strides = array<i32>} : memref<4x128xi32, #tpu.memory_space<vmem>>, vector<1x16xi32>,
    %get3A_940 = vector.shape_cast %get3A_939 : vector<1x16xi32> to vector<16xi32>
    %shift_right_logical3A_941 = arith.constant 7 : i32
    %shift_right_logical3A_942 = vector.broadcast %shift_right_logical3A_941 : i32 to vector<16xi32>
    %shift_right_logical3A_943 = arith.shrui %get3A_940, %shift_right_logical3A_942 : vector<16xi32>
    %mul3A_944 = arith.constant 21846 : i32
    %mul3A_945 = vector.broadcast %mul3A_944 : i32 to vector<16xi32>
    %mul3A_946 = arith.muli %shift_right_logical3A_943, %mul3A_945 : vector<16xi32>
    %shift_right_logical3A_947 = arith.constant 16 : i32
    %shift_right_logical3A_948 = vector.broadcast %shift_right_logical3A_947 : i32 to vector<16xi32>
    %shift_right_logical3A_949 = arith.shrui %mul3A_946, %shift_right_logical3A_948 : vector<16xi32>
    %mul3A_950 = arith.constant 3 : i32
    %mul3A_951 = vector.broadcast %mul3A_950 : i32 to vector<16xi32>
    %mul3A_952 = arith.muli %mul3A_951, %shift_right_logical3A_949 : vector<16xi32>
    %sub3A_953 = arith.subi %shift_right_logical3A_943, %mul3A_952 : vector<16xi32>
    %shift_right_logical3A_954 = arith.constant 3 : i32
    %shift_right_logical3A_955 = vector.broadcast %shift_right_logical3A_954 : i32 to vector<16xi32>
    %shift_right_logical3A_956 = arith.shrui %shift_right_logical3A_949, %shift_right_logical3A_955 : vector<16xi32>
    %mul3A_957 = arith.constant 3 : i32
    %mul3A_958 = vector.broadcast %mul3A_957 : i32 to vector<16xi32>
    %mul3A_959 = arith.muli %shift_right_logical3A_956, %mul3A_958 : vector<16xi32>
    %add3A_960 = arith.addi %mul3A_959, %sub3A_953 : vector<16xi32>
    %shift_left3A_961 = arith.constant 10 : i32
    %shift_left3A_962 = vector.broadcast %shift_left3A_961 : i32 to vector<16xi32>
    %shift_left3A_963 = arith.shli %add3A_960, %shift_left3A_962 : vector<16xi32>
    %and3A_964 = arith.constant 7 : i32
    %and3A_965 = vector.broadcast %and3A_964 : i32 to vector<16xi32>
    %and3A_966 = arith.andi %shift_right_logical3A_949, %and3A_965 : vector<16xi32>
    %shift_left3A_967 = arith.constant 7 : i32
    %shift_left3A_968 = vector.broadcast %shift_left3A_967 : i32 to vector<16xi32>
    %shift_left3A_969 = arith.shli %and3A_966, %shift_left3A_968 : vector<16xi32>
    %add3A_970 = arith.addi %shift_left3A_963, %shift_left3A_969 : vector<16xi32>
    %and3A_971 = arith.constant 127 : i32
    %and3A_972 = vector.broadcast %and3A_971 : i32 to vector<16xi32>
    %and3A_973 = arith.andi %get3A_940, %and3A_972 : vector<16xi32>
    %add3A_974 = arith.addi %add3A_970, %and3A_973 : vector<16xi32>
    %swap3A_975 = arith.constant 64 : index
    %swap3A_976 = tpu.vector_load %arg6[%swap3A_975] {strides = array<i32>} : memref<128xi32, #tpu.memory_space<vmem>>, vector<16xi32>,
    %swap3A_977 = vector.shape_cast %swap3A_976 : vector<16xi32> to vector<16xi32>
    %swap3A_978 = vector.shape_cast %add3A_974 : vector<16xi32> to vector<16xi32>
    tpu.vector_store %arg6[%swap3A_975], %swap3A_978 {strides = array<i32>} : memref<128xi32, #tpu.memory_space<vmem>>, vector<16xi32>,
    %get3A_979 = arith.constant 2 : i32
    %get3A_980 = arith.index_cast %get3A_979 : i32 to index
    %get3A_981 = arith.constant 80 : index
    %get3A_982 = tpu.vector_load %arg5[%get3A_980, %get3A_981] {strides = array<i32>} : memref<4x128xi32, #tpu.memory_space<vmem>>, vector<1x16xi32>,
    %get3A_983 = vector.shape_cast %get3A_982 : vector<1x16xi32> to vector<16xi32>
    %shift_right_logical3A_984 = arith.constant 7 : i32
    %shift_right_logical3A_985 = vector.broadcast %shift_right_logical3A_984 : i32 to vector<16xi32>
    %shift_right_logical3A_986 = arith.shrui %get3A_983, %shift_right_logical3A_985 : vector<16xi32>
    %mul3A_987 = arith.constant 21846 : i32
    %mul3A_988 = vector.broadcast %mul3A_987 : i32 to vector<16xi32>
    %mul3A_989 = arith.muli %shift_right_logical3A_986, %mul3A_988 : vector<16xi32>
    %shift_right_logical3A_990 = arith.constant 16 : i32
    %shift_right_logical3A_991 = vector.broadcast %shift_right_logical3A_990 : i32 to vector<16xi32>
    %shift_right_logical3A_992 = arith.shrui %mul3A_989, %shift_right_logical3A_991 : vector<16xi32>
    %mul3A_993 = arith.constant 3 : i32
    %mul3A_994 = vector.broadcast %mul3A_993 : i32 to vector<16xi32>
    %mul3A_995 = arith.muli %mul3A_994, %shift_right_logical3A_992 : vector<16xi32>
    %sub3A_996 = arith.subi %shift_right_logical3A_986, %mul3A_995 : vector<16xi32>
    %shift_right_logical3A_997 = arith.constant 3 : i32
    %shift_right_logical3A_998 = vector.broadcast %shift_right_logical3A_997 : i32 to vector<16xi32>
    %shift_right_logical3A_999 = arith.shrui %shift_right_logical3A_992, %shift_right_logical3A_998 : vector<16xi32>
    %mul3A_1000 = arith.constant 3 : i32
    %mul3A_1001 = vector.broadcast %mul3A_1000 : i32 to vector<16xi32>
    %mul3A_1002 = arith.muli %shift_right_logical3A_999, %mul3A_1001 : vector<16xi32>
    %add3A_1003 = arith.addi %mul3A_1002, %sub3A_996 : vector<16xi32>
    %shift_left3A_1004 = arith.constant 10 : i32
    %shift_left3A_1005 = vector.broadcast %shift_left3A_1004 : i32 to vector<16xi32>
    %shift_left3A_1006 = arith.shli %add3A_1003, %shift_left3A_1005 : vector<16xi32>
    %and3A_1007 = arith.constant 7 : i32
    %and3A_1008 = vector.broadcast %and3A_1007 : i32 to vector<16xi32>
    %and3A_1009 = arith.andi %shift_right_logical3A_992, %and3A_1008 : vector<16xi32>
    %shift_left3A_1010 = arith.constant 7 : i32
    %shift_left3A_1011 = vector.broadcast %shift_left3A_1010 : i32 to vector<16xi32>
    %shift_left3A_1012 = arith.shli %and3A_1009, %shift_left3A_1011 : vector<16xi32>
    %add3A_1013 = arith.addi %shift_left3A_1006, %shift_left3A_1012 : vector<16xi32>
    %and3A_1014 = arith.constant 127 : i32
    %and3A_1015 = vector.broadcast %and3A_1014 : i32 to vector<16xi32>
    %and3A_1016 = arith.andi %get3A_983, %and3A_1015 : vector<16xi32>
    %add3A_1017 = arith.addi %add3A_1013, %and3A_1016 : vector<16xi32>
    %swap3A_1018 = arith.constant 80 : index
    %swap3A_1019 = tpu.vector_load %arg6[%swap3A_1018] {strides = array<i32>} : memref<128xi32, #tpu.memory_space<vmem>>, vector<16xi32>,
    %swap3A_1020 = vector.shape_cast %swap3A_1019 : vector<16xi32> to vector<16xi32>
    %swap3A_1021 = vector.shape_cast %add3A_1017 : vector<16xi32> to vector<16xi32>
    tpu.vector_store %arg6[%swap3A_1018], %swap3A_1021 {strides = array<i32>} : memref<128xi32, #tpu.memory_space<vmem>>, vector<16xi32>,
    %get3A_1022 = arith.constant 2 : i32
    %get3A_1023 = arith.index_cast %get3A_1022 : i32 to index
    %get3A_1024 = arith.constant 96 : index
    %get3A_1025 = tpu.vector_load %arg5[%get3A_1023, %get3A_1024] {strides = array<i32>} : memref<4x128xi32, #tpu.memory_space<vmem>>, vector<1x16xi32>,
    %get3A_1026 = vector.shape_cast %get3A_1025 : vector<1x16xi32> to vector<16xi32>
    %shift_right_logical3A_1027 = arith.constant 7 : i32
    %shift_right_logical3A_1028 = vector.broadcast %shift_right_logical3A_1027 : i32 to vector<16xi32>
    %shift_right_logical3A_1029 = arith.shrui %get3A_1026, %shift_right_logical3A_1028 : vector<16xi32>
    %mul3A_1030 = arith.constant 21846 : i32
    %mul3A_1031 = vector.broadcast %mul3A_1030 : i32 to vector<16xi32>
    %mul3A_1032 = arith.muli %shift_right_logical3A_1029, %mul3A_1031 : vector<16xi32>
    %shift_right_logical3A_1033 = arith.constant 16 : i32
    %shift_right_logical3A_1034 = vector.broadcast %shift_right_logical3A_1033 : i32 to vector<16xi32>
    %shift_right_logical3A_1035 = arith.shrui %mul3A_1032, %shift_right_logical3A_1034 : vector<16xi32>
    %mul3A_1036 = arith.constant 3 : i32
    %mul3A_1037 = vector.broadcast %mul3A_1036 : i32 to vector<16xi32>
    %mul3A_1038 = arith.muli %mul3A_1037, %shift_right_logical3A_1035 : vector<16xi32>
    %sub3A_1039 = arith.subi %shift_right_logical3A_1029, %mul3A_1038 : vector<16xi32>
    %shift_right_logical3A_1040 = arith.constant 3 : i32
    %shift_right_logical3A_1041 = vector.broadcast %shift_right_logical3A_1040 : i32 to vector<16xi32>
    %shift_right_logical3A_1042 = arith.shrui %shift_right_logical3A_1035, %shift_right_logical3A_1041 : vector<16xi32>
    %mul3A_1043 = arith.constant 3 : i32
    %mul3A_1044 = vector.broadcast %mul3A_1043 : i32 to vector<16xi32>
    %mul3A_1045 = arith.muli %shift_right_logical3A_1042, %mul3A_1044 : vector<16xi32>
    %add3A_1046 = arith.addi %mul3A_1045, %sub3A_1039 : vector<16xi32>
    %shift_left3A_1047 = arith.constant 10 : i32
    %shift_left3A_1048 = vector.broadcast %shift_left3A_1047 : i32 to vector<16xi32>
    %shift_left3A_1049 = arith.shli %add3A_1046, %shift_left3A_1048 : vector<16xi32>
    %and3A_1050 = arith.constant 7 : i32
    %and3A_1051 = vector.broadcast %and3A_1050 : i32 to vector<16xi32>
    %and3A_1052 = arith.andi %shift_right_logical3A_1035, %and3A_1051 : vector<16xi32>
    %shift_left3A_1053 = arith.constant 7 : i32
    %shift_left3A_1054 = vector.broadcast %shift_left3A_1053 : i32 to vector<16xi32>
    %shift_left3A_1055 = arith.shli %and3A_1052, %shift_left3A_1054 : vector<16xi32>
    %add3A_1056 = arith.addi %shift_left3A_1049, %shift_left3A_1055 : vector<16xi32>
    %and3A_1057 = arith.constant 127 : i32
    %and3A_1058 = vector.broadcast %and3A_1057 : i32 to vector<16xi32>
    %and3A_1059 = arith.andi %get3A_1026, %and3A_1058 : vector<16xi32>
    %add3A_1060 = arith.addi %add3A_1056, %and3A_1059 : vector<16xi32>
    %swap3A_1061 = arith.constant 96 : index
    %swap3A_1062 = tpu.vector_load %arg6[%swap3A_1061] {strides = array<i32>} : memref<128xi32, #tpu.memory_space<vmem>>, vector<16xi32>,
    %swap3A_1063 = vector.shape_cast %swap3A_1062 : vector<16xi32> to vector<16xi32>
    %swap3A_1064 = vector.shape_cast %add3A_1060 : vector<16xi32> to vector<16xi32>
    tpu.vector_store %arg6[%swap3A_1061], %swap3A_1064 {strides = array<i32>} : memref<128xi32, #tpu.memory_space<vmem>>, vector<16xi32>,
    %get3A_1065 = arith.constant 2 : i32
    %get3A_1066 = arith.index_cast %get3A_1065 : i32 to index
    %get3A_1067 = arith.constant 112 : index
    %get3A_1068 = tpu.vector_load %arg5[%get3A_1066, %get3A_1067] {strides = array<i32>} : memref<4x128xi32, #tpu.memory_space<vmem>>, vector<1x16xi32>,
    %get3A_1069 = vector.shape_cast %get3A_1068 : vector<1x16xi32> to vector<16xi32>
    %shift_right_logical3A_1070 = arith.constant 7 : i32
    %shift_right_logical3A_1071 = vector.broadcast %shift_right_logical3A_1070 : i32 to vector<16xi32>
    %shift_right_logical3A_1072 = arith.shrui %get3A_1069, %shift_right_logical3A_1071 : vector<16xi32>
    %mul3A_1073 = arith.constant 21846 : i32
    %mul3A_1074 = vector.broadcast %mul3A_1073 : i32 to vector<16xi32>
    %mul3A_1075 = arith.muli %shift_right_logical3A_1072, %mul3A_1074 : vector<16xi32>
    %shift_right_logical3A_1076 = arith.constant 16 : i32
    %shift_right_logical3A_1077 = vector.broadcast %shift_right_logical3A_1076 : i32 to vector<16xi32>
    %shift_right_logical3A_1078 = arith.shrui %mul3A_1075, %shift_right_logical3A_1077 : vector<16xi32>
    %mul3A_1079 = arith.constant 3 : i32
    %mul3A_1080 = vector.broadcast %mul3A_1079 : i32 to vector<16xi32>
    %mul3A_1081 = arith.muli %mul3A_1080, %shift_right_logical3A_1078 : vector<16xi32>
    %sub3A_1082 = arith.subi %shift_right_logical3A_1072, %mul3A_1081 : vector<16xi32>
    %shift_right_logical3A_1083 = arith.constant 3 : i32
    %shift_right_logical3A_1084 = vector.broadcast %shift_right_logical3A_1083 : i32 to vector<16xi32>
    %shift_right_logical3A_1085 = arith.shrui %shift_right_logical3A_1078, %shift_right_logical3A_1084 : vector<16xi32>
    %mul3A_1086 = arith.constant 3 : i32
    %mul3A_1087 = vector.broadcast %mul3A_1086 : i32 to vector<16xi32>
    %mul3A_1088 = arith.muli %shift_right_logical3A_1085, %mul3A_1087 : vector<16xi32>
    %add3A_1089 = arith.addi %mul3A_1088, %sub3A_1082 : vector<16xi32>
    %shift_left3A_1090 = arith.constant 10 : i32
    %shift_left3A_1091 = vector.broadcast %shift_left3A_1090 : i32 to vector<16xi32>
    %shift_left3A_1092 = arith.shli %add3A_1089, %shift_left3A_1091 : vector<16xi32>
    %and3A_1093 = arith.constant 7 : i32
    %and3A_1094 = vector.broadcast %and3A_1093 : i32 to vector<16xi32>
    %and3A_1095 = arith.andi %shift_right_logical3A_1078, %and3A_1094 : vector<16xi32>
    %shift_left3A_1096 = arith.constant 7 : i32
    %shift_left3A_1097 = vector.broadcast %shift_left3A_1096 : i32 to vector<16xi32>
    %shift_left3A_1098 = arith.shli %and3A_1095, %shift_left3A_1097 : vector<16xi32>
    %add3A_1099 = arith.addi %shift_left3A_1092, %shift_left3A_1098 : vector<16xi32>
    %and3A_1100 = arith.constant 127 : i32
    %and3A_1101 = vector.broadcast %and3A_1100 : i32 to vector<16xi32>
    %and3A_1102 = arith.andi %get3A_1069, %and3A_1101 : vector<16xi32>
    %add3A_1103 = arith.addi %add3A_1099, %and3A_1102 : vector<16xi32>
    %swap3A_1104 = arith.constant 112 : index
    %swap3A_1105 = tpu.vector_load %arg6[%swap3A_1104] {strides = array<i32>} : memref<128xi32, #tpu.memory_space<vmem>>, vector<16xi32>,
    %swap3A_1106 = vector.shape_cast %swap3A_1105 : vector<16xi32> to vector<16xi32>
    %swap3A_1107 = vector.shape_cast %add3A_1103 : vector<16xi32> to vector<16xi32>
    tpu.vector_store %arg6[%swap3A_1104], %swap3A_1107 {strides = array<i32>} : memref<128xi32, #tpu.memory_space<vmem>>, vector<16xi32>,
    %scan3A_1108 = arith.constant 0 : i32
    %scan3A_1109 = arith.constant 0 : i32
    %scan3A_1110 = arith.constant 0 : i32
    %scan3A_1111 = arith.constant 0 : i32
    %scan3A_1112 = arith.constant 96 : i32
    %scan3A_1113 = arith.addi %scan3A_1111, %scan3A_1112 : i32
    %scan3A_1114 = arith.constant 2 : i32
    scf.for %scan3A_1666 = %scan3A_1111 to %scan3A_1113 step %scan3A_1114  : i32 {
      %add3A_1667 = arith.constant 192 : i32
      %add3A_1668 = arith.addi %add3A_1667, %scan3A_1666 : i32
      %mul3A_1669 = arith.constant 147456 : i32
      %mul3A_1670 = arith.muli %add3A_1668, %mul3A_1669 : i32
      %shift_right_logical3A_1671 = arith.constant 3 : i32
      %shift_right_logical3A_1672 = arith.shrui %scan3A_1666, %shift_right_logical3A_1671 : i32
      %and3A_1673 = arith.constant 7 : i32
      %and3A_1674 = arith.andi %scan3A_1666, %and3A_1673 : i32
      %get3A_1675 = arith.constant 0 : index
      %get3A_1676 = tpu.vector_load %arg6[%get3A_1675] {strides = array<i32>} : memref<128xi32, #tpu.memory_space<vmem>>, vector<16xi32>,
      %get3A_1677 = vector.shape_cast %get3A_1676 : vector<16xi32> to vector<16xi32>
      %add3A_1678 = vector.broadcast %mul3A_1670 : i32 to vector<16xi32>
      %add3A_1679 = arith.addi %get3A_1677, %add3A_1678 : vector<16xi32>
      %swap3A_1680 = arith.constant 0 : i32
      %swap3A_1681 = arith.constant 0 : i32
      %swap3A_1682 = tpu.memref_slice %arg7[%scan3A_1109, %swap3A_1680, %swap3A_1681] : memref<2x96x128xi32, #tpu.memory_space<vmem>> -> memref<1x96x128xi32, #tpu.memory_space<vmem>>
      %swap3A_1683 = tpu.memref_squeeze %swap3A_1682 : memref<1x96x128xi32, #tpu.memory_space<vmem>> -> memref<96x128xi32, #tpu.memory_space<vmem>>
      %swap3A_1684 = arith.index_cast %scan3A_1666 : i32 to index
      %swap3A_1685 = arith.constant 0 : index
      %swap3A_1686 = tpu.vector_load %swap3A_1683[%swap3A_1684, %swap3A_1685] {strides = array<i32>} : memref<96x128xi32, #tpu.memory_space<vmem>>, vector<1x16xi32>,
      %swap3A_1687 = vector.shape_cast %swap3A_1686 : vector<1x16xi32> to vector<16xi32>
      %swap3A_1688 = vector.shape_cast %add3A_1679 : vector<16xi32> to vector<1x16xi32>
      tpu.vector_store %swap3A_1683[%swap3A_1684, %swap3A_1685], %swap3A_1688 {strides = array<i32>} : memref<96x128xi32, #tpu.memory_space<vmem>>, vector<1x16xi32>,
      %get3A_1689 = arith.constant 16 : index
      %get3A_1690 = tpu.vector_load %arg6[%get3A_1689] {strides = array<i32>} : memref<128xi32, #tpu.memory_space<vmem>>, vector<16xi32>,
      %get3A_1691 = vector.shape_cast %get3A_1690 : vector<16xi32> to vector<16xi32>
      %add3A_1692 = vector.broadcast %mul3A_1670 : i32 to vector<16xi32>
      %add3A_1693 = arith.addi %get3A_1691, %add3A_1692 : vector<16xi32>
      %swap3A_1694 = arith.constant 0 : i32
      %swap3A_1695 = arith.constant 0 : i32
      %swap3A_1696 = tpu.memref_slice %arg7[%scan3A_1109, %swap3A_1694, %swap3A_1695] : memref<2x96x128xi32, #tpu.memory_space<vmem>> -> memref<1x96x128xi32, #tpu.memory_space<vmem>>
      %swap3A_1697 = tpu.memref_squeeze %swap3A_1696 : memref<1x96x128xi32, #tpu.memory_space<vmem>> -> memref<96x128xi32, #tpu.memory_space<vmem>>
      %swap3A_1698 = arith.index_cast %scan3A_1666 : i32 to index
      %swap3A_1699 = arith.constant 16 : index
      %swap3A_1700 = tpu.vector_load %swap3A_1697[%swap3A_1698, %swap3A_1699] {strides = array<i32>} : memref<96x128xi32, #tpu.memory_space<vmem>>, vector<1x16xi32>,
      %swap3A_1701 = vector.shape_cast %swap3A_1700 : vector<1x16xi32> to vector<16xi32>
      %swap3A_1702 = vector.shape_cast %add3A_1693 : vector<16xi32> to vector<1x16xi32>
      tpu.vector_store %swap3A_1697[%swap3A_1698, %swap3A_1699], %swap3A_1702 {strides = array<i32>} : memref<96x128xi32, #tpu.memory_space<vmem>>, vector<1x16xi32>,
      %get3A_1703 = arith.constant 32 : index
      %get3A_1704 = tpu.vector_load %arg6[%get3A_1703] {strides = array<i32>} : memref<128xi32, #tpu.memory_space<vmem>>, vector<16xi32>,
      %get3A_1705 = vector.shape_cast %get3A_1704 : vector<16xi32> to vector<16xi32>
      %add3A_1706 = vector.broadcast %mul3A_1670 : i32 to vector<16xi32>
      %add3A_1707 = arith.addi %get3A_1705, %add3A_1706 : vector<16xi32>
      %swap3A_1708 = arith.constant 0 : i32
      %swap3A_1709 = arith.constant 0 : i32
      %swap3A_1710 = tpu.memref_slice %arg7[%scan3A_1109, %swap3A_1708, %swap3A_1709] : memref<2x96x128xi32, #tpu.memory_space<vmem>> -> memref<1x96x128xi32, #tpu.memory_space<vmem>>
      %swap3A_1711 = tpu.memref_squeeze %swap3A_1710 : memref<1x96x128xi32, #tpu.memory_space<vmem>> -> memref<96x128xi32, #tpu.memory_space<vmem>>
      %swap3A_1712 = arith.index_cast %scan3A_1666 : i32 to index
      %swap3A_1713 = arith.constant 32 : index
      %swap3A_1714 = tpu.vector_load %swap3A_1711[%swap3A_1712, %swap3A_1713] {strides = array<i32>} : memref<96x128xi32, #tpu.memory_space<vmem>>, vector<1x16xi32>,
      %swap3A_1715 = vector.shape_cast %swap3A_1714 : vector<1x16xi32> to vector<16xi32>
      %swap3A_1716 = vector.shape_cast %add3A_1707 : vector<16xi32> to vector<1x16xi32>
      tpu.vector_store %swap3A_1711[%swap3A_1712, %swap3A_1713], %swap3A_1716 {strides = array<i32>} : memref<96x128xi32, #tpu.memory_space<vmem>>, vector<1x16xi32>,
      %get3A_1717 = arith.constant 48 : index
      %get3A_1718 = tpu.vector_load %arg6[%get3A_1717] {strides = array<i32>} : memref<128xi32, #tpu.memory_space<vmem>>, vector<16xi32>,
      %get3A_1719 = vector.shape_cast %get3A_1718 : vector<16xi32> to vector<16xi32>
      %add3A_1720 = vector.broadcast %mul3A_1670 : i32 to vector<16xi32>
      %add3A_1721 = arith.addi %get3A_1719, %add3A_1720 : vector<16xi32>
      %swap3A_1722 = arith.constant 0 : i32
      %swap3A_1723 = arith.constant 0 : i32
      %swap3A_1724 = tpu.memref_slice %arg7[%scan3A_1109, %swap3A_1722, %swap3A_1723] : memref<2x96x128xi32, #tpu.memory_space<vmem>> -> memref<1x96x128xi32, #tpu.memory_space<vmem>>
      %swap3A_1725 = tpu.memref_squeeze %swap3A_1724 : memref<1x96x128xi32, #tpu.memory_space<vmem>> -> memref<96x128xi32, #tpu.memory_space<vmem>>
      %swap3A_1726 = arith.index_cast %scan3A_1666 : i32 to index
      %swap3A_1727 = arith.constant 48 : index
      %swap3A_1728 = tpu.vector_load %swap3A_1725[%swap3A_1726, %swap3A_1727] {strides = array<i32>} : memref<96x128xi32, #tpu.memory_space<vmem>>, vector<1x16xi32>,
      %swap3A_1729 = vector.shape_cast %swap3A_1728 : vector<1x16xi32> to vector<16xi32>
      %swap3A_1730 = vector.shape_cast %add3A_1721 : vector<16xi32> to vector<1x16xi32>
      tpu.vector_store %swap3A_1725[%swap3A_1726, %swap3A_1727], %swap3A_1730 {strides = array<i32>} : memref<96x128xi32, #tpu.memory_space<vmem>>, vector<1x16xi32>,
      %get3A_1731 = arith.constant 64 : index
      %get3A_1732 = tpu.vector_load %arg6[%get3A_1731] {strides = array<i32>} : memref<128xi32, #tpu.memory_space<vmem>>, vector<16xi32>,
      %get3A_1733 = vector.shape_cast %get3A_1732 : vector<16xi32> to vector<16xi32>
      %add3A_1734 = vector.broadcast %mul3A_1670 : i32 to vector<16xi32>
      %add3A_1735 = arith.addi %get3A_1733, %add3A_1734 : vector<16xi32>
      %swap3A_1736 = arith.constant 0 : i32
      %swap3A_1737 = arith.constant 0 : i32
      %swap3A_1738 = tpu.memref_slice %arg7[%scan3A_1109, %swap3A_1736, %swap3A_1737] : memref<2x96x128xi32, #tpu.memory_space<vmem>> -> memref<1x96x128xi32, #tpu.memory_space<vmem>>
      %swap3A_1739 = tpu.memref_squeeze %swap3A_1738 : memref<1x96x128xi32, #tpu.memory_space<vmem>> -> memref<96x128xi32, #tpu.memory_space<vmem>>
      %swap3A_1740 = arith.index_cast %scan3A_1666 : i32 to index
      %swap3A_1741 = arith.constant 64 : index
      %swap3A_1742 = tpu.vector_load %swap3A_1739[%swap3A_1740, %swap3A_1741] {strides = array<i32>} : memref<96x128xi32, #tpu.memory_space<vmem>>, vector<1x16xi32>,
      %swap3A_1743 = vector.shape_cast %swap3A_1742 : vector<1x16xi32> to vector<16xi32>
      %swap3A_1744 = vector.shape_cast %add3A_1735 : vector<16xi32> to vector<1x16xi32>
      tpu.vector_store %swap3A_1739[%swap3A_1740, %swap3A_1741], %swap3A_1744 {strides = array<i32>} : memref<96x128xi32, #tpu.memory_space<vmem>>, vector<1x16xi32>,
      %get3A_1745 = arith.constant 80 : index
      %get3A_1746 = tpu.vector_load %arg6[%get3A_1745] {strides = array<i32>} : memref<128xi32, #tpu.memory_space<vmem>>, vector<16xi32>,
      %get3A_1747 = vector.shape_cast %get3A_1746 : vector<16xi32> to vector<16xi32>
      %add3A_1748 = vector.broadcast %mul3A_1670 : i32 to vector<16xi32>
      %add3A_1749 = arith.addi %get3A_1747, %add3A_1748 : vector<16xi32>
      %swap3A_1750 = arith.constant 0 : i32
      %swap3A_1751 = arith.constant 0 : i32
      %swap3A_1752 = tpu.memref_slice %arg7[%scan3A_1109, %swap3A_1750, %swap3A_1751] : memref<2x96x128xi32, #tpu.memory_space<vmem>> -> memref<1x96x128xi32, #tpu.memory_space<vmem>>
      %swap3A_1753 = tpu.memref_squeeze %swap3A_1752 : memref<1x96x128xi32, #tpu.memory_space<vmem>> -> memref<96x128xi32, #tpu.memory_space<vmem>>
      %swap3A_1754 = arith.index_cast %scan3A_1666 : i32 to index
      %swap3A_1755 = arith.constant 80 : index
      %swap3A_1756 = tpu.vector_load %swap3A_1753[%swap3A_1754, %swap3A_1755] {strides = array<i32>} : memref<96x128xi32, #tpu.memory_space<vmem>>, vector<1x16xi32>,
      %swap3A_1757 = vector.shape_cast %swap3A_1756 : vector<1x16xi32> to vector<16xi32>
      %swap3A_1758 = vector.shape_cast %add3A_1749 : vector<16xi32> to vector<1x16xi32>
      tpu.vector_store %swap3A_1753[%swap3A_1754, %swap3A_1755], %swap3A_1758 {strides = array<i32>} : memref<96x128xi32, #tpu.memory_space<vmem>>, vector<1x16xi32>,
      %get3A_1759 = arith.constant 96 : index
      %get3A_1760 = tpu.vector_load %arg6[%get3A_1759] {strides = array<i32>} : memref<128xi32, #tpu.memory_space<vmem>>, vector<16xi32>,
      %get3A_1761 = vector.shape_cast %get3A_1760 : vector<16xi32> to vector<16xi32>
      %add3A_1762 = vector.broadcast %mul3A_1670 : i32 to vector<16xi32>
      %add3A_1763 = arith.addi %get3A_1761, %add3A_1762 : vector<16xi32>
      %swap3A_1764 = arith.constant 0 : i32
      %swap3A_1765 = arith.constant 0 : i32
      %swap3A_1766 = tpu.memref_slice %arg7[%scan3A_1109, %swap3A_1764, %swap3A_1765] : memref<2x96x128xi32, #tpu.memory_space<vmem>> -> memref<1x96x128xi32, #tpu.memory_space<vmem>>
      %swap3A_1767 = tpu.memref_squeeze %swap3A_1766 : memref<1x96x128xi32, #tpu.memory_space<vmem>> -> memref<96x128xi32, #tpu.memory_space<vmem>>
      %swap3A_1768 = arith.index_cast %scan3A_1666 : i32 to index
      %swap3A_1769 = arith.constant 96 : index
      %swap3A_1770 = tpu.vector_load %swap3A_1767[%swap3A_1768, %swap3A_1769] {strides = array<i32>} : memref<96x128xi32, #tpu.memory_space<vmem>>, vector<1x16xi32>,
      %swap3A_1771 = vector.shape_cast %swap3A_1770 : vector<1x16xi32> to vector<16xi32>
      %swap3A_1772 = vector.shape_cast %add3A_1763 : vector<16xi32> to vector<1x16xi32>
      tpu.vector_store %swap3A_1767[%swap3A_1768, %swap3A_1769], %swap3A_1772 {strides = array<i32>} : memref<96x128xi32, #tpu.memory_space<vmem>>, vector<1x16xi32>,
      %get3A_1773 = arith.constant 112 : index
      %get3A_1774 = tpu.vector_load %arg6[%get3A_1773] {strides = array<i32>} : memref<128xi32, #tpu.memory_space<vmem>>, vector<16xi32>,
      %get3A_1775 = vector.shape_cast %get3A_1774 : vector<16xi32> to vector<16xi32>
      %add3A_1776 = vector.broadcast %mul3A_1670 : i32 to vector<16xi32>
      %add3A_1777 = arith.addi %get3A_1775, %add3A_1776 : vector<16xi32>
      %swap3A_1778 = arith.constant 0 : i32
      %swap3A_1779 = arith.constant 0 : i32
      %swap3A_1780 = tpu.memref_slice %arg7[%scan3A_1109, %swap3A_1778, %swap3A_1779] : memref<2x96x128xi32, #tpu.memory_space<vmem>> -> memref<1x96x128xi32, #tpu.memory_space<vmem>>
      %swap3A_1781 = tpu.memref_squeeze %swap3A_1780 : memref<1x96x128xi32, #tpu.memory_space<vmem>> -> memref<96x128xi32, #tpu.memory_space<vmem>>
      %swap3A_1782 = arith.index_cast %scan3A_1666 : i32 to index
      %swap3A_1783 = arith.constant 112 : index
      %swap3A_1784 = tpu.vector_load %swap3A_1781[%swap3A_1782, %swap3A_1783] {strides = array<i32>} : memref<96x128xi32, #tpu.memory_space<vmem>>, vector<1x16xi32>,
      %swap3A_1785 = vector.shape_cast %swap3A_1784 : vector<1x16xi32> to vector<16xi32>
      %swap3A_1786 = vector.shape_cast %add3A_1777 : vector<16xi32> to vector<1x16xi32>
      tpu.vector_store %swap3A_1781[%swap3A_1782, %swap3A_1783], %swap3A_1786 {strides = array<i32>} : memref<96x128xi32, #tpu.memory_space<vmem>>, vector<1x16xi32>,
      %dma_start3A_1787 = arith.constant 0 : i32
      %dma_start3A_1788 = arith.constant 0 : i32
      %dma_start3A_1789 = arith.constant 0 : i32
      %dma_start3A_1790 = tpu.memref_slice %arg8[%scan3A_1110, %dma_start3A_1787, %dma_start3A_1788, %dma_start3A_1789] : memref<2x12x8x128xf32, #tpu.memory_space<vmem>> -> memref<1x12x8x128xf32, #tpu.memory_space<vmem>>
      %dma_start3A_1791 = tpu.memref_squeeze %dma_start3A_1790 : memref<1x12x8x128xf32, #tpu.memory_space<vmem>> -> memref<12x8x128xf32, #tpu.memory_space<vmem>>
      %dma_start3A_1792 = arith.constant 0 : i32
      %dma_start3A_1793 = tpu.memref_slice %dma_start3A_1791[%shift_right_logical3A_1672, %and3A_1674, %dma_start3A_1792] : memref<12x8x128xf32, #tpu.memory_space<vmem>> -> memref<1x1x128xf32, #tpu.memory_space<vmem>>
      %dma_start3A_1794 = tpu.memref_squeeze %dma_start3A_1793 : memref<1x1x128xf32, #tpu.memory_space<vmem>> -> memref<128xf32, #tpu.memory_space<vmem>>
      %dma_start3A_1795 = arith.constant 0 : i32
      %dma_start3A_1796 = arith.constant 0 : i32
      %dma_start3A_1797 = tpu.memref_slice %arg7[%scan3A_1109, %dma_start3A_1795, %dma_start3A_1796] : memref<2x96x128xi32, #tpu.memory_space<vmem>> -> memref<1x96x128xi32, #tpu.memory_space<vmem>>
      %dma_start3A_1798 = tpu.memref_squeeze %dma_start3A_1797 : memref<1x96x128xi32, #tpu.memory_space<vmem>> -> memref<96x128xi32, #tpu.memory_space<vmem>>
      %dma_start3A_1799 = arith.constant 0 : i32
      %dma_start3A_1800 = tpu.memref_slice %dma_start3A_1798[%scan3A_1666, %dma_start3A_1799] : memref<96x128xi32, #tpu.memory_space<vmem>> -> memref<1x128xi32, #tpu.memory_space<vmem>>
      %dma_start3A_1801 = tpu.memref_squeeze %dma_start3A_1800 : memref<1x128xi32, #tpu.memory_space<vmem>> -> memref<128xi32, #tpu.memory_space<vmem>>
      %dma_start3A_1802 = arith.constant 0 : i32
      %dma_start3A_1803 = tpu.memref_slice %arg2[%dma_start3A_1802] : memref<56623104xf32, #tpu.memory_space<hbm>> -> memref<56623104xf32, #tpu.memory_space<hbm>>
      tpu.enqueue_indirect_dma source(%dma_start3A_1803 : memref<56623104xf32, #tpu.memory_space<hbm>>) target(%dma_start3A_1794 : memref<128xf32, #tpu.memory_space<vmem>>) offsets(%dma_start3A_1801 : memref<128xi32, #tpu.memory_space<vmem>>) semaphore(%arg9 : memref<!tpu.dma_semaphore, #tpu.memory_space<semaphore_mem>>)
      %scan3A_1804 = arith.constant 1 : i32
      %scan3A_1805 = arith.addi %scan3A_1666, %scan3A_1804 : i32
      %add3A_1806 = arith.constant 192 : i32
      %add3A_1807 = arith.addi %add3A_1806, %scan3A_1805 : i32
      %mul3A_1808 = arith.constant 147456 : i32
      %mul3A_1809 = arith.muli %add3A_1807, %mul3A_1808 : i32
      %shift_right_logical3A_1810 = arith.constant 3 : i32
      %shift_right_logical3A_1811 = arith.shrui %scan3A_1805, %shift_right_logical3A_1810 : i32
      %and3A_1812 = arith.constant 7 : i32
      %and3A_1813 = arith.andi %scan3A_1805, %and3A_1812 : i32
      %get3A_1814 = arith.constant 0 : index
      %get3A_1815 = tpu.vector_load %arg6[%get3A_1814] {strides = array<i32>} : memref<128xi32, #tpu.memory_space<vmem>>, vector<16xi32>,
      %get3A_1816 = vector.shape_cast %get3A_1815 : vector<16xi32> to vector<16xi32>
      %add3A_1817 = vector.broadcast %mul3A_1809 : i32 to vector<16xi32>
      %add3A_1818 = arith.addi %get3A_1816, %add3A_1817 : vector<16xi32>
      %swap3A_1819 = arith.constant 0 : i32
      %swap3A_1820 = arith.constant 0 : i32
      %swap3A_1821 = tpu.memref_slice %arg7[%scan3A_1109, %swap3A_1819, %swap3A_1820] : memref<2x96x128xi32, #tpu.memory_space<vmem>> -> memref<1x96x128xi32, #tpu.memory_space<vmem>>
      %swap3A_1822 = tpu.memref_squeeze %swap3A_1821 : memref<1x96x128xi32, #tpu.memory_space<vmem>> -> memref<96x128xi32, #tpu.memory_space<vmem>>
      %swap3A_1823 = arith.index_cast %scan3A_1805 : i32 to index
      %swap3A_1824 = arith.constant 0 : index
      %swap3A_1825 = tpu.vector_load %swap3A_1822[%swap3A_1823, %swap3A_1824] {strides = array<i32>} : memref<96x128xi32, #tpu.memory_space<vmem>>, vector<1x16xi32>,
      %swap3A_1826 = vector.shape_cast %swap3A_1825 : vector<1x16xi32> to vector<16xi32>
      %swap3A_1827 = vector.shape_cast %add3A_1818 : vector<16xi32> to vector<1x16xi32>
      tpu.vector_store %swap3A_1822[%swap3A_1823, %swap3A_1824], %swap3A_1827 {strides = array<i32>} : memref<96x128xi32, #tpu.memory_space<vmem>>, vector<1x16xi32>,
      %get3A_1828 = arith.constant 16 : index
      %get3A_1829 = tpu.vector_load %arg6[%get3A_1828] {strides = array<i32>} : memref<128xi32, #tpu.memory_space<vmem>>, vector<16xi32>,
      %get3A_1830 = vector.shape_cast %get3A_1829 : vector<16xi32> to vector<16xi32>
      %add3A_1831 = vector.broadcast %mul3A_1809 : i32 to vector<16xi32>
      %add3A_1832 = arith.addi %get3A_1830, %add3A_1831 : vector<16xi32>
      %swap3A_1833 = arith.constant 0 : i32
      %swap3A_1834 = arith.constant 0 : i32
      %swap3A_1835 = tpu.memref_slice %arg7[%scan3A_1109, %swap3A_1833, %swap3A_1834] : memref<2x96x128xi32, #tpu.memory_space<vmem>> -> memref<1x96x128xi32, #tpu.memory_space<vmem>>
      %swap3A_1836 = tpu.memref_squeeze %swap3A_1835 : memref<1x96x128xi32, #tpu.memory_space<vmem>> -> memref<96x128xi32, #tpu.memory_space<vmem>>
      %swap3A_1837 = arith.index_cast %scan3A_1805 : i32 to index
      %swap3A_1838 = arith.constant 16 : index
      %swap3A_1839 = tpu.vector_load %swap3A_1836[%swap3A_1837, %swap3A_1838] {strides = array<i32>} : memref<96x128xi32, #tpu.memory_space<vmem>>, vector<1x16xi32>,
      %swap3A_1840 = vector.shape_cast %swap3A_1839 : vector<1x16xi32> to vector<16xi32>
      %swap3A_1841 = vector.shape_cast %add3A_1832 : vector<16xi32> to vector<1x16xi32>
      tpu.vector_store %swap3A_1836[%swap3A_1837, %swap3A_1838], %swap3A_1841 {strides = array<i32>} : memref<96x128xi32, #tpu.memory_space<vmem>>, vector<1x16xi32>,
      %get3A_1842 = arith.constant 32 : index
      %get3A_1843 = tpu.vector_load %arg6[%get3A_1842] {strides = array<i32>} : memref<128xi32, #tpu.memory_space<vmem>>, vector<16xi32>,
      %get3A_1844 = vector.shape_cast %get3A_1843 : vector<16xi32> to vector<16xi32>
      %add3A_1845 = vector.broadcast %mul3A_1809 : i32 to vector<16xi32>
      %add3A_1846 = arith.addi %get3A_1844, %add3A_1845 : vector<16xi32>
      %swap3A_1847 = arith.constant 0 : i32
      %swap3A_1848 = arith.constant 0 : i32
      %swap3A_1849 = tpu.memref_slice %arg7[%scan3A_1109, %swap3A_1847, %swap3A_1848] : memref<2x96x128xi32, #tpu.memory_space<vmem>> -> memref<1x96x128xi32, #tpu.memory_space<vmem>>
      %swap3A_1850 = tpu.memref_squeeze %swap3A_1849 : memref<1x96x128xi32, #tpu.memory_space<vmem>> -> memref<96x128xi32, #tpu.memory_space<vmem>>
      %swap3A_1851 = arith.index_cast %scan3A_1805 : i32 to index
      %swap3A_1852 = arith.constant 32 : index
      %swap3A_1853 = tpu.vector_load %swap3A_1850[%swap3A_1851, %swap3A_1852] {strides = array<i32>} : memref<96x128xi32, #tpu.memory_space<vmem>>, vector<1x16xi32>,
      %swap3A_1854 = vector.shape_cast %swap3A_1853 : vector<1x16xi32> to vector<16xi32>
      %swap3A_1855 = vector.shape_cast %add3A_1846 : vector<16xi32> to vector<1x16xi32>
      tpu.vector_store %swap3A_1850[%swap3A_1851, %swap3A_1852], %swap3A_1855 {strides = array<i32>} : memref<96x128xi32, #tpu.memory_space<vmem>>, vector<1x16xi32>,
      %get3A_1856 = arith.constant 48 : index
      %get3A_1857 = tpu.vector_load %arg6[%get3A_1856] {strides = array<i32>} : memref<128xi32, #tpu.memory_space<vmem>>, vector<16xi32>,
      %get3A_1858 = vector.shape_cast %get3A_1857 : vector<16xi32> to vector<16xi32>
      %add3A_1859 = vector.broadcast %mul3A_1809 : i32 to vector<16xi32>
      %add3A_1860 = arith.addi %get3A_1858, %add3A_1859 : vector<16xi32>
      %swap3A_1861 = arith.constant 0 : i32
      %swap3A_1862 = arith.constant 0 : i32
      %swap3A_1863 = tpu.memref_slice %arg7[%scan3A_1109, %swap3A_1861, %swap3A_1862] : memref<2x96x128xi32, #tpu.memory_space<vmem>> -> memref<1x96x128xi32, #tpu.memory_space<vmem>>
      %swap3A_1864 = tpu.memref_squeeze %swap3A_1863 : memref<1x96x128xi32, #tpu.memory_space<vmem>> -> memref<96x128xi32, #tpu.memory_space<vmem>>
      %swap3A_1865 = arith.index_cast %scan3A_1805 : i32 to index
      %swap3A_1866 = arith.constant 48 : index
      %swap3A_1867 = tpu.vector_load %swap3A_1864[%swap3A_1865, %swap3A_1866] {strides = array<i32>} : memref<96x128xi32, #tpu.memory_space<vmem>>, vector<1x16xi32>,
      %swap3A_1868 = vector.shape_cast %swap3A_1867 : vector<1x16xi32> to vector<16xi32>
      %swap3A_1869 = vector.shape_cast %add3A_1860 : vector<16xi32> to vector<1x16xi32>
      tpu.vector_store %swap3A_1864[%swap3A_1865, %swap3A_1866], %swap3A_1869 {strides = array<i32>} : memref<96x128xi32, #tpu.memory_space<vmem>>, vector<1x16xi32>,
      %get3A_1870 = arith.constant 64 : index
      %get3A_1871 = tpu.vector_load %arg6[%get3A_1870] {strides = array<i32>} : memref<128xi32, #tpu.memory_space<vmem>>, vector<16xi32>,
      %get3A_1872 = vector.shape_cast %get3A_1871 : vector<16xi32> to vector<16xi32>
      %add3A_1873 = vector.broadcast %mul3A_1809 : i32 to vector<16xi32>
      %add3A_1874 = arith.addi %get3A_1872, %add3A_1873 : vector<16xi32>
      %swap3A_1875 = arith.constant 0 : i32
      %swap3A_1876 = arith.constant 0 : i32
      %swap3A_1877 = tpu.memref_slice %arg7[%scan3A_1109, %swap3A_1875, %swap3A_1876] : memref<2x96x128xi32, #tpu.memory_space<vmem>> -> memref<1x96x128xi32, #tpu.memory_space<vmem>>
      %swap3A_1878 = tpu.memref_squeeze %swap3A_1877 : memref<1x96x128xi32, #tpu.memory_space<vmem>> -> memref<96x128xi32, #tpu.memory_space<vmem>>
      %swap3A_1879 = arith.index_cast %scan3A_1805 : i32 to index
      %swap3A_1880 = arith.constant 64 : index
      %swap3A_1881 = tpu.vector_load %swap3A_1878[%swap3A_1879, %swap3A_1880] {strides = array<i32>} : memref<96x128xi32, #tpu.memory_space<vmem>>, vector<1x16xi32>,
      %swap3A_1882 = vector.shape_cast %swap3A_1881 : vector<1x16xi32> to vector<16xi32>
      %swap3A_1883 = vector.shape_cast %add3A_1874 : vector<16xi32> to vector<1x16xi32>
      tpu.vector_store %swap3A_1878[%swap3A_1879, %swap3A_1880], %swap3A_1883 {strides = array<i32>} : memref<96x128xi32, #tpu.memory_space<vmem>>, vector<1x16xi32>,
      %get3A_1884 = arith.constant 80 : index
      %get3A_1885 = tpu.vector_load %arg6[%get3A_1884] {strides = array<i32>} : memref<128xi32, #tpu.memory_space<vmem>>, vector<16xi32>,
      %get3A_1886 = vector.shape_cast %get3A_1885 : vector<16xi32> to vector<16xi32>
      %add3A_1887 = vector.broadcast %mul3A_1809 : i32 to vector<16xi32>
      %add3A_1888 = arith.addi %get3A_1886, %add3A_1887 : vector<16xi32>
      %swap3A_1889 = arith.constant 0 : i32
      %swap3A_1890 = arith.constant 0 : i32
      %swap3A_1891 = tpu.memref_slice %arg7[%scan3A_1109, %swap3A_1889, %swap3A_1890] : memref<2x96x128xi32, #tpu.memory_space<vmem>> -> memref<1x96x128xi32, #tpu.memory_space<vmem>>
      %swap3A_1892 = tpu.memref_squeeze %swap3A_1891 : memref<1x96x128xi32, #tpu.memory_space<vmem>> -> memref<96x128xi32, #tpu.memory_space<vmem>>
      %swap3A_1893 = arith.index_cast %scan3A_1805 : i32 to index
      %swap3A_1894 = arith.constant 80 : index
      %swap3A_1895 = tpu.vector_load %swap3A_1892[%swap3A_1893, %swap3A_1894] {strides = array<i32>} : memref<96x128xi32, #tpu.memory_space<vmem>>, vector<1x16xi32>,
      %swap3A_1896 = vector.shape_cast %swap3A_1895 : vector<1x16xi32> to vector<16xi32>
      %swap3A_1897 = vector.shape_cast %add3A_1888 : vector<16xi32> to vector<1x16xi32>
      tpu.vector_store %swap3A_1892[%swap3A_1893, %swap3A_1894], %swap3A_1897 {strides = array<i32>} : memref<96x128xi32, #tpu.memory_space<vmem>>, vector<1x16xi32>,
      %get3A_1898 = arith.constant 96 : index
      %get3A_1899 = tpu.vector_load %arg6[%get3A_1898] {strides = array<i32>} : memref<128xi32, #tpu.memory_space<vmem>>, vector<16xi32>,
      %get3A_1900 = vector.shape_cast %get3A_1899 : vector<16xi32> to vector<16xi32>
      %add3A_1901 = vector.broadcast %mul3A_1809 : i32 to vector<16xi32>
      %add3A_1902 = arith.addi %get3A_1900, %add3A_1901 : vector<16xi32>
      %swap3A_1903 = arith.constant 0 : i32
      %swap3A_1904 = arith.constant 0 : i32
      %swap3A_1905 = tpu.memref_slice %arg7[%scan3A_1109, %swap3A_1903, %swap3A_1904] : memref<2x96x128xi32, #tpu.memory_space<vmem>> -> memref<1x96x128xi32, #tpu.memory_space<vmem>>
      %swap3A_1906 = tpu.memref_squeeze %swap3A_1905 : memref<1x96x128xi32, #tpu.memory_space<vmem>> -> memref<96x128xi32, #tpu.memory_space<vmem>>
      %swap3A_1907 = arith.index_cast %scan3A_1805 : i32 to index
      %swap3A_1908 = arith.constant 96 : index
      %swap3A_1909 = tpu.vector_load %swap3A_1906[%swap3A_1907, %swap3A_1908] {strides = array<i32>} : memref<96x128xi32, #tpu.memory_space<vmem>>, vector<1x16xi32>,
      %swap3A_1910 = vector.shape_cast %swap3A_1909 : vector<1x16xi32> to vector<16xi32>
      %swap3A_1911 = vector.shape_cast %add3A_1902 : vector<16xi32> to vector<1x16xi32>
      tpu.vector_store %swap3A_1906[%swap3A_1907, %swap3A_1908], %swap3A_1911 {strides = array<i32>} : memref<96x128xi32, #tpu.memory_space<vmem>>, vector<1x16xi32>,
      %get3A_1912 = arith.constant 112 : index
      %get3A_1913 = tpu.vector_load %arg6[%get3A_1912] {strides = array<i32>} : memref<128xi32, #tpu.memory_space<vmem>>, vector<16xi32>,
      %get3A_1914 = vector.shape_cast %get3A_1913 : vector<16xi32> to vector<16xi32>
      %add3A_1915 = vector.broadcast %mul3A_1809 : i32 to vector<16xi32>
      %add3A_1916 = arith.addi %get3A_1914, %add3A_1915 : vector<16xi32>
      %swap3A_1917 = arith.constant 0 : i32
      %swap3A_1918 = arith.constant 0 : i32
      %swap3A_1919 = tpu.memref_slice %arg7[%scan3A_1109, %swap3A_1917, %swap3A_1918] : memref<2x96x128xi32, #tpu.memory_space<vmem>> -> memref<1x96x128xi32, #tpu.memory_space<vmem>>
      %swap3A_1920 = tpu.memref_squeeze %swap3A_1919 : memref<1x96x128xi32, #tpu.memory_space<vmem>> -> memref<96x128xi32, #tpu.memory_space<vmem>>
      %swap3A_1921 = arith.index_cast %scan3A_1805 : i32 to index
      %swap3A_1922 = arith.constant 112 : index
      %swap3A_1923 = tpu.vector_load %swap3A_1920[%swap3A_1921, %swap3A_1922] {strides = array<i32>} : memref<96x128xi32, #tpu.memory_space<vmem>>, vector<1x16xi32>,
      %swap3A_1924 = vector.shape_cast %swap3A_1923 : vector<1x16xi32> to vector<16xi32>
      %swap3A_1925 = vector.shape_cast %add3A_1916 : vector<16xi32> to vector<1x16xi32>
      tpu.vector_store %swap3A_1920[%swap3A_1921, %swap3A_1922], %swap3A_1925 {strides = array<i32>} : memref<96x128xi32, #tpu.memory_space<vmem>>, vector<1x16xi32>,
      %dma_start3A_1926 = arith.constant 0 : i32
      %dma_start3A_1927 = arith.constant 0 : i32
      %dma_start3A_1928 = arith.constant 0 : i32
      %dma_start3A_1929 = tpu.memref_slice %arg8[%scan3A_1110, %dma_start3A_1926, %dma_start3A_1927, %dma_start3A_1928] : memref<2x12x8x128xf32, #tpu.memory_space<vmem>> -> memref<1x12x8x128xf32, #tpu.memory_space<vmem>>
      %dma_start3A_1930 = tpu.memref_squeeze %dma_start3A_1929 : memref<1x12x8x128xf32, #tpu.memory_space<vmem>> -> memref<12x8x128xf32, #tpu.memory_space<vmem>>
      %dma_start3A_1931 = arith.constant 0 : i32
      %dma_start3A_1932 = tpu.memref_slice %dma_start3A_1930[%shift_right_logical3A_1811, %and3A_1813, %dma_start3A_1931] : memref<12x8x128xf32, #tpu.memory_space<vmem>> -> memref<1x1x128xf32, #tpu.memory_space<vmem>>
      %dma_start3A_1933 = tpu.memref_squeeze %dma_start3A_1932 : memref<1x1x128xf32, #tpu.memory_space<vmem>> -> memref<128xf32, #tpu.memory_space<vmem>>
      %dma_start3A_1934 = arith.constant 0 : i32
      %dma_start3A_1935 = arith.constant 0 : i32
      %dma_start3A_1936 = tpu.memref_slice %arg7[%scan3A_1109, %dma_start3A_1934, %dma_start3A_1935] : memref<2x96x128xi32, #tpu.memory_space<vmem>> -> memref<1x96x128xi32, #tpu.memory_space<vmem>>
      %dma_start3A_1937 = tpu.memref_squeeze %dma_start3A_1936 : memref<1x96x128xi32, #tpu.memory_space<vmem>> -> memref<96x128xi32, #tpu.memory_space<vmem>>
      %dma_start3A_1938 = arith.constant 0 : i32
      %dma_start3A_1939 = tpu.memref_slice %dma_start3A_1937[%scan3A_1805, %dma_start3A_1938] : memref<96x128xi32, #tpu.memory_space<vmem>> -> memref<1x128xi32, #tpu.memory_space<vmem>>
      %dma_start3A_1940 = tpu.memref_squeeze %dma_start3A_1939 : memref<1x128xi32, #tpu.memory_space<vmem>> -> memref<128xi32, #tpu.memory_space<vmem>>
      %dma_start3A_1941 = arith.constant 0 : i32
      %dma_start3A_1942 = tpu.memref_slice %arg2[%dma_start3A_1941] : memref<56623104xf32, #tpu.memory_space<hbm>> -> memref<56623104xf32, #tpu.memory_space<hbm>>
      tpu.enqueue_indirect_dma source(%dma_start3A_1942 : memref<56623104xf32, #tpu.memory_space<hbm>>) target(%dma_start3A_1933 : memref<128xf32, #tpu.memory_space<vmem>>) offsets(%dma_start3A_1940 : memref<128xi32, #tpu.memory_space<vmem>>) semaphore(%arg9 : memref<!tpu.dma_semaphore, #tpu.memory_space<semaphore_mem>>)
    }
    %scan3A_1115 = arith.constant 96 : i32
    %dma_wait3A_1116 = arith.constant 1 : i32
    %dma_wait3A_1117 = arith.constant 1 : i32
    %dma_wait3A_1118 = arith.constant 0 : i32
    %dma_wait3A_1119 = arith.constant 0 : i32
    %dma_wait3A_1120 = arith.constant 0 : i32
    %dma_wait3A_1121 = tpu.memref_slice %arg8[%dma_wait3A_1117, %dma_wait3A_1118, %dma_wait3A_1119, %dma_wait3A_1120] : memref<2x12x8x128xf32, #tpu.memory_space<vmem>> -> memref<1x12x8x128xf32, #tpu.memory_space<vmem>>
    %dma_wait3A_1122 = tpu.memref_squeeze %dma_wait3A_1121 : memref<1x12x8x128xf32, #tpu.memory_space<vmem>> -> memref<12x8x128xf32, #tpu.memory_space<vmem>>
    %dma_wait3A_1123 = arith.constant 0 : i32
    %dma_wait3A_1124 = arith.constant 0 : i32
    %dma_wait3A_1125 = arith.constant 0 : i32
    %dma_wait3A_1126 = tpu.memref_slice %arg4[%dma_wait3A_1116, %dma_wait3A_1123, %add3A, %dma_wait3A_1124, %dma_wait3A_1125] : memref<4x12x32x8x128xf32, #tpu.memory_space<hbm>> -> memref<1x12x1x8x128xf32, #tpu.memory_space<hbm>>
    %dma_wait3A_1127 = tpu.memref_squeeze %dma_wait3A_1126 : memref<1x12x1x8x128xf32, #tpu.memory_space<hbm>> -> memref<12x8x128xf32, #tpu.memory_space<hbm>>
    %dma_wait3A_1128 = arith.constant 0 : i32
    %dma_wait3A_1129 = arith.constant 0 : i32
    %dma_wait3A_1130 = arith.constant 0 : i32
    %dma_wait3A_1131 = tpu.memref_slice %arg8[%dma_wait3A_1117, %dma_wait3A_1128, %dma_wait3A_1129, %dma_wait3A_1130] : memref<2x12x8x128xf32, #tpu.memory_space<vmem>> -> memref<1x12x8x128xf32, #tpu.memory_space<vmem>>
    %dma_wait3A_1132 = tpu.memref_squeeze %dma_wait3A_1131 : memref<1x12x8x128xf32, #tpu.memory_space<vmem>> -> memref<12x8x128xf32, #tpu.memory_space<vmem>>
    %dma_wait3A_1133 = arith.constant 0 : i32
    %dma_wait3A_1134 = arith.constant 0 : i32
    %dma_wait3A_1135 = arith.constant 0 : i32
    %dma_wait3A_1136 = tpu.memref_slice %arg4[%dma_wait3A_1116, %dma_wait3A_1133, %add3A, %dma_wait3A_1134, %dma_wait3A_1135] : memref<4x12x32x8x128xf32, #tpu.memory_space<hbm>> -> memref<1x12x1x8x128xf32, #tpu.memory_space<hbm>>
    %dma_wait3A_1137 = tpu.memref_squeeze %dma_wait3A_1136 : memref<1x12x1x8x128xf32, #tpu.memory_space<hbm>> -> memref<12x8x128xf32, #tpu.memory_space<hbm>>
    tpu.wait_dma2 semaphore(%arg10 : memref<!tpu.dma_semaphore, #tpu.memory_space<semaphore_mem>>) src(%dma_wait3A_1137 : memref<12x8x128xf32, #tpu.memory_space<hbm>>) dst(%dma_wait3A_1132 : memref<12x8x128xf32, #tpu.memory_space<vmem>>)
    %dma_start3A_1138 = arith.constant 1 : i32
    %dma_start3A_1139 = arith.constant 1 : i32
    %dma_start3A_1140 = arith.constant 0 : i32
    %dma_start3A_1141 = arith.constant 0 : i32
    %dma_start3A_1142 = arith.constant 0 : i32
    %dma_start3A_1143 = tpu.memref_slice %arg8[%dma_start3A_1138, %dma_start3A_1140, %dma_start3A_1141, %dma_start3A_1142] : memref<2x12x8x128xf32, #tpu.memory_space<vmem>> -> memref<1x12x8x128xf32, #tpu.memory_space<vmem>>
    %dma_start3A_1144 = tpu.memref_squeeze %dma_start3A_1143 : memref<1x12x8x128xf32, #tpu.memory_space<vmem>> -> memref<12x8x128xf32, #tpu.memory_space<vmem>>
    %dma_start3A_1145 = arith.constant 0 : i32
    %dma_start3A_1146 = arith.constant 0 : i32
    %dma_start3A_1147 = arith.constant 0 : i32
    %dma_start3A_1148 = tpu.memref_slice %arg4[%dma_start3A_1139, %dma_start3A_1145, %add3A, %dma_start3A_1146, %dma_start3A_1147] : memref<4x12x32x8x128xf32, #tpu.memory_space<hbm>> -> memref<1x12x1x8x128xf32, #tpu.memory_space<hbm>>
    %dma_start3A_1149 = tpu.memref_squeeze %dma_start3A_1148 : memref<1x12x1x8x128xf32, #tpu.memory_space<hbm>> -> memref<12x8x128xf32, #tpu.memory_space<hbm>>
    %dma_start3A_1150 = arith.constant 0 : i32
    %dma_start3A_1151 = arith.constant 0 : i32
    %dma_start3A_1152 = arith.constant 0 : i32
    %dma_start3A_1153 = tpu.memref_slice %arg4[%dma_start3A_1139, %dma_start3A_1150, %add3A, %dma_start3A_1151, %dma_start3A_1152] : memref<4x12x32x8x128xf32, #tpu.memory_space<hbm>> -> memref<1x12x1x8x128xf32, #tpu.memory_space<hbm>>
    %dma_start3A_1154 = tpu.memref_squeeze %dma_start3A_1153 : memref<1x12x1x8x128xf32, #tpu.memory_space<hbm>> -> memref<12x8x128xf32, #tpu.memory_space<hbm>>
    %dma_start3A_1155 = arith.constant 0 : i32
    %dma_start3A_1156 = arith.constant 0 : i32
    %dma_start3A_1157 = arith.constant 0 : i32
    %dma_start3A_1158 = tpu.memref_slice %arg8[%dma_start3A_1138, %dma_start3A_1155, %dma_start3A_1156, %dma_start3A_1157] : memref<2x12x8x128xf32, #tpu.memory_space<vmem>> -> memref<1x12x8x128xf32, #tpu.memory_space<vmem>>
    %dma_start3A_1159 = tpu.memref_squeeze %dma_start3A_1158 : memref<1x12x8x128xf32, #tpu.memory_space<vmem>> -> memref<12x8x128xf32, #tpu.memory_space<vmem>>
    tpu.enqueue_dma source(%dma_start3A_1159 : memref<12x8x128xf32, #tpu.memory_space<vmem>>) target(%dma_start3A_1154 : memref<12x8x128xf32, #tpu.memory_space<hbm>>) target_semaphore(%arg11 : memref<!tpu.dma_semaphore, #tpu.memory_space<semaphore_mem>>)
    %dma_wait3A_1160 = arith.constant 1 : i32
    %dma_wait3A_1161 = arith.constant 1 : i32
    %dma_wait3A_1162 = arith.constant 0 : i32
    %dma_wait3A_1163 = arith.constant 0 : i32
    %dma_wait3A_1164 = arith.constant 0 : i32
    %dma_wait3A_1165 = tpu.memref_slice %arg8[%dma_wait3A_1160, %dma_wait3A_1162, %dma_wait3A_1163, %dma_wait3A_1164] : memref<2x12x8x128xf32, #tpu.memory_space<vmem>> -> memref<1x12x8x128xf32, #tpu.memory_space<vmem>>
    %dma_wait3A_1166 = tpu.memref_squeeze %dma_wait3A_1165 : memref<1x12x8x128xf32, #tpu.memory_space<vmem>> -> memref<12x8x128xf32, #tpu.memory_space<vmem>>
    %dma_wait3A_1167 = arith.constant 0 : i32
    %dma_wait3A_1168 = arith.constant 0 : i32
    %dma_wait3A_1169 = arith.constant 0 : i32
    %dma_wait3A_1170 = tpu.memref_slice %arg4[%dma_wait3A_1161, %dma_wait3A_1167, %add3A, %dma_wait3A_1168, %dma_wait3A_1169] : memref<4x12x32x8x128xf32, #tpu.memory_space<hbm>> -> memref<1x12x1x8x128xf32, #tpu.memory_space<hbm>>
    %dma_wait3A_1171 = tpu.memref_squeeze %dma_wait3A_1170 : memref<1x12x1x8x128xf32, #tpu.memory_space<hbm>> -> memref<12x8x128xf32, #tpu.memory_space<hbm>>
    %dma_wait3A_1172 = arith.constant 0 : i32
    %dma_wait3A_1173 = arith.constant 0 : i32
    %dma_wait3A_1174 = arith.constant 0 : i32
    %dma_wait3A_1175 = tpu.memref_slice %arg4[%dma_wait3A_1161, %dma_wait3A_1172, %add3A, %dma_wait3A_1173, %dma_wait3A_1174] : memref<4x12x32x8x128xf32, #tpu.memory_space<hbm>> -> memref<1x12x1x8x128xf32, #tpu.memory_space<hbm>>
    %dma_wait3A_1176 = tpu.memref_squeeze %dma_wait3A_1175 : memref<1x12x1x8x128xf32, #tpu.memory_space<hbm>> -> memref<12x8x128xf32, #tpu.memory_space<hbm>>
    %dma_wait3A_1177 = arith.constant 0 : i32
    %dma_wait3A_1178 = arith.constant 0 : i32
    %dma_wait3A_1179 = arith.constant 0 : i32
    %dma_wait3A_1180 = tpu.memref_slice %arg8[%dma_wait3A_1160, %dma_wait3A_1177, %dma_wait3A_1178, %dma_wait3A_1179] : memref<2x12x8x128xf32, #tpu.memory_space<vmem>> -> memref<1x12x8x128xf32, #tpu.memory_space<vmem>>
    %dma_wait3A_1181 = tpu.memref_squeeze %dma_wait3A_1180 : memref<1x12x8x128xf32, #tpu.memory_space<vmem>> -> memref<12x8x128xf32, #tpu.memory_space<vmem>>
    tpu.wait_dma2 semaphore(%arg11 : memref<!tpu.dma_semaphore, #tpu.memory_space<semaphore_mem>>) src(%dma_wait3A_1181 : memref<12x8x128xf32, #tpu.memory_space<vmem>>) dst(%dma_wait3A_1176 : memref<12x8x128xf32, #tpu.memory_space<hbm>>)
    %get3A_1182 = arith.constant 3 : i32
    %get3A_1183 = arith.index_cast %get3A_1182 : i32 to index
    %get3A_1184 = arith.constant 0 : index
    %get3A_1185 = tpu.vector_load %arg5[%get3A_1183, %get3A_1184] {strides = array<i32>} : memref<4x128xi32, #tpu.memory_space<vmem>>, vector<1x16xi32>,
    %get3A_1186 = vector.shape_cast %get3A_1185 : vector<1x16xi32> to vector<16xi32>
    %shift_right_logical3A_1187 = arith.constant 7 : i32
    %shift_right_logical3A_1188 = vector.broadcast %shift_right_logical3A_1187 : i32 to vector<16xi32>
    %shift_right_logical3A_1189 = arith.shrui %get3A_1186, %shift_right_logical3A_1188 : vector<16xi32>
    %mul3A_1190 = arith.constant 21846 : i32
    %mul3A_1191 = vector.broadcast %mul3A_1190 : i32 to vector<16xi32>
    %mul3A_1192 = arith.muli %shift_right_logical3A_1189, %mul3A_1191 : vector<16xi32>
    %shift_right_logical3A_1193 = arith.constant 16 : i32
    %shift_right_logical3A_1194 = vector.broadcast %shift_right_logical3A_1193 : i32 to vector<16xi32>
    %shift_right_logical3A_1195 = arith.shrui %mul3A_1192, %shift_right_logical3A_1194 : vector<16xi32>
    %mul3A_1196 = arith.constant 3 : i32
    %mul3A_1197 = vector.broadcast %mul3A_1196 : i32 to vector<16xi32>
    %mul3A_1198 = arith.muli %mul3A_1197, %shift_right_logical3A_1195 : vector<16xi32>
    %sub3A_1199 = arith.subi %shift_right_logical3A_1189, %mul3A_1198 : vector<16xi32>
    %shift_right_logical3A_1200 = arith.constant 3 : i32
    %shift_right_logical3A_1201 = vector.broadcast %shift_right_logical3A_1200 : i32 to vector<16xi32>
    %shift_right_logical3A_1202 = arith.shrui %shift_right_logical3A_1195, %shift_right_logical3A_1201 : vector<16xi32>
    %mul3A_1203 = arith.constant 3 : i32
    %mul3A_1204 = vector.broadcast %mul3A_1203 : i32 to vector<16xi32>
    %mul3A_1205 = arith.muli %shift_right_logical3A_1202, %mul3A_1204 : vector<16xi32>
    %add3A_1206 = arith.addi %mul3A_1205, %sub3A_1199 : vector<16xi32>
    %shift_left3A_1207 = arith.constant 10 : i32
    %shift_left3A_1208 = vector.broadcast %shift_left3A_1207 : i32 to vector<16xi32>
    %shift_left3A_1209 = arith.shli %add3A_1206, %shift_left3A_1208 : vector<16xi32>
    %and3A_1210 = arith.constant 7 : i32
    %and3A_1211 = vector.broadcast %and3A_1210 : i32 to vector<16xi32>
    %and3A_1212 = arith.andi %shift_right_logical3A_1195, %and3A_1211 : vector<16xi32>
    %shift_left3A_1213 = arith.constant 7 : i32
    %shift_left3A_1214 = vector.broadcast %shift_left3A_1213 : i32 to vector<16xi32>
    %shift_left3A_1215 = arith.shli %and3A_1212, %shift_left3A_1214 : vector<16xi32>
    %add3A_1216 = arith.addi %shift_left3A_1209, %shift_left3A_1215 : vector<16xi32>
    %and3A_1217 = arith.constant 127 : i32
    %and3A_1218 = vector.broadcast %and3A_1217 : i32 to vector<16xi32>
    %and3A_1219 = arith.andi %get3A_1186, %and3A_1218 : vector<16xi32>
    %add3A_1220 = arith.addi %add3A_1216, %and3A_1219 : vector<16xi32>
    %swap3A_1221 = arith.constant 0 : index
    %swap3A_1222 = tpu.vector_load %arg6[%swap3A_1221] {strides = array<i32>} : memref<128xi32, #tpu.memory_space<vmem>>, vector<16xi32>,
    %swap3A_1223 = vector.shape_cast %swap3A_1222 : vector<16xi32> to vector<16xi32>
    %swap3A_1224 = vector.shape_cast %add3A_1220 : vector<16xi32> to vector<16xi32>
    tpu.vector_store %arg6[%swap3A_1221], %swap3A_1224 {strides = array<i32>} : memref<128xi32, #tpu.memory_space<vmem>>, vector<16xi32>,
    %get3A_1225 = arith.constant 3 : i32
    %get3A_1226 = arith.index_cast %get3A_1225 : i32 to index
    %get3A_1227 = arith.constant 16 : index
    %get3A_1228 = tpu.vector_load %arg5[%get3A_1226, %get3A_1227] {strides = array<i32>} : memref<4x128xi32, #tpu.memory_space<vmem>>, vector<1x16xi32>,
    %get3A_1229 = vector.shape_cast %get3A_1228 : vector<1x16xi32> to vector<16xi32>
    %shift_right_logical3A_1230 = arith.constant 7 : i32
    %shift_right_logical3A_1231 = vector.broadcast %shift_right_logical3A_1230 : i32 to vector<16xi32>
    %shift_right_logical3A_1232 = arith.shrui %get3A_1229, %shift_right_logical3A_1231 : vector<16xi32>
    %mul3A_1233 = arith.constant 21846 : i32
    %mul3A_1234 = vector.broadcast %mul3A_1233 : i32 to vector<16xi32>
    %mul3A_1235 = arith.muli %shift_right_logical3A_1232, %mul3A_1234 : vector<16xi32>
    %shift_right_logical3A_1236 = arith.constant 16 : i32
    %shift_right_logical3A_1237 = vector.broadcast %shift_right_logical3A_1236 : i32 to vector<16xi32>
    %shift_right_logical3A_1238 = arith.shrui %mul3A_1235, %shift_right_logical3A_1237 : vector<16xi32>
    %mul3A_1239 = arith.constant 3 : i32
    %mul3A_1240 = vector.broadcast %mul3A_1239 : i32 to vector<16xi32>
    %mul3A_1241 = arith.muli %mul3A_1240, %shift_right_logical3A_1238 : vector<16xi32>
    %sub3A_1242 = arith.subi %shift_right_logical3A_1232, %mul3A_1241 : vector<16xi32>
    %shift_right_logical3A_1243 = arith.constant 3 : i32
    %shift_right_logical3A_1244 = vector.broadcast %shift_right_logical3A_1243 : i32 to vector<16xi32>
    %shift_right_logical3A_1245 = arith.shrui %shift_right_logical3A_1238, %shift_right_logical3A_1244 : vector<16xi32>
    %mul3A_1246 = arith.constant 3 : i32
    %mul3A_1247 = vector.broadcast %mul3A_1246 : i32 to vector<16xi32>
    %mul3A_1248 = arith.muli %shift_right_logical3A_1245, %mul3A_1247 : vector<16xi32>
    %add3A_1249 = arith.addi %mul3A_1248, %sub3A_1242 : vector<16xi32>
    %shift_left3A_1250 = arith.constant 10 : i32
    %shift_left3A_1251 = vector.broadcast %shift_left3A_1250 : i32 to vector<16xi32>
    %shift_left3A_1252 = arith.shli %add3A_1249, %shift_left3A_1251 : vector<16xi32>
    %and3A_1253 = arith.constant 7 : i32
    %and3A_1254 = vector.broadcast %and3A_1253 : i32 to vector<16xi32>
    %and3A_1255 = arith.andi %shift_right_logical3A_1238, %and3A_1254 : vector<16xi32>
    %shift_left3A_1256 = arith.constant 7 : i32
    %shift_left3A_1257 = vector.broadcast %shift_left3A_1256 : i32 to vector<16xi32>
    %shift_left3A_1258 = arith.shli %and3A_1255, %shift_left3A_1257 : vector<16xi32>
    %add3A_1259 = arith.addi %shift_left3A_1252, %shift_left3A_1258 : vector<16xi32>
    %and3A_1260 = arith.constant 127 : i32
    %and3A_1261 = vector.broadcast %and3A_1260 : i32 to vector<16xi32>
    %and3A_1262 = arith.andi %get3A_1229, %and3A_1261 : vector<16xi32>
    %add3A_1263 = arith.addi %add3A_1259, %and3A_1262 : vector<16xi32>
    %swap3A_1264 = arith.constant 16 : index
    %swap3A_1265 = tpu.vector_load %arg6[%swap3A_1264] {strides = array<i32>} : memref<128xi32, #tpu.memory_space<vmem>>, vector<16xi32>,
    %swap3A_1266 = vector.shape_cast %swap3A_1265 : vector<16xi32> to vector<16xi32>
    %swap3A_1267 = vector.shape_cast %add3A_1263 : vector<16xi32> to vector<16xi32>
    tpu.vector_store %arg6[%swap3A_1264], %swap3A_1267 {strides = array<i32>} : memref<128xi32, #tpu.memory_space<vmem>>, vector<16xi32>,
    %get3A_1268 = arith.constant 3 : i32
    %get3A_1269 = arith.index_cast %get3A_1268 : i32 to index
    %get3A_1270 = arith.constant 32 : index
    %get3A_1271 = tpu.vector_load %arg5[%get3A_1269, %get3A_1270] {strides = array<i32>} : memref<4x128xi32, #tpu.memory_space<vmem>>, vector<1x16xi32>,
    %get3A_1272 = vector.shape_cast %get3A_1271 : vector<1x16xi32> to vector<16xi32>
    %shift_right_logical3A_1273 = arith.constant 7 : i32
    %shift_right_logical3A_1274 = vector.broadcast %shift_right_logical3A_1273 : i32 to vector<16xi32>
    %shift_right_logical3A_1275 = arith.shrui %get3A_1272, %shift_right_logical3A_1274 : vector<16xi32>
    %mul3A_1276 = arith.constant 21846 : i32
    %mul3A_1277 = vector.broadcast %mul3A_1276 : i32 to vector<16xi32>
    %mul3A_1278 = arith.muli %shift_right_logical3A_1275, %mul3A_1277 : vector<16xi32>
    %shift_right_logical3A_1279 = arith.constant 16 : i32
    %shift_right_logical3A_1280 = vector.broadcast %shift_right_logical3A_1279 : i32 to vector<16xi32>
    %shift_right_logical3A_1281 = arith.shrui %mul3A_1278, %shift_right_logical3A_1280 : vector<16xi32>
    %mul3A_1282 = arith.constant 3 : i32
    %mul3A_1283 = vector.broadcast %mul3A_1282 : i32 to vector<16xi32>
    %mul3A_1284 = arith.muli %mul3A_1283, %shift_right_logical3A_1281 : vector<16xi32>
    %sub3A_1285 = arith.subi %shift_right_logical3A_1275, %mul3A_1284 : vector<16xi32>
    %shift_right_logical3A_1286 = arith.constant 3 : i32
    %shift_right_logical3A_1287 = vector.broadcast %shift_right_logical3A_1286 : i32 to vector<16xi32>
    %shift_right_logical3A_1288 = arith.shrui %shift_right_logical3A_1281, %shift_right_logical3A_1287 : vector<16xi32>
    %mul3A_1289 = arith.constant 3 : i32
    %mul3A_1290 = vector.broadcast %mul3A_1289 : i32 to vector<16xi32>
    %mul3A_1291 = arith.muli %shift_right_logical3A_1288, %mul3A_1290 : vector<16xi32>
    %add3A_1292 = arith.addi %mul3A_1291, %sub3A_1285 : vector<16xi32>
    %shift_left3A_1293 = arith.constant 10 : i32
    %shift_left3A_1294 = vector.broadcast %shift_left3A_1293 : i32 to vector<16xi32>
    %shift_left3A_1295 = arith.shli %add3A_1292, %shift_left3A_1294 : vector<16xi32>
    %and3A_1296 = arith.constant 7 : i32
    %and3A_1297 = vector.broadcast %and3A_1296 : i32 to vector<16xi32>
    %and3A_1298 = arith.andi %shift_right_logical3A_1281, %and3A_1297 : vector<16xi32>
    %shift_left3A_1299 = arith.constant 7 : i32
    %shift_left3A_1300 = vector.broadcast %shift_left3A_1299 : i32 to vector<16xi32>
    %shift_left3A_1301 = arith.shli %and3A_1298, %shift_left3A_1300 : vector<16xi32>
    %add3A_1302 = arith.addi %shift_left3A_1295, %shift_left3A_1301 : vector<16xi32>
    %and3A_1303 = arith.constant 127 : i32
    %and3A_1304 = vector.broadcast %and3A_1303 : i32 to vector<16xi32>
    %and3A_1305 = arith.andi %get3A_1272, %and3A_1304 : vector<16xi32>
    %add3A_1306 = arith.addi %add3A_1302, %and3A_1305 : vector<16xi32>
    %swap3A_1307 = arith.constant 32 : index
    %swap3A_1308 = tpu.vector_load %arg6[%swap3A_1307] {strides = array<i32>} : memref<128xi32, #tpu.memory_space<vmem>>, vector<16xi32>,
    %swap3A_1309 = vector.shape_cast %swap3A_1308 : vector<16xi32> to vector<16xi32>
    %swap3A_1310 = vector.shape_cast %add3A_1306 : vector<16xi32> to vector<16xi32>
    tpu.vector_store %arg6[%swap3A_1307], %swap3A_1310 {strides = array<i32>} : memref<128xi32, #tpu.memory_space<vmem>>, vector<16xi32>,
    %get3A_1311 = arith.constant 3 : i32
    %get3A_1312 = arith.index_cast %get3A_1311 : i32 to index
    %get3A_1313 = arith.constant 48 : index
    %get3A_1314 = tpu.vector_load %arg5[%get3A_1312, %get3A_1313] {strides = array<i32>} : memref<4x128xi32, #tpu.memory_space<vmem>>, vector<1x16xi32>,
    %get3A_1315 = vector.shape_cast %get3A_1314 : vector<1x16xi32> to vector<16xi32>
    %shift_right_logical3A_1316 = arith.constant 7 : i32
    %shift_right_logical3A_1317 = vector.broadcast %shift_right_logical3A_1316 : i32 to vector<16xi32>
    %shift_right_logical3A_1318 = arith.shrui %get3A_1315, %shift_right_logical3A_1317 : vector<16xi32>
    %mul3A_1319 = arith.constant 21846 : i32
    %mul3A_1320 = vector.broadcast %mul3A_1319 : i32 to vector<16xi32>
    %mul3A_1321 = arith.muli %shift_right_logical3A_1318, %mul3A_1320 : vector<16xi32>
    %shift_right_logical3A_1322 = arith.constant 16 : i32
    %shift_right_logical3A_1323 = vector.broadcast %shift_right_logical3A_1322 : i32 to vector<16xi32>
    %shift_right_logical3A_1324 = arith.shrui %mul3A_1321, %shift_right_logical3A_1323 : vector<16xi32>
    %mul3A_1325 = arith.constant 3 : i32
    %mul3A_1326 = vector.broadcast %mul3A_1325 : i32 to vector<16xi32>
    %mul3A_1327 = arith.muli %mul3A_1326, %shift_right_logical3A_1324 : vector<16xi32>
    %sub3A_1328 = arith.subi %shift_right_logical3A_1318, %mul3A_1327 : vector<16xi32>
    %shift_right_logical3A_1329 = arith.constant 3 : i32
    %shift_right_logical3A_1330 = vector.broadcast %shift_right_logical3A_1329 : i32 to vector<16xi32>
    %shift_right_logical3A_1331 = arith.shrui %shift_right_logical3A_1324, %shift_right_logical3A_1330 : vector<16xi32>
    %mul3A_1332 = arith.constant 3 : i32
    %mul3A_1333 = vector.broadcast %mul3A_1332 : i32 to vector<16xi32>
    %mul3A_1334 = arith.muli %shift_right_logical3A_1331, %mul3A_1333 : vector<16xi32>
    %add3A_1335 = arith.addi %mul3A_1334, %sub3A_1328 : vector<16xi32>
    %shift_left3A_1336 = arith.constant 10 : i32
    %shift_left3A_1337 = vector.broadcast %shift_left3A_1336 : i32 to vector<16xi32>
    %shift_left3A_1338 = arith.shli %add3A_1335, %shift_left3A_1337 : vector<16xi32>
    %and3A_1339 = arith.constant 7 : i32
    %and3A_1340 = vector.broadcast %and3A_1339 : i32 to vector<16xi32>
    %and3A_1341 = arith.andi %shift_right_logical3A_1324, %and3A_1340 : vector<16xi32>
    %shift_left3A_1342 = arith.constant 7 : i32
    %shift_left3A_1343 = vector.broadcast %shift_left3A_1342 : i32 to vector<16xi32>
    %shift_left3A_1344 = arith.shli %and3A_1341, %shift_left3A_1343 : vector<16xi32>
    %add3A_1345 = arith.addi %shift_left3A_1338, %shift_left3A_1344 : vector<16xi32>
    %and3A_1346 = arith.constant 127 : i32
    %and3A_1347 = vector.broadcast %and3A_1346 : i32 to vector<16xi32>
    %and3A_1348 = arith.andi %get3A_1315, %and3A_1347 : vector<16xi32>
    %add3A_1349 = arith.addi %add3A_1345, %and3A_1348 : vector<16xi32>
    %swap3A_1350 = arith.constant 48 : index
    %swap3A_1351 = tpu.vector_load %arg6[%swap3A_1350] {strides = array<i32>} : memref<128xi32, #tpu.memory_space<vmem>>, vector<16xi32>,
    %swap3A_1352 = vector.shape_cast %swap3A_1351 : vector<16xi32> to vector<16xi32>
    %swap3A_1353 = vector.shape_cast %add3A_1349 : vector<16xi32> to vector<16xi32>
    tpu.vector_store %arg6[%swap3A_1350], %swap3A_1353 {strides = array<i32>} : memref<128xi32, #tpu.memory_space<vmem>>, vector<16xi32>,
    %get3A_1354 = arith.constant 3 : i32
    %get3A_1355 = arith.index_cast %get3A_1354 : i32 to index
    %get3A_1356 = arith.constant 64 : index
    %get3A_1357 = tpu.vector_load %arg5[%get3A_1355, %get3A_1356] {strides = array<i32>} : memref<4x128xi32, #tpu.memory_space<vmem>>, vector<1x16xi32>,
    %get3A_1358 = vector.shape_cast %get3A_1357 : vector<1x16xi32> to vector<16xi32>
    %shift_right_logical3A_1359 = arith.constant 7 : i32
    %shift_right_logical3A_1360 = vector.broadcast %shift_right_logical3A_1359 : i32 to vector<16xi32>
    %shift_right_logical3A_1361 = arith.shrui %get3A_1358, %shift_right_logical3A_1360 : vector<16xi32>
    %mul3A_1362 = arith.constant 21846 : i32
    %mul3A_1363 = vector.broadcast %mul3A_1362 : i32 to vector<16xi32>
    %mul3A_1364 = arith.muli %shift_right_logical3A_1361, %mul3A_1363 : vector<16xi32>
    %shift_right_logical3A_1365 = arith.constant 16 : i32
    %shift_right_logical3A_1366 = vector.broadcast %shift_right_logical3A_1365 : i32 to vector<16xi32>
    %shift_right_logical3A_1367 = arith.shrui %mul3A_1364, %shift_right_logical3A_1366 : vector<16xi32>
    %mul3A_1368 = arith.constant 3 : i32
    %mul3A_1369 = vector.broadcast %mul3A_1368 : i32 to vector<16xi32>
    %mul3A_1370 = arith.muli %mul3A_1369, %shift_right_logical3A_1367 : vector<16xi32>
    %sub3A_1371 = arith.subi %shift_right_logical3A_1361, %mul3A_1370 : vector<16xi32>
    %shift_right_logical3A_1372 = arith.constant 3 : i32
    %shift_right_logical3A_1373 = vector.broadcast %shift_right_logical3A_1372 : i32 to vector<16xi32>
    %shift_right_logical3A_1374 = arith.shrui %shift_right_logical3A_1367, %shift_right_logical3A_1373 : vector<16xi32>
    %mul3A_1375 = arith.constant 3 : i32
    %mul3A_1376 = vector.broadcast %mul3A_1375 : i32 to vector<16xi32>
    %mul3A_1377 = arith.muli %shift_right_logical3A_1374, %mul3A_1376 : vector<16xi32>
    %add3A_1378 = arith.addi %mul3A_1377, %sub3A_1371 : vector<16xi32>
    %shift_left3A_1379 = arith.constant 10 : i32
    %shift_left3A_1380 = vector.broadcast %shift_left3A_1379 : i32 to vector<16xi32>
    %shift_left3A_1381 = arith.shli %add3A_1378, %shift_left3A_1380 : vector<16xi32>
    %and3A_1382 = arith.constant 7 : i32
    %and3A_1383 = vector.broadcast %and3A_1382 : i32 to vector<16xi32>
    %and3A_1384 = arith.andi %shift_right_logical3A_1367, %and3A_1383 : vector<16xi32>
    %shift_left3A_1385 = arith.constant 7 : i32
    %shift_left3A_1386 = vector.broadcast %shift_left3A_1385 : i32 to vector<16xi32>
    %shift_left3A_1387 = arith.shli %and3A_1384, %shift_left3A_1386 : vector<16xi32>
    %add3A_1388 = arith.addi %shift_left3A_1381, %shift_left3A_1387 : vector<16xi32>
    %and3A_1389 = arith.constant 127 : i32
    %and3A_1390 = vector.broadcast %and3A_1389 : i32 to vector<16xi32>
    %and3A_1391 = arith.andi %get3A_1358, %and3A_1390 : vector<16xi32>
    %add3A_1392 = arith.addi %add3A_1388, %and3A_1391 : vector<16xi32>
    %swap3A_1393 = arith.constant 64 : index
    %swap3A_1394 = tpu.vector_load %arg6[%swap3A_1393] {strides = array<i32>} : memref<128xi32, #tpu.memory_space<vmem>>, vector<16xi32>,
    %swap3A_1395 = vector.shape_cast %swap3A_1394 : vector<16xi32> to vector<16xi32>
    %swap3A_1396 = vector.shape_cast %add3A_1392 : vector<16xi32> to vector<16xi32>
    tpu.vector_store %arg6[%swap3A_1393], %swap3A_1396 {strides = array<i32>} : memref<128xi32, #tpu.memory_space<vmem>>, vector<16xi32>,
    %get3A_1397 = arith.constant 3 : i32
    %get3A_1398 = arith.index_cast %get3A_1397 : i32 to index
    %get3A_1399 = arith.constant 80 : index
    %get3A_1400 = tpu.vector_load %arg5[%get3A_1398, %get3A_1399] {strides = array<i32>} : memref<4x128xi32, #tpu.memory_space<vmem>>, vector<1x16xi32>,
    %get3A_1401 = vector.shape_cast %get3A_1400 : vector<1x16xi32> to vector<16xi32>
    %shift_right_logical3A_1402 = arith.constant 7 : i32
    %shift_right_logical3A_1403 = vector.broadcast %shift_right_logical3A_1402 : i32 to vector<16xi32>
    %shift_right_logical3A_1404 = arith.shrui %get3A_1401, %shift_right_logical3A_1403 : vector<16xi32>
    %mul3A_1405 = arith.constant 21846 : i32
    %mul3A_1406 = vector.broadcast %mul3A_1405 : i32 to vector<16xi32>
    %mul3A_1407 = arith.muli %shift_right_logical3A_1404, %mul3A_1406 : vector<16xi32>
    %shift_right_logical3A_1408 = arith.constant 16 : i32
    %shift_right_logical3A_1409 = vector.broadcast %shift_right_logical3A_1408 : i32 to vector<16xi32>
    %shift_right_logical3A_1410 = arith.shrui %mul3A_1407, %shift_right_logical3A_1409 : vector<16xi32>
    %mul3A_1411 = arith.constant 3 : i32
    %mul3A_1412 = vector.broadcast %mul3A_1411 : i32 to vector<16xi32>
    %mul3A_1413 = arith.muli %mul3A_1412, %shift_right_logical3A_1410 : vector<16xi32>
    %sub3A_1414 = arith.subi %shift_right_logical3A_1404, %mul3A_1413 : vector<16xi32>
    %shift_right_logical3A_1415 = arith.constant 3 : i32
    %shift_right_logical3A_1416 = vector.broadcast %shift_right_logical3A_1415 : i32 to vector<16xi32>
    %shift_right_logical3A_1417 = arith.shrui %shift_right_logical3A_1410, %shift_right_logical3A_1416 : vector<16xi32>
    %mul3A_1418 = arith.constant 3 : i32
    %mul3A_1419 = vector.broadcast %mul3A_1418 : i32 to vector<16xi32>
    %mul3A_1420 = arith.muli %shift_right_logical3A_1417, %mul3A_1419 : vector<16xi32>
    %add3A_1421 = arith.addi %mul3A_1420, %sub3A_1414 : vector<16xi32>
    %shift_left3A_1422 = arith.constant 10 : i32
    %shift_left3A_1423 = vector.broadcast %shift_left3A_1422 : i32 to vector<16xi32>
    %shift_left3A_1424 = arith.shli %add3A_1421, %shift_left3A_1423 : vector<16xi32>
    %and3A_1425 = arith.constant 7 : i32
    %and3A_1426 = vector.broadcast %and3A_1425 : i32 to vector<16xi32>
    %and3A_1427 = arith.andi %shift_right_logical3A_1410, %and3A_1426 : vector<16xi32>
    %shift_left3A_1428 = arith.constant 7 : i32
    %shift_left3A_1429 = vector.broadcast %shift_left3A_1428 : i32 to vector<16xi32>
    %shift_left3A_1430 = arith.shli %and3A_1427, %shift_left3A_1429 : vector<16xi32>
    %add3A_1431 = arith.addi %shift_left3A_1424, %shift_left3A_1430 : vector<16xi32>
    %and3A_1432 = arith.constant 127 : i32
    %and3A_1433 = vector.broadcast %and3A_1432 : i32 to vector<16xi32>
    %and3A_1434 = arith.andi %get3A_1401, %and3A_1433 : vector<16xi32>
    %add3A_1435 = arith.addi %add3A_1431, %and3A_1434 : vector<16xi32>
    %swap3A_1436 = arith.constant 80 : index
    %swap3A_1437 = tpu.vector_load %arg6[%swap3A_1436] {strides = array<i32>} : memref<128xi32, #tpu.memory_space<vmem>>, vector<16xi32>,
    %swap3A_1438 = vector.shape_cast %swap3A_1437 : vector<16xi32> to vector<16xi32>
    %swap3A_1439 = vector.shape_cast %add3A_1435 : vector<16xi32> to vector<16xi32>
    tpu.vector_store %arg6[%swap3A_1436], %swap3A_1439 {strides = array<i32>} : memref<128xi32, #tpu.memory_space<vmem>>, vector<16xi32>,
    %get3A_1440 = arith.constant 3 : i32
    %get3A_1441 = arith.index_cast %get3A_1440 : i32 to index
    %get3A_1442 = arith.constant 96 : index
    %get3A_1443 = tpu.vector_load %arg5[%get3A_1441, %get3A_1442] {strides = array<i32>} : memref<4x128xi32, #tpu.memory_space<vmem>>, vector<1x16xi32>,
    %get3A_1444 = vector.shape_cast %get3A_1443 : vector<1x16xi32> to vector<16xi32>
    %shift_right_logical3A_1445 = arith.constant 7 : i32
    %shift_right_logical3A_1446 = vector.broadcast %shift_right_logical3A_1445 : i32 to vector<16xi32>
    %shift_right_logical3A_1447 = arith.shrui %get3A_1444, %shift_right_logical3A_1446 : vector<16xi32>
    %mul3A_1448 = arith.constant 21846 : i32
    %mul3A_1449 = vector.broadcast %mul3A_1448 : i32 to vector<16xi32>
    %mul3A_1450 = arith.muli %shift_right_logical3A_1447, %mul3A_1449 : vector<16xi32>
    %shift_right_logical3A_1451 = arith.constant 16 : i32
    %shift_right_logical3A_1452 = vector.broadcast %shift_right_logical3A_1451 : i32 to vector<16xi32>
    %shift_right_logical3A_1453 = arith.shrui %mul3A_1450, %shift_right_logical3A_1452 : vector<16xi32>
    %mul3A_1454 = arith.constant 3 : i32
    %mul3A_1455 = vector.broadcast %mul3A_1454 : i32 to vector<16xi32>
    %mul3A_1456 = arith.muli %mul3A_1455, %shift_right_logical3A_1453 : vector<16xi32>
    %sub3A_1457 = arith.subi %shift_right_logical3A_1447, %mul3A_1456 : vector<16xi32>
    %shift_right_logical3A_1458 = arith.constant 3 : i32
    %shift_right_logical3A_1459 = vector.broadcast %shift_right_logical3A_1458 : i32 to vector<16xi32>
    %shift_right_logical3A_1460 = arith.shrui %shift_right_logical3A_1453, %shift_right_logical3A_1459 : vector<16xi32>
    %mul3A_1461 = arith.constant 3 : i32
    %mul3A_1462 = vector.broadcast %mul3A_1461 : i32 to vector<16xi32>
    %mul3A_1463 = arith.muli %shift_right_logical3A_1460, %mul3A_1462 : vector<16xi32>
    %add3A_1464 = arith.addi %mul3A_1463, %sub3A_1457 : vector<16xi32>
    %shift_left3A_1465 = arith.constant 10 : i32
    %shift_left3A_1466 = vector.broadcast %shift_left3A_1465 : i32 to vector<16xi32>
    %shift_left3A_1467 = arith.shli %add3A_1464, %shift_left3A_1466 : vector<16xi32>
    %and3A_1468 = arith.constant 7 : i32
    %and3A_1469 = vector.broadcast %and3A_1468 : i32 to vector<16xi32>
    %and3A_1470 = arith.andi %shift_right_logical3A_1453, %and3A_1469 : vector<16xi32>
    %shift_left3A_1471 = arith.constant 7 : i32
    %shift_left3A_1472 = vector.broadcast %shift_left3A_1471 : i32 to vector<16xi32>
    %shift_left3A_1473 = arith.shli %and3A_1470, %shift_left3A_1472 : vector<16xi32>
    %add3A_1474 = arith.addi %shift_left3A_1467, %shift_left3A_1473 : vector<16xi32>
    %and3A_1475 = arith.constant 127 : i32
    %and3A_1476 = vector.broadcast %and3A_1475 : i32 to vector<16xi32>
    %and3A_1477 = arith.andi %get3A_1444, %and3A_1476 : vector<16xi32>
    %add3A_1478 = arith.addi %add3A_1474, %and3A_1477 : vector<16xi32>
    %swap3A_1479 = arith.constant 96 : index
    %swap3A_1480 = tpu.vector_load %arg6[%swap3A_1479] {strides = array<i32>} : memref<128xi32, #tpu.memory_space<vmem>>, vector<16xi32>,
    %swap3A_1481 = vector.shape_cast %swap3A_1480 : vector<16xi32> to vector<16xi32>
    %swap3A_1482 = vector.shape_cast %add3A_1478 : vector<16xi32> to vector<16xi32>
    tpu.vector_store %arg6[%swap3A_1479], %swap3A_1482 {strides = array<i32>} : memref<128xi32, #tpu.memory_space<vmem>>, vector<16xi32>,
    %get3A_1483 = arith.constant 3 : i32
    %get3A_1484 = arith.index_cast %get3A_1483 : i32 to index
    %get3A_1485 = arith.constant 112 : index
    %get3A_1486 = tpu.vector_load %arg5[%get3A_1484, %get3A_1485] {strides = array<i32>} : memref<4x128xi32, #tpu.memory_space<vmem>>, vector<1x16xi32>,
    %get3A_1487 = vector.shape_cast %get3A_1486 : vector<1x16xi32> to vector<16xi32>
    %shift_right_logical3A_1488 = arith.constant 7 : i32
    %shift_right_logical3A_1489 = vector.broadcast %shift_right_logical3A_1488 : i32 to vector<16xi32>
    %shift_right_logical3A_1490 = arith.shrui %get3A_1487, %shift_right_logical3A_1489 : vector<16xi32>
    %mul3A_1491 = arith.constant 21846 : i32
    %mul3A_1492 = vector.broadcast %mul3A_1491 : i32 to vector<16xi32>
    %mul3A_1493 = arith.muli %shift_right_logical3A_1490, %mul3A_1492 : vector<16xi32>
    %shift_right_logical3A_1494 = arith.constant 16 : i32
    %shift_right_logical3A_1495 = vector.broadcast %shift_right_logical3A_1494 : i32 to vector<16xi32>
    %shift_right_logical3A_1496 = arith.shrui %mul3A_1493, %shift_right_logical3A_1495 : vector<16xi32>
    %mul3A_1497 = arith.constant 3 : i32
    %mul3A_1498 = vector.broadcast %mul3A_1497 : i32 to vector<16xi32>
    %mul3A_1499 = arith.muli %mul3A_1498, %shift_right_logical3A_1496 : vector<16xi32>
    %sub3A_1500 = arith.subi %shift_right_logical3A_1490, %mul3A_1499 : vector<16xi32>
    %shift_right_logical3A_1501 = arith.constant 3 : i32
    %shift_right_logical3A_1502 = vector.broadcast %shift_right_logical3A_1501 : i32 to vector<16xi32>
    %shift_right_logical3A_1503 = arith.shrui %shift_right_logical3A_1496, %shift_right_logical3A_1502 : vector<16xi32>
    %mul3A_1504 = arith.constant 3 : i32
    %mul3A_1505 = vector.broadcast %mul3A_1504 : i32 to vector<16xi32>
    %mul3A_1506 = arith.muli %shift_right_logical3A_1503, %mul3A_1505 : vector<16xi32>
    %add3A_1507 = arith.addi %mul3A_1506, %sub3A_1500 : vector<16xi32>
    %shift_left3A_1508 = arith.constant 10 : i32
    %shift_left3A_1509 = vector.broadcast %shift_left3A_1508 : i32 to vector<16xi32>
    %shift_left3A_1510 = arith.shli %add3A_1507, %shift_left3A_1509 : vector<16xi32>
    %and3A_1511 = arith.constant 7 : i32
    %and3A_1512 = vector.broadcast %and3A_1511 : i32 to vector<16xi32>
    %and3A_1513 = arith.andi %shift_right_logical3A_1496, %and3A_1512 : vector<16xi32>
    %shift_left3A_1514 = arith.constant 7 : i32
    %shift_left3A_1515 = vector.broadcast %shift_left3A_1514 : i32 to vector<16xi32>
    %shift_left3A_1516 = arith.shli %and3A_1513, %shift_left3A_1515 : vector<16xi32>
    %add3A_1517 = arith.addi %shift_left3A_1510, %shift_left3A_1516 : vector<16xi32>
    %and3A_1518 = arith.constant 127 : i32
    %and3A_1519 = vector.broadcast %and3A_1518 : i32 to vector<16xi32>
    %and3A_1520 = arith.andi %get3A_1487, %and3A_1519 : vector<16xi32>
    %add3A_1521 = arith.addi %add3A_1517, %and3A_1520 : vector<16xi32>
    %swap3A_1522 = arith.constant 112 : index
    %swap3A_1523 = tpu.vector_load %arg6[%swap3A_1522] {strides = array<i32>} : memref<128xi32, #tpu.memory_space<vmem>>, vector<16xi32>,
    %swap3A_1524 = vector.shape_cast %swap3A_1523 : vector<16xi32> to vector<16xi32>
    %swap3A_1525 = vector.shape_cast %add3A_1521 : vector<16xi32> to vector<16xi32>
    tpu.vector_store %arg6[%swap3A_1522], %swap3A_1525 {strides = array<i32>} : memref<128xi32, #tpu.memory_space<vmem>>, vector<16xi32>,
    %scan3A_1526 = arith.constant 0 : i32
    %scan3A_1527 = arith.constant 1 : i32
    %scan3A_1528 = arith.constant 1 : i32
    %scan3A_1529 = arith.constant 0 : i32
    %scan3A_1530 = arith.constant 96 : i32
    %scan3A_1531 = arith.addi %scan3A_1529, %scan3A_1530 : i32
    %scan3A_1532 = arith.constant 2 : i32
    scf.for %scan3A_1666 = %scan3A_1529 to %scan3A_1531 step %scan3A_1532  : i32 {
      %add3A_1667 = arith.constant 288 : i32
      %add3A_1668 = arith.addi %add3A_1667, %scan3A_1666 : i32
      %mul3A_1669 = arith.constant 147456 : i32
      %mul3A_1670 = arith.muli %add3A_1668, %mul3A_1669 : i32
      %shift_right_logical3A_1671 = arith.constant 3 : i32
      %shift_right_logical3A_1672 = arith.shrui %scan3A_1666, %shift_right_logical3A_1671 : i32
      %and3A_1673 = arith.constant 7 : i32
      %and3A_1674 = arith.andi %scan3A_1666, %and3A_1673 : i32
      %get3A_1675 = arith.constant 0 : index
      %get3A_1676 = tpu.vector_load %arg6[%get3A_1675] {strides = array<i32>} : memref<128xi32, #tpu.memory_space<vmem>>, vector<16xi32>,
      %get3A_1677 = vector.shape_cast %get3A_1676 : vector<16xi32> to vector<16xi32>
      %add3A_1678 = vector.broadcast %mul3A_1670 : i32 to vector<16xi32>
      %add3A_1679 = arith.addi %get3A_1677, %add3A_1678 : vector<16xi32>
      %swap3A_1680 = arith.constant 0 : i32
      %swap3A_1681 = arith.constant 0 : i32
      %swap3A_1682 = tpu.memref_slice %arg7[%scan3A_1527, %swap3A_1680, %swap3A_1681] : memref<2x96x128xi32, #tpu.memory_space<vmem>> -> memref<1x96x128xi32, #tpu.memory_space<vmem>>
      %swap3A_1683 = tpu.memref_squeeze %swap3A_1682 : memref<1x96x128xi32, #tpu.memory_space<vmem>> -> memref<96x128xi32, #tpu.memory_space<vmem>>
      %swap3A_1684 = arith.index_cast %scan3A_1666 : i32 to index
      %swap3A_1685 = arith.constant 0 : index
      %swap3A_1686 = tpu.vector_load %swap3A_1683[%swap3A_1684, %swap3A_1685] {strides = array<i32>} : memref<96x128xi32, #tpu.memory_space<vmem>>, vector<1x16xi32>,
      %swap3A_1687 = vector.shape_cast %swap3A_1686 : vector<1x16xi32> to vector<16xi32>
      %swap3A_1688 = vector.shape_cast %add3A_1679 : vector<16xi32> to vector<1x16xi32>
      tpu.vector_store %swap3A_1683[%swap3A_1684, %swap3A_1685], %swap3A_1688 {strides = array<i32>} : memref<96x128xi32, #tpu.memory_space<vmem>>, vector<1x16xi32>,
      %get3A_1689 = arith.constant 16 : index
      %get3A_1690 = tpu.vector_load %arg6[%get3A_1689] {strides = array<i32>} : memref<128xi32, #tpu.memory_space<vmem>>, vector<16xi32>,
      %get3A_1691 = vector.shape_cast %get3A_1690 : vector<16xi32> to vector<16xi32>
      %add3A_1692 = vector.broadcast %mul3A_1670 : i32 to vector<16xi32>
      %add3A_1693 = arith.addi %get3A_1691, %add3A_1692 : vector<16xi32>
      %swap3A_1694 = arith.constant 0 : i32
      %swap3A_1695 = arith.constant 0 : i32
      %swap3A_1696 = tpu.memref_slice %arg7[%scan3A_1527, %swap3A_1694, %swap3A_1695] : memref<2x96x128xi32, #tpu.memory_space<vmem>> -> memref<1x96x128xi32, #tpu.memory_space<vmem>>
      %swap3A_1697 = tpu.memref_squeeze %swap3A_1696 : memref<1x96x128xi32, #tpu.memory_space<vmem>> -> memref<96x128xi32, #tpu.memory_space<vmem>>
      %swap3A_1698 = arith.index_cast %scan3A_1666 : i32 to index
      %swap3A_1699 = arith.constant 16 : index
      %swap3A_1700 = tpu.vector_load %swap3A_1697[%swap3A_1698, %swap3A_1699] {strides = array<i32>} : memref<96x128xi32, #tpu.memory_space<vmem>>, vector<1x16xi32>,
      %swap3A_1701 = vector.shape_cast %swap3A_1700 : vector<1x16xi32> to vector<16xi32>
      %swap3A_1702 = vector.shape_cast %add3A_1693 : vector<16xi32> to vector<1x16xi32>
      tpu.vector_store %swap3A_1697[%swap3A_1698, %swap3A_1699], %swap3A_1702 {strides = array<i32>} : memref<96x128xi32, #tpu.memory_space<vmem>>, vector<1x16xi32>,
      %get3A_1703 = arith.constant 32 : index
      %get3A_1704 = tpu.vector_load %arg6[%get3A_1703] {strides = array<i32>} : memref<128xi32, #tpu.memory_space<vmem>>, vector<16xi32>,
      %get3A_1705 = vector.shape_cast %get3A_1704 : vector<16xi32> to vector<16xi32>
      %add3A_1706 = vector.broadcast %mul3A_1670 : i32 to vector<16xi32>
      %add3A_1707 = arith.addi %get3A_1705, %add3A_1706 : vector<16xi32>
      %swap3A_1708 = arith.constant 0 : i32
      %swap3A_1709 = arith.constant 0 : i32
      %swap3A_1710 = tpu.memref_slice %arg7[%scan3A_1527, %swap3A_1708, %swap3A_1709] : memref<2x96x128xi32, #tpu.memory_space<vmem>> -> memref<1x96x128xi32, #tpu.memory_space<vmem>>
      %swap3A_1711 = tpu.memref_squeeze %swap3A_1710 : memref<1x96x128xi32, #tpu.memory_space<vmem>> -> memref<96x128xi32, #tpu.memory_space<vmem>>
      %swap3A_1712 = arith.index_cast %scan3A_1666 : i32 to index
      %swap3A_1713 = arith.constant 32 : index
      %swap3A_1714 = tpu.vector_load %swap3A_1711[%swap3A_1712, %swap3A_1713] {strides = array<i32>} : memref<96x128xi32, #tpu.memory_space<vmem>>, vector<1x16xi32>,
      %swap3A_1715 = vector.shape_cast %swap3A_1714 : vector<1x16xi32> to vector<16xi32>
      %swap3A_1716 = vector.shape_cast %add3A_1707 : vector<16xi32> to vector<1x16xi32>
      tpu.vector_store %swap3A_1711[%swap3A_1712, %swap3A_1713], %swap3A_1716 {strides = array<i32>} : memref<96x128xi32, #tpu.memory_space<vmem>>, vector<1x16xi32>,
      %get3A_1717 = arith.constant 48 : index
      %get3A_1718 = tpu.vector_load %arg6[%get3A_1717] {strides = array<i32>} : memref<128xi32, #tpu.memory_space<vmem>>, vector<16xi32>,
      %get3A_1719 = vector.shape_cast %get3A_1718 : vector<16xi32> to vector<16xi32>
      %add3A_1720 = vector.broadcast %mul3A_1670 : i32 to vector<16xi32>
      %add3A_1721 = arith.addi %get3A_1719, %add3A_1720 : vector<16xi32>
      %swap3A_1722 = arith.constant 0 : i32
      %swap3A_1723 = arith.constant 0 : i32
      %swap3A_1724 = tpu.memref_slice %arg7[%scan3A_1527, %swap3A_1722, %swap3A_1723] : memref<2x96x128xi32, #tpu.memory_space<vmem>> -> memref<1x96x128xi32, #tpu.memory_space<vmem>>
      %swap3A_1725 = tpu.memref_squeeze %swap3A_1724 : memref<1x96x128xi32, #tpu.memory_space<vmem>> -> memref<96x128xi32, #tpu.memory_space<vmem>>
      %swap3A_1726 = arith.index_cast %scan3A_1666 : i32 to index
      %swap3A_1727 = arith.constant 48 : index
      %swap3A_1728 = tpu.vector_load %swap3A_1725[%swap3A_1726, %swap3A_1727] {strides = array<i32>} : memref<96x128xi32, #tpu.memory_space<vmem>>, vector<1x16xi32>,
      %swap3A_1729 = vector.shape_cast %swap3A_1728 : vector<1x16xi32> to vector<16xi32>
      %swap3A_1730 = vector.shape_cast %add3A_1721 : vector<16xi32> to vector<1x16xi32>
      tpu.vector_store %swap3A_1725[%swap3A_1726, %swap3A_1727], %swap3A_1730 {strides = array<i32>} : memref<96x128xi32, #tpu.memory_space<vmem>>, vector<1x16xi32>,
      %get3A_1731 = arith.constant 64 : index
      %get3A_1732 = tpu.vector_load %arg6[%get3A_1731] {strides = array<i32>} : memref<128xi32, #tpu.memory_space<vmem>>, vector<16xi32>,
      %get3A_1733 = vector.shape_cast %get3A_1732 : vector<16xi32> to vector<16xi32>
      %add3A_1734 = vector.broadcast %mul3A_1670 : i32 to vector<16xi32>
      %add3A_1735 = arith.addi %get3A_1733, %add3A_1734 : vector<16xi32>
      %swap3A_1736 = arith.constant 0 : i32
      %swap3A_1737 = arith.constant 0 : i32
      %swap3A_1738 = tpu.memref_slice %arg7[%scan3A_1527, %swap3A_1736, %swap3A_1737] : memref<2x96x128xi32, #tpu.memory_space<vmem>> -> memref<1x96x128xi32, #tpu.memory_space<vmem>>
      %swap3A_1739 = tpu.memref_squeeze %swap3A_1738 : memref<1x96x128xi32, #tpu.memory_space<vmem>> -> memref<96x128xi32, #tpu.memory_space<vmem>>
      %swap3A_1740 = arith.index_cast %scan3A_1666 : i32 to index
      %swap3A_1741 = arith.constant 64 : index
      %swap3A_1742 = tpu.vector_load %swap3A_1739[%swap3A_1740, %swap3A_1741] {strides = array<i32>} : memref<96x128xi32, #tpu.memory_space<vmem>>, vector<1x16xi32>,
      %swap3A_1743 = vector.shape_cast %swap3A_1742 : vector<1x16xi32> to vector<16xi32>
      %swap3A_1744 = vector.shape_cast %add3A_1735 : vector<16xi32> to vector<1x16xi32>
      tpu.vector_store %swap3A_1739[%swap3A_1740, %swap3A_1741], %swap3A_1744 {strides = array<i32>} : memref<96x128xi32, #tpu.memory_space<vmem>>, vector<1x16xi32>,
      %get3A_1745 = arith.constant 80 : index
      %get3A_1746 = tpu.vector_load %arg6[%get3A_1745] {strides = array<i32>} : memref<128xi32, #tpu.memory_space<vmem>>, vector<16xi32>,
      %get3A_1747 = vector.shape_cast %get3A_1746 : vector<16xi32> to vector<16xi32>
      %add3A_1748 = vector.broadcast %mul3A_1670 : i32 to vector<16xi32>
      %add3A_1749 = arith.addi %get3A_1747, %add3A_1748 : vector<16xi32>
      %swap3A_1750 = arith.constant 0 : i32
      %swap3A_1751 = arith.constant 0 : i32
      %swap3A_1752 = tpu.memref_slice %arg7[%scan3A_1527, %swap3A_1750, %swap3A_1751] : memref<2x96x128xi32, #tpu.memory_space<vmem>> -> memref<1x96x128xi32, #tpu.memory_space<vmem>>
      %swap3A_1753 = tpu.memref_squeeze %swap3A_1752 : memref<1x96x128xi32, #tpu.memory_space<vmem>> -> memref<96x128xi32, #tpu.memory_space<vmem>>
      %swap3A_1754 = arith.index_cast %scan3A_1666 : i32 to index
      %swap3A_1755 = arith.constant 80 : index
      %swap3A_1756 = tpu.vector_load %swap3A_1753[%swap3A_1754, %swap3A_1755] {strides = array<i32>} : memref<96x128xi32, #tpu.memory_space<vmem>>, vector<1x16xi32>,
      %swap3A_1757 = vector.shape_cast %swap3A_1756 : vector<1x16xi32> to vector<16xi32>
      %swap3A_1758 = vector.shape_cast %add3A_1749 : vector<16xi32> to vector<1x16xi32>
      tpu.vector_store %swap3A_1753[%swap3A_1754, %swap3A_1755], %swap3A_1758 {strides = array<i32>} : memref<96x128xi32, #tpu.memory_space<vmem>>, vector<1x16xi32>,
      %get3A_1759 = arith.constant 96 : index
      %get3A_1760 = tpu.vector_load %arg6[%get3A_1759] {strides = array<i32>} : memref<128xi32, #tpu.memory_space<vmem>>, vector<16xi32>,
      %get3A_1761 = vector.shape_cast %get3A_1760 : vector<16xi32> to vector<16xi32>
      %add3A_1762 = vector.broadcast %mul3A_1670 : i32 to vector<16xi32>
      %add3A_1763 = arith.addi %get3A_1761, %add3A_1762 : vector<16xi32>
      %swap3A_1764 = arith.constant 0 : i32
      %swap3A_1765 = arith.constant 0 : i32
      %swap3A_1766 = tpu.memref_slice %arg7[%scan3A_1527, %swap3A_1764, %swap3A_1765] : memref<2x96x128xi32, #tpu.memory_space<vmem>> -> memref<1x96x128xi32, #tpu.memory_space<vmem>>
      %swap3A_1767 = tpu.memref_squeeze %swap3A_1766 : memref<1x96x128xi32, #tpu.memory_space<vmem>> -> memref<96x128xi32, #tpu.memory_space<vmem>>
      %swap3A_1768 = arith.index_cast %scan3A_1666 : i32 to index
      %swap3A_1769 = arith.constant 96 : index
      %swap3A_1770 = tpu.vector_load %swap3A_1767[%swap3A_1768, %swap3A_1769] {strides = array<i32>} : memref<96x128xi32, #tpu.memory_space<vmem>>, vector<1x16xi32>,
      %swap3A_1771 = vector.shape_cast %swap3A_1770 : vector<1x16xi32> to vector<16xi32>
      %swap3A_1772 = vector.shape_cast %add3A_1763 : vector<16xi32> to vector<1x16xi32>
      tpu.vector_store %swap3A_1767[%swap3A_1768, %swap3A_1769], %swap3A_1772 {strides = array<i32>} : memref<96x128xi32, #tpu.memory_space<vmem>>, vector<1x16xi32>,
      %get3A_1773 = arith.constant 112 : index
      %get3A_1774 = tpu.vector_load %arg6[%get3A_1773] {strides = array<i32>} : memref<128xi32, #tpu.memory_space<vmem>>, vector<16xi32>,
      %get3A_1775 = vector.shape_cast %get3A_1774 : vector<16xi32> to vector<16xi32>
      %add3A_1776 = vector.broadcast %mul3A_1670 : i32 to vector<16xi32>
      %add3A_1777 = arith.addi %get3A_1775, %add3A_1776 : vector<16xi32>
      %swap3A_1778 = arith.constant 0 : i32
      %swap3A_1779 = arith.constant 0 : i32
      %swap3A_1780 = tpu.memref_slice %arg7[%scan3A_1527, %swap3A_1778, %swap3A_1779] : memref<2x96x128xi32, #tpu.memory_space<vmem>> -> memref<1x96x128xi32, #tpu.memory_space<vmem>>
      %swap3A_1781 = tpu.memref_squeeze %swap3A_1780 : memref<1x96x128xi32, #tpu.memory_space<vmem>> -> memref<96x128xi32, #tpu.memory_space<vmem>>
      %swap3A_1782 = arith.index_cast %scan3A_1666 : i32 to index
      %swap3A_1783 = arith.constant 112 : index
      %swap3A_1784 = tpu.vector_load %swap3A_1781[%swap3A_1782, %swap3A_1783] {strides = array<i32>} : memref<96x128xi32, #tpu.memory_space<vmem>>, vector<1x16xi32>,
      %swap3A_1785 = vector.shape_cast %swap3A_1784 : vector<1x16xi32> to vector<16xi32>
      %swap3A_1786 = vector.shape_cast %add3A_1777 : vector<16xi32> to vector<1x16xi32>
      tpu.vector_store %swap3A_1781[%swap3A_1782, %swap3A_1783], %swap3A_1786 {strides = array<i32>} : memref<96x128xi32, #tpu.memory_space<vmem>>, vector<1x16xi32>,
      %dma_start3A_1787 = arith.constant 0 : i32
      %dma_start3A_1788 = arith.constant 0 : i32
      %dma_start3A_1789 = arith.constant 0 : i32
      %dma_start3A_1790 = tpu.memref_slice %arg8[%scan3A_1528, %dma_start3A_1787, %dma_start3A_1788, %dma_start3A_1789] : memref<2x12x8x128xf32, #tpu.memory_space<vmem>> -> memref<1x12x8x128xf32, #tpu.memory_space<vmem>>
      %dma_start3A_1791 = tpu.memref_squeeze %dma_start3A_1790 : memref<1x12x8x128xf32, #tpu.memory_space<vmem>> -> memref<12x8x128xf32, #tpu.memory_space<vmem>>
      %dma_start3A_1792 = arith.constant 0 : i32
      %dma_start3A_1793 = tpu.memref_slice %dma_start3A_1791[%shift_right_logical3A_1672, %and3A_1674, %dma_start3A_1792] : memref<12x8x128xf32, #tpu.memory_space<vmem>> -> memref<1x1x128xf32, #tpu.memory_space<vmem>>
      %dma_start3A_1794 = tpu.memref_squeeze %dma_start3A_1793 : memref<1x1x128xf32, #tpu.memory_space<vmem>> -> memref<128xf32, #tpu.memory_space<vmem>>
      %dma_start3A_1795 = arith.constant 0 : i32
      %dma_start3A_1796 = arith.constant 0 : i32
      %dma_start3A_1797 = tpu.memref_slice %arg7[%scan3A_1527, %dma_start3A_1795, %dma_start3A_1796] : memref<2x96x128xi32, #tpu.memory_space<vmem>> -> memref<1x96x128xi32, #tpu.memory_space<vmem>>
      %dma_start3A_1798 = tpu.memref_squeeze %dma_start3A_1797 : memref<1x96x128xi32, #tpu.memory_space<vmem>> -> memref<96x128xi32, #tpu.memory_space<vmem>>
      %dma_start3A_1799 = arith.constant 0 : i32
      %dma_start3A_1800 = tpu.memref_slice %dma_start3A_1798[%scan3A_1666, %dma_start3A_1799] : memref<96x128xi32, #tpu.memory_space<vmem>> -> memref<1x128xi32, #tpu.memory_space<vmem>>
      %dma_start3A_1801 = tpu.memref_squeeze %dma_start3A_1800 : memref<1x128xi32, #tpu.memory_space<vmem>> -> memref<128xi32, #tpu.memory_space<vmem>>
      %dma_start3A_1802 = arith.constant 0 : i32
      %dma_start3A_1803 = tpu.memref_slice %arg2[%dma_start3A_1802] : memref<56623104xf32, #tpu.memory_space<hbm>> -> memref<56623104xf32, #tpu.memory_space<hbm>>
      tpu.enqueue_indirect_dma source(%dma_start3A_1803 : memref<56623104xf32, #tpu.memory_space<hbm>>) target(%dma_start3A_1794 : memref<128xf32, #tpu.memory_space<vmem>>) offsets(%dma_start3A_1801 : memref<128xi32, #tpu.memory_space<vmem>>) semaphore(%arg10 : memref<!tpu.dma_semaphore, #tpu.memory_space<semaphore_mem>>)
      %scan3A_1804 = arith.constant 1 : i32
      %scan3A_1805 = arith.addi %scan3A_1666, %scan3A_1804 : i32
      %add3A_1806 = arith.constant 288 : i32
      %add3A_1807 = arith.addi %add3A_1806, %scan3A_1805 : i32
      %mul3A_1808 = arith.constant 147456 : i32
      %mul3A_1809 = arith.muli %add3A_1807, %mul3A_1808 : i32
      %shift_right_logical3A_1810 = arith.constant 3 : i32
      %shift_right_logical3A_1811 = arith.shrui %scan3A_1805, %shift_right_logical3A_1810 : i32
      %and3A_1812 = arith.constant 7 : i32
      %and3A_1813 = arith.andi %scan3A_1805, %and3A_1812 : i32
      %get3A_1814 = arith.constant 0 : index
      %get3A_1815 = tpu.vector_load %arg6[%get3A_1814] {strides = array<i32>} : memref<128xi32, #tpu.memory_space<vmem>>, vector<16xi32>,
      %get3A_1816 = vector.shape_cast %get3A_1815 : vector<16xi32> to vector<16xi32>
      %add3A_1817 = vector.broadcast %mul3A_1809 : i32 to vector<16xi32>
      %add3A_1818 = arith.addi %get3A_1816, %add3A_1817 : vector<16xi32>
      %swap3A_1819 = arith.constant 0 : i32
      %swap3A_1820 = arith.constant 0 : i32
      %swap3A_1821 = tpu.memref_slice %arg7[%scan3A_1527, %swap3A_1819, %swap3A_1820] : memref<2x96x128xi32, #tpu.memory_space<vmem>> -> memref<1x96x128xi32, #tpu.memory_space<vmem>>
      %swap3A_1822 = tpu.memref_squeeze %swap3A_1821 : memref<1x96x128xi32, #tpu.memory_space<vmem>> -> memref<96x128xi32, #tpu.memory_space<vmem>>
      %swap3A_1823 = arith.index_cast %scan3A_1805 : i32 to index
      %swap3A_1824 = arith.constant 0 : index
      %swap3A_1825 = tpu.vector_load %swap3A_1822[%swap3A_1823, %swap3A_1824] {strides = array<i32>} : memref<96x128xi32, #tpu.memory_space<vmem>>, vector<1x16xi32>,
      %swap3A_1826 = vector.shape_cast %swap3A_1825 : vector<1x16xi32> to vector<16xi32>
      %swap3A_1827 = vector.shape_cast %add3A_1818 : vector<16xi32> to vector<1x16xi32>
      tpu.vector_store %swap3A_1822[%swap3A_1823, %swap3A_1824], %swap3A_1827 {strides = array<i32>} : memref<96x128xi32, #tpu.memory_space<vmem>>, vector<1x16xi32>,
      %get3A_1828 = arith.constant 16 : index
      %get3A_1829 = tpu.vector_load %arg6[%get3A_1828] {strides = array<i32>} : memref<128xi32, #tpu.memory_space<vmem>>, vector<16xi32>,
      %get3A_1830 = vector.shape_cast %get3A_1829 : vector<16xi32> to vector<16xi32>
      %add3A_1831 = vector.broadcast %mul3A_1809 : i32 to vector<16xi32>
      %add3A_1832 = arith.addi %get3A_1830, %add3A_1831 : vector<16xi32>
      %swap3A_1833 = arith.constant 0 : i32
      %swap3A_1834 = arith.constant 0 : i32
      %swap3A_1835 = tpu.memref_slice %arg7[%scan3A_1527, %swap3A_1833, %swap3A_1834] : memref<2x96x128xi32, #tpu.memory_space<vmem>> -> memref<1x96x128xi32, #tpu.memory_space<vmem>>
      %swap3A_1836 = tpu.memref_squeeze %swap3A_1835 : memref<1x96x128xi32, #tpu.memory_space<vmem>> -> memref<96x128xi32, #tpu.memory_space<vmem>>
      %swap3A_1837 = arith.index_cast %scan3A_1805 : i32 to index
      %swap3A_1838 = arith.constant 16 : index
      %swap3A_1839 = tpu.vector_load %swap3A_1836[%swap3A_1837, %swap3A_1838] {strides = array<i32>} : memref<96x128xi32, #tpu.memory_space<vmem>>, vector<1x16xi32>,
      %swap3A_1840 = vector.shape_cast %swap3A_1839 : vector<1x16xi32> to vector<16xi32>
      %swap3A_1841 = vector.shape_cast %add3A_1832 : vector<16xi32> to vector<1x16xi32>
      tpu.vector_store %swap3A_1836[%swap3A_1837, %swap3A_1838], %swap3A_1841 {strides = array<i32>} : memref<96x128xi32, #tpu.memory_space<vmem>>, vector<1x16xi32>,
      %get3A_1842 = arith.constant 32 : index
      %get3A_1843 = tpu.vector_load %arg6[%get3A_1842] {strides = array<i32>} : memref<128xi32, #tpu.memory_space<vmem>>, vector<16xi32>,
      %get3A_1844 = vector.shape_cast %get3A_1843 : vector<16xi32> to vector<16xi32>
      %add3A_1845 = vector.broadcast %mul3A_1809 : i32 to vector<16xi32>
      %add3A_1846 = arith.addi %get3A_1844, %add3A_1845 : vector<16xi32>
      %swap3A_1847 = arith.constant 0 : i32
      %swap3A_1848 = arith.constant 0 : i32
      %swap3A_1849 = tpu.memref_slice %arg7[%scan3A_1527, %swap3A_1847, %swap3A_1848] : memref<2x96x128xi32, #tpu.memory_space<vmem>> -> memref<1x96x128xi32, #tpu.memory_space<vmem>>
      %swap3A_1850 = tpu.memref_squeeze %swap3A_1849 : memref<1x96x128xi32, #tpu.memory_space<vmem>> -> memref<96x128xi32, #tpu.memory_space<vmem>>
      %swap3A_1851 = arith.index_cast %scan3A_1805 : i32 to index
      %swap3A_1852 = arith.constant 32 : index
      %swap3A_1853 = tpu.vector_load %swap3A_1850[%swap3A_1851, %swap3A_1852] {strides = array<i32>} : memref<96x128xi32, #tpu.memory_space<vmem>>, vector<1x16xi32>,
      %swap3A_1854 = vector.shape_cast %swap3A_1853 : vector<1x16xi32> to vector<16xi32>
      %swap3A_1855 = vector.shape_cast %add3A_1846 : vector<16xi32> to vector<1x16xi32>
      tpu.vector_store %swap3A_1850[%swap3A_1851, %swap3A_1852], %swap3A_1855 {strides = array<i32>} : memref<96x128xi32, #tpu.memory_space<vmem>>, vector<1x16xi32>,
      %get3A_1856 = arith.constant 48 : index
      %get3A_1857 = tpu.vector_load %arg6[%get3A_1856] {strides = array<i32>} : memref<128xi32, #tpu.memory_space<vmem>>, vector<16xi32>,
      %get3A_1858 = vector.shape_cast %get3A_1857 : vector<16xi32> to vector<16xi32>
      %add3A_1859 = vector.broadcast %mul3A_1809 : i32 to vector<16xi32>
      %add3A_1860 = arith.addi %get3A_1858, %add3A_1859 : vector<16xi32>
      %swap3A_1861 = arith.constant 0 : i32
      %swap3A_1862 = arith.constant 0 : i32
      %swap3A_1863 = tpu.memref_slice %arg7[%scan3A_1527, %swap3A_1861, %swap3A_1862] : memref<2x96x128xi32, #tpu.memory_space<vmem>> -> memref<1x96x128xi32, #tpu.memory_space<vmem>>
      %swap3A_1864 = tpu.memref_squeeze %swap3A_1863 : memref<1x96x128xi32, #tpu.memory_space<vmem>> -> memref<96x128xi32, #tpu.memory_space<vmem>>
      %swap3A_1865 = arith.index_cast %scan3A_1805 : i32 to index
      %swap3A_1866 = arith.constant 48 : index
      %swap3A_1867 = tpu.vector_load %swap3A_1864[%swap3A_1865, %swap3A_1866] {strides = array<i32>} : memref<96x128xi32, #tpu.memory_space<vmem>>, vector<1x16xi32>,
      %swap3A_1868 = vector.shape_cast %swap3A_1867 : vector<1x16xi32> to vector<16xi32>
      %swap3A_1869 = vector.shape_cast %add3A_1860 : vector<16xi32> to vector<1x16xi32>
      tpu.vector_store %swap3A_1864[%swap3A_1865, %swap3A_1866], %swap3A_1869 {strides = array<i32>} : memref<96x128xi32, #tpu.memory_space<vmem>>, vector<1x16xi32>,
      %get3A_1870 = arith.constant 64 : index
      %get3A_1871 = tpu.vector_load %arg6[%get3A_1870] {strides = array<i32>} : memref<128xi32, #tpu.memory_space<vmem>>, vector<16xi32>,
      %get3A_1872 = vector.shape_cast %get3A_1871 : vector<16xi32> to vector<16xi32>
      %add3A_1873 = vector.broadcast %mul3A_1809 : i32 to vector<16xi32>
      %add3A_1874 = arith.addi %get3A_1872, %add3A_1873 : vector<16xi32>
      %swap3A_1875 = arith.constant 0 : i32
      %swap3A_1876 = arith.constant 0 : i32
      %swap3A_1877 = tpu.memref_slice %arg7[%scan3A_1527, %swap3A_1875, %swap3A_1876] : memref<2x96x128xi32, #tpu.memory_space<vmem>> -> memref<1x96x128xi32, #tpu.memory_space<vmem>>
      %swap3A_1878 = tpu.memref_squeeze %swap3A_1877 : memref<1x96x128xi32, #tpu.memory_space<vmem>> -> memref<96x128xi32, #tpu.memory_space<vmem>>
      %swap3A_1879 = arith.index_cast %scan3A_1805 : i32 to index
      %swap3A_1880 = arith.constant 64 : index
      %swap3A_1881 = tpu.vector_load %swap3A_1878[%swap3A_1879, %swap3A_1880] {strides = array<i32>} : memref<96x128xi32, #tpu.memory_space<vmem>>, vector<1x16xi32>,
      %swap3A_1882 = vector.shape_cast %swap3A_1881 : vector<1x16xi32> to vector<16xi32>
      %swap3A_1883 = vector.shape_cast %add3A_1874 : vector<16xi32> to vector<1x16xi32>
      tpu.vector_store %swap3A_1878[%swap3A_1879, %swap3A_1880], %swap3A_1883 {strides = array<i32>} : memref<96x128xi32, #tpu.memory_space<vmem>>, vector<1x16xi32>,
      %get3A_1884 = arith.constant 80 : index
      %get3A_1885 = tpu.vector_load %arg6[%get3A_1884] {strides = array<i32>} : memref<128xi32, #tpu.memory_space<vmem>>, vector<16xi32>,
      %get3A_1886 = vector.shape_cast %get3A_1885 : vector<16xi32> to vector<16xi32>
      %add3A_1887 = vector.broadcast %mul3A_1809 : i32 to vector<16xi32>
      %add3A_1888 = arith.addi %get3A_1886, %add3A_1887 : vector<16xi32>
      %swap3A_1889 = arith.constant 0 : i32
      %swap3A_1890 = arith.constant 0 : i32
      %swap3A_1891 = tpu.memref_slice %arg7[%scan3A_1527, %swap3A_1889, %swap3A_1890] : memref<2x96x128xi32, #tpu.memory_space<vmem>> -> memref<1x96x128xi32, #tpu.memory_space<vmem>>
      %swap3A_1892 = tpu.memref_squeeze %swap3A_1891 : memref<1x96x128xi32, #tpu.memory_space<vmem>> -> memref<96x128xi32, #tpu.memory_space<vmem>>
      %swap3A_1893 = arith.index_cast %scan3A_1805 : i32 to index
      %swap3A_1894 = arith.constant 80 : index
      %swap3A_1895 = tpu.vector_load %swap3A_1892[%swap3A_1893, %swap3A_1894] {strides = array<i32>} : memref<96x128xi32, #tpu.memory_space<vmem>>, vector<1x16xi32>,
      %swap3A_1896 = vector.shape_cast %swap3A_1895 : vector<1x16xi32> to vector<16xi32>
      %swap3A_1897 = vector.shape_cast %add3A_1888 : vector<16xi32> to vector<1x16xi32>
      tpu.vector_store %swap3A_1892[%swap3A_1893, %swap3A_1894], %swap3A_1897 {strides = array<i32>} : memref<96x128xi32, #tpu.memory_space<vmem>>, vector<1x16xi32>,
      %get3A_1898 = arith.constant 96 : index
      %get3A_1899 = tpu.vector_load %arg6[%get3A_1898] {strides = array<i32>} : memref<128xi32, #tpu.memory_space<vmem>>, vector<16xi32>,
      %get3A_1900 = vector.shape_cast %get3A_1899 : vector<16xi32> to vector<16xi32>
      %add3A_1901 = vector.broadcast %mul3A_1809 : i32 to vector<16xi32>
      %add3A_1902 = arith.addi %get3A_1900, %add3A_1901 : vector<16xi32>
      %swap3A_1903 = arith.constant 0 : i32
      %swap3A_1904 = arith.constant 0 : i32
      %swap3A_1905 = tpu.memref_slice %arg7[%scan3A_1527, %swap3A_1903, %swap3A_1904] : memref<2x96x128xi32, #tpu.memory_space<vmem>> -> memref<1x96x128xi32, #tpu.memory_space<vmem>>
      %swap3A_1906 = tpu.memref_squeeze %swap3A_1905 : memref<1x96x128xi32, #tpu.memory_space<vmem>> -> memref<96x128xi32, #tpu.memory_space<vmem>>
      %swap3A_1907 = arith.index_cast %scan3A_1805 : i32 to index
      %swap3A_1908 = arith.constant 96 : index
      %swap3A_1909 = tpu.vector_load %swap3A_1906[%swap3A_1907, %swap3A_1908] {strides = array<i32>} : memref<96x128xi32, #tpu.memory_space<vmem>>, vector<1x16xi32>,
      %swap3A_1910 = vector.shape_cast %swap3A_1909 : vector<1x16xi32> to vector<16xi32>
      %swap3A_1911 = vector.shape_cast %add3A_1902 : vector<16xi32> to vector<1x16xi32>
      tpu.vector_store %swap3A_1906[%swap3A_1907, %swap3A_1908], %swap3A_1911 {strides = array<i32>} : memref<96x128xi32, #tpu.memory_space<vmem>>, vector<1x16xi32>,
      %get3A_1912 = arith.constant 112 : index
      %get3A_1913 = tpu.vector_load %arg6[%get3A_1912] {strides = array<i32>} : memref<128xi32, #tpu.memory_space<vmem>>, vector<16xi32>,
      %get3A_1914 = vector.shape_cast %get3A_1913 : vector<16xi32> to vector<16xi32>
      %add3A_1915 = vector.broadcast %mul3A_1809 : i32 to vector<16xi32>
      %add3A_1916 = arith.addi %get3A_1914, %add3A_1915 : vector<16xi32>
      %swap3A_1917 = arith.constant 0 : i32
      %swap3A_1918 = arith.constant 0 : i32
      %swap3A_1919 = tpu.memref_slice %arg7[%scan3A_1527, %swap3A_1917, %swap3A_1918] : memref<2x96x128xi32, #tpu.memory_space<vmem>> -> memref<1x96x128xi32, #tpu.memory_space<vmem>>
      %swap3A_1920 = tpu.memref_squeeze %swap3A_1919 : memref<1x96x128xi32, #tpu.memory_space<vmem>> -> memref<96x128xi32, #tpu.memory_space<vmem>>
      %swap3A_1921 = arith.index_cast %scan3A_1805 : i32 to index
      %swap3A_1922 = arith.constant 112 : index
      %swap3A_1923 = tpu.vector_load %swap3A_1920[%swap3A_1921, %swap3A_1922] {strides = array<i32>} : memref<96x128xi32, #tpu.memory_space<vmem>>, vector<1x16xi32>,
      %swap3A_1924 = vector.shape_cast %swap3A_1923 : vector<1x16xi32> to vector<16xi32>
      %swap3A_1925 = vector.shape_cast %add3A_1916 : vector<16xi32> to vector<1x16xi32>
      tpu.vector_store %swap3A_1920[%swap3A_1921, %swap3A_1922], %swap3A_1925 {strides = array<i32>} : memref<96x128xi32, #tpu.memory_space<vmem>>, vector<1x16xi32>,
      %dma_start3A_1926 = arith.constant 0 : i32
      %dma_start3A_1927 = arith.constant 0 : i32
      %dma_start3A_1928 = arith.constant 0 : i32
      %dma_start3A_1929 = tpu.memref_slice %arg8[%scan3A_1528, %dma_start3A_1926, %dma_start3A_1927, %dma_start3A_1928] : memref<2x12x8x128xf32, #tpu.memory_space<vmem>> -> memref<1x12x8x128xf32, #tpu.memory_space<vmem>>
      %dma_start3A_1930 = tpu.memref_squeeze %dma_start3A_1929 : memref<1x12x8x128xf32, #tpu.memory_space<vmem>> -> memref<12x8x128xf32, #tpu.memory_space<vmem>>
      %dma_start3A_1931 = arith.constant 0 : i32
      %dma_start3A_1932 = tpu.memref_slice %dma_start3A_1930[%shift_right_logical3A_1811, %and3A_1813, %dma_start3A_1931] : memref<12x8x128xf32, #tpu.memory_space<vmem>> -> memref<1x1x128xf32, #tpu.memory_space<vmem>>
      %dma_start3A_1933 = tpu.memref_squeeze %dma_start3A_1932 : memref<1x1x128xf32, #tpu.memory_space<vmem>> -> memref<128xf32, #tpu.memory_space<vmem>>
      %dma_start3A_1934 = arith.constant 0 : i32
      %dma_start3A_1935 = arith.constant 0 : i32
      %dma_start3A_1936 = tpu.memref_slice %arg7[%scan3A_1527, %dma_start3A_1934, %dma_start3A_1935] : memref<2x96x128xi32, #tpu.memory_space<vmem>> -> memref<1x96x128xi32, #tpu.memory_space<vmem>>
      %dma_start3A_1937 = tpu.memref_squeeze %dma_start3A_1936 : memref<1x96x128xi32, #tpu.memory_space<vmem>> -> memref<96x128xi32, #tpu.memory_space<vmem>>
      %dma_start3A_1938 = arith.constant 0 : i32
      %dma_start3A_1939 = tpu.memref_slice %dma_start3A_1937[%scan3A_1805, %dma_start3A_1938] : memref<96x128xi32, #tpu.memory_space<vmem>> -> memref<1x128xi32, #tpu.memory_space<vmem>>
      %dma_start3A_1940 = tpu.memref_squeeze %dma_start3A_1939 : memref<1x128xi32, #tpu.memory_space<vmem>> -> memref<128xi32, #tpu.memory_space<vmem>>
      %dma_start3A_1941 = arith.constant 0 : i32
      %dma_start3A_1942 = tpu.memref_slice %arg2[%dma_start3A_1941] : memref<56623104xf32, #tpu.memory_space<hbm>> -> memref<56623104xf32, #tpu.memory_space<hbm>>
      tpu.enqueue_indirect_dma source(%dma_start3A_1942 : memref<56623104xf32, #tpu.memory_space<hbm>>) target(%dma_start3A_1933 : memref<128xf32, #tpu.memory_space<vmem>>) offsets(%dma_start3A_1940 : memref<128xi32, #tpu.memory_space<vmem>>) semaphore(%arg10 : memref<!tpu.dma_semaphore, #tpu.memory_space<semaphore_mem>>)
    }
    %scan3A_1533 = arith.constant 96 : i32
    %dma_wait3A_1534 = arith.constant 2 : i32
    %dma_wait3A_1535 = arith.constant 0 : i32
    %dma_wait3A_1536 = arith.constant 0 : i32
    %dma_wait3A_1537 = arith.constant 0 : i32
    %dma_wait3A_1538 = arith.constant 0 : i32
    %dma_wait3A_1539 = tpu.memref_slice %arg8[%dma_wait3A_1535, %dma_wait3A_1536, %dma_wait3A_1537, %dma_wait3A_1538] : memref<2x12x8x128xf32, #tpu.memory_space<vmem>> -> memref<1x12x8x128xf32, #tpu.memory_space<vmem>>
    %dma_wait3A_1540 = tpu.memref_squeeze %dma_wait3A_1539 : memref<1x12x8x128xf32, #tpu.memory_space<vmem>> -> memref<12x8x128xf32, #tpu.memory_space<vmem>>
    %dma_wait3A_1541 = arith.constant 0 : i32
    %dma_wait3A_1542 = arith.constant 0 : i32
    %dma_wait3A_1543 = arith.constant 0 : i32
    %dma_wait3A_1544 = tpu.memref_slice %arg4[%dma_wait3A_1534, %dma_wait3A_1541, %add3A, %dma_wait3A_1542, %dma_wait3A_1543] : memref<4x12x32x8x128xf32, #tpu.memory_space<hbm>> -> memref<1x12x1x8x128xf32, #tpu.memory_space<hbm>>
    %dma_wait3A_1545 = tpu.memref_squeeze %dma_wait3A_1544 : memref<1x12x1x8x128xf32, #tpu.memory_space<hbm>> -> memref<12x8x128xf32, #tpu.memory_space<hbm>>
    %dma_wait3A_1546 = arith.constant 0 : i32
    %dma_wait3A_1547 = arith.constant 0 : i32
    %dma_wait3A_1548 = arith.constant 0 : i32
    %dma_wait3A_1549 = tpu.memref_slice %arg8[%dma_wait3A_1535, %dma_wait3A_1546, %dma_wait3A_1547, %dma_wait3A_1548] : memref<2x12x8x128xf32, #tpu.memory_space<vmem>> -> memref<1x12x8x128xf32, #tpu.memory_space<vmem>>
    %dma_wait3A_1550 = tpu.memref_squeeze %dma_wait3A_1549 : memref<1x12x8x128xf32, #tpu.memory_space<vmem>> -> memref<12x8x128xf32, #tpu.memory_space<vmem>>
    %dma_wait3A_1551 = arith.constant 0 : i32
    %dma_wait3A_1552 = arith.constant 0 : i32
    %dma_wait3A_1553 = arith.constant 0 : i32
    %dma_wait3A_1554 = tpu.memref_slice %arg4[%dma_wait3A_1534, %dma_wait3A_1551, %add3A, %dma_wait3A_1552, %dma_wait3A_1553] : memref<4x12x32x8x128xf32, #tpu.memory_space<hbm>> -> memref<1x12x1x8x128xf32, #tpu.memory_space<hbm>>
    %dma_wait3A_1555 = tpu.memref_squeeze %dma_wait3A_1554 : memref<1x12x1x8x128xf32, #tpu.memory_space<hbm>> -> memref<12x8x128xf32, #tpu.memory_space<hbm>>
    tpu.wait_dma2 semaphore(%arg9 : memref<!tpu.dma_semaphore, #tpu.memory_space<semaphore_mem>>) src(%dma_wait3A_1555 : memref<12x8x128xf32, #tpu.memory_space<hbm>>) dst(%dma_wait3A_1550 : memref<12x8x128xf32, #tpu.memory_space<vmem>>)
    %dma_start3A_1556 = arith.constant 0 : i32
    %dma_start3A_1557 = arith.constant 2 : i32
    %dma_start3A_1558 = arith.constant 0 : i32
    %dma_start3A_1559 = arith.constant 0 : i32
    %dma_start3A_1560 = arith.constant 0 : i32
    %dma_start3A_1561 = tpu.memref_slice %arg8[%dma_start3A_1556, %dma_start3A_1558, %dma_start3A_1559, %dma_start3A_1560] : memref<2x12x8x128xf32, #tpu.memory_space<vmem>> -> memref<1x12x8x128xf32, #tpu.memory_space<vmem>>
    %dma_start3A_1562 = tpu.memref_squeeze %dma_start3A_1561 : memref<1x12x8x128xf32, #tpu.memory_space<vmem>> -> memref<12x8x128xf32, #tpu.memory_space<vmem>>
    %dma_start3A_1563 = arith.constant 0 : i32
    %dma_start3A_1564 = arith.constant 0 : i32
    %dma_start3A_1565 = arith.constant 0 : i32
    %dma_start3A_1566 = tpu.memref_slice %arg4[%dma_start3A_1557, %dma_start3A_1563, %add3A, %dma_start3A_1564, %dma_start3A_1565] : memref<4x12x32x8x128xf32, #tpu.memory_space<hbm>> -> memref<1x12x1x8x128xf32, #tpu.memory_space<hbm>>
    %dma_start3A_1567 = tpu.memref_squeeze %dma_start3A_1566 : memref<1x12x1x8x128xf32, #tpu.memory_space<hbm>> -> memref<12x8x128xf32, #tpu.memory_space<hbm>>
    %dma_start3A_1568 = arith.constant 0 : i32
    %dma_start3A_1569 = arith.constant 0 : i32
    %dma_start3A_1570 = arith.constant 0 : i32
    %dma_start3A_1571 = tpu.memref_slice %arg4[%dma_start3A_1557, %dma_start3A_1568, %add3A, %dma_start3A_1569, %dma_start3A_1570] : memref<4x12x32x8x128xf32, #tpu.memory_space<hbm>> -> memref<1x12x1x8x128xf32, #tpu.memory_space<hbm>>
    %dma_start3A_1572 = tpu.memref_squeeze %dma_start3A_1571 : memref<1x12x1x8x128xf32, #tpu.memory_space<hbm>> -> memref<12x8x128xf32, #tpu.memory_space<hbm>>
    %dma_start3A_1573 = arith.constant 0 : i32
    %dma_start3A_1574 = arith.constant 0 : i32
    %dma_start3A_1575 = arith.constant 0 : i32
    %dma_start3A_1576 = tpu.memref_slice %arg8[%dma_start3A_1556, %dma_start3A_1573, %dma_start3A_1574, %dma_start3A_1575] : memref<2x12x8x128xf32, #tpu.memory_space<vmem>> -> memref<1x12x8x128xf32, #tpu.memory_space<vmem>>
    %dma_start3A_1577 = tpu.memref_squeeze %dma_start3A_1576 : memref<1x12x8x128xf32, #tpu.memory_space<vmem>> -> memref<12x8x128xf32, #tpu.memory_space<vmem>>
    tpu.enqueue_dma source(%dma_start3A_1577 : memref<12x8x128xf32, #tpu.memory_space<vmem>>) target(%dma_start3A_1572 : memref<12x8x128xf32, #tpu.memory_space<hbm>>) target_semaphore(%arg11 : memref<!tpu.dma_semaphore, #tpu.memory_space<semaphore_mem>>)
    %dma_wait3A_1578 = arith.constant 3 : i32
    %dma_wait3A_1579 = arith.constant 1 : i32
    %dma_wait3A_1580 = arith.constant 0 : i32
    %dma_wait3A_1581 = arith.constant 0 : i32
    %dma_wait3A_1582 = arith.constant 0 : i32
    %dma_wait3A_1583 = tpu.memref_slice %arg8[%dma_wait3A_1579, %dma_wait3A_1580, %dma_wait3A_1581, %dma_wait3A_1582] : memref<2x12x8x128xf32, #tpu.memory_space<vmem>> -> memref<1x12x8x128xf32, #tpu.memory_space<vmem>>
    %dma_wait3A_1584 = tpu.memref_squeeze %dma_wait3A_1583 : memref<1x12x8x128xf32, #tpu.memory_space<vmem>> -> memref<12x8x128xf32, #tpu.memory_space<vmem>>
    %dma_wait3A_1585 = arith.constant 0 : i32
    %dma_wait3A_1586 = arith.constant 0 : i32
    %dma_wait3A_1587 = arith.constant 0 : i32
    %dma_wait3A_1588 = tpu.memref_slice %arg4[%dma_wait3A_1578, %dma_wait3A_1585, %add3A, %dma_wait3A_1586, %dma_wait3A_1587] : memref<4x12x32x8x128xf32, #tpu.memory_space<hbm>> -> memref<1x12x1x8x128xf32, #tpu.memory_space<hbm>>
    %dma_wait3A_1589 = tpu.memref_squeeze %dma_wait3A_1588 : memref<1x12x1x8x128xf32, #tpu.memory_space<hbm>> -> memref<12x8x128xf32, #tpu.memory_space<hbm>>
    %dma_wait3A_1590 = arith.constant 0 : i32
    %dma_wait3A_1591 = arith.constant 0 : i32
    %dma_wait3A_1592 = arith.constant 0 : i32
    %dma_wait3A_1593 = tpu.memref_slice %arg8[%dma_wait3A_1579, %dma_wait3A_1590, %dma_wait3A_1591, %dma_wait3A_1592] : memref<2x12x8x128xf32, #tpu.memory_space<vmem>> -> memref<1x12x8x128xf32, #tpu.memory_space<vmem>>
    %dma_wait3A_1594 = tpu.memref_squeeze %dma_wait3A_1593 : memref<1x12x8x128xf32, #tpu.memory_space<vmem>> -> memref<12x8x128xf32, #tpu.memory_space<vmem>>
    %dma_wait3A_1595 = arith.constant 0 : i32
    %dma_wait3A_1596 = arith.constant 0 : i32
    %dma_wait3A_1597 = arith.constant 0 : i32
    %dma_wait3A_1598 = tpu.memref_slice %arg4[%dma_wait3A_1578, %dma_wait3A_1595, %add3A, %dma_wait3A_1596, %dma_wait3A_1597] : memref<4x12x32x8x128xf32, #tpu.memory_space<hbm>> -> memref<1x12x1x8x128xf32, #tpu.memory_space<hbm>>
    %dma_wait3A_1599 = tpu.memref_squeeze %dma_wait3A_1598 : memref<1x12x1x8x128xf32, #tpu.memory_space<hbm>> -> memref<12x8x128xf32, #tpu.memory_space<hbm>>
    tpu.wait_dma2 semaphore(%arg10 : memref<!tpu.dma_semaphore, #tpu.memory_space<semaphore_mem>>) src(%dma_wait3A_1599 : memref<12x8x128xf32, #tpu.memory_space<hbm>>) dst(%dma_wait3A_1594 : memref<12x8x128xf32, #tpu.memory_space<vmem>>)
    %dma_start3A_1600 = arith.constant 1 : i32
    %dma_start3A_1601 = arith.constant 3 : i32
    %dma_start3A_1602 = arith.constant 0 : i32
    %dma_start3A_1603 = arith.constant 0 : i32
    %dma_start3A_1604 = arith.constant 0 : i32
    %dma_start3A_1605 = tpu.memref_slice %arg8[%dma_start3A_1600, %dma_start3A_1602, %dma_start3A_1603, %dma_start3A_1604] : memref<2x12x8x128xf32, #tpu.memory_space<vmem>> -> memref<1x12x8x128xf32, #tpu.memory_space<vmem>>
    %dma_start3A_1606 = tpu.memref_squeeze %dma_start3A_1605 : memref<1x12x8x128xf32, #tpu.memory_space<vmem>> -> memref<12x8x128xf32, #tpu.memory_space<vmem>>
    %dma_start3A_1607 = arith.constant 0 : i32
    %dma_start3A_1608 = arith.constant 0 : i32
    %dma_start3A_1609 = arith.constant 0 : i32
    %dma_start3A_1610 = tpu.memref_slice %arg4[%dma_start3A_1601, %dma_start3A_1607, %add3A, %dma_start3A_1608, %dma_start3A_1609] : memref<4x12x32x8x128xf32, #tpu.memory_space<hbm>> -> memref<1x12x1x8x128xf32, #tpu.memory_space<hbm>>
    %dma_start3A_1611 = tpu.memref_squeeze %dma_start3A_1610 : memref<1x12x1x8x128xf32, #tpu.memory_space<hbm>> -> memref<12x8x128xf32, #tpu.memory_space<hbm>>
    %dma_start3A_1612 = arith.constant 0 : i32
    %dma_start3A_1613 = arith.constant 0 : i32
    %dma_start3A_1614 = arith.constant 0 : i32
    %dma_start3A_1615 = tpu.memref_slice %arg4[%dma_start3A_1601, %dma_start3A_1612, %add3A, %dma_start3A_1613, %dma_start3A_1614] : memref<4x12x32x8x128xf32, #tpu.memory_space<hbm>> -> memref<1x12x1x8x128xf32, #tpu.memory_space<hbm>>
    %dma_start3A_1616 = tpu.memref_squeeze %dma_start3A_1615 : memref<1x12x1x8x128xf32, #tpu.memory_space<hbm>> -> memref<12x8x128xf32, #tpu.memory_space<hbm>>
    %dma_start3A_1617 = arith.constant 0 : i32
    %dma_start3A_1618 = arith.constant 0 : i32
    %dma_start3A_1619 = arith.constant 0 : i32
    %dma_start3A_1620 = tpu.memref_slice %arg8[%dma_start3A_1600, %dma_start3A_1617, %dma_start3A_1618, %dma_start3A_1619] : memref<2x12x8x128xf32, #tpu.memory_space<vmem>> -> memref<1x12x8x128xf32, #tpu.memory_space<vmem>>
    %dma_start3A_1621 = tpu.memref_squeeze %dma_start3A_1620 : memref<1x12x8x128xf32, #tpu.memory_space<vmem>> -> memref<12x8x128xf32, #tpu.memory_space<vmem>>
    tpu.enqueue_dma source(%dma_start3A_1621 : memref<12x8x128xf32, #tpu.memory_space<vmem>>) target(%dma_start3A_1616 : memref<12x8x128xf32, #tpu.memory_space<hbm>>) target_semaphore(%arg11 : memref<!tpu.dma_semaphore, #tpu.memory_space<semaphore_mem>>)
    %dma_wait3A_1622 = arith.constant 0 : i32
    %dma_wait3A_1623 = arith.constant 2 : i32
    %dma_wait3A_1624 = arith.constant 0 : i32
    %dma_wait3A_1625 = arith.constant 0 : i32
    %dma_wait3A_1626 = arith.constant 0 : i32
    %dma_wait3A_1627 = tpu.memref_slice %arg8[%dma_wait3A_1622, %dma_wait3A_1624, %dma_wait3A_1625, %dma_wait3A_1626] : memref<2x12x8x128xf32, #tpu.memory_space<vmem>> -> memref<1x12x8x128xf32, #tpu.memory_space<vmem>>
    %dma_wait3A_1628 = tpu.memref_squeeze %dma_wait3A_1627 : memref<1x12x8x128xf32, #tpu.memory_space<vmem>> -> memref<12x8x128xf32, #tpu.memory_space<vmem>>
    %dma_wait3A_1629 = arith.constant 0 : i32
    %dma_wait3A_1630 = arith.constant 0 : i32
    %dma_wait3A_1631 = arith.constant 0 : i32
    %dma_wait3A_1632 = tpu.memref_slice %arg4[%dma_wait3A_1623, %dma_wait3A_1629, %add3A, %dma_wait3A_1630, %dma_wait3A_1631] : memref<4x12x32x8x128xf32, #tpu.memory_space<hbm>> -> memref<1x12x1x8x128xf32, #tpu.memory_space<hbm>>
    %dma_wait3A_1633 = tpu.memref_squeeze %dma_wait3A_1632 : memref<1x12x1x8x128xf32, #tpu.memory_space<hbm>> -> memref<12x8x128xf32, #tpu.memory_space<hbm>>
    %dma_wait3A_1634 = arith.constant 0 : i32
    %dma_wait3A_1635 = arith.constant 0 : i32
    %dma_wait3A_1636 = arith.constant 0 : i32
    %dma_wait3A_1637 = tpu.memref_slice %arg4[%dma_wait3A_1623, %dma_wait3A_1634, %add3A, %dma_wait3A_1635, %dma_wait3A_1636] : memref<4x12x32x8x128xf32, #tpu.memory_space<hbm>> -> memref<1x12x1x8x128xf32, #tpu.memory_space<hbm>>
    %dma_wait3A_1638 = tpu.memref_squeeze %dma_wait3A_1637 : memref<1x12x1x8x128xf32, #tpu.memory_space<hbm>> -> memref<12x8x128xf32, #tpu.memory_space<hbm>>
    %dma_wait3A_1639 = arith.constant 0 : i32
    %dma_wait3A_1640 = arith.constant 0 : i32
    %dma_wait3A_1641 = arith.constant 0 : i32
    %dma_wait3A_1642 = tpu.memref_slice %arg8[%dma_wait3A_1622, %dma_wait3A_1639, %dma_wait3A_1640, %dma_wait3A_1641] : memref<2x12x8x128xf32, #tpu.memory_space<vmem>> -> memref<1x12x8x128xf32, #tpu.memory_space<vmem>>
    %dma_wait3A_1643 = tpu.memref_squeeze %dma_wait3A_1642 : memref<1x12x8x128xf32, #tpu.memory_space<vmem>> -> memref<12x8x128xf32, #tpu.memory_space<vmem>>
    tpu.wait_dma2 semaphore(%arg11 : memref<!tpu.dma_semaphore, #tpu.memory_space<semaphore_mem>>) src(%dma_wait3A_1643 : memref<12x8x128xf32, #tpu.memory_space<vmem>>) dst(%dma_wait3A_1638 : memref<12x8x128xf32, #tpu.memory_space<hbm>>)
    %dma_wait3A_1644 = arith.constant 1 : i32
    %dma_wait3A_1645 = arith.constant 3 : i32
    %dma_wait3A_1646 = arith.constant 0 : i32
    %dma_wait3A_1647 = arith.constant 0 : i32
    %dma_wait3A_1648 = arith.constant 0 : i32
    %dma_wait3A_1649 = tpu.memref_slice %arg8[%dma_wait3A_1644, %dma_wait3A_1646, %dma_wait3A_1647, %dma_wait3A_1648] : memref<2x12x8x128xf32, #tpu.memory_space<vmem>> -> memref<1x12x8x128xf32, #tpu.memory_space<vmem>>
    %dma_wait3A_1650 = tpu.memref_squeeze %dma_wait3A_1649 : memref<1x12x8x128xf32, #tpu.memory_space<vmem>> -> memref<12x8x128xf32, #tpu.memory_space<vmem>>
    %dma_wait3A_1651 = arith.constant 0 : i32
    %dma_wait3A_1652 = arith.constant 0 : i32
    %dma_wait3A_1653 = arith.constant 0 : i32
    %dma_wait3A_1654 = tpu.memref_slice %arg4[%dma_wait3A_1645, %dma_wait3A_1651, %add3A, %dma_wait3A_1652, %dma_wait3A_1653] : memref<4x12x32x8x128xf32, #tpu.memory_space<hbm>> -> memref<1x12x1x8x128xf32, #tpu.memory_space<hbm>>
    %dma_wait3A_1655 = tpu.memref_squeeze %dma_wait3A_1654 : memref<1x12x1x8x128xf32, #tpu.memory_space<hbm>> -> memref<12x8x128xf32, #tpu.memory_space<hbm>>
    %dma_wait3A_1656 = arith.constant 0 : i32
    %dma_wait3A_1657 = arith.constant 0 : i32
    %dma_wait3A_1658 = arith.constant 0 : i32
    %dma_wait3A_1659 = tpu.memref_slice %arg4[%dma_wait3A_1645, %dma_wait3A_1656, %add3A, %dma_wait3A_1657, %dma_wait3A_1658] : memref<4x12x32x8x128xf32, #tpu.memory_space<hbm>> -> memref<1x12x1x8x128xf32, #tpu.memory_space<hbm>>
    %dma_wait3A_1660 = tpu.memref_squeeze %dma_wait3A_1659 : memref<1x12x1x8x128xf32, #tpu.memory_space<hbm>> -> memref<12x8x128xf32, #tpu.memory_space<hbm>>
    %dma_wait3A_1661 = arith.constant 0 : i32
    %dma_wait3A_1662 = arith.constant 0 : i32
    %dma_wait3A_1663 = arith.constant 0 : i32
    %dma_wait3A_1664 = tpu.memref_slice %arg8[%dma_wait3A_1644, %dma_wait3A_1661, %dma_wait3A_1662, %dma_wait3A_1663] : memref<2x12x8x128xf32, #tpu.memory_space<vmem>> -> memref<1x12x8x128xf32, #tpu.memory_space<vmem>>
    %dma_wait3A_1665 = tpu.memref_squeeze %dma_wait3A_1664 : memref<1x12x8x128xf32, #tpu.memory_space<vmem>> -> memref<12x8x128xf32, #tpu.memory_space<vmem>>
    tpu.wait_dma2 semaphore(%arg11 : memref<!tpu.dma_semaphore, #tpu.memory_space<semaphore_mem>>) src(%dma_wait3A_1665 : memref<12x8x128xf32, #tpu.memory_space<vmem>>) dst(%dma_wait3A_1660 : memref<12x8x128xf32, #tpu.memory_space<hbm>>)
    return
  }
}

module attributes {stable_mosaic.version = 14 : i64} {
  func.func @body(%arg0: i32, %arg1: memref<1x96x4096xf32, #tpu.memory_space<vmem>>, %arg2: memref<1x96x4096xf32, #tpu.memory_space<vmem>>) attributes {dimension_semantics = [#tpu.dimension_semantics<arbitrary>], iteration_bounds = array<i64: 4>, scalar_prefetch = 0 : i64, scratch_operands = 0 : i64, tpu.core_type = #tpu.core_type<tc>, window_params = [{transform_indices = @transform_0, window_bounds = array<i64: 1, 96, 4096>}, {transform_indices = @transform_1, window_bounds = array<i64: 1, 96, 4096>}]} {
    %get3A = arith.constant 0 : index
    %get3A_0 = arith.constant 0 : index
    %get3A_1 = arith.constant 0 : index
    %get3A_2 = vector.load %arg1[%get3A, %get3A_0, %get3A_1] : memref<1x96x4096xf32, #tpu.memory_space<vmem>>, vector<1x96x4096xf32>
    %get3A_3 = vector.shape_cast %get3A_2 : vector<1x96x4096xf32> to vector<96x4096xf32>
    %mul3A = arith.mulf %get3A_3, %get3A_3 : vector<96x4096xf32>
    %reduce_sum3A = arith.constant dense<0.000000e+00> : vector<4096xf32>
    %reduce_sum3A_4 = vector.multi_reduction <add>, %mul3A, %reduce_sum3A [0] : vector<96x4096xf32> to vector<4096xf32>
    %broadcast_in_dim3A = vector.shape_cast %reduce_sum3A_4 : vector<4096xf32> to vector<1x4096xf32>
    %sqrt3A = math.sqrt %broadcast_in_dim3A : vector<1x4096xf32>
    %add3A = arith.constant 1.000000e-07 : f32
    %add3A_5 = vector.broadcast %add3A : f32 to vector<1x4096xf32>
    %add3A_6 = arith.addf %sqrt3A, %add3A_5 : vector<1x4096xf32>
    %div3A = vector.broadcast %add3A_6 : vector<1x4096xf32> to vector<96x4096xf32>
    %div3A_7 = arith.divf %get3A_3, %div3A : vector<96x4096xf32>
    %swap3A = arith.constant 0 : index
    %swap3A_8 = arith.constant 0 : index
    %swap3A_9 = arith.constant 0 : index
    %swap3A_10 = vector.load %arg2[%swap3A, %swap3A_8, %swap3A_9] : memref<1x96x4096xf32, #tpu.memory_space<vmem>>, vector<1x96x4096xf32>
    %swap3A_11 = vector.shape_cast %swap3A_10 : vector<1x96x4096xf32> to vector<96x4096xf32>
    %swap3A_12 = vector.shape_cast %div3A_7 : vector<96x4096xf32> to vector<1x96x4096xf32>
    tpu.vector_store %arg2[%swap3A, %swap3A_8, %swap3A_9], %swap3A_12 {strides = array<i32>} : memref<1x96x4096xf32, #tpu.memory_space<vmem>>, vector<1x96x4096xf32>,
    return
  }
  func.func @transform_0(%arg0: i32) -> (i32, i32, i32) {
    %c0_i32 = arith.constant 0 : i32
    %c0_i32_0 = arith.constant 0 : i32
    %c0_i32_1 = arith.constant 0 : i32
    return %arg0, %c0_i32, %c0_i32_0 : i32, i32, i32
  }
  func.func @transform_1(%arg0: i32) -> (i32, i32, i32) {
    %c0_i32 = arith.constant 0 : i32
    %c0_i32_0 = arith.constant 0 : i32
    %c0_i32_1 = arith.constant 0 : i32
    return %arg0, %c0_i32, %c0_i32_0 : i32, i32, i32
  }
}

</mosaic_0001>

<sc_bundles>
// kernel: kernel.4.cloned.1.call-start
scs
__scs_entry_jumppad:
0x0: {  	(pc) =	sbr.rel $0x88, $3  }
0x1: {  	(tag) =	ssettag $0x0;
	lr =	simm.s32 $0x1  }
0x2: {  	[smem:$0x3F9F] =	sst lr;
	_ =	strace $0xD0000000  }
0x3: {  	_ = 	snop  }
0x4: {  	_ = 	snop  }
0x5: {  	_ = 	snop  }
0x6: {  	_ = 	snop  }
0x7: {  	_ = 	snop  }
__scs_overlays_trampoline_lowered:
0x8: {  	[smem:$0x3FAE] =	sst s0  }
0x9: {  	[smem:$0x3FAF] =	sst s1  }
0xa: {  	[smem:$0x3FB0] =	sst s2  }
0xb: {  	[smem:$0x3FB1] =	sst s3  }
0xc: {  	[smem:$0x3FB2] =	sst s4  }
0xd: {  	[smem:$0x3FB3] =	sst s5  }
0xe: {  	[smem:$0x3FB4] =	sst s6  }
0xf: {  	[smem:$0x3FB5] =	sst s7  }
0x10: {  	[smem:$0x3FB6] =	sst s8  }
0x11: {  	[smem:$0x3FB7] =	sst s9;
	s0 =	simm.s32 @!p0 $0x0  }
0x12: {  	s1 =	sld [smem:$0x3F9D];
	s0 =	simm.s32 @p0 $0x1  }
0x13: {  	[smem:$0x3FB8] =	sst s0;
	s0 =	simm.s32 @!p1 $0x0  }
0x14: {  	s2 =	sld [smem:$0x3F9C];
	s0 =	simm.s32 @p1 $0x1  }
0x15: {  	[smem:$0x3FB9] =	sst s0;
	s0 =	simm.s32 @!p2 $0x0  }
0x16: {  	s3 =	sld [smem:$0x3FDB];
	s0 =	simm.s32 @p2 $0x1  }
0x17: {  	s4 =	simm.s32 $0x1BF5;
	[smem:$0x3FBB] =	sst s0  }
0x18: {  	s0 =	sld [smem:$0x3F9E];
	_ =	swait.ge [sflag:s4], $0x0  }
0x19: {  	s7 =	sld [smem:$0x3F9F]  }
0x1a: {  	s8 =	sadd.s32 $0xFFFFE003, lr  }
0x1b: {  	s9 =	sadd.s32 $0xFFFFFEF7, lr;
	s5 =	simm.s32 $0xFFFFFFFF;
	p2 =	slt.u32 s8, $0xFFFFF086  }
0x1c: {  	p1 =	slt.u32 s9, $0xF7A;
	s5 =	simm.s32 @!p2 $0x0  }
0x1d: {  	s5 =	simm.s32 @p1 $0x1;
	p0 =	seq.s32 s7, s2  }
0x1e: {  	s7 =	smul.u32 @!p0 $0xF7A, s2;
	p2 =	seq.s32 @!p0 s5, $0x0  }
0x1f: {  	s9 =	smul.u32 $0xF7A, s1;
	s8 =	simm.s32 @!p0 $0x1BF5;
	p2 =	por !p2, p0  }
0x20: {  	[sflag:s8] =	ssyncset.s32 @!p0 $0xFFFFF086;
	s6 =	sadd.s32 @!p0 s3, s7;
	s7 =	simm.s32 @!p0 $0x108  }
0x21: {  	s3 =	sadd.s32 s3, s9;
	s6 =	sadd.s32 @!p0 $0x88, s6;
	s7 =	simm.s32 @p2 $0x1082  }
0x22: {  	[simem:s7], [sflag:s8] =	dma.local @!p0 [hbm:s6], $0xF7A  }
0x23: {  	s9 =	sor.u32 $0xD0000000, s2;
	s6 =	simm.s32 $0x108;
	_ =	swait.ge @!p0 [sflag:s8], $0x0  }
0x24: {  	s3 =	sadd.s32 $0x88, s3;
	s6 =	simm.s32 @!p1 $0x1082;
	[sflag:s4] =	ssyncset.s32 $0xFFFFF086  }
0x25: {  	[simem:s6], [sflag:s4] =	dma.local [hbm:s3], $0xF7A  }
0x26: {  	[smem:$0x3F9F] =	sst s1;
	(tag) =	ssettag s2;
	_ =	strace s9  }
0x27: {  	s1 =	sld [smem:$0x3FAF]  }
0x28: {  	s2 =	sld [smem:$0x3FB0]  }
0x29: {  	s4 =	sld [smem:$0x3FB2]  }
0x2a: {  	p0 =	seq.s32 s5, $0x0;
	s5 =	sld [smem:$0x3FB3]  }
0x2b: {  	s6 =	sld [smem:$0x3FB4]  }
0x2c: {  	s7 =	sld [smem:$0x3FB5]  }
0x2d: {  	s3 =	simm.s32 $0x108;
	s8 =	sld [smem:$0x3FB6]  }
0x2e: {  	s3 =	simm.s32 @!p0 $0x1082;
	s9 =	sld [smem:$0x3FB7]  }
0x2f: {  	lr =	sadd.s32 s0, s3;
	s0 =	sld [smem:$0x3FAE]  }
0x30: {  	s3 =	sld [smem:$0x3FB1]  }
0x31: {  	[smem:$0x3FBA] =	sst s10  }
0x32: {  	s10 =	sld [smem:$0x3FB8];
	_ =	sdelay $0x3  }
0x33: {  	p0 =	seq.s32 s10, $0x1;
	s10 =	sld [smem:$0x3FBA];
	_ =	sdelay $0x3  }
0x34: {  	[smem:$0x3FBA] =	sst s10  }
0x35: {  	s10 =	sld [smem:$0x3FB9];
	_ =	sdelay $0x3  }
0x36: {  	p1 =	seq.s32 s10, $0x1;
	s10 =	sld [smem:$0x3FBA];
	_ =	sdelay $0x3  }
0x37: {  	[smem:$0x3FBA] =	sst s10  }
0x38: {  	s10 =	sld [smem:$0x3FBB]  }
0x39: {  	_ = 	snop;
	(pc) =	sbr.ind lr, $3  }
0x3a: {  	_ = 	snop  }
0x3b: {  	_ = 	snop  }
0x3c: {  	p2 =	seq.s32 s10, $0x1;
	s10 =	sld [smem:$0x3FBA]  }
0x3d: {  	_ =	shalt  }
0x3e: {  	_ =	shalt  }
0x3f: {  	_ =	shalt  }
0x40: {  	_ =	shalt  }
0x41: {  	_ =	shalt  }
0x42: {  	_ =	shalt  }
0x43: {  	_ =	shalt  }
0x44: {  	_ =	shalt  }
0x45: {  	_ =	shalt  }
0x46: {  	_ =	shalt  }
0x47: {  	_ =	shalt  }
0x48: {  	_ =	shalt  }
0x49: {  	_ =	shalt  }
0x4a: {  	_ =	shalt  }
0x4b: {  	_ =	shalt  }
0x4c: {  	_ =	shalt  }
0x4d: {  	_ =	shalt  }
0x4e: {  	_ =	shalt  }
0x4f: {  	_ =	shalt  }
0x50: {  	_ =	shalt  }
0x51: {  	_ =	shalt  }
0x52: {  	_ =	shalt  }
0x53: {  	_ =	shalt  }
0x54: {  	_ =	shalt  }
0x55: {  	_ =	shalt  }
0x56: {  	_ =	shalt  }
0x57: {  	_ =	shalt  }
0x58: {  	_ =	shalt  }
0x59: {  	_ =	shalt  }
0x5a: {  	_ =	shalt  }
0x5b: {  	_ =	shalt  }
0x5c: {  	_ =	shalt  }
0x5d: {  	_ =	shalt  }
0x5e: {  	_ =	shalt  }
0x5f: {  	_ =	shalt  }
0x60: {  	_ =	shalt  }
0x61: {  	_ =	shalt  }
0x62: {  	_ =	shalt  }
0x63: {  	_ =	shalt  }
0x64: {  	_ =	shalt  }
0x65: {  	_ =	shalt  }
0x66: {  	_ =	shalt  }
0x67: {  	_ =	shalt  }
0x68: {  	_ =	shalt  }
0x69: {  	_ =	shalt  }
0x6a: {  	_ =	shalt  }
0x6b: {  	_ =	shalt  }
0x6c: {  	_ =	shalt  }
0x6d: {  	_ =	shalt  }
0x6e: {  	_ =	shalt  }
0x6f: {  	_ =	shalt  }
0x70: {  	_ =	shalt  }
0x71: {  	_ =	shalt  }
0x72: {  	_ =	shalt  }
0x73: {  	_ =	shalt  }
0x74: {  	_ =	shalt  }
0x75: {  	_ =	shalt  }
0x76: {  	_ =	shalt  }
0x77: {  	_ =	shalt  }
0x78: {  	_ =	shalt  }
0x79: {  	_ =	shalt  }
0x7a: {  	_ =	shalt  }
0x7b: {  	_ =	shalt  }
0x7c: {  	_ =	shalt  }
0x7d: {  	_ =	shalt  }
0x7e: {  	_ =	shalt  }
0x7f: {  	_ =	shalt  }
0x80: {  	_ =	shalt  }
0x81: {  	_ =	shalt  }
0x82: {  	_ =	shalt  }
0x83: {  	_ =	shalt  }
0x84: {  	_ =	shalt  }
0x85: {  	_ =	shalt  }
0x86: {  	_ =	shalt  }
0x87: {  	_ =	shalt  }
.Lfunc_end0:
.L_simem_size_0:
called_computation_lowered:
.L_overlay_start_0:
0x88: {  	s2 =	sld [smem:$0x3FD9]  }
0x89: {  	s3 =	sld [smem:$0x3FFE];
	_ =	sdelay $0x1  }
0x8a: {  	s1 =	srdreg.scid  }
0x8b: {  	s0 =	sand.u32 $0x1, s1  }
0x8c: {  	s18 =	sshll.u32 s0, $0xA;
	s2 =	sadd.s32 s3, s2  }
0x8d: {  	s2 =	sadd.s32 s2, s18  }
0x8e: {  	[smem:$0x3FC6] =	sst s2  }
0x8f: {  	_ = 	snop  }
0x90: {  	s2 =	sld [smem:$0x3FC9]  }
0x91: {  	s19 =	sld [smem:$0x3FC8]  }
0x92: {  	s4 =	sld [smem:$0x3FD0];
	(tm) =	ssettm $0x1  }
0x93: {  	s5 =	sld [smem:$0x3FFB];
	_ =	sdelay $0x3  }
0x94: {  	_ =	strace s5  }
0x95: {  	s5 =	sld [smem:$0x3FFC];
	_ =	sdelay $0x3  }
0x96: {  	_ =	strace s5  }
0x97: {  	s5 =	sld [smem:$0x3FFD];
	_ =	sdelay $0x3  }
0x98: {  	_ =	strace s5  }
0x99: {  	_ =	strace $0x8FFFFFFF  }
0x9a: {  	s20 =	sld [smem:$0x3FDB];
	_ =	sdelay $0x1  }
0x9b: {  	s6 =	simm.s32 $_scs_section_size  }
0x9c: {  	s7 =	simm.s32 $_size__tile_overlayer_lowered;
	s8 =	simm.s32 $_tile_overlayer_lowered  }
0x9d: {  	s23 =	simm.s32 $0x1BFF;
	s22 =	sshll.u32 s8, $0x1;
	s5 =	sadd.s32 s6, s20  }
0x9e: {  	s9 =	simm.s32 $0x0;
	s21 =	sshll.u32 s7, $0x1;
	s7 =	sadd.s32 s22, s5  }
0x9f: {  	[timem:s9], [sflag:s23] =	dma.local [hbm:s7], s21  }
0xa0: {  	_ =	swait.ge [sflag:s23], s21  }
0xa1: {  	s6 =	ssub.s32 $0x0, s21;
	[sflag:s23] =	ssyncset.done $0x0  }
0xa2: {  	[sflag:s23] =	ssyncadd.s32 s6;
	_ =	sdelay $0x1  }
0xa3: {  	s24 =	simm.s32 $0x1B8B  }
0xa4: {  	_ =	swait.ge [sflag:s24], $0x1  }
0xa5: {  	[sflag:s24] =	ssyncset.done $0x0  }
0xa6: {  	s25 =	simm.s32 $0x1B8E;
	[sflag:s24] =	ssyncadd.s32 $0xFFFFFFFF  }
0xa7: {  	s26 =	simm.s32 $execute0_lowered;
	[smem:$0x3FD2] =	sst s25  }
0xa8: {  	s6 =	sshll.u32 s26, $0x1;
	_ =	strace $0x80000046;
	[dreg:$0x1] =	wrdreg $0xFFFFFFFF  }
0xa9: {  	s28 =	simm.s32 $_size_execute0_lowered;
	s5 =	sadd.s32 s5, s6;
	[dreg:$0x0] =	wrdreg $0x0  }
0xaa: {  	s6 =	sshll.u32 s28, $0x1;
	[dreg:$0x2] =	wrdreg s5  }
0xab: {  	[dreg:$0x3] =	wrdreg s6  }
0xac: {  	[dreg:$0x4] =	wrdreg $0xC0  }
0xad: {  	_ =	task [dreg:s9], $0x5FFFF  }
0xae: {  	[dreg:$0x1] =	wrdreg $0xFFFFFFFF  }
0xaf: {  	[dreg:$0x0] =	wrdreg $0x60  }
0xb0: {  	[dreg:$0x2] =	wrdreg s2  }
0xb1: {  	[dreg:$0x3] =	wrdreg s19  }
0xb2: {  	[dreg:$0x4] =	wrdreg s4  }
0xb3: {  	[dreg:$0x5] =	wrdreg $0x9  }
0xb4: {  	_ =	task.clear_ibuf [dreg:s9], $0x6FFFF;
	_ =	strace $0x90000046  }
0xb5: {  	s29 =	simm.s32 $0x9;
	_ =	strace $0x80000048  }
0xb6: {  	_ =	swait.ge [sflag:s29], $0x1  }
0xb7: {  	[sflag:s29] =	ssyncadd.s32 $0xFFFFFFFF  }
0xb8: {  	_ =	strace $0x90000048  }
0xb9: {  	_ =	sfence  }
0xba: {  	s30 =	sld [smem:$0x0];
	_ =	sdelay $0x2  }
0xbb: {  	s31 =	sshll.u32 s1, $0xD;
	s1 =	sshrl.u32 s1, $0x2  }
0xbc: {  	s3 =	sand.u32 $0x4000, s31;
	s1 =	sadd.s32 s1, s30  }
0xbd: {  	s0 =	sor.u32 s3, s0;
	s1 =	sshll.u32 s1, $0x11  }
0xbe: {  	s0 =	sor.u32 s1, s0  }
0xbf: {  	s0 =	sadd.s32 $0x8F2B, s0  }
0xc0: {  	[sflag:s0] =	ssyncadd.remote.s32 $0x1  }
0xc1: {  	_ =	sfence.sel $0xFFFF  }
0xc2: {  	[dreg:$0x0] =	wrdreg $0xFFFFFFFF;
	(pc) =	sbr.abs _section_cstart, $3  }
0xc3: {  	[dreg:$0x1] =	wrdreg $0xFFFFFFFF  }
0xc4: {  	_ =	task.clear_ibuf [dreg:s9], $0x2FFFF;
	_ =	strace $0x9FFFFFFF  }
0xc5: {  	(tm) =	ssettm $0x7FFFFFFF  }
tec
execute0_lowered:
.L_overlay_start_1:
0x0: {  	(tag) =	ssettag $0x1  }
0x1: {  	s1 =	rddreg [dreg:$0x0]  }
0x2: {  	s4 =	rddreg [dreg:$0x1]  }
0x3: {  	s5 =	rddreg [dreg:$0x2]  }
0x4: {  	s0 =	rddreg [dreg:$0x3]  }
0x5: {  	s3 =	simm.s32 $0x0;
	s6 =	srdreg.scid;
	s2 =	stileid.u32  }
0x6: {  	s11 =	simm.s32 $0x4;
	s12 =	simm.s32 $0x80;
	s13 =	simm.s32 $0x1  }
0x7: {  	s14 =	simm.s32 $0x400;
	s15 =	simm.s32 $0x8000;
	s16 =	simm.s32 $0x6280  }
0x8: {  	s17 =	simm.s32 $0x3;
	s18 =	simm.s32 $0x2;
	s19 =	simm.s32 $0x9280  }
0x9: {  	s20 =	simm.s32 $0x0;
	s6 =	sand.u32 $0x1, s6;
	s7 =	sshll.u32 s2, $0x1  }
0xa: {  	[smem:$0x7FF] =	sst s3;
	s8 =	ssub.s32 $0x2, s6;
	s6 =	sor.u32 s6, s7  }
0xb: {  	s31 =	sshrl.u32 s8, $0x1;
	s9 =	sshll.u32 s6, $0x4;
	s6 =	sshll.u32 s6, $0x7  }
0xc: {  	_ =	strace $0x80000047;
	s10 =	ssub.s32 s8, s31;
	s5 =	sadd.s32 s5, s6  }
0xd: {  	s4 =	sadd.s32 s4, s9;
	s6 =	sadd.s32 $0xC000, s5;
	s7 =	sadd.s32 $0x18000, s5  }
0xe: {  	s8 =	sadd.s32 $0x24000, s5;
	s9 =	smax.u32 s10, $0x1;
	s10 =	simm.s32 $0x1000  }
.LBB2_1:
0xf: {  	[tilespmem:s3], [sflag:$0x4] =	stream.strided.gather [hbm4b:s4+s12], $0x200, s10, s12, $0x38;
	[tilespmem:$0xC280] =	vst v63  }
0x10: {  	_ =	swait.ge [sflag:s11], $0x200  }
0x11: {  	[sflag:s11] =	ssyncset.done $0x0  }
0x12: {  	[sflag:s11] =	ssyncadd.s32 $0xFFFFFE00  }
0x13: {  	v0 =	vld [tilespmem:$0x0]  }
0x14: {  	v2 =	vld [tilespmem:$0x10]  }
0x15: {  	v7 =	vld [tilespmem:$0x20]  }
0x16: {  	v9 =	vld [tilespmem:$0x30]  }
0x17: {  	v11 =	vld [tilespmem:$0x40]  }
0x18: {  	v30 =	vld [tilespmem:$0x50]  }
0x19: {  	v13 =	vld [tilespmem:$0x60]  }
0x1a: {  	v41 =	vld [tilespmem:$0x70]  }
0x1b: {  	v1 =	vshrl.u32 v0, $0x7;
	v6 =	vshrl.u32 v2, $0x7;
	v18 =	vshrl.u32 v7, $0x7  }
0x1c: {  	v0 =	vand.u32 $0x7F, v0;
	v10 =	vshrl.u32 v9, $0x7;
	v2 =	vand.u32 $0x7F, v2  }
0x1d: {  	v29 =	vshrl.u32 v11, $0x7;
	v32 =	vand.u32 $0x7F, v7;
	v37 =	vshrl.u32 v30, $0x7  }
0x1e: {  	v9 =	vand.u32 $0x7F, v9;
	v43 =	vand.u32 $0x7F, v11;
	v45 =	vshrl.u32 v13, $0x7  }
0x1f: {  	v47 =	vshrl.u32 v41, $0x7;
	v60 =	vand.u32 $0x7F, v13;
	v3 =	vmul.u32 $0x5556, v1  }
0x20: {  	v15 =	vmul.u32 $0x5556, v6;
	v19 =	vmul.u32 $0x5556, v18;
	v12 =	vmul.u32 $0x5556, v10  }
0x21: {  	v31 =	vmul.u32 $0x5556, v29;
	v38 =	vmul.u32 $0x5556, v37;
	v46 =	vmul.u32 $0x5556, v45  }
0x22: {  	v49 =	vmul.u32 $0x5556, v47;
	v4 =	vshrl.u32 v3, $0x10;
	v5 =	vshrl.u32 v3, $0x13  }
0x23: {  	v3 =	vshrl.u32 v3, $0x9;
	v16 =	vshrl.u32 v15, $0x10;
	v8 =	vshrl.u32 v15, $0x13  }
0x24: {  	v21 =	vshrl.u32 v15, $0x9;
	v22 =	vshrl.u32 v19, $0x10;
	v23 =	vshrl.u32 v19, $0x13  }
0x25: {  	v26 =	vshrl.u32 v12, $0x10;
	v27 =	vshrl.u32 v12, $0x13;
	v28 =	vshrl.u32 v19, $0x9  }
0x26: {  	v33 =	vshrl.u32 v12, $0x9;
	v34 =	vshrl.u32 v31, $0x10;
	v35 =	vshrl.u32 v31, $0x13  }
0x27: {  	v39 =	vshrl.u32 v31, $0x9;
	v40 =	vshrl.u32 v38, $0x10;
	v4 =	vmul.u32 $0x3FFFFD, v4  }
0x28: {  	v42 =	vshrl.u32 v38, $0x13;
	v48 =	vshrl.u32 v46, $0x10;
	v5 =	vmul.u32 $0x3, v5  }
0x29: {  	v14 =	vshrl.u32 v46, $0x13;
	v51 =	vshrl.u32 v49, $0x10;
	v1 =	vadd.s32 v1, v4  }
0x2a: {  	v54 =	vshrl.u32 v49, $0x13;
	v1 =	vadd.s32 v5, v1;
	v5 =	vmul.u32 $0x3FFFFD, v16  }
0x2b: {  	v55 =	vshrl.u32 v46, $0x9;
	v3 =	vand.u32 $0x380, v3;
	v17 =	vmul.u32 $0x3, v8  }
0x2c: {  	v7 =	vmul.u32 $0x3FFFFD, v34;
	v1 =	vshll.u32 v1, $0xA;
	v5 =	vadd.s32 v6, v5  }
0x2d: {  	v4 =	vmul.u32 $0x3FFFFD, v22;
	v1 =	vor.u32 v3, v1;
	v20 =	vadd.s32 v17, v5  }
0x2e: {  	v3 =	vand.u32 $0x380, v21;
	v0 =	vor.u32 v0, v1;
	v1 =	vshll.u32 v20, $0xA  }
0x2f: {  	v5 =	vmul.u32 $0x3, v23;
	v1 =	vor.u32 v3, v1;
	v3 =	vmul.u32 $0x3FFFFD, v26  }
0x30: {  	v36 =	vmul.u32 $0x3, v35;
	v24 =	vadd.s32 v18, v4;
	v4 =	vmul.u32 $0x3, v27  }
0x31: {  	v6 =	vadd.s32 v29, v7;
	v25 =	vadd.s32 v5, v24;
	v3 =	vadd.s32 v10, v3  }
0x32: {  	v5 =	vand.u32 $0x380, v28;
	v1 =	vor.u32 v2, v1;
	v3 =	vadd.s32 v4, v3  }
0x33: {  	v2 =	vshll.u32 v25, $0xA;
	v4 =	vand.u32 $0x380, v33;
	v3 =	vshll.u32 v3, $0xA  }
0x34: {  	v3 =	vor.u32 v4, v3;
	v4 =	vadd.s32 v36, v6;
	v6 =	vmul.u32 $0x3FFFFD, v40  }
0x35: {  	v59 =	vshrl.u32 v49, $0x9;
	v2 =	vor.u32 v5, v2;
	v10 =	vmul.u32 $0x3, v42  }
0x36: {  	v5 =	vand.u32 $0x380, v39;
	v4 =	vshll.u32 v4, $0xA;
	v44 =	vadd.s32 v37, v6  }
0x37: {  	v7 =	vshrl.u32 v38, $0x9;
	v4 =	vor.u32 v5, v4;
	v5 =	vadd.s32 v10, v44  }
0x38: {  	v53 =	vmul.u32 $0x3FFFFD, v51;
	v7 =	vand.u32 $0x380, v7;
	v5 =	vshll.u32 v5, $0xA  }
0x39: {  	v8 =	vand.u32 $0x7F, v30;
	v5 =	vor.u32 v7, v5;
	v7 =	vmul.u32 $0x3FFFFD, v48  }
0x3a: {  	v50 =	vmul.u32 $0x3, v14;
	v56 =	vadd.s32 v47, v53;
	[tilespmem:$0x210] =	vst v1;
	v1 =	vand.u32 $0x380, v55  }
0x3b: {  	[tilespmem:$0x200] =	vst v0;
	v2 =	vor.u32 v32, v2;
	v52 =	vadd.s32 v45, v7;
	v7 =	vmul.u32 $0x3, v54  }
0x3c: {  	v57 =	vld [tilespmem:$0x200];
	[tilespmem:$0x220] =	vst v2;
	v2 =	vand.u32 $0x380, v59;
	v3 =	vor.u32 v9, v3;
	v0 =	vadd.s32 v50, v52  }
0x3d: {  	[tilespmem:$0x230] =	vst v3;
	v4 =	vor.u32 v43, v4;
	v0 =	vshll.u32 v0, $0xA;
	v58 =	vadd.s32 v7, v56  }
0x3e: {  	[tilespmem:$0x240] =	vst v4;
	v5 =	vor.u32 v8, v5;
	v0 =	vor.u32 v1, v0;
	v1 =	vshll.u32 v58, $0xA  }
0x3f: {  	v61 =	vand.u32 $0x7F, v41;
	[tilespmem:$0x250] =	vst v5;
	v0 =	vor.u32 v60, v0;
	v1 =	vor.u32 v2, v1  }
0x40: {  	[tilespmem:$0x260] =	vst v0;
	v62 =	vor.u32 v61, v1  }
0x41: {  	s21 =	simm.s32 $0x300;
	v63 =	vadd.s32 s3, v57;
	[tilespmem:$0x270] =	vst v62  }
0x42: {  	[tilespmem:s21+$0xFFFFFF80] =	vst v63  }
0x43: {  	v0 =	vld [tilespmem:$0x210];
	_ =	sdelay $0x4  }
0x44: {  	v0 =	vadd.s32 s3, v0  }
0x45: {  	[tilespmem:s21+$0xFFFFFF90] =	vst v0  }
0x46: {  	v0 =	vld [tilespmem:$0x220];
	_ =	sdelay $0x4  }
0x47: {  	v0 =	vadd.s32 s3, v0  }
0x48: {  	[tilespmem:s21+$0xFFFFFFA0] =	vst v0  }
0x49: {  	v0 =	vld [tilespmem:$0x230];
	_ =	sdelay $0x4  }
0x4a: {  	v0 =	vadd.s32 s3, v0  }
0x4b: {  	[tilespmem:s21+$0xFFFFFFB0] =	vst v0  }
0x4c: {  	v0 =	vld [tilespmem:$0x240];
	_ =	sdelay $0x4  }
0x4d: {  	v0 =	vadd.s32 s3, v0  }
0x4e: {  	[tilespmem:s21+$0xFFFFFFC0] =	vst v0  }
0x4f: {  	v0 =	vld [tilespmem:$0x250];
	_ =	sdelay $0x4  }
0x50: {  	v0 =	vadd.s32 s3, v0  }
0x51: {  	[tilespmem:s21+$0xFFFFFFD0] =	vst v0  }
0x52: {  	v0 =	vld [tilespmem:$0x260];
	_ =	sdelay $0x4  }
0x53: {  	v0 =	vadd.s32 s3, v0  }
0x54: {  	[tilespmem:s21+$0xFFFFFFE0] =	vst v0  }
0x55: {  	v0 =	vld [tilespmem:$0x270];
	_ =	sdelay $0x2  }
0x56: {  	s22 =	simm.s32 $0x0  }
0x57: {  	s23 =	sand.u32 $0x3C00, s22  }
0x58: {  	s22 =	sand.u32 $0x300, s22;
	s24 =	sadd.s32 $0x6280, s23;
	v0 =	vadd.s32 s3, v0  }
0x59: {  	s30 =	simm.s32 $0x280;
	s22 =	sadd.s32 s22, s24;
	[tilespmem:s21+$0xFFFFFFF0] =	vst v0  }
0x5a: {  	[tilespmem:s22], [sflag:$0x1] =	stream.indirect.gather [hbm4b:s1+s12], $0x1, s30, s12, $0xb8;
	[tilespmem:$0xC280] =	vst v63  }
0x5b: {  	v0 =	vld [tilespmem:$0x200];
	_ =	sdelay $0x3  }
0x5c: {  	s31 =	simm.s32 $0x24000  }
0x5d: {  	v0 =	vadd.s32 s31, v0  }
0x5e: {  	[tilespmem:s21+$0x0] =	vst v0  }
0x5f: {  	v0 =	vld [tilespmem:$0x210];
	_ =	sdelay $0x4  }
0x60: {  	v0 =	vadd.s32 s31, v0  }
0x61: {  	[tilespmem:s21+$0x10] =	vst v0  }
0x62: {  	v0 =	vld [tilespmem:$0x220];
	_ =	sdelay $0x4  }
0x63: {  	v0 =	vadd.s32 s31, v0  }
0x64: {  	[tilespmem:s21+$0x20] =	vst v0  }
0x65: {  	v0 =	vld [tilespmem:$0x230];
	_ =	sdelay $0x4  }
0x66: {  	v0 =	vadd.s32 s31, v0  }
0x67: {  	[tilespmem:s21+$0x30] =	vst v0  }
0x68: {  	v0 =	vld [tilespmem:$0x240];
	_ =	sdelay $0x4  }
0x69: {  	v0 =	vadd.s32 s31, v0  }
0x6a: {  	[tilespmem:s21+$0x40] =	vst v0  }
0x6b: {  	v0 =	vld [tilespmem:$0x250];
	_ =	sdelay $0x4  }
0x6c: {  	v0 =	vadd.s32 s31, v0  }
0x6d: {  	[tilespmem:s21+$0x50] =	vst v0  }
0x6e: {  	v0 =	vld [tilespmem:$0x260];
	_ =	sdelay $0x4  }
0x6f: {  	v0 =	vadd.s32 s31, v0  }
0x70: {  	[tilespmem:s21+$0x60] =	vst v0  }
0x71: {  	v0 =	vld [tilespmem:$0x270];
	_ =	sdelay $0x3  }
0x72: {  	s25 =	sand.u32 $0x380, s12  }
0x73: {  	s23 =	simm.s32 $0x400;
	s26 =	sadd.s32 s25, s24;
	v0 =	vadd.s32 s31, v0  }
0x74: {  	s24 =	simm.s32 $0x180;
	s25 =	simm.s32 $0x48000;
	s22 =	simm.s32 $0x0;
	[tilespmem:s21+$0x70] =	vst v0  }
.LBB2_2:
0x75: {  	[tilespmem:s26], [sflag:$0x1] =	stream.indirect.gather [hbm4b:s1+s12], $0x1, s21, s12, $0xb8;
	[tilespmem:$0xC280] =	vst v63  }
0x76: {  	s22 =	sadd.s32 $0x2, s22;
	s21 =	smov.u32 s23;
	v0 =	vld [tilespmem:$0x200]  }
0x77: {  	p0 =	slt.u32 s22, $0x5E;
	_ =	sdelay $0x3  }
0x78: {  	v0 =	vadd.s32 s25, v0  }
0x79: {  	[tilespmem:s23+$0xFFFFFF80] =	vst v0  }
0x7a: {  	v0 =	vld [tilespmem:$0x210];
	_ =	sdelay $0x4  }
0x7b: {  	v0 =	vadd.s32 s25, v0  }
0x7c: {  	[tilespmem:s23+$0xFFFFFF90] =	vst v0  }
0x7d: {  	v0 =	vld [tilespmem:$0x220];
	_ =	sdelay $0x4  }
0x7e: {  	v0 =	vadd.s32 s25, v0  }
0x7f: {  	[tilespmem:s23+$0xFFFFFFA0] =	vst v0  }
0x80: {  	v0 =	vld [tilespmem:$0x230];
	_ =	sdelay $0x4  }
0x81: {  	v0 =	vadd.s32 s25, v0  }
0x82: {  	[tilespmem:s23+$0xFFFFFFB0] =	vst v0  }
0x83: {  	v0 =	vld [tilespmem:$0x240];
	_ =	sdelay $0x4  }
0x84: {  	v0 =	vadd.s32 s25, v0  }
0x85: {  	[tilespmem:s23+$0xFFFFFFC0] =	vst v0  }
0x86: {  	v0 =	vld [tilespmem:$0x250];
	_ =	sdelay $0x4  }
0x87: {  	v0 =	vadd.s32 s25, v0  }
0x88: {  	[tilespmem:s23+$0xFFFFFFD0] =	vst v0  }
0x89: {  	v0 =	vld [tilespmem:$0x260];
	_ =	sdelay $0x4  }
0x8a: {  	v0 =	vadd.s32 s25, v0  }
0x8b: {  	[tilespmem:s23+$0xFFFFFFE0] =	vst v0  }
0x8c: {  	v0 =	vld [tilespmem:$0x270];
	_ =	sdelay $0x2  }
0x8d: {  	s26 =	sadd.s32 $0xFFFFFF80, s24  }
0x8e: {  	s28 =	sand.u32 $0x3C00, s26  }
0x8f: {  	s29 =	sand.u32 $0x300, s26;
	s26 =	sadd.s32 $0x6280, s28;
	v0 =	vadd.s32 s25, v0  }
0x90: {  	s28 =	sadd.s32 $0xFFFFFF80, s23;
	s29 =	sadd.s32 s29, s26;
	[tilespmem:s23+$0xFFFFFFF0] =	vst v0  }
0x91: {  	[tilespmem:s29], [sflag:$0x1] =	stream.indirect.gather [hbm4b:s1+s12], $0x1, s28, s12, $0xb8;
	[tilespmem:$0xC280] =	vst v63  }
0x92: {  	v0 =	vld [tilespmem:$0x200];
	_ =	sdelay $0x3  }
0x93: {  	s28 =	sadd.s32 $0x24000, s25  }
0x94: {  	v0 =	vadd.s32 s28, v0  }
0x95: {  	[tilespmem:s23+$0x0] =	vst v0  }
0x96: {  	v0 =	vld [tilespmem:$0x210];
	_ =	sdelay $0x4  }
0x97: {  	v0 =	vadd.s32 s28, v0  }
0x98: {  	[tilespmem:s23+$0x10] =	vst v0  }
0x99: {  	v0 =	vld [tilespmem:$0x220];
	_ =	sdelay $0x4  }
0x9a: {  	v0 =	vadd.s32 s28, v0  }
0x9b: {  	[tilespmem:s23+$0x20] =	vst v0  }
0x9c: {  	v0 =	vld [tilespmem:$0x230];
	_ =	sdelay $0x4  }
0x9d: {  	v0 =	vadd.s32 s28, v0  }
0x9e: {  	[tilespmem:s23+$0x30] =	vst v0  }
0x9f: {  	v0 =	vld [tilespmem:$0x240];
	_ =	sdelay $0x4  }
0xa0: {  	v0 =	vadd.s32 s28, v0  }
0xa1: {  	[tilespmem:s23+$0x40] =	vst v0  }
0xa2: {  	v0 =	vld [tilespmem:$0x250];
	_ =	sdelay $0x4  }
0xa3: {  	v0 =	vadd.s32 s28, v0  }
0xa4: {  	[tilespmem:s23+$0x50] =	vst v0  }
0xa5: {  	v0 =	vld [tilespmem:$0x260];
	_ =	sdelay $0x4  }
0xa6: {  	v0 =	vadd.s32 s28, v0  }
0xa7: {  	[tilespmem:s23+$0x60] =	vst v0  }
0xa8: {  	v0 =	vld [tilespmem:$0x270];
	_ =	sdelay $0x1  }
.Ltmp0:
0xa9: {  	(pc) =	sbr.rel @p0 .LBB2_2-.Ltmp0, $3  }
0xaa: {  	_ =	sdelay $0x1  }
0xab: {  	s23 =	sadd.s32 $0x100, s23;
	v0 =	vadd.s32 s28, v0;
	s28 =	sand.u32 $0x380, s24  }
0xac: {  	s25 =	sadd.s32 $0x48000, s25;
	s24 =	sadd.s32 $0x100, s24;
	[tilespmem:s21+$0x70] =	vst v0;
	s26 =	sadd.s32 s28, s26  }
0xad: {  	[tilespmem:s26], [sflag:$0x1] =	stream.indirect.gather [hbm4b:s1+s12], $0x1, s21, s12, $0xb8;
	[tilespmem:$0xC280] =	vst v63  }
0xae: {  	v0 =	vld [tilespmem:$0x80]  }
0xaf: {  	v2 =	vld [tilespmem:$0x90]  }
0xb0: {  	v7 =	vld [tilespmem:$0xA0]  }
0xb1: {  	v9 =	vld [tilespmem:$0xB0]  }
0xb2: {  	v11 =	vld [tilespmem:$0xC0]  }
0xb3: {  	v30 =	vld [tilespmem:$0xD0]  }
0xb4: {  	v13 =	vld [tilespmem:$0xE0]  }
0xb5: {  	v41 =	vld [tilespmem:$0xF0]  }
0xb6: {  	v1 =	vshrl.u32 v0, $0x7;
	v6 =	vshrl.u32 v2, $0x7;
	v18 =	vshrl.u32 v7, $0x7  }
0xb7: {  	v0 =	vand.u32 $0x7F, v0;
	v10 =	vshrl.u32 v9, $0x7;
	v2 =	vand.u32 $0x7F, v2  }
0xb8: {  	v29 =	vshrl.u32 v11, $0x7;
	v32 =	vand.u32 $0x7F, v7;
	v37 =	vshrl.u32 v30, $0x7  }
0xb9: {  	v9 =	vand.u32 $0x7F, v9;
	v43 =	vand.u32 $0x7F, v11;
	v45 =	vshrl.u32 v13, $0x7  }
0xba: {  	v47 =	vshrl.u32 v41, $0x7;
	v60 =	vand.u32 $0x7F, v13;
	v3 =	vmul.u32 $0x5556, v1  }
0xbb: {  	v15 =	vmul.u32 $0x5556, v6;
	v19 =	vmul.u32 $0x5556, v18;
	v12 =	vmul.u32 $0x5556, v10  }
0xbc: {  	v31 =	vmul.u32 $0x5556, v29;
	v38 =	vmul.u32 $0x5556, v37;
	v46 =	vmul.u32 $0x5556, v45  }
0xbd: {  	v49 =	vmul.u32 $0x5556, v47;
	v4 =	vshrl.u32 v3, $0x10;
	v5 =	vshrl.u32 v3, $0x13  }
0xbe: {  	v3 =	vshrl.u32 v3, $0x9;
	v16 =	vshrl.u32 v15, $0x10;
	v8 =	vshrl.u32 v15, $0x13  }
0xbf: {  	v21 =	vshrl.u32 v15, $0x9;
	v22 =	vshrl.u32 v19, $0x10;
	v23 =	vshrl.u32 v19, $0x13  }
0xc0: {  	v26 =	vshrl.u32 v12, $0x10;
	v27 =	vshrl.u32 v12, $0x13;
	v28 =	vshrl.u32 v19, $0x9  }
0xc1: {  	v33 =	vshrl.u32 v12, $0x9;
	v34 =	vshrl.u32 v31, $0x10;
	v35 =	vshrl.u32 v31, $0x13  }
0xc2: {  	v39 =	vshrl.u32 v31, $0x9;
	v40 =	vshrl.u32 v38, $0x10;
	v4 =	vmul.u32 $0x3FFFFD, v4  }
0xc3: {  	v42 =	vshrl.u32 v38, $0x13;
	v48 =	vshrl.u32 v46, $0x10;
	v5 =	vmul.u32 $0x3, v5  }
0xc4: {  	v14 =	vshrl.u32 v46, $0x13;
	v51 =	vshrl.u32 v49, $0x10;
	v1 =	vadd.s32 v1, v4  }
0xc5: {  	v54 =	vshrl.u32 v49, $0x13;
	v1 =	vadd.s32 v5, v1;
	v5 =	vmul.u32 $0x3FFFFD, v16  }
0xc6: {  	v55 =	vshrl.u32 v46, $0x9;
	v3 =	vand.u32 $0x380, v3;
	v17 =	vmul.u32 $0x3, v8  }
0xc7: {  	v7 =	vmul.u32 $0x3FFFFD, v34;
	v1 =	vshll.u32 v1, $0xA;
	v5 =	vadd.s32 v6, v5  }
0xc8: {  	v4 =	vmul.u32 $0x3FFFFD, v22;
	v1 =	vor.u32 v3, v1;
	v20 =	vadd.s32 v17, v5  }
0xc9: {  	v3 =	vand.u32 $0x380, v21;
	v0 =	vor.u32 v0, v1;
	v1 =	vshll.u32 v20, $0xA  }
0xca: {  	v5 =	vmul.u32 $0x3, v23;
	v1 =	vor.u32 v3, v1;
	v3 =	vmul.u32 $0x3FFFFD, v26  }
0xcb: {  	v36 =	vmul.u32 $0x3, v35;
	v24 =	vadd.s32 v18, v4;
	v4 =	vmul.u32 $0x3, v27  }
0xcc: {  	v6 =	vadd.s32 v29, v7;
	v25 =	vadd.s32 v5, v24;
	v3 =	vadd.s32 v10, v3  }
0xcd: {  	v5 =	vand.u32 $0x380, v28;
	v1 =	vor.u32 v2, v1;
	v3 =	vadd.s32 v4, v3  }
0xce: {  	v2 =	vshll.u32 v25, $0xA;
	v4 =	vand.u32 $0x380, v33;
	v3 =	vshll.u32 v3, $0xA  }
0xcf: {  	v3 =	vor.u32 v4, v3;
	v4 =	vadd.s32 v36, v6;
	v6 =	vmul.u32 $0x3FFFFD, v40  }
0xd0: {  	v59 =	vshrl.u32 v49, $0x9;
	v2 =	vor.u32 v5, v2;
	v10 =	vmul.u32 $0x3, v42  }
0xd1: {  	v5 =	vand.u32 $0x380, v39;
	v4 =	vshll.u32 v4, $0xA;
	v44 =	vadd.s32 v37, v6  }
0xd2: {  	v7 =	vshrl.u32 v38, $0x9;
	v4 =	vor.u32 v5, v4;
	v5 =	vadd.s32 v10, v44  }
0xd3: {  	v53 =	vmul.u32 $0x3FFFFD, v51;
	v7 =	vand.u32 $0x380, v7;
	v5 =	vshll.u32 v5, $0xA  }
0xd4: {  	v8 =	vand.u32 $0x7F, v30;
	v5 =	vor.u32 v7, v5;
	v7 =	vmul.u32 $0x3FFFFD, v48  }
0xd5: {  	v50 =	vmul.u32 $0x3, v14;
	v56 =	vadd.s32 v47, v53;
	[tilespmem:$0x210] =	vst v1;
	v1 =	vand.u32 $0x380, v55  }
0xd6: {  	[tilespmem:$0x200] =	vst v0;
	v2 =	vor.u32 v32, v2;
	v52 =	vadd.s32 v45, v7;
	v7 =	vmul.u32 $0x3, v54  }
0xd7: {  	v57 =	vld [tilespmem:$0x200];
	[tilespmem:$0x220] =	vst v2;
	v2 =	vand.u32 $0x380, v59;
	v3 =	vor.u32 v9, v3;
	v0 =	vadd.s32 v50, v52  }
0xd8: {  	[tilespmem:$0x230] =	vst v3;
	v4 =	vor.u32 v43, v4;
	v0 =	vshll.u32 v0, $0xA;
	v58 =	vadd.s32 v7, v56  }
0xd9: {  	[tilespmem:$0x240] =	vst v4;
	v5 =	vor.u32 v8, v5;
	v0 =	vor.u32 v1, v0;
	v1 =	vshll.u32 v58, $0xA  }
0xda: {  	v61 =	vand.u32 $0x7F, v41;
	[tilespmem:$0x250] =	vst v5;
	v0 =	vor.u32 v60, v0;
	v1 =	vor.u32 v2, v1  }
0xdb: {  	s25 =	simm.s32 $0xD80000;
	[tilespmem:$0x260] =	vst v0;
	v62 =	vor.u32 v61, v1  }
0xdc: {  	s24 =	simm.s32 $0x3280;
	v63 =	vadd.s32 s25, v57;
	[tilespmem:$0x270] =	vst v62  }
0xdd: {  	[tilespmem:s24+$0x0] =	vst v63  }
0xde: {  	v0 =	vld [tilespmem:$0x210];
	_ =	sdelay $0x4  }
0xdf: {  	v0 =	vadd.s32 s25, v0  }
0xe0: {  	[tilespmem:s24+$0x10] =	vst v0  }
0xe1: {  	v0 =	vld [tilespmem:$0x220];
	_ =	sdelay $0x4  }
0xe2: {  	v0 =	vadd.s32 s25, v0  }
0xe3: {  	[tilespmem:s24+$0x20] =	vst v0  }
0xe4: {  	v0 =	vld [tilespmem:$0x230];
	_ =	sdelay $0x4  }
0xe5: {  	v0 =	vadd.s32 s25, v0  }
0xe6: {  	[tilespmem:s24+$0x30] =	vst v0  }
0xe7: {  	v0 =	vld [tilespmem:$0x240];
	_ =	sdelay $0x4  }
0xe8: {  	v0 =	vadd.s32 s25, v0  }
0xe9: {  	[tilespmem:s24+$0x40] =	vst v0  }
0xea: {  	v0 =	vld [tilespmem:$0x250];
	_ =	sdelay $0x4  }
0xeb: {  	v0 =	vadd.s32 s25, v0  }
0xec: {  	[tilespmem:s24+$0x50] =	vst v0  }
0xed: {  	v0 =	vld [tilespmem:$0x260];
	_ =	sdelay $0x4  }
0xee: {  	v0 =	vadd.s32 s25, v0  }
0xef: {  	[tilespmem:s24+$0x60] =	vst v0  }
0xf0: {  	v0 =	vld [tilespmem:$0x270];
	_ =	sdelay $0x2  }
0xf1: {  	s22 =	simm.s32 $0x0  }
0xf2: {  	s23 =	sand.u32 $0x3C00, s22  }
0xf3: {  	s26 =	sand.u32 $0x300, s22;
	v0 =	vadd.s32 s25, v0;
	s25 =	sadd.s32 $0x9280, s23  }
0xf4: {  	[tilespmem:s24+$0x70] =	vst v0;
	s21 =	sadd.s32 s26, s25  }
0xf5: {  	[tilespmem:s21], [sflag:$0x2] =	stream.indirect.gather [hbm4b:s1+s12], $0x1, s24, s12, $0xb8;
	[tilespmem:$0xC280] =	vst v63  }
0xf6: {  	v0 =	vld [tilespmem:$0x200];
	_ =	sdelay $0x3  }
0xf7: {  	s29 =	simm.s32 $0xDA4000  }
0xf8: {  	v0 =	vadd.s32 s29, v0  }
0xf9: {  	[tilespmem:s24+$0x80] =	vst v0  }
0xfa: {  	v0 =	vld [tilespmem:$0x210];
	_ =	sdelay $0x4  }
0xfb: {  	v0 =	vadd.s32 s29, v0  }
0xfc: {  	[tilespmem:s24+$0x90] =	vst v0  }
0xfd: {  	v0 =	vld [tilespmem:$0x220];
	_ =	sdelay $0x4  }
0xfe: {  	v0 =	vadd.s32 s29, v0  }
0xff: {  	[tilespmem:s24+$0xA0] =	vst v0  }
0x100: {  	v0 =	vld [tilespmem:$0x230];
	_ =	sdelay $0x4  }
0x101: {  	v0 =	vadd.s32 s29, v0  }
0x102: {  	[tilespmem:s24+$0xB0] =	vst v0  }
0x103: {  	v0 =	vld [tilespmem:$0x240];
	_ =	sdelay $0x4  }
0x104: {  	v0 =	vadd.s32 s29, v0  }
0x105: {  	[tilespmem:s24+$0xC0] =	vst v0  }
0x106: {  	v0 =	vld [tilespmem:$0x250];
	_ =	sdelay $0x4  }
0x107: {  	v0 =	vadd.s32 s29, v0  }
0x108: {  	[tilespmem:s24+$0xD0] =	vst v0  }
0x109: {  	v0 =	vld [tilespmem:$0x260];
	_ =	sdelay $0x4  }
0x10a: {  	v0 =	vadd.s32 s29, v0  }
0x10b: {  	[tilespmem:s24+$0xE0] =	vst v0  }
0x10c: {  	v0 =	vld [tilespmem:$0x270];
	_ =	sdelay $0x3  }
0x10d: {  	s30 =	simm.s32 $0x80;
	s28 =	simm.s32 $0x3300  }
0x10e: {  	s31 =	sand.u32 $0x380, s30;
	s22 =	simm.s32 $0x3380;
	s23 =	simm.s32 $0x100;
	v0 =	vadd.s32 s29, v0  }
0x10f: {  	s25 =	sadd.s32 s31, s25;
	s21 =	simm.s32 $0x0;
	[tilespmem:s24+$0xF0] =	vst v0;
	s24 =	simm.s32 $0xDC8000  }
.LBB2_4:
0x110: {  	[tilespmem:s25], [sflag:$0x2] =	stream.indirect.gather [hbm4b:s1+s12], $0x1, s28, s12, $0xb8;
	[tilespmem:$0xC280] =	vst v63  }
0x111: {  	s21 =	sadd.s32 $0x2, s21;
	s25 =	smov.u32 s22;
	v0 =	vld [tilespmem:$0x200]  }
0x112: {  	p0 =	slt.u32 s21, $0x5E;
	_ =	sdelay $0x3  }
0x113: {  	v0 =	vadd.s32 s24, v0  }
0x114: {  	[tilespmem:s22+$0x0] =	vst v0  }
0x115: {  	v0 =	vld [tilespmem:$0x210];
	_ =	sdelay $0x4  }
0x116: {  	v0 =	vadd.s32 s24, v0  }
0x117: {  	[tilespmem:s22+$0x10] =	vst v0  }
0x118: {  	v0 =	vld [tilespmem:$0x220];
	_ =	sdelay $0x4  }
0x119: {  	v0 =	vadd.s32 s24, v0  }
0x11a: {  	[tilespmem:s22+$0x20] =	vst v0  }
0x11b: {  	v0 =	vld [tilespmem:$0x230];
	_ =	sdelay $0x4  }
0x11c: {  	v0 =	vadd.s32 s24, v0  }
0x11d: {  	[tilespmem:s22+$0x30] =	vst v0  }
0x11e: {  	v0 =	vld [tilespmem:$0x240];
	_ =	sdelay $0x4  }
0x11f: {  	v0 =	vadd.s32 s24, v0  }
0x120: {  	[tilespmem:s22+$0x40] =	vst v0  }
0x121: {  	v0 =	vld [tilespmem:$0x250];
	_ =	sdelay $0x4  }
0x122: {  	v0 =	vadd.s32 s24, v0  }
0x123: {  	[tilespmem:s22+$0x50] =	vst v0  }
0x124: {  	v0 =	vld [tilespmem:$0x260];
	_ =	sdelay $0x4  }
0x125: {  	v0 =	vadd.s32 s24, v0  }
0x126: {  	[tilespmem:s22+$0x60] =	vst v0  }
0x127: {  	v0 =	vld [tilespmem:$0x270];
	_ =	sdelay $0x3  }
0x128: {  	s26 =	sand.u32 $0x3C00, s23  }
0x129: {  	s28 =	sand.u32 $0x300, s23;
	s26 =	sadd.s32 $0x9280, s26;
	v0 =	vadd.s32 s24, v0  }
0x12a: {  	s28 =	sadd.s32 s28, s26;
	[tilespmem:s22+$0x70] =	vst v0  }
0x12b: {  	[tilespmem:s28], [sflag:$0x2] =	stream.indirect.gather [hbm4b:s1+s12], $0x1, s22, s12, $0xb8;
	[tilespmem:$0xC280] =	vst v63  }
0x12c: {  	v0 =	vld [tilespmem:$0x200];
	_ =	sdelay $0x3  }
0x12d: {  	s28 =	sadd.s32 $0x24000, s24  }
0x12e: {  	v0 =	vadd.s32 s28, v0  }
0x12f: {  	[tilespmem:s22+$0x80] =	vst v0  }
0x130: {  	v0 =	vld [tilespmem:$0x210];
	_ =	sdelay $0x4  }
0x131: {  	v0 =	vadd.s32 s28, v0  }
0x132: {  	[tilespmem:s22+$0x90] =	vst v0  }
0x133: {  	v0 =	vld [tilespmem:$0x220];
	_ =	sdelay $0x4  }
0x134: {  	v0 =	vadd.s32 s28, v0  }
0x135: {  	[tilespmem:s22+$0xA0] =	vst v0  }
0x136: {  	v0 =	vld [tilespmem:$0x230];
	_ =	sdelay $0x4  }
0x137: {  	v0 =	vadd.s32 s28, v0  }
0x138: {  	[tilespmem:s22+$0xB0] =	vst v0  }
0x139: {  	v0 =	vld [tilespmem:$0x240];
	_ =	sdelay $0x4  }
0x13a: {  	v0 =	vadd.s32 s28, v0  }
0x13b: {  	[tilespmem:s22+$0xC0] =	vst v0  }
0x13c: {  	v0 =	vld [tilespmem:$0x250];
	_ =	sdelay $0x4  }
0x13d: {  	v0 =	vadd.s32 s28, v0  }
0x13e: {  	[tilespmem:s22+$0xD0] =	vst v0  }
0x13f: {  	v0 =	vld [tilespmem:$0x260];
	_ =	sdelay $0x4  }
0x140: {  	v0 =	vadd.s32 s28, v0  }
0x141: {  	[tilespmem:s22+$0xE0] =	vst v0  }
0x142: {  	v0 =	vld [tilespmem:$0x270];
	_ =	sdelay $0x1  }
.Ltmp1:
0x143: {  	(pc) =	sbr.rel @p0 .LBB2_4-.Ltmp1, $4  }
0x144: {  	_ = 	snop  }
0x145: {  	s29 =	sadd.s32 $0x80, s23  }
0x146: {  	s23 =	sadd.s32 $0x100, s23;
	s29 =	sand.u32 $0x380, s29;
	s22 =	sadd.s32 $0x100, s22;
	v0 =	vadd.s32 s28, v0  }
0x147: {  	s24 =	sadd.s32 $0x48000, s24;
	s28 =	sadd.s32 $0x80, s25;
	[tilespmem:s25+$0xF0] =	vst v0;
	s25 =	sadd.s32 s29, s26  }
0x148: {  	[tilespmem:s25], [sflag:$0x2] =	stream.indirect.gather [hbm4b:s1+s12], $0x1, s28, s12, $0xb8;
	[tilespmem:$0xC280] =	vst v63  }
0x149: {  	_ =	swait.ge [sflag:s13], $0x3000  }
0x14a: {  	[sflag:s13] =	ssyncset.done $0x0  }
0x14b: {  	[sflag:s13] =	ssyncadd.s32 $0xFFFFD000  }
0x14c: {  	[hbm4b:s5+s14] =	stream.strided.scatter [tilespmem:s16], [sflag:$0x3], $0x3000, s15, s14, $0x38;
	[tilespmem:$0xC280] =	vst v63  }
0x14d: {  	_ =	swait.ge [sflag:s17], $0x3000  }
0x14e: {  	[sflag:s17] =	ssyncset.done $0x0  }
0x14f: {  	[sflag:s17] =	ssyncadd.s32 $0xFFFFD000  }
0x150: {  	v0 =	vld [tilespmem:$0x100]  }
0x151: {  	v2 =	vld [tilespmem:$0x110]  }
0x152: {  	v7 =	vld [tilespmem:$0x120]  }
0x153: {  	v9 =	vld [tilespmem:$0x130]  }
0x154: {  	v11 =	vld [tilespmem:$0x140]  }
0x155: {  	v30 =	vld [tilespmem:$0x150]  }
0x156: {  	v13 =	vld [tilespmem:$0x160]  }
0x157: {  	v41 =	vld [tilespmem:$0x170]  }
0x158: {  	v1 =	vshrl.u32 v0, $0x7;
	v6 =	vshrl.u32 v2, $0x7;
	v18 =	vshrl.u32 v7, $0x7  }
0x159: {  	v0 =	vand.u32 $0x7F, v0;
	v10 =	vshrl.u32 v9, $0x7;
	v2 =	vand.u32 $0x7F, v2  }
0x15a: {  	v29 =	vshrl.u32 v11, $0x7;
	v32 =	vand.u32 $0x7F, v7;
	v37 =	vshrl.u32 v30, $0x7  }
0x15b: {  	v9 =	vand.u32 $0x7F, v9;
	v43 =	vand.u32 $0x7F, v11;
	v45 =	vshrl.u32 v13, $0x7  }
0x15c: {  	v47 =	vshrl.u32 v41, $0x7;
	v60 =	vand.u32 $0x7F, v13;
	v3 =	vmul.u32 $0x5556, v1  }
0x15d: {  	v15 =	vmul.u32 $0x5556, v6;
	v19 =	vmul.u32 $0x5556, v18;
	v12 =	vmul.u32 $0x5556, v10  }
0x15e: {  	v31 =	vmul.u32 $0x5556, v29;
	v38 =	vmul.u32 $0x5556, v37;
	v46 =	vmul.u32 $0x5556, v45  }
0x15f: {  	v49 =	vmul.u32 $0x5556, v47;
	v4 =	vshrl.u32 v3, $0x10;
	v5 =	vshrl.u32 v3, $0x13  }
0x160: {  	v3 =	vshrl.u32 v3, $0x9;
	v16 =	vshrl.u32 v15, $0x10;
	v8 =	vshrl.u32 v15, $0x13  }
0x161: {  	v21 =	vshrl.u32 v15, $0x9;
	v22 =	vshrl.u32 v19, $0x10;
	v23 =	vshrl.u32 v19, $0x13  }
0x162: {  	v26 =	vshrl.u32 v12, $0x10;
	v27 =	vshrl.u32 v12, $0x13;
	v28 =	vshrl.u32 v19, $0x9  }
0x163: {  	v33 =	vshrl.u32 v12, $0x9;
	v34 =	vshrl.u32 v31, $0x10;
	v35 =	vshrl.u32 v31, $0x13  }
0x164: {  	v39 =	vshrl.u32 v31, $0x9;
	v40 =	vshrl.u32 v38, $0x10;
	v4 =	vmul.u32 $0x3FFFFD, v4  }
0x165: {  	v42 =	vshrl.u32 v38, $0x13;
	v48 =	vshrl.u32 v46, $0x10;
	v5 =	vmul.u32 $0x3, v5  }
0x166: {  	v14 =	vshrl.u32 v46, $0x13;
	v51 =	vshrl.u32 v49, $0x10;
	v1 =	vadd.s32 v1, v4  }
0x167: {  	v54 =	vshrl.u32 v49, $0x13;
	v1 =	vadd.s32 v5, v1;
	v5 =	vmul.u32 $0x3FFFFD, v16  }
0x168: {  	v55 =	vshrl.u32 v46, $0x9;
	v3 =	vand.u32 $0x380, v3;
	v17 =	vmul.u32 $0x3, v8  }
0x169: {  	v7 =	vmul.u32 $0x3FFFFD, v34;
	v1 =	vshll.u32 v1, $0xA;
	v5 =	vadd.s32 v6, v5  }
0x16a: {  	v4 =	vmul.u32 $0x3FFFFD, v22;
	v1 =	vor.u32 v3, v1;
	v20 =	vadd.s32 v17, v5  }
0x16b: {  	v3 =	vand.u32 $0x380, v21;
	v0 =	vor.u32 v0, v1;
	v1 =	vshll.u32 v20, $0xA  }
0x16c: {  	v5 =	vmul.u32 $0x3, v23;
	v1 =	vor.u32 v3, v1;
	v3 =	vmul.u32 $0x3FFFFD, v26  }
0x16d: {  	v36 =	vmul.u32 $0x3, v35;
	v24 =	vadd.s32 v18, v4;
	v4 =	vmul.u32 $0x3, v27  }
0x16e: {  	v6 =	vadd.s32 v29, v7;
	v25 =	vadd.s32 v5, v24;
	v3 =	vadd.s32 v10, v3  }
0x16f: {  	v5 =	vand.u32 $0x380, v28;
	v1 =	vor.u32 v2, v1;
	v3 =	vadd.s32 v4, v3  }
0x170: {  	v2 =	vshll.u32 v25, $0xA;
	v4 =	vand.u32 $0x380, v33;
	v3 =	vshll.u32 v3, $0xA  }
0x171: {  	v3 =	vor.u32 v4, v3;
	v4 =	vadd.s32 v36, v6;
	v6 =	vmul.u32 $0x3FFFFD, v40  }
0x172: {  	v59 =	vshrl.u32 v49, $0x9;
	v2 =	vor.u32 v5, v2;
	v10 =	vmul.u32 $0x3, v42  }
0x173: {  	v5 =	vand.u32 $0x380, v39;
	v4 =	vshll.u32 v4, $0xA;
	v44 =	vadd.s32 v37, v6  }
0x174: {  	v7 =	vshrl.u32 v38, $0x9;
	v4 =	vor.u32 v5, v4;
	v5 =	vadd.s32 v10, v44  }
0x175: {  	v53 =	vmul.u32 $0x3FFFFD, v51;
	v7 =	vand.u32 $0x380, v7;
	v5 =	vshll.u32 v5, $0xA  }
0x176: {  	v8 =	vand.u32 $0x7F, v30;
	v5 =	vor.u32 v7, v5;
	v7 =	vmul.u32 $0x3FFFFD, v48  }
0x177: {  	v50 =	vmul.u32 $0x3, v14;
	v56 =	vadd.s32 v47, v53;
	[tilespmem:$0x210] =	vst v1;
	v1 =	vand.u32 $0x380, v55  }
0x178: {  	[tilespmem:$0x200] =	vst v0;
	v2 =	vor.u32 v32, v2;
	v52 =	vadd.s32 v45, v7;
	v7 =	vmul.u32 $0x3, v54  }
0x179: {  	v57 =	vld [tilespmem:$0x200];
	[tilespmem:$0x220] =	vst v2;
	v2 =	vand.u32 $0x380, v59;
	v3 =	vor.u32 v9, v3;
	v0 =	vadd.s32 v50, v52  }
0x17a: {  	[tilespmem:$0x230] =	vst v3;
	v4 =	vor.u32 v43, v4;
	v0 =	vshll.u32 v0, $0xA;
	v58 =	vadd.s32 v7, v56  }
0x17b: {  	[tilespmem:$0x240] =	vst v4;
	v5 =	vor.u32 v8, v5;
	v0 =	vor.u32 v1, v0;
	v1 =	vshll.u32 v58, $0xA  }
0x17c: {  	v61 =	vand.u32 $0x7F, v41;
	[tilespmem:$0x250] =	vst v5;
	v0 =	vor.u32 v60, v0;
	v1 =	vor.u32 v2, v1  }
0x17d: {  	s22 =	simm.s32 $0x1B00000;
	[tilespmem:$0x260] =	vst v0;
	v62 =	vor.u32 v61, v1  }
0x17e: {  	s21 =	simm.s32 $0x300;
	v63 =	vadd.s32 s22, v57;
	[tilespmem:$0x270] =	vst v62  }
0x17f: {  	[tilespmem:s21+$0xFFFFFF80] =	vst v63  }
0x180: {  	v0 =	vld [tilespmem:$0x210];
	_ =	sdelay $0x4  }
0x181: {  	v0 =	vadd.s32 s22, v0  }
0x182: {  	[tilespmem:s21+$0xFFFFFF90] =	vst v0  }
0x183: {  	v0 =	vld [tilespmem:$0x220];
	_ =	sdelay $0x4  }
0x184: {  	v0 =	vadd.s32 s22, v0  }
0x185: {  	[tilespmem:s21+$0xFFFFFFA0] =	vst v0  }
0x186: {  	v0 =	vld [tilespmem:$0x230];
	_ =	sdelay $0x4  }
0x187: {  	v0 =	vadd.s32 s22, v0  }
0x188: {  	[tilespmem:s21+$0xFFFFFFB0] =	vst v0  }
0x189: {  	v0 =	vld [tilespmem:$0x240];
	_ =	sdelay $0x4  }
0x18a: {  	v0 =	vadd.s32 s22, v0  }
0x18b: {  	[tilespmem:s21+$0xFFFFFFC0] =	vst v0  }
0x18c: {  	v0 =	vld [tilespmem:$0x250];
	_ =	sdelay $0x4  }
0x18d: {  	v0 =	vadd.s32 s22, v0  }
0x18e: {  	[tilespmem:s21+$0xFFFFFFD0] =	vst v0  }
0x18f: {  	v0 =	vld [tilespmem:$0x260];
	_ =	sdelay $0x4  }
0x190: {  	v0 =	vadd.s32 s22, v0  }
0x191: {  	[tilespmem:s21+$0xFFFFFFE0] =	vst v0  }
0x192: {  	v0 =	vld [tilespmem:$0x270];
	_ =	sdelay $0x2  }
0x193: {  	s23 =	simm.s32 $0x0  }
0x194: {  	s24 =	sand.u32 $0x3C00, s23  }
0x195: {  	s28 =	sand.u32 $0x300, s23;
	s24 =	sadd.s32 $0x6280, s24;
	v0 =	vadd.s32 s22, v0  }
0x196: {  	s29 =	simm.s32 $0x280;
	s22 =	sadd.s32 s28, s24;
	[tilespmem:s21+$0xFFFFFFF0] =	vst v0  }
0x197: {  	[tilespmem:s22], [sflag:$0x1] =	stream.indirect.gather [hbm4b:s1+s12], $0x1, s29, s12, $0xb8;
	[tilespmem:$0xC280] =	vst v63  }
0x198: {  	v0 =	vld [tilespmem:$0x200];
	_ =	sdelay $0x3  }
0x199: {  	s30 =	simm.s32 $0x1B24000  }
0x19a: {  	v0 =	vadd.s32 s30, v0  }
0x19b: {  	[tilespmem:s21+$0x0] =	vst v0  }
0x19c: {  	v0 =	vld [tilespmem:$0x210];
	_ =	sdelay $0x4  }
0x19d: {  	v0 =	vadd.s32 s30, v0  }
0x19e: {  	[tilespmem:s21+$0x10] =	vst v0  }
0x19f: {  	v0 =	vld [tilespmem:$0x220];
	_ =	sdelay $0x4  }
0x1a0: {  	v0 =	vadd.s32 s30, v0  }
0x1a1: {  	[tilespmem:s21+$0x20] =	vst v0  }
0x1a2: {  	v0 =	vld [tilespmem:$0x230];
	_ =	sdelay $0x4  }
0x1a3: {  	v0 =	vadd.s32 s30, v0  }
0x1a4: {  	[tilespmem:s21+$0x30] =	vst v0  }
0x1a5: {  	v0 =	vld [tilespmem:$0x240];
	_ =	sdelay $0x4  }
0x1a6: {  	v0 =	vadd.s32 s30, v0  }
0x1a7: {  	[tilespmem:s21+$0x40] =	vst v0  }
0x1a8: {  	v0 =	vld [tilespmem:$0x250];
	_ =	sdelay $0x4  }
0x1a9: {  	v0 =	vadd.s32 s30, v0  }
0x1aa: {  	[tilespmem:s21+$0x50] =	vst v0  }
0x1ab: {  	v0 =	vld [tilespmem:$0x260];
	_ =	sdelay $0x4  }
0x1ac: {  	v0 =	vadd.s32 s30, v0  }
0x1ad: {  	[tilespmem:s21+$0x60] =	vst v0  }
0x1ae: {  	v0 =	vld [tilespmem:$0x270];
	_ =	sdelay $0x2  }
0x1af: {  	s31 =	simm.s32 $0x80  }
0x1b0: {  	s25 =	sand.u32 $0x380, s31  }
0x1b1: {  	s23 =	simm.s32 $0x100;
	s26 =	sadd.s32 s25, s24;
	v0 =	vadd.s32 s30, v0  }
0x1b2: {  	s25 =	simm.s32 $0x400;
	s24 =	simm.s32 $0x1B48000;
	s22 =	simm.s32 $0x0;
	[tilespmem:s21+$0x70] =	vst v0  }
.LBB2_6:
0x1b3: {  	[tilespmem:s26], [sflag:$0x1] =	stream.indirect.gather [hbm4b:s1+s12], $0x1, s21, s12, $0xb8;
	[tilespmem:$0xC280] =	vst v63  }
0x1b4: {  	s22 =	sadd.s32 $0x2, s22;
	s21 =	smov.u32 s25;
	v0 =	vld [tilespmem:$0x200]  }
0x1b5: {  	p0 =	slt.u32 s22, $0x5E;
	_ =	sdelay $0x3  }
0x1b6: {  	v0 =	vadd.s32 s24, v0  }
0x1b7: {  	[tilespmem:s25+$0xFFFFFF80] =	vst v0  }
0x1b8: {  	v0 =	vld [tilespmem:$0x210];
	_ =	sdelay $0x4  }
0x1b9: {  	v0 =	vadd.s32 s24, v0  }
0x1ba: {  	[tilespmem:s25+$0xFFFFFF90] =	vst v0  }
0x1bb: {  	v0 =	vld [tilespmem:$0x220];
	_ =	sdelay $0x4  }
0x1bc: {  	v0 =	vadd.s32 s24, v0  }
0x1bd: {  	[tilespmem:s25+$0xFFFFFFA0] =	vst v0  }
0x1be: {  	v0 =	vld [tilespmem:$0x230];
	_ =	sdelay $0x4  }
0x1bf: {  	v0 =	vadd.s32 s24, v0  }
0x1c0: {  	[tilespmem:s25+$0xFFFFFFB0] =	vst v0  }
0x1c1: {  	v0 =	vld [tilespmem:$0x240];
	_ =	sdelay $0x4  }
0x1c2: {  	v0 =	vadd.s32 s24, v0  }
0x1c3: {  	[tilespmem:s25+$0xFFFFFFC0] =	vst v0  }
0x1c4: {  	v0 =	vld [tilespmem:$0x250];
	_ =	sdelay $0x4  }
0x1c5: {  	v0 =	vadd.s32 s24, v0  }
0x1c6: {  	[tilespmem:s25+$0xFFFFFFD0] =	vst v0  }
0x1c7: {  	v0 =	vld [tilespmem:$0x260];
	_ =	sdelay $0x4  }
0x1c8: {  	v0 =	vadd.s32 s24, v0  }
0x1c9: {  	[tilespmem:s25+$0xFFFFFFE0] =	vst v0  }
0x1ca: {  	v0 =	vld [tilespmem:$0x270];
	_ =	sdelay $0x3  }
0x1cb: {  	s26 =	sand.u32 $0x3C00, s23  }
0x1cc: {  	s28 =	sand.u32 $0x300, s23;
	s26 =	sadd.s32 $0x6280, s26;
	v0 =	vadd.s32 s24, v0  }
0x1cd: {  	s29 =	sadd.s32 $0xFFFFFF80, s25;
	s28 =	sadd.s32 s28, s26;
	[tilespmem:s25+$0xFFFFFFF0] =	vst v0  }
0x1ce: {  	[tilespmem:s28], [sflag:$0x1] =	stream.indirect.gather [hbm4b:s1+s12], $0x1, s29, s12, $0xb8;
	[tilespmem:$0xC280] =	vst v63  }
0x1cf: {  	v0 =	vld [tilespmem:$0x200];
	_ =	sdelay $0x3  }
0x1d0: {  	s28 =	sadd.s32 $0x24000, s24  }
0x1d1: {  	v0 =	vadd.s32 s28, v0  }
0x1d2: {  	[tilespmem:s25+$0x0] =	vst v0  }
0x1d3: {  	v0 =	vld [tilespmem:$0x210];
	_ =	sdelay $0x4  }
0x1d4: {  	v0 =	vadd.s32 s28, v0  }
0x1d5: {  	[tilespmem:s25+$0x10] =	vst v0  }
0x1d6: {  	v0 =	vld [tilespmem:$0x220];
	_ =	sdelay $0x4  }
0x1d7: {  	v0 =	vadd.s32 s28, v0  }
0x1d8: {  	[tilespmem:s25+$0x20] =	vst v0  }
0x1d9: {  	v0 =	vld [tilespmem:$0x230];
	_ =	sdelay $0x4  }
0x1da: {  	v0 =	vadd.s32 s28, v0  }
0x1db: {  	[tilespmem:s25+$0x30] =	vst v0  }
0x1dc: {  	v0 =	vld [tilespmem:$0x240];
	_ =	sdelay $0x4  }
0x1dd: {  	v0 =	vadd.s32 s28, v0  }
0x1de: {  	[tilespmem:s25+$0x40] =	vst v0  }
0x1df: {  	v0 =	vld [tilespmem:$0x250];
	_ =	sdelay $0x4  }
0x1e0: {  	v0 =	vadd.s32 s28, v0  }
0x1e1: {  	[tilespmem:s25+$0x50] =	vst v0  }
0x1e2: {  	v0 =	vld [tilespmem:$0x260];
	_ =	sdelay $0x4  }
0x1e3: {  	v0 =	vadd.s32 s28, v0  }
0x1e4: {  	[tilespmem:s25+$0x60] =	vst v0  }
0x1e5: {  	v0 =	vld [tilespmem:$0x270];
	_ =	sdelay $0x1  }
.Ltmp2:
0x1e6: {  	(pc) =	sbr.rel @p0 .LBB2_6-.Ltmp2, $4  }
0x1e7: {  	_ = 	snop  }
0x1e8: {  	s29 =	sadd.s32 $0x80, s23  }
0x1e9: {  	s23 =	sadd.s32 $0x100, s23;
	v0 =	vadd.s32 s28, v0;
	s28 =	sand.u32 $0x380, s29  }
0x1ea: {  	s24 =	sadd.s32 $0x48000, s24;
	s25 =	sadd.s32 $0x100, s25;
	[tilespmem:s21+$0x70] =	vst v0;
	s26 =	sadd.s32 s28, s26  }
0x1eb: {  	[tilespmem:s26], [sflag:$0x1] =	stream.indirect.gather [hbm4b:s1+s12], $0x1, s21, s12, $0xb8;
	[tilespmem:$0xC280] =	vst v63  }
0x1ec: {  	_ =	swait.ge [sflag:s18], $0x3000  }
0x1ed: {  	[sflag:s18] =	ssyncset.done $0x0  }
0x1ee: {  	[sflag:s18] =	ssyncadd.s32 $0xFFFFD000  }
0x1ef: {  	[hbm4b:s6+s14] =	stream.strided.scatter [tilespmem:s19], [sflag:$0x3], $0x3000, s15, s14, $0x38;
	[tilespmem:$0xC280] =	vst v63  }
0x1f0: {  	_ =	swait.ge [sflag:s17], $0x3000  }
0x1f1: {  	[sflag:s17] =	ssyncset.done $0x0  }
0x1f2: {  	[sflag:s17] =	ssyncadd.s32 $0xFFFFD000  }
0x1f3: {  	v0 =	vld [tilespmem:$0x180]  }
0x1f4: {  	v2 =	vld [tilespmem:$0x190]  }
0x1f5: {  	v7 =	vld [tilespmem:$0x1A0]  }
0x1f6: {  	v9 =	vld [tilespmem:$0x1B0]  }
0x1f7: {  	v11 =	vld [tilespmem:$0x1C0]  }
0x1f8: {  	v30 =	vld [tilespmem:$0x1D0]  }
0x1f9: {  	v13 =	vld [tilespmem:$0x1E0]  }
0x1fa: {  	v41 =	vld [tilespmem:$0x1F0]  }
0x1fb: {  	v1 =	vshrl.u32 v0, $0x7;
	v6 =	vshrl.u32 v2, $0x7;
	v18 =	vshrl.u32 v7, $0x7  }
0x1fc: {  	v0 =	vand.u32 $0x7F, v0;
	v10 =	vshrl.u32 v9, $0x7;
	v2 =	vand.u32 $0x7F, v2  }
0x1fd: {  	v29 =	vshrl.u32 v11, $0x7;
	v32 =	vand.u32 $0x7F, v7;
	v37 =	vshrl.u32 v30, $0x7  }
0x1fe: {  	v9 =	vand.u32 $0x7F, v9;
	v43 =	vand.u32 $0x7F, v11;
	v45 =	vshrl.u32 v13, $0x7  }
0x1ff: {  	v47 =	vshrl.u32 v41, $0x7;
	v60 =	vand.u32 $0x7F, v13;
	v3 =	vmul.u32 $0x5556, v1  }
0x200: {  	v15 =	vmul.u32 $0x5556, v6;
	v19 =	vmul.u32 $0x5556, v18;
	v12 =	vmul.u32 $0x5556, v10  }
0x201: {  	v31 =	vmul.u32 $0x5556, v29;
	v38 =	vmul.u32 $0x5556, v37;
	v46 =	vmul.u32 $0x5556, v45  }
0x202: {  	v49 =	vmul.u32 $0x5556, v47;
	v4 =	vshrl.u32 v3, $0x10;
	v5 =	vshrl.u32 v3, $0x13  }
0x203: {  	v3 =	vshrl.u32 v3, $0x9;
	v16 =	vshrl.u32 v15, $0x10;
	v8 =	vshrl.u32 v15, $0x13  }
0x204: {  	v21 =	vshrl.u32 v15, $0x9;
	v22 =	vshrl.u32 v19, $0x10;
	v23 =	vshrl.u32 v19, $0x13  }
0x205: {  	v26 =	vshrl.u32 v12, $0x10;
	v27 =	vshrl.u32 v12, $0x13;
	v28 =	vshrl.u32 v19, $0x9  }
0x206: {  	v33 =	vshrl.u32 v12, $0x9;
	v34 =	vshrl.u32 v31, $0x10;
	v35 =	vshrl.u32 v31, $0x13  }
0x207: {  	v39 =	vshrl.u32 v31, $0x9;
	v40 =	vshrl.u32 v38, $0x10;
	v4 =	vmul.u32 $0x3FFFFD, v4  }
0x208: {  	v42 =	vshrl.u32 v38, $0x13;
	v48 =	vshrl.u32 v46, $0x10;
	v5 =	vmul.u32 $0x3, v5  }
0x209: {  	v14 =	vshrl.u32 v46, $0x13;
	v51 =	vshrl.u32 v49, $0x10;
	v1 =	vadd.s32 v1, v4  }
0x20a: {  	v54 =	vshrl.u32 v49, $0x13;
	v1 =	vadd.s32 v5, v1;
	v5 =	vmul.u32 $0x3FFFFD, v16  }
0x20b: {  	v55 =	vshrl.u32 v46, $0x9;
	v3 =	vand.u32 $0x380, v3;
	v17 =	vmul.u32 $0x3, v8  }
0x20c: {  	v7 =	vmul.u32 $0x3FFFFD, v34;
	v1 =	vshll.u32 v1, $0xA;
	v5 =	vadd.s32 v6, v5  }
0x20d: {  	v4 =	vmul.u32 $0x3FFFFD, v22;
	v1 =	vor.u32 v3, v1;
	v20 =	vadd.s32 v17, v5  }
0x20e: {  	v3 =	vand.u32 $0x380, v21;
	v0 =	vor.u32 v0, v1;
	v1 =	vshll.u32 v20, $0xA  }
0x20f: {  	v5 =	vmul.u32 $0x3, v23;
	v1 =	vor.u32 v3, v1;
	v3 =	vmul.u32 $0x3FFFFD, v26  }
0x210: {  	v36 =	vmul.u32 $0x3, v35;
	v24 =	vadd.s32 v18, v4;
	v4 =	vmul.u32 $0x3, v27  }
0x211: {  	v6 =	vadd.s32 v29, v7;
	v25 =	vadd.s32 v5, v24;
	v3 =	vadd.s32 v10, v3  }
0x212: {  	v5 =	vand.u32 $0x380, v28;
	v1 =	vor.u32 v2, v1;
	v3 =	vadd.s32 v4, v3  }
0x213: {  	v2 =	vshll.u32 v25, $0xA;
	v4 =	vand.u32 $0x380, v33;
	v3 =	vshll.u32 v3, $0xA  }
0x214: {  	v3 =	vor.u32 v4, v3;
	v4 =	vadd.s32 v36, v6;
	v6 =	vmul.u32 $0x3FFFFD, v40  }
0x215: {  	v59 =	vshrl.u32 v49, $0x9;
	v2 =	vor.u32 v5, v2;
	v10 =	vmul.u32 $0x3, v42  }
0x216: {  	v5 =	vand.u32 $0x380, v39;
	v4 =	vshll.u32 v4, $0xA;
	v44 =	vadd.s32 v37, v6  }
0x217: {  	v7 =	vshrl.u32 v38, $0x9;
	v4 =	vor.u32 v5, v4;
	v5 =	vadd.s32 v10, v44  }
0x218: {  	v53 =	vmul.u32 $0x3FFFFD, v51;
	v7 =	vand.u32 $0x380, v7;
	v5 =	vshll.u32 v5, $0xA  }
0x219: {  	v8 =	vand.u32 $0x7F, v30;
	v5 =	vor.u32 v7, v5;
	v7 =	vmul.u32 $0x3FFFFD, v48  }
0x21a: {  	v50 =	vmul.u32 $0x3, v14;
	v56 =	vadd.s32 v47, v53;
	[tilespmem:$0x210] =	vst v1;
	v1 =	vand.u32 $0x380, v55  }
0x21b: {  	[tilespmem:$0x200] =	vst v0;
	v2 =	vor.u32 v32, v2;
	v52 =	vadd.s32 v45, v7;
	v7 =	vmul.u32 $0x3, v54  }
0x21c: {  	v57 =	vld [tilespmem:$0x200];
	[tilespmem:$0x220] =	vst v2;
	v2 =	vand.u32 $0x380, v59;
	v3 =	vor.u32 v9, v3;
	v0 =	vadd.s32 v50, v52  }
0x21d: {  	[tilespmem:$0x230] =	vst v3;
	v4 =	vor.u32 v43, v4;
	v0 =	vshll.u32 v0, $0xA;
	v58 =	vadd.s32 v7, v56  }
0x21e: {  	[tilespmem:$0x240] =	vst v4;
	v5 =	vor.u32 v8, v5;
	v0 =	vor.u32 v1, v0;
	v1 =	vshll.u32 v58, $0xA  }
0x21f: {  	v61 =	vand.u32 $0x7F, v41;
	[tilespmem:$0x250] =	vst v5;
	v0 =	vor.u32 v60, v0;
	v1 =	vor.u32 v2, v1  }
0x220: {  	s25 =	simm.s32 $0x2880000;
	[tilespmem:$0x260] =	vst v0;
	v62 =	vor.u32 v61, v1  }
0x221: {  	s24 =	simm.s32 $0x3280;
	v63 =	vadd.s32 s25, v57;
	[tilespmem:$0x270] =	vst v62  }
0x222: {  	[tilespmem:s24+$0x0] =	vst v63  }
0x223: {  	v0 =	vld [tilespmem:$0x210];
	_ =	sdelay $0x4  }
0x224: {  	v0 =	vadd.s32 s25, v0  }
0x225: {  	[tilespmem:s24+$0x10] =	vst v0  }
0x226: {  	v0 =	vld [tilespmem:$0x220];
	_ =	sdelay $0x4  }
0x227: {  	v0 =	vadd.s32 s25, v0  }
0x228: {  	[tilespmem:s24+$0x20] =	vst v0  }
0x229: {  	v0 =	vld [tilespmem:$0x230];
	_ =	sdelay $0x4  }
0x22a: {  	v0 =	vadd.s32 s25, v0  }
0x22b: {  	[tilespmem:s24+$0x30] =	vst v0  }
0x22c: {  	v0 =	vld [tilespmem:$0x240];
	_ =	sdelay $0x4  }
0x22d: {  	v0 =	vadd.s32 s25, v0  }
0x22e: {  	[tilespmem:s24+$0x40] =	vst v0  }
0x22f: {  	v0 =	vld [tilespmem:$0x250];
	_ =	sdelay $0x4  }
0x230: {  	v0 =	vadd.s32 s25, v0  }
0x231: {  	[tilespmem:s24+$0x50] =	vst v0  }
0x232: {  	v0 =	vld [tilespmem:$0x260];
	_ =	sdelay $0x4  }
0x233: {  	v0 =	vadd.s32 s25, v0  }
0x234: {  	[tilespmem:s24+$0x60] =	vst v0  }
0x235: {  	v0 =	vld [tilespmem:$0x270];
	_ =	sdelay $0x2  }
0x236: {  	s22 =	simm.s32 $0x0  }
0x237: {  	s23 =	sand.u32 $0x3C00, s22  }
0x238: {  	s26 =	sand.u32 $0x300, s22;
	v0 =	vadd.s32 s25, v0;
	s25 =	sadd.s32 $0x9280, s23  }
0x239: {  	[tilespmem:s24+$0x70] =	vst v0;
	s21 =	sadd.s32 s26, s25  }
0x23a: {  	[tilespmem:s21], [sflag:$0x2] =	stream.indirect.gather [hbm4b:s1+s12], $0x1, s24, s12, $0xb8;
	[tilespmem:$0xC280] =	vst v63  }
0x23b: {  	v0 =	vld [tilespmem:$0x200];
	_ =	sdelay $0x3  }
0x23c: {  	s29 =	simm.s32 $0x28A4000  }
0x23d: {  	v0 =	vadd.s32 s29, v0  }
0x23e: {  	[tilespmem:s24+$0x80] =	vst v0  }
0x23f: {  	v0 =	vld [tilespmem:$0x210];
	_ =	sdelay $0x4  }
0x240: {  	v0 =	vadd.s32 s29, v0  }
0x241: {  	[tilespmem:s24+$0x90] =	vst v0  }
0x242: {  	v0 =	vld [tilespmem:$0x220];
	_ =	sdelay $0x4  }
0x243: {  	v0 =	vadd.s32 s29, v0  }
0x244: {  	[tilespmem:s24+$0xA0] =	vst v0  }
0x245: {  	v0 =	vld [tilespmem:$0x230];
	_ =	sdelay $0x4  }
0x246: {  	v0 =	vadd.s32 s29, v0  }
0x247: {  	[tilespmem:s24+$0xB0] =	vst v0  }
0x248: {  	v0 =	vld [tilespmem:$0x240];
	_ =	sdelay $0x4  }
0x249: {  	v0 =	vadd.s32 s29, v0  }
0x24a: {  	[tilespmem:s24+$0xC0] =	vst v0  }
0x24b: {  	v0 =	vld [tilespmem:$0x250];
	_ =	sdelay $0x4  }
0x24c: {  	v0 =	vadd.s32 s29, v0  }
0x24d: {  	[tilespmem:s24+$0xD0] =	vst v0  }
0x24e: {  	v0 =	vld [tilespmem:$0x260];
	_ =	sdelay $0x4  }
0x24f: {  	v0 =	vadd.s32 s29, v0  }
0x250: {  	[tilespmem:s24+$0xE0] =	vst v0  }
0x251: {  	v0 =	vld [tilespmem:$0x270];
	_ =	sdelay $0x3  }
0x252: {  	s30 =	simm.s32 $0x80;
	s28 =	simm.s32 $0x3300  }
0x253: {  	s31 =	sand.u32 $0x380, s30;
	s22 =	simm.s32 $0x3380;
	s23 =	simm.s32 $0x100;
	v0 =	vadd.s32 s29, v0  }
0x254: {  	s25 =	sadd.s32 s31, s25;
	s21 =	simm.s32 $0x0;
	[tilespmem:s24+$0xF0] =	vst v0;
	s24 =	simm.s32 $0x28C8000  }
.LBB2_8:
0x255: {  	[tilespmem:s25], [sflag:$0x2] =	stream.indirect.gather [hbm4b:s1+s12], $0x1, s28, s12, $0xb8;
	[tilespmem:$0xC280] =	vst v63  }
0x256: {  	s21 =	sadd.s32 $0x2, s21;
	s25 =	smov.u32 s22;
	v0 =	vld [tilespmem:$0x200]  }
0x257: {  	p0 =	slt.u32 s21, $0x5E;
	_ =	sdelay $0x3  }
0x258: {  	v0 =	vadd.s32 s24, v0  }
0x259: {  	[tilespmem:s22+$0x0] =	vst v0  }
0x25a: {  	v0 =	vld [tilespmem:$0x210];
	_ =	sdelay $0x4  }
0x25b: {  	v0 =	vadd.s32 s24, v0  }
0x25c: {  	[tilespmem:s22+$0x10] =	vst v0  }
0x25d: {  	v0 =	vld [tilespmem:$0x220];
	_ =	sdelay $0x4  }
0x25e: {  	v0 =	vadd.s32 s24, v0  }
0x25f: {  	[tilespmem:s22+$0x20] =	vst v0  }
0x260: {  	v0 =	vld [tilespmem:$0x230];
	_ =	sdelay $0x4  }
0x261: {  	v0 =	vadd.s32 s24, v0  }
0x262: {  	[tilespmem:s22+$0x30] =	vst v0  }
0x263: {  	v0 =	vld [tilespmem:$0x240];
	_ =	sdelay $0x4  }
0x264: {  	v0 =	vadd.s32 s24, v0  }
0x265: {  	[tilespmem:s22+$0x40] =	vst v0  }
0x266: {  	v0 =	vld [tilespmem:$0x250];
	_ =	sdelay $0x4  }
0x267: {  	v0 =	vadd.s32 s24, v0  }
0x268: {  	[tilespmem:s22+$0x50] =	vst v0  }
0x269: {  	v0 =	vld [tilespmem:$0x260];
	_ =	sdelay $0x4  }
0x26a: {  	v0 =	vadd.s32 s24, v0  }
0x26b: {  	[tilespmem:s22+$0x60] =	vst v0  }
0x26c: {  	v0 =	vld [tilespmem:$0x270];
	_ =	sdelay $0x3  }
0x26d: {  	s26 =	sand.u32 $0x3C00, s23  }
0x26e: {  	s28 =	sand.u32 $0x300, s23;
	s26 =	sadd.s32 $0x9280, s26;
	v0 =	vadd.s32 s24, v0  }
0x26f: {  	s28 =	sadd.s32 s28, s26;
	[tilespmem:s22+$0x70] =	vst v0  }
0x270: {  	[tilespmem:s28], [sflag:$0x2] =	stream.indirect.gather [hbm4b:s1+s12], $0x1, s22, s12, $0xb8;
	[tilespmem:$0xC280] =	vst v63  }
0x271: {  	v0 =	vld [tilespmem:$0x200];
	_ =	sdelay $0x3  }
0x272: {  	s28 =	sadd.s32 $0x24000, s24  }
0x273: {  	v0 =	vadd.s32 s28, v0  }
0x274: {  	[tilespmem:s22+$0x80] =	vst v0  }
0x275: {  	v0 =	vld [tilespmem:$0x210];
	_ =	sdelay $0x4  }
0x276: {  	v0 =	vadd.s32 s28, v0  }
0x277: {  	[tilespmem:s22+$0x90] =	vst v0  }
0x278: {  	v0 =	vld [tilespmem:$0x220];
	_ =	sdelay $0x4  }
0x279: {  	v0 =	vadd.s32 s28, v0  }
0x27a: {  	[tilespmem:s22+$0xA0] =	vst v0  }
0x27b: {  	v0 =	vld [tilespmem:$0x230];
	_ =	sdelay $0x4  }
0x27c: {  	v0 =	vadd.s32 s28, v0  }
0x27d: {  	[tilespmem:s22+$0xB0] =	vst v0  }
0x27e: {  	v0 =	vld [tilespmem:$0x240];
	_ =	sdelay $0x4  }
0x27f: {  	v0 =	vadd.s32 s28, v0  }
0x280: {  	[tilespmem:s22+$0xC0] =	vst v0  }
0x281: {  	v0 =	vld [tilespmem:$0x250];
	_ =	sdelay $0x4  }
0x282: {  	v0 =	vadd.s32 s28, v0  }
0x283: {  	[tilespmem:s22+$0xD0] =	vst v0  }
0x284: {  	v0 =	vld [tilespmem:$0x260];
	_ =	sdelay $0x4  }
0x285: {  	v0 =	vadd.s32 s28, v0  }
0x286: {  	[tilespmem:s22+$0xE0] =	vst v0  }
0x287: {  	v0 =	vld [tilespmem:$0x270];
	_ =	sdelay $0x1  }
.Ltmp3:
0x288: {  	(pc) =	sbr.rel @p0 .LBB2_8-.Ltmp3, $4  }
0x289: {  	_ = 	snop  }
0x28a: {  	s29 =	sadd.s32 $0x80, s23  }
0x28b: {  	s23 =	sadd.s32 $0x100, s23;
	s29 =	sand.u32 $0x380, s29;
	s22 =	sadd.s32 $0x100, s22;
	v0 =	vadd.s32 s28, v0  }
0x28c: {  	s24 =	sadd.s32 $0x48000, s24;
	s28 =	sadd.s32 $0x80, s25;
	[tilespmem:s25+$0xF0] =	vst v0;
	s25 =	sadd.s32 s29, s26  }
0x28d: {  	[tilespmem:s25], [sflag:$0x2] =	stream.indirect.gather [hbm4b:s1+s12], $0x1, s28, s12, $0xb8;
	[tilespmem:$0xC280] =	vst v63  }
0x28e: {  	_ =	swait.ge [sflag:s13], $0x3000  }
0x28f: {  	[sflag:s13] =	ssyncset.done $0x0  }
0x290: {  	[sflag:s13] =	ssyncadd.s32 $0xFFFFD000  }
0x291: {  	[hbm4b:s7+s14] =	stream.strided.scatter [tilespmem:s16], [sflag:$0x3], $0x3000, s15, s14, $0x38;
	[tilespmem:$0xC280] =	vst v63  }
0x292: {  	_ =	swait.ge [sflag:s18], $0x3000  }
0x293: {  	[sflag:s18] =	ssyncset.done $0x0  }
0x294: {  	s20 =	sadd.s32 $0x1, s20;
	[sflag:s18] =	ssyncadd.s32 $0xFFFFD000  }
0x295: {  	[hbm4b:s8+s14] =	stream.strided.scatter [tilespmem:s19], [sflag:$0x3], $0x3000, s15, s14, $0x38;
	[tilespmem:$0xC280] =	vst v63  }
0x296: {  	p0 =	sne.s32 s20, s9;
	_ =	swait.ge [sflag:s17], $0x3000  }
.Ltmp4:
0x297: {  	[sflag:s17] =	ssyncset.done $0x0;
	(pc) =	sbr.rel @p0 .LBB2_1-.Ltmp4, $4  }
0x298: {  	[sflag:s17] =	ssyncadd.s32 $0xFFFFD000  }
0x299: {  	_ =	swait.ge [sflag:s17], $0x3000  }
0x29a: {  	[sflag:s17] =	ssyncset.done $0x0  }
0x29b: {  	[sflag:s17] =	ssyncadd.s32 $0xFFFFD000  }
0x29c: {  	_ =	sfence.sel $0x180000  }
0x29d: {  	[bflag:$0x0] =	sbarrier.arrive $0xFFFF  }
0x29e: {  	p0 =	sne.s32 s2, $0x0;
	_ =	strace $0x90000047  }
0x29f: {  	s0 =	sadd.s32 @!p0 $0x100000, s0;
	[bflag:$0x2] =	sbarrier.arrive $0xFFFF  }
0x2a0: {  	[sflag:s0] =	ssyncadd.tile.s32 @!p0 $0x1;
	_ =	shalt  }
.Lfunc_end2:
_tile_overlayer_lowered:
.L_overlay_start_2:
0x2a1: {  	(tag) =	ssettag $0x2  }
0x2a2: {  	s0 =	rddreg [dreg:$0x0];
	s2 =	stileid.u32  }
0x2a3: {  	s1 =	rddreg [dreg:$0x1];
	p0 =	sne.s32 s2, $0x0  }
0x2a4: {  	s3 =	rddreg [dreg:$0x2];
	[bflag:$0x3] =	sbarrier.arrive $0xFFFF;
	s2 =	simm.s32 @!p0 $0x1C04  }
0x2a5: {  	[timem:s3], [sflag:s2] =	dma.local @!p0 [hbm:s0], s1  }
0x2a6: {  	s0 =	simm.s32 @!p0 $0x4  }
0x2a7: {  	_ =	swait.ge @!p0 [sflag:s0], s1  }
0x2a8: {  	s1 =	ssub.s32 @!p0 $0x0, s1;
	[sflag:s0] =	ssyncset.done @!p0 $0x0  }
0x2a9: {  	[sflag:s0] =	ssyncadd.s32 @!p0 s1  }
0x2aa: {  	[bflag:$0x3] =	sbarrier.arrive $0xFFFF  }
0x2ab: {  	_ =	shalt  }

</sc_bundles>
